<compile_context>
chip_gen: v7x
topology: tpu7x:2x2x1
jax: 0.10.2.dev20260603
libtpu: 0.0.44.dev20260713+nightly
codegen_flags: <defaults>
</compile_context>

<pallas_src>
import functools

import jax
import jax.numpy as jnp
from jax import lax
from jax.experimental import pallas as pl
from jax.experimental.pallas import tpu as pltpu
from jax.experimental.pallas import tpu_sc as plsc

N = 10000
E = 160000
D = 256
H = 512
HALF = 128
NL = 5

RB = 1000
NB = N // RB
NSC = 2
NT = 16
NPAD = 10240
ROWS_PER_TILE = NPAD // NT
EK = 184
NCH = 60
TPE = NCH * EK
SLACK = 500
PADN = N + 16


def _mesh():
    return plsc.VectorSubcoreMesh(
        core_axis_name="c", subcore_axis_name="s",
        num_cores=NSC, num_subcores=NT)


@functools.cache
def _make_sc_x():
  @functools.partial(
      pl.kernel,
      out_type=jax.ShapeDtypeStruct((NSC, NPAD, HALF), jnp.float32),
      mesh=_mesh(),
      scratch_types=[
          pltpu.VMEM((ROWS_PER_TILE,), jnp.int32),
          pltpu.VMEM((ROWS_PER_TILE,), jnp.int32),
          pltpu.VMEM((ROWS_PER_TILE, HALF), jnp.float32),
          pltpu.SemaphoreType.DMA,
      ],
  )
  def _sc_x_k(emb1_hbm, emb2_hbm, ids1_hbm, ids2_hbm, out_hbm,
              idx1, idx2, rows, sem):
    c = lax.axis_index("c")
    s = lax.axis_index("s")
    rbase = s * ROWS_PER_TILE
    pltpu.sync_copy(ids1_hbm.at[pl.ds(rbase, ROWS_PER_TILE)], idx1)
    pltpu.sync_copy(ids2_hbm.at[pl.ds(rbase, ROWS_PER_TILE)], idx2)
    pltpu.async_copy(emb1_hbm.at[c].at[idx1], rows, sem).wait()
    pltpu.async_copy(emb2_hbm.at[c].at[idx2], rows, sem, add=True).wait()
    pltpu.sync_copy(rows, out_hbm.at[c, pl.ds(rbase, ROWS_PER_TILE)])

  return _sc_x_k


def _sc_x(emb1, emb2, ids1, ids2):
    return _make_sc_x()(emb1, emb2, ids1, ids2)


@functools.cache
def _make_sc_aggr():
  @functools.partial(
      pl.kernel,
      out_type=jax.ShapeDtypeStruct((NSC, NPAD, HALF), jnp.float32),
      mesh=_mesh(),
      scratch_types=[
          pltpu.VMEM_SHARED((NPAD, HALF), jnp.float32),
          pltpu.VMEM((EK,), jnp.int32),
          pltpu.VMEM((EK,), jnp.int32),
          pltpu.VMEM((EK,), jnp.int32),
          pltpu.VMEM((EK,), jnp.int32),
          pltpu.VMEM((EK,), jnp.int32),
          pltpu.VMEM((EK,), jnp.int32),
          pltpu.VMEM((EK, HALF), jnp.float32),
          pltpu.VMEM((EK, HALF), jnp.float32),
          pltpu.SemaphoreType.DMA,
          pltpu.SemaphoreType.DMA,
      ],
  )
  def _sc_aggr_k(h_hbm, tab_hbm, src_hbm, combo_hbm, dst_hbm, zero_hbm,
                 out_hbm, acc, sidxa, kidxa, sidxb, kidxb, didxa, didxb,
                 rowsa, rowsb, sema, semb):
    c = lax.axis_index("c")
    s = lax.axis_index("s")
    rbase = s * ROWS_PER_TILE
    pltpu.sync_copy(zero_hbm.at[pl.ds(rbase, ROWS_PER_TILE)],
                    acc.at[pl.ds(rbase, ROWS_PER_TILE)])
    plsc.subcore_barrier()

    ebase = s * TPE

    def body(j, carry):
        off = pl.multiple_of(ebase + j * EK, 8)
        pltpu.sync_copy(src_hbm.at[pl.ds(off, EK)], sidxa)
        pltpu.sync_copy(combo_hbm.at[pl.ds(off, EK)], kidxa)
        pltpu.async_copy(h_hbm.at[c].at[sidxa], rowsa, sema).wait()
        pltpu.async_copy(tab_hbm.at[c].at[kidxa], rowsa, sema,
                         add=True).wait()
        pltpu.sync_copy(dst_hbm.at[pl.ds(off, EK)], didxa)
        pltpu.sync_copy(rowsa, acc.at[didxa], add=True)
        return carry

    lax.fori_loop(0, NCH, body, 0)
    plsc.subcore_barrier()
    pltpu.sync_copy(acc.at[pl.ds(rbase, ROWS_PER_TILE)],
                    out_hbm.at[c, pl.ds(rbase, ROWS_PER_TILE)])

  return _sc_aggr_k


def _sc_aggr(h, tab, src3, combo3, dst3, zeros):
    return _make_sc_aggr()(h, tab, src3, combo3, dst3, zeros)



_DEF = lax.Precision.DEFAULT


def _mlp_body(ag_ref, h_ref, row_ref, w1_ref, b1_ref, w2_ref, b2_ref,
              hnew_ref):
    self0 = h_ref[0] + row_ref[0:1, :HALF]
    self1 = h_ref[1] + row_ref[0:1, HALF:]
    z = jnp.concatenate([ag_ref[0] + self0, ag_ref[1] + self1], axis=1)
    hmid = jnp.dot(z, w1_ref[...], preferred_element_type=jnp.float32,
                   precision=_DEF)
    hmid = jnp.maximum(hmid + b1_ref[...], 0.0)
    hnew = jnp.dot(hmid, w2_ref[...], preferred_element_type=jnp.float32,
                   precision=_DEF)
    hnew_ref[...] = hnew + b2_ref[...]


def _mlp_call(ag, h, row, w1, b1, w2, b2):
    return pl.pallas_call(
        _mlp_body,
        grid=(NB,),
        in_specs=[
            pl.BlockSpec((NSC, RB, HALF), lambda b: (0, b, 0)),
            pl.BlockSpec((NSC, RB, HALF), lambda b: (0, b, 0)),
            pl.BlockSpec((1, D), lambda b: (0, 0)),
            pl.BlockSpec((D, H), lambda b: (0, 0)),
            pl.BlockSpec((1, H), lambda b: (0, 0)),
            pl.BlockSpec((H, D), lambda b: (0, 0)),
            pl.BlockSpec((1, D), lambda b: (0, 0)),
        ],
        out_specs=pl.BlockSpec((RB, D), lambda b: (b, 0)),
        out_shape=jax.ShapeDtypeStruct((N, D), jnp.float32),
    )(ag, h, row, w1, b1, w2, b2)


def _bn_body_split(h_ref, mean_ref, var_ref, g_ref, bb_ref, out_ref):
    y = ((h_ref[...] - mean_ref[...]) / jnp.sqrt(var_ref[...] + 1e-5)
         * g_ref[...] + bb_ref[...])
    y = jnp.maximum(y, 0.0)
    out_ref[0] = y[:, :HALF]
    out_ref[1] = y[:, HALF:]


def _bn_body_final(h_ref, mean_ref, var_ref, g_ref, bb_ref, out_ref):
    out_ref[...] = ((h_ref[...] - mean_ref[...])
                    / jnp.sqrt(var_ref[...] + 1e-5)
                    * g_ref[...] + bb_ref[...])


def _bn_call(h, mean, var, g, bb, final):
    body = _bn_body_final if final else _bn_body_split
    if final:
        out_spec = pl.BlockSpec((RB, D), lambda b: (b, 0))
        out_shape = jax.ShapeDtypeStruct((N, D), jnp.float32)
    else:
        out_spec = pl.BlockSpec((NSC, RB, HALF), lambda b: (0, b, 0))
        out_shape = jax.ShapeDtypeStruct((NSC, NPAD, HALF), jnp.float32)
    return pl.pallas_call(
        body,
        grid=(NB,),
        in_specs=[
            pl.BlockSpec((RB, D), lambda b: (b, 0)),
            pl.BlockSpec((1, D), lambda b: (0, 0)),
            pl.BlockSpec((1, D), lambda b: (0, 0)),
            pl.BlockSpec((1, D), lambda b: (0, 0)),
            pl.BlockSpec((1, D), lambda b: (0, 0)),
        ],
        out_specs=out_spec,
        out_shape=out_shape,
    )(h, mean, var, g, bb)



def _split2(a):
    return jnp.stack([a[:, :HALF], a[:, HALF:]], axis=0)


def kernel(node_type, node_chiral_type, edge_type, edge_dire_type, edge_index,
           node_emb1, node_emb2, W1, b1, W2, b2, eemb1, eemb2, bn_g, bn_b):
    f32 = jnp.float32
    i32 = jnp.int32
    src = edge_index[0].astype(i32)
    dst = edge_index[1].astype(i32)
    combo = edge_type.astype(i32) * 3 + edge_dire_type.astype(i32)

    order = jnp.argsort(dst, stable=True)
    srcs = src[order]
    dsts = dst[order]
    combos = combo[order]
    ideal = jnp.arange(1, NT, dtype=jnp.int32) * (E // NT)
    dat = dsts[ideal]
    lft = jnp.searchsorted(dsts, dat, side="left").astype(jnp.int32)
    rgt = jnp.searchsorted(dsts, dat, side="right").astype(jnp.int32)
    cand = jnp.where(jnp.abs(lft - ideal) <= jnp.abs(rgt - ideal), lft, rgt)
    cuts = jnp.where(jnp.abs(cand - ideal) <= SLACK, cand, ideal)
    cuts = jnp.concatenate([jnp.zeros((1,), jnp.int32), cuts,
                            jnp.full((1,), E, jnp.int32)])
    sizes = jnp.diff(cuts)
    offs = cuts[:-1, None] + jnp.arange(TPE, dtype=jnp.int32)[None, :]
    valid = jnp.arange(TPE, dtype=jnp.int32)[None, :] < sizes[:, None]
    idxc = jnp.clip(offs, 0, E - 1)
    srcP = jnp.where(valid, srcs[idxc], offs % 97)
    comboP = jnp.where(valid, combos[idxc], 0)
    dstP = jnp.where(valid, dsts[idxc], PADN + (offs % 64))
    src3 = srcP.reshape(NT * TPE)
    combo3 = comboP.reshape(NT * TPE)
    dst3 = dstP.reshape(NT * TPE)

    ids1 = jnp.pad(node_type.astype(i32), (0, NPAD - N))
    ids2 = jnp.pad(node_chiral_type.astype(i32), (0, NPAD - N))
    emb1s = _split2(node_emb1.astype(f32))
    emb2s = _split2(node_emb2.astype(f32))

    h = _sc_x(emb1s, emb2s, ids1, ids2)
    zeros = jnp.zeros((NPAD, HALF), f32)

    t18 = jnp.arange(18, dtype=i32) // 3
    d18 = jnp.arange(18, dtype=i32) % 3

    out = None
    for i in range(NL):
        tab = _split2(eemb1[i][t18] + eemb2[i][d18])
        selfrow = (eemb1[i][4] + eemb2[i][0]).reshape(1, D)
        ag = _sc_aggr(h, tab, src3, combo3, dst3, zeros)
        hnew = _mlp_call(ag, h, selfrow, W1[i], b1[i].reshape(1, H),
                         W2[i], b2[i].reshape(1, D))
        mean = jnp.mean(hnew, axis=0)
        var = jnp.var(hnew, axis=0)
        final = i == NL - 1
        res = _bn_call(hnew, mean.reshape(1, D), var.reshape(1, D),
                       bn_g[i].reshape(1, D), bn_b[i].reshape(1, D), final)
        if final:
            out = res
        else:
            h = res
    return out

# --- scband reference (transcript-rebuilt; emitter-appended) ---
"""Pipeline reference for scband-gnnencoder-53369263620699 (READ-ONLY COPY).

The authoritative reference and input builder live on the scoring server;
editing this copy changes nothing except your own understanding.
"""

import jax, jax.numpy as jnp
import numpy as np

N_NODES = 10000
N_EDGES = 160000
D = 256
H = 512
L = 5
NUM_ATOM_TYPE = 120
NUM_CHIRALITY_TAG = 3
NUM_BOND_TYPE = 6
NUM_BOND_DIRECTION = 3


def setup_inputs(seed: int = 0) -> dict:
    key = jax.random.key(seed)
    ks = jax.random.split(key, 16)
    s = 0.05
    return {
        "node_type": jax.random.randint(ks[0], (N_NODES,), 0, NUM_ATOM_TYPE),
        "node_chiral_type": jax.random.randint(ks[1], (N_NODES,), 0, NUM_CHIRALITY_TAG),
        "edge_type": jax.random.randint(ks[2], (N_EDGES,), 0, NUM_BOND_TYPE),
        "edge_dire_type": jax.random.randint(ks[3], (N_EDGES,), 0, NUM_BOND_DIRECTION),
        "edge_index": jax.random.randint(ks[4], (2, N_EDGES), 0, N_NODES),
        "node_emb1": jax.random.normal(ks[5], (NUM_ATOM_TYPE, D), dtype=jnp.float32) * s,
        "node_emb2": jax.random.normal(ks[6], (NUM_CHIRALITY_TAG, D), dtype=jnp.float32) * s,
        "W1": jax.random.normal(ks[7], (L, D, H), dtype=jnp.float32) * (1.0 / np.sqrt(D)),
        "b1": jnp.zeros((L, H), dtype=jnp.float32),
        "W2": jax.random.normal(ks[8], (L, H, D), dtype=jnp.float32) * (1.0 / np.sqrt(H)),
        "b2": jnp.zeros((L, D), dtype=jnp.float32),
        "eemb1": jax.random.normal(ks[9], (L, NUM_BOND_TYPE, D), dtype=jnp.float32) * s,
        "eemb2": jax.random.normal(ks[10], (L, NUM_BOND_DIRECTION, D), dtype=jnp.float32) * s,
        "bn_g": jnp.ones((L, D), dtype=jnp.float32),
        "bn_b": jnp.zeros((L, D), dtype=jnp.float32),
    }


def reference(node_type, node_chiral_type, edge_type, edge_dire_type, edge_index,
              node_emb1, node_emb2, W1, b1, W2, b2, eemb1, eemb2, bn_g, bn_b):
    N = node_type.shape[0]
    # initial node features
    x = node_emb1[node_type] + node_emb2[node_chiral_type]
    src = edge_index[0]
    dst = edge_index[1]
    loop = jnp.arange(N, dtype=src.dtype)
    src_a = jnp.concatenate([src, loop], axis=0)
    dst_a = jnp.concatenate([dst, loop], axis=0)
    h = x
    for i in range(L):
        # edge embeddings + self-loop attr (bond type 4, direction 0)
        eattr = eemb1[i][edge_type] + eemb2[i][edge_dire_type]
        self_attr = eemb1[i][4] + eemb2[i][0]
        self_attr = jnp.broadcast_to(self_attr[None, :], (N, D))
        eattr_all = jnp.concatenate([eattr, self_attr], axis=0)
        # message: x_j + edge_attr, aggregate: scatter-add to dst
        msg = h[src_a] + eattr_all
        aggr = jax.ops.segment_sum(msg, dst_a, num_segments=N)
        # update: MLP Linear->ReLU->Linear
        hmid = jax.nn.relu(aggr @ W1[i] + b1[i])
        hnew = hmid @ W2[i] + b2[i]
        # BatchNorm1d (training mode: batch statistics, eps=1e-5)
        mean = jnp.mean(hnew, axis=0)
        var = jnp.var(hnew, axis=0)
        hnew = (hnew - mean) / jnp.sqrt(var + 1e-5) * bn_g[i] + bn_b[i]
        if i < L - 1:
            hnew = jax.nn.relu(hnew)
        h = hnew
    # jk == 'last'
    return h

if __name__ == "__main__":
    import jax
    _d = setup_inputs()
    print(jax.jit(kernel)(*tuple(_d.values())))

</pallas_src>

<mosaic_0001>
#map = affine_map<(d0, d1) -> (0, 0, 0)>
#map1 = affine_map<(d0, d1) -> (0)>
module attributes {stable_mosaic.version = 14 : i64} {
  func.func @_sc_x_k(%arg0: i32, %arg1: i32, %arg2: memref<2x120x128xf32, #tpu.memory_space<hbm>>, %arg3: memref<2x3x128xf32, #tpu.memory_space<hbm>>, %arg4: memref<10240xi32, #tpu.memory_space<hbm>>, %arg5: memref<10240xi32, #tpu.memory_space<hbm>>, %arg6: memref<2x10240x128xf32, #tpu.memory_space<hbm>>, %arg7: memref<640xi32, #tpu.memory_space<vmem>>, %arg8: memref<640xi32, #tpu.memory_space<vmem>>, %arg9: memref<640x128xf32, #tpu.memory_space<vmem>>, %arg10: memref<!tpu.dma_semaphore, #tpu.memory_space<semaphore_mem>>) attributes {dimension_semantics = [#tpu.dimension_semantics<core_parallel>, #tpu.dimension_semantics<subcore_parallel>], iteration_bounds = array<i64: 2, 16>, scalar_prefetch = 0 : i64, scratch_operands = 4 : i64, tpu.core_type = #tpu.core_type<sc_vector_subcore>, window_params = [{transform_indices = #map}, {transform_indices = #map}, {transform_indices = #map1}, {transform_indices = #map1}, {transform_indices = #map}]} {
    %mul3A = arith.constant 640 : i32
    %mul3A_0 = arith.muli %arg1, %mul3A : i32
    "tpu.region"() ({
      %run_scoped3A = tpu.sem_alloc : memref<!tpu.dma_semaphore, #tpu.memory_space<semaphore_mem>>
      %dma_start3A_27 = tpu.memref_slice %arg4[%mul3A_0] : memref<10240xi32, #tpu.memory_space<hbm>> -> memref<640xi32, #tpu.memory_space<hbm>>
      %dma_start3A_28 = tpu.memref_slice %arg4[%mul3A_0] : memref<10240xi32, #tpu.memory_space<hbm>> -> memref<640xi32, #tpu.memory_space<hbm>>
      tpu.enqueue_dma source(%dma_start3A_28 : memref<640xi32, #tpu.memory_space<hbm>>) target(%arg7 : memref<640xi32, #tpu.memory_space<vmem>>) target_semaphore(%run_scoped3A : memref<!tpu.dma_semaphore, #tpu.memory_space<semaphore_mem>>)
      %dma_wait3A_29 = tpu.memref_slice %arg4[%mul3A_0] : memref<10240xi32, #tpu.memory_space<hbm>> -> memref<640xi32, #tpu.memory_space<hbm>>
      %dma_wait3A_30 = tpu.memref_slice %arg4[%mul3A_0] : memref<10240xi32, #tpu.memory_space<hbm>> -> memref<640xi32, #tpu.memory_space<hbm>>
      tpu.wait_dma2 semaphore(%run_scoped3A : memref<!tpu.dma_semaphore, #tpu.memory_space<semaphore_mem>>) src(%dma_wait3A_30 : memref<640xi32, #tpu.memory_space<hbm>>) dst(%arg7 : memref<640xi32, #tpu.memory_space<vmem>>)
      tpu.yield
    }) : () -> ()
    "tpu.region"() ({
      %run_scoped3A = tpu.sem_alloc : memref<!tpu.dma_semaphore, #tpu.memory_space<semaphore_mem>>
      %dma_start3A_27 = tpu.memref_slice %arg5[%mul3A_0] : memref<10240xi32, #tpu.memory_space<hbm>> -> memref<640xi32, #tpu.memory_space<hbm>>
      %dma_start3A_28 = tpu.memref_slice %arg5[%mul3A_0] : memref<10240xi32, #tpu.memory_space<hbm>> -> memref<640xi32, #tpu.memory_space<hbm>>
      tpu.enqueue_dma source(%dma_start3A_28 : memref<640xi32, #tpu.memory_space<hbm>>) target(%arg8 : memref<640xi32, #tpu.memory_space<vmem>>) target_semaphore(%run_scoped3A : memref<!tpu.dma_semaphore, #tpu.memory_space<semaphore_mem>>)
      %dma_wait3A_29 = tpu.memref_slice %arg5[%mul3A_0] : memref<10240xi32, #tpu.memory_space<hbm>> -> memref<640xi32, #tpu.memory_space<hbm>>
      %dma_wait3A_30 = tpu.memref_slice %arg5[%mul3A_0] : memref<10240xi32, #tpu.memory_space<hbm>> -> memref<640xi32, #tpu.memory_space<hbm>>
      tpu.wait_dma2 semaphore(%run_scoped3A : memref<!tpu.dma_semaphore, #tpu.memory_space<semaphore_mem>>) src(%dma_wait3A_30 : memref<640xi32, #tpu.memory_space<hbm>>) dst(%arg8 : memref<640xi32, #tpu.memory_space<vmem>>)
      tpu.yield
    }) : () -> ()
    %dma_start3A = arith.constant 0 : i32
    %dma_start3A_1 = arith.constant 0 : i32
    %dma_start3A_2 = tpu.memref_slice %arg2[%arg0, %dma_start3A, %dma_start3A_1] : memref<2x120x128xf32, #tpu.memory_space<hbm>> -> memref<1x120x128xf32, #tpu.memory_space<hbm>>
    %dma_start3A_3 = tpu.memref_squeeze %dma_start3A_2 : memref<1x120x128xf32, #tpu.memory_space<hbm>> -> memref<120x128xf32, #tpu.memory_space<hbm>>
    %dma_start3A_4 = arith.constant 0 : i32
    %dma_start3A_5 = arith.constant 0 : i32
    %dma_start3A_6 = tpu.memref_slice %dma_start3A_3[%dma_start3A_4, %dma_start3A_5] : memref<120x128xf32, #tpu.memory_space<hbm>> -> memref<120x128xf32, #tpu.memory_space<hbm>>
    tpu.enqueue_indirect_dma source(%dma_start3A_6 : memref<120x128xf32, #tpu.memory_space<hbm>>) target(%arg9 : memref<640x128xf32, #tpu.memory_space<vmem>>) offsets(%arg7 : memref<640xi32, #tpu.memory_space<vmem>>) semaphore(%arg10 : memref<!tpu.dma_semaphore, #tpu.memory_space<semaphore_mem>>)
    %dma_wait3A = arith.constant 0 : i32
    %dma_wait3A_7 = arith.constant 0 : i32
    %dma_wait3A_8 = tpu.memref_slice %arg2[%arg0, %dma_wait3A, %dma_wait3A_7] : memref<2x120x128xf32, #tpu.memory_space<hbm>> -> memref<1x120x128xf32, #tpu.memory_space<hbm>>
    %dma_wait3A_9 = tpu.memref_squeeze %dma_wait3A_8 : memref<1x120x128xf32, #tpu.memory_space<hbm>> -> memref<120x128xf32, #tpu.memory_space<hbm>>
    %dma_wait3A_10 = arith.constant 0 : i32
    %dma_wait3A_11 = arith.constant 0 : i32
    %dma_wait3A_12 = tpu.memref_slice %dma_wait3A_9[%dma_wait3A_10, %dma_wait3A_11] : memref<120x128xf32, #tpu.memory_space<hbm>> -> memref<120x128xf32, #tpu.memory_space<hbm>>
    tpu.wait_indirect_dma semaphore(%arg10 : memref<!tpu.dma_semaphore, #tpu.memory_space<semaphore_mem>>) src(%dma_wait3A_12 : memref<120x128xf32, #tpu.memory_space<hbm>>) dst(%arg9 : memref<640x128xf32, #tpu.memory_space<vmem>>)
    %dma_start3A_13 = arith.constant 0 : i32
    %dma_start3A_14 = arith.constant 0 : i32
    %dma_start3A_15 = tpu.memref_slice %arg3[%arg0, %dma_start3A_13, %dma_start3A_14] : memref<2x3x128xf32, #tpu.memory_space<hbm>> -> memref<1x3x128xf32, #tpu.memory_space<hbm>>
    %dma_start3A_16 = tpu.memref_squeeze %dma_start3A_15 : memref<1x3x128xf32, #tpu.memory_space<hbm>> -> memref<3x128xf32, #tpu.memory_space<hbm>>
    %dma_start3A_17 = arith.constant 0 : i32
    %dma_start3A_18 = arith.constant 0 : i32
    %dma_start3A_19 = tpu.memref_slice %dma_start3A_16[%dma_start3A_17, %dma_start3A_18] : memref<3x128xf32, #tpu.memory_space<hbm>> -> memref<3x128xf32, #tpu.memory_space<hbm>>
    tpu.enqueue_indirect_dma source(%dma_start3A_19 : memref<3x128xf32, #tpu.memory_space<hbm>>) target(%arg9 : memref<640x128xf32, #tpu.memory_space<vmem>>) offsets(%arg8 : memref<640xi32, #tpu.memory_space<vmem>>) semaphore(%arg10 : memref<!tpu.dma_semaphore, #tpu.memory_space<semaphore_mem>>) {add = true}
    %dma_wait3A_20 = arith.constant 0 : i32
    %dma_wait3A_21 = arith.constant 0 : i32
    %dma_wait3A_22 = tpu.memref_slice %arg3[%arg0, %dma_wait3A_20, %dma_wait3A_21] : memref<2x3x128xf32, #tpu.memory_space<hbm>> -> memref<1x3x128xf32, #tpu.memory_space<hbm>>
    %dma_wait3A_23 = tpu.memref_squeeze %dma_wait3A_22 : memref<1x3x128xf32, #tpu.memory_space<hbm>> -> memref<3x128xf32, #tpu.memory_space<hbm>>
    %dma_wait3A_24 = arith.constant 0 : i32
    %dma_wait3A_25 = arith.constant 0 : i32
    %dma_wait3A_26 = tpu.memref_slice %dma_wait3A_23[%dma_wait3A_24, %dma_wait3A_25] : memref<3x128xf32, #tpu.memory_space<hbm>> -> memref<3x128xf32, #tpu.memory_space<hbm>>
    tpu.wait_indirect_dma semaphore(%arg10 : memref<!tpu.dma_semaphore, #tpu.memory_space<semaphore_mem>>) src(%dma_wait3A_26 : memref<3x128xf32, #tpu.memory_space<hbm>>) dst(%arg9 : memref<640x128xf32, #tpu.memory_space<vmem>>)
    "tpu.region"() ({
      %run_scoped3A = tpu.sem_alloc : memref<!tpu.dma_semaphore, #tpu.memory_space<semaphore_mem>>
      %dma_start3A_27 = arith.constant 0 : i32
      %dma_start3A_28 = tpu.memref_slice %arg6[%arg0, %mul3A_0, %dma_start3A_27] : memref<2x10240x128xf32, #tpu.memory_space<hbm>> -> memref<1x640x128xf32, #tpu.memory_space<hbm>>
      %dma_start3A_29 = tpu.memref_squeeze %dma_start3A_28 : memref<1x640x128xf32, #tpu.memory_space<hbm>> -> memref<640x128xf32, #tpu.memory_space<hbm>>
      %dma_start3A_30 = arith.constant 0 : i32
      %dma_start3A_31 = tpu.memref_slice %arg6[%arg0, %mul3A_0, %dma_start3A_30] : memref<2x10240x128xf32, #tpu.memory_space<hbm>> -> memref<1x640x128xf32, #tpu.memory_space<hbm>>
      %dma_start3A_32 = tpu.memref_squeeze %dma_start3A_31 : memref<1x640x128xf32, #tpu.memory_space<hbm>> -> memref<640x128xf32, #tpu.memory_space<hbm>>
      tpu.enqueue_dma source(%arg9 : memref<640x128xf32, #tpu.memory_space<vmem>>) target(%dma_start3A_32 : memref<640x128xf32, #tpu.memory_space<hbm>>) target_semaphore(%run_scoped3A : memref<!tpu.dma_semaphore, #tpu.memory_space<semaphore_mem>>)
      %dma_wait3A_33 = arith.constant 0 : i32
      %dma_wait3A_34 = tpu.memref_slice %arg6[%arg0, %mul3A_0, %dma_wait3A_33] : memref<2x10240x128xf32, #tpu.memory_space<hbm>> -> memref<1x640x128xf32, #tpu.memory_space<hbm>>
      %dma_wait3A_35 = tpu.memref_squeeze %dma_wait3A_34 : memref<1x640x128xf32, #tpu.memory_space<hbm>> -> memref<640x128xf32, #tpu.memory_space<hbm>>
      %dma_wait3A_36 = arith.constant 0 : i32
      %dma_wait3A_37 = tpu.memref_slice %arg6[%arg0, %mul3A_0, %dma_wait3A_36] : memref<2x10240x128xf32, #tpu.memory_space<hbm>> -> memref<1x640x128xf32, #tpu.memory_space<hbm>>
      %dma_wait3A_38 = tpu.memref_squeeze %dma_wait3A_37 : memref<1x640x128xf32, #tpu.memory_space<hbm>> -> memref<640x128xf32, #tpu.memory_space<hbm>>
      tpu.wait_dma2 semaphore(%run_scoped3A : memref<!tpu.dma_semaphore, #tpu.memory_space<semaphore_mem>>) src(%arg9 : memref<640x128xf32, #tpu.memory_space<vmem>>) dst(%dma_wait3A_38 : memref<640x128xf32, #tpu.memory_space<hbm>>)
      tpu.yield
    }) : () -> ()
    return
  }
}

#map = affine_map<(d0, d1) -> (0, 0, 0)>
#map1 = affine_map<(d0, d1) -> (0)>
#map2 = affine_map<(d0, d1) -> (0, 0)>
module attributes {stable_mosaic.version = 14 : i64} {
  func.func @_sc_aggr_k(%arg0: i32, %arg1: i32, %arg2: memref<2x10240x128xf32, #tpu.memory_space<hbm>>, %arg3: memref<2x18x128xf32, #tpu.memory_space<hbm>>, %arg4: memref<176640xi32, #tpu.memory_space<hbm>>, %arg5: memref<176640xi32, #tpu.memory_space<hbm>>, %arg6: memref<176640xi32, #tpu.memory_space<hbm>>, %arg7: memref<10240x128xf32, #tpu.memory_space<hbm>>, %arg8: memref<2x10240x128xf32, #tpu.memory_space<hbm>>, %arg9: memref<10240x128xf32, #tpu.memory_space<vmem_shared>>, %arg10: memref<184xi32, #tpu.memory_space<vmem>>, %arg11: memref<184xi32, #tpu.memory_space<vmem>>, %arg12: memref<184xi32, #tpu.memory_space<vmem>>, %arg13: memref<184xi32, #tpu.memory_space<vmem>>, %arg14: memref<184xi32, #tpu.memory_space<vmem>>, %arg15: memref<184xi32, #tpu.memory_space<vmem>>, %arg16: memref<184x128xf32, #tpu.memory_space<vmem>>, %arg17: memref<184x128xf32, #tpu.memory_space<vmem>>, %arg18: memref<!tpu.dma_semaphore, #tpu.memory_space<semaphore_mem>>, %arg19: memref<!tpu.dma_semaphore, #tpu.memory_space<semaphore_mem>>) attributes {dimension_semantics = [#tpu.dimension_semantics<core_parallel>, #tpu.dimension_semantics<subcore_parallel>], iteration_bounds = array<i64: 2, 16>, scalar_prefetch = 0 : i64, scratch_operands = 11 : i64, tpu.core_type = #tpu.core_type<sc_vector_subcore>, window_params = [{transform_indices = #map}, {transform_indices = #map}, {transform_indices = #map1}, {transform_indices = #map1}, {transform_indices = #map1}, {transform_indices = #map2}, {transform_indices = #map}]} {
    %mul3A = arith.constant 640 : i32
    %mul3A_0 = arith.muli %arg1, %mul3A : i32
    "tpu.region"() ({
      %run_scoped3A = tpu.sem_alloc : memref<!tpu.dma_semaphore, #tpu.memory_space<semaphore_mem>>
      %dma_start3A = arith.constant 0 : i32
      %dma_start3A_9 = tpu.memref_slice %arg9[%mul3A_0, %dma_start3A] : memref<10240x128xf32, #tpu.memory_space<vmem_shared>> -> memref<640x128xf32, #tpu.memory_space<vmem_shared>>
      %dma_start3A_10 = arith.constant 0 : i32
      %dma_start3A_11 = tpu.memref_slice %arg7[%mul3A_0, %dma_start3A_10] : memref<10240x128xf32, #tpu.memory_space<hbm>> -> memref<640x128xf32, #tpu.memory_space<hbm>>
      tpu.enqueue_dma source(%dma_start3A_11 : memref<640x128xf32, #tpu.memory_space<hbm>>) target(%dma_start3A_9 : memref<640x128xf32, #tpu.memory_space<vmem_shared>>) target_semaphore(%run_scoped3A : memref<!tpu.dma_semaphore, #tpu.memory_space<semaphore_mem>>)
      %dma_wait3A = arith.constant 0 : i32
      %dma_wait3A_12 = tpu.memref_slice %arg9[%mul3A_0, %dma_wait3A] : memref<10240x128xf32, #tpu.memory_space<vmem_shared>> -> memref<640x128xf32, #tpu.memory_space<vmem_shared>>
      %dma_wait3A_13 = arith.constant 0 : i32
      %dma_wait3A_14 = tpu.memref_slice %arg7[%mul3A_0, %dma_wait3A_13] : memref<10240x128xf32, #tpu.memory_space<hbm>> -> memref<640x128xf32, #tpu.memory_space<hbm>>
      tpu.wait_dma2 semaphore(%run_scoped3A : memref<!tpu.dma_semaphore, #tpu.memory_space<semaphore_mem>>) src(%dma_wait3A_14 : memref<640x128xf32, #tpu.memory_space<hbm>>) dst(%dma_wait3A_12 : memref<640x128xf32, #tpu.memory_space<vmem_shared>>)
      tpu.yield
    }) : () -> ()
    %barrier3A = arith.constant 0 : index
    tpu.barrier barrier_id(%barrier3A)
    %mul3A_1 = arith.constant 11040 : i32
    %mul3A_2 = arith.muli %arg1, %mul3A_1 : i32
    %scan3A = arith.constant 0 : i32
    %scan3A_3 = arith.constant 0 : i32
    %scan3A_4 = arith.constant 60 : i32
    %scan3A_5 = arith.addi %scan3A_3, %scan3A_4 : i32
    %scan3A_6 = arith.constant 1 : i32
    scf.for %scan3A_9 = %scan3A_3 to %scan3A_5 step %scan3A_6  : i32 {
      %mul3A_10 = arith.constant 184 : i32
      %mul3A_11 = arith.muli %scan3A_9, %mul3A_10 : i32
      %add3A = arith.addi %mul3A_2, %mul3A_11 : i32
      %multiple_of3A = tpu.assume_multiple %add3A, 8 : i32
      "tpu.region"() ({
        %run_scoped3A = tpu.sem_alloc : memref<!tpu.dma_semaphore, #tpu.memory_space<semaphore_mem>>
        %dma_start3A_38 = tpu.memref_slice %arg4[%multiple_of3A] : memref<176640xi32, #tpu.memory_space<hbm>> -> memref<184xi32, #tpu.memory_space<hbm>>
        %dma_start3A_39 = tpu.memref_slice %arg4[%multiple_of3A] : memref<176640xi32, #tpu.memory_space<hbm>> -> memref<184xi32, #tpu.memory_space<hbm>>
        tpu.enqueue_dma source(%dma_start3A_39 : memref<184xi32, #tpu.memory_space<hbm>>) target(%arg10 : memref<184xi32, #tpu.memory_space<vmem>>) target_semaphore(%run_scoped3A : memref<!tpu.dma_semaphore, #tpu.memory_space<semaphore_mem>>)
        %dma_wait3A_40 = tpu.memref_slice %arg4[%multiple_of3A] : memref<176640xi32, #tpu.memory_space<hbm>> -> memref<184xi32, #tpu.memory_space<hbm>>
        %dma_wait3A_41 = tpu.memref_slice %arg4[%multiple_of3A] : memref<176640xi32, #tpu.memory_space<hbm>> -> memref<184xi32, #tpu.memory_space<hbm>>
        tpu.wait_dma2 semaphore(%run_scoped3A : memref<!tpu.dma_semaphore, #tpu.memory_space<semaphore_mem>>) src(%dma_wait3A_41 : memref<184xi32, #tpu.memory_space<hbm>>) dst(%arg10 : memref<184xi32, #tpu.memory_space<vmem>>)
        tpu.yield
      }) : () -> ()
      "tpu.region"() ({
        %run_scoped3A = tpu.sem_alloc : memref<!tpu.dma_semaphore, #tpu.memory_space<semaphore_mem>>
        %dma_start3A_38 = tpu.memref_slice %arg5[%multiple_of3A] : memref<176640xi32, #tpu.memory_space<hbm>> -> memref<184xi32, #tpu.memory_space<hbm>>
        %dma_start3A_39 = tpu.memref_slice %arg5[%multiple_of3A] : memref<176640xi32, #tpu.memory_space<hbm>> -> memref<184xi32, #tpu.memory_space<hbm>>
        tpu.enqueue_dma source(%dma_start3A_39 : memref<184xi32, #tpu.memory_space<hbm>>) target(%arg11 : memref<184xi32, #tpu.memory_space<vmem>>) target_semaphore(%run_scoped3A : memref<!tpu.dma_semaphore, #tpu.memory_space<semaphore_mem>>)
        %dma_wait3A_40 = tpu.memref_slice %arg5[%multiple_of3A] : memref<176640xi32, #tpu.memory_space<hbm>> -> memref<184xi32, #tpu.memory_space<hbm>>
        %dma_wait3A_41 = tpu.memref_slice %arg5[%multiple_of3A] : memref<176640xi32, #tpu.memory_space<hbm>> -> memref<184xi32, #tpu.memory_space<hbm>>
        tpu.wait_dma2 semaphore(%run_scoped3A : memref<!tpu.dma_semaphore, #tpu.memory_space<semaphore_mem>>) src(%dma_wait3A_41 : memref<184xi32, #tpu.memory_space<hbm>>) dst(%arg11 : memref<184xi32, #tpu.memory_space<vmem>>)
        tpu.yield
      }) : () -> ()
      %dma_start3A = arith.constant 0 : i32
      %dma_start3A_12 = arith.constant 0 : i32
      %dma_start3A_13 = tpu.memref_slice %arg2[%arg0, %dma_start3A, %dma_start3A_12] : memref<2x10240x128xf32, #tpu.memory_space<hbm>> -> memref<1x10240x128xf32, #tpu.memory_space<hbm>>
      %dma_start3A_14 = tpu.memref_squeeze %dma_start3A_13 : memref<1x10240x128xf32, #tpu.memory_space<hbm>> -> memref<10240x128xf32, #tpu.memory_space<hbm>>
      %dma_start3A_15 = arith.constant 0 : i32
      %dma_start3A_16 = arith.constant 0 : i32
      %dma_start3A_17 = tpu.memref_slice %dma_start3A_14[%dma_start3A_15, %dma_start3A_16] : memref<10240x128xf32, #tpu.memory_space<hbm>> -> memref<10240x128xf32, #tpu.memory_space<hbm>>
      tpu.enqueue_indirect_dma source(%dma_start3A_17 : memref<10240x128xf32, #tpu.memory_space<hbm>>) target(%arg16 : memref<184x128xf32, #tpu.memory_space<vmem>>) offsets(%arg10 : memref<184xi32, #tpu.memory_space<vmem>>) semaphore(%arg18 : memref<!tpu.dma_semaphore, #tpu.memory_space<semaphore_mem>>)
      %dma_wait3A = arith.constant 0 : i32
      %dma_wait3A_18 = arith.constant 0 : i32
      %dma_wait3A_19 = tpu.memref_slice %arg2[%arg0, %dma_wait3A, %dma_wait3A_18] : memref<2x10240x128xf32, #tpu.memory_space<hbm>> -> memref<1x10240x128xf32, #tpu.memory_space<hbm>>
      %dma_wait3A_20 = tpu.memref_squeeze %dma_wait3A_19 : memref<1x10240x128xf32, #tpu.memory_space<hbm>> -> memref<10240x128xf32, #tpu.memory_space<hbm>>
      %dma_wait3A_21 = arith.constant 0 : i32
      %dma_wait3A_22 = arith.constant 0 : i32
      %dma_wait3A_23 = tpu.memref_slice %dma_wait3A_20[%dma_wait3A_21, %dma_wait3A_22] : memref<10240x128xf32, #tpu.memory_space<hbm>> -> memref<10240x128xf32, #tpu.memory_space<hbm>>
      tpu.wait_indirect_dma semaphore(%arg18 : memref<!tpu.dma_semaphore, #tpu.memory_space<semaphore_mem>>) src(%dma_wait3A_23 : memref<10240x128xf32, #tpu.memory_space<hbm>>) dst(%arg16 : memref<184x128xf32, #tpu.memory_space<vmem>>)
      %dma_start3A_24 = arith.constant 0 : i32
      %dma_start3A_25 = arith.constant 0 : i32
      %dma_start3A_26 = tpu.memref_slice %arg3[%arg0, %dma_start3A_24, %dma_start3A_25] : memref<2x18x128xf32, #tpu.memory_space<hbm>> -> memref<1x18x128xf32, #tpu.memory_space<hbm>>
      %dma_start3A_27 = tpu.memref_squeeze %dma_start3A_26 : memref<1x18x128xf32, #tpu.memory_space<hbm>> -> memref<18x128xf32, #tpu.memory_space<hbm>>
      %dma_start3A_28 = arith.constant 0 : i32
      %dma_start3A_29 = arith.constant 0 : i32
      %dma_start3A_30 = tpu.memref_slice %dma_start3A_27[%dma_start3A_28, %dma_start3A_29] : memref<18x128xf32, #tpu.memory_space<hbm>> -> memref<18x128xf32, #tpu.memory_space<hbm>>
      tpu.enqueue_indirect_dma source(%dma_start3A_30 : memref<18x128xf32, #tpu.memory_space<hbm>>) target(%arg16 : memref<184x128xf32, #tpu.memory_space<vmem>>) offsets(%arg11 : memref<184xi32, #tpu.memory_space<vmem>>) semaphore(%arg18 : memref<!tpu.dma_semaphore, #tpu.memory_space<semaphore_mem>>) {add = true}
      %dma_wait3A_31 = arith.constant 0 : i32
      %dma_wait3A_32 = arith.constant 0 : i32
      %dma_wait3A_33 = tpu.memref_slice %arg3[%arg0, %dma_wait3A_31, %dma_wait3A_32] : memref<2x18x128xf32, #tpu.memory_space<hbm>> -> memref<1x18x128xf32, #tpu.memory_space<hbm>>
      %dma_wait3A_34 = tpu.memref_squeeze %dma_wait3A_33 : memref<1x18x128xf32, #tpu.memory_space<hbm>> -> memref<18x128xf32, #tpu.memory_space<hbm>>
      %dma_wait3A_35 = arith.constant 0 : i32
      %dma_wait3A_36 = arith.constant 0 : i32
      %dma_wait3A_37 = tpu.memref_slice %dma_wait3A_34[%dma_wait3A_35, %dma_wait3A_36] : memref<18x128xf32, #tpu.memory_space<hbm>> -> memref<18x128xf32, #tpu.memory_space<hbm>>
      tpu.wait_indirect_dma semaphore(%arg18 : memref<!tpu.dma_semaphore, #tpu.memory_space<semaphore_mem>>) src(%dma_wait3A_37 : memref<18x128xf32, #tpu.memory_space<hbm>>) dst(%arg16 : memref<184x128xf32, #tpu.memory_space<vmem>>)
      "tpu.region"() ({
        %run_scoped3A = tpu.sem_alloc : memref<!tpu.dma_semaphore, #tpu.memory_space<semaphore_mem>>
        %dma_start3A_38 = tpu.memref_slice %arg6[%multiple_of3A] : memref<176640xi32, #tpu.memory_space<hbm>> -> memref<184xi32, #tpu.memory_space<hbm>>
        %dma_start3A_39 = tpu.memref_slice %arg6[%multiple_of3A] : memref<176640xi32, #tpu.memory_space<hbm>> -> memref<184xi32, #tpu.memory_space<hbm>>
        tpu.enqueue_dma source(%dma_start3A_39 : memref<184xi32, #tpu.memory_space<hbm>>) target(%arg14 : memref<184xi32, #tpu.memory_space<vmem>>) target_semaphore(%run_scoped3A : memref<!tpu.dma_semaphore, #tpu.memory_space<semaphore_mem>>)
        %dma_wait3A_40 = tpu.memref_slice %arg6[%multiple_of3A] : memref<176640xi32, #tpu.memory_space<hbm>> -> memref<184xi32, #tpu.memory_space<hbm>>
        %dma_wait3A_41 = tpu.memref_slice %arg6[%multiple_of3A] : memref<176640xi32, #tpu.memory_space<hbm>> -> memref<184xi32, #tpu.memory_space<hbm>>
        tpu.wait_dma2 semaphore(%run_scoped3A : memref<!tpu.dma_semaphore, #tpu.memory_space<semaphore_mem>>) src(%dma_wait3A_41 : memref<184xi32, #tpu.memory_space<hbm>>) dst(%arg14 : memref<184xi32, #tpu.memory_space<vmem>>)
        tpu.yield
      }) : () -> ()
      "tpu.region"() ({
        %run_scoped3A = tpu.sem_alloc : memref<!tpu.dma_semaphore, #tpu.memory_space<semaphore_mem>>
        %dma_start3A_38 = arith.constant 0 : i32
        %dma_start3A_39 = arith.constant 0 : i32
        %dma_start3A_40 = tpu.memref_slice %arg9[%dma_start3A_38, %dma_start3A_39] : memref<10240x128xf32, #tpu.memory_space<vmem_shared>> -> memref<10240x128xf32, #tpu.memory_space<vmem_shared>>
        tpu.enqueue_indirect_dma source(%arg16 : memref<184x128xf32, #tpu.memory_space<vmem>>) target(%dma_start3A_40 : memref<10240x128xf32, #tpu.memory_space<vmem_shared>>) offsets(%arg14 : memref<184xi32, #tpu.memory_space<vmem>>) semaphore(%run_scoped3A : memref<!tpu.dma_semaphore, #tpu.memory_space<semaphore_mem>>) {add = true}
        %dma_wait3A_41 = arith.constant 0 : i32
        %dma_wait3A_42 = arith.constant 0 : i32
        %dma_wait3A_43 = tpu.memref_slice %arg9[%dma_wait3A_41, %dma_wait3A_42] : memref<10240x128xf32, #tpu.memory_space<vmem_shared>> -> memref<10240x128xf32, #tpu.memory_space<vmem_shared>>
        tpu.wait_indirect_dma semaphore(%run_scoped3A : memref<!tpu.dma_semaphore, #tpu.memory_space<semaphore_mem>>) src(%arg16 : memref<184x128xf32, #tpu.memory_space<vmem>>) dst(%dma_wait3A_43 : memref<10240x128xf32, #tpu.memory_space<vmem_shared>>)
        tpu.yield
      }) : () -> ()
    }
    %scan3A_7 = arith.constant 60 : i32
    %barrier3A_8 = arith.constant 0 : index
    tpu.barrier barrier_id(%barrier3A_8)
    "tpu.region"() ({
      %run_scoped3A = tpu.sem_alloc : memref<!tpu.dma_semaphore, #tpu.memory_space<semaphore_mem>>
      %dma_start3A = arith.constant 0 : i32
      %dma_start3A_9 = tpu.memref_slice %arg8[%arg0, %mul3A_0, %dma_start3A] : memref<2x10240x128xf32, #tpu.memory_space<hbm>> -> memref<1x640x128xf32, #tpu.memory_space<hbm>>
      %dma_start3A_10 = tpu.memref_squeeze %dma_start3A_9 : memref<1x640x128xf32, #tpu.memory_space<hbm>> -> memref<640x128xf32, #tpu.memory_space<hbm>>
      %dma_start3A_11 = arith.constant 0 : i32
      %dma_start3A_12 = tpu.memref_slice %arg9[%mul3A_0, %dma_start3A_11] : memref<10240x128xf32, #tpu.memory_space<vmem_shared>> -> memref<640x128xf32, #tpu.memory_space<vmem_shared>>
      tpu.enqueue_dma source(%dma_start3A_12 : memref<640x128xf32, #tpu.memory_space<vmem_shared>>) target(%dma_start3A_10 : memref<640x128xf32, #tpu.memory_space<hbm>>) target_semaphore(%run_scoped3A : memref<!tpu.dma_semaphore, #tpu.memory_space<semaphore_mem>>)
      %dma_wait3A = arith.constant 0 : i32
      %dma_wait3A_13 = tpu.memref_slice %arg8[%arg0, %mul3A_0, %dma_wait3A] : memref<2x10240x128xf32, #tpu.memory_space<hbm>> -> memref<1x640x128xf32, #tpu.memory_space<hbm>>
      %dma_wait3A_14 = tpu.memref_squeeze %dma_wait3A_13 : memref<1x640x128xf32, #tpu.memory_space<hbm>> -> memref<640x128xf32, #tpu.memory_space<hbm>>
      %dma_wait3A_15 = arith.constant 0 : i32
      %dma_wait3A_16 = tpu.memref_slice %arg9[%mul3A_0, %dma_wait3A_15] : memref<10240x128xf32, #tpu.memory_space<vmem_shared>> -> memref<640x128xf32, #tpu.memory_space<vmem_shared>>
      tpu.wait_dma2 semaphore(%run_scoped3A : memref<!tpu.dma_semaphore, #tpu.memory_space<semaphore_mem>>) src(%dma_wait3A_16 : memref<640x128xf32, #tpu.memory_space<vmem_shared>>) dst(%dma_wait3A_14 : memref<640x128xf32, #tpu.memory_space<hbm>>)
      tpu.yield
    }) : () -> ()
    return
  }
}

#map = affine_map<(d0, d1) -> (0, 0, 0)>
#map1 = affine_map<(d0, d1) -> (0)>
#map2 = affine_map<(d0, d1) -> (0, 0)>
module attributes {stable_mosaic.version = 14 : i64} {
  func.func @_sc_aggr_k(%arg0: i32, %arg1: i32, %arg2: memref<2x10240x128xf32, #tpu.memory_space<hbm>>, %arg3: memref<2x18x128xf32, #tpu.memory_space<hbm>>, %arg4: memref<176640xi32, #tpu.memory_space<hbm>>, %arg5: memref<176640xi32, #tpu.memory_space<hbm>>, %arg6: memref<176640xi32, #tpu.memory_space<hbm>>, %arg7: memref<10240x128xf32, #tpu.memory_space<hbm>>, %arg8: memref<2x10240x128xf32, #tpu.memory_space<hbm>>, %arg9: memref<10240x128xf32, #tpu.memory_space<vmem_shared>>, %arg10: memref<184xi32, #tpu.memory_space<vmem>>, %arg11: memref<184xi32, #tpu.memory_space<vmem>>, %arg12: memref<184xi32, #tpu.memory_space<vmem>>, %arg13: memref<184xi32, #tpu.memory_space<vmem>>, %arg14: memref<184xi32, #tpu.memory_space<vmem>>, %arg15: memref<184xi32, #tpu.memory_space<vmem>>, %arg16: memref<184x128xf32, #tpu.memory_space<vmem>>, %arg17: memref<184x128xf32, #tpu.memory_space<vmem>>, %arg18: memref<!tpu.dma_semaphore, #tpu.memory_space<semaphore_mem>>, %arg19: memref<!tpu.dma_semaphore, #tpu.memory_space<semaphore_mem>>) attributes {dimension_semantics = [#tpu.dimension_semantics<core_parallel>, #tpu.dimension_semantics<subcore_parallel>], iteration_bounds = array<i64: 2, 16>, scalar_prefetch = 0 : i64, scratch_operands = 11 : i64, tpu.core_type = #tpu.core_type<sc_vector_subcore>, window_params = [{transform_indices = #map}, {transform_indices = #map}, {transform_indices = #map1}, {transform_indices = #map1}, {transform_indices = #map1}, {transform_indices = #map2}, {transform_indices = #map}]} {
    %mul3A = arith.constant 640 : i32
    %mul3A_0 = arith.muli %arg1, %mul3A : i32
    "tpu.region"() ({
      %run_scoped3A = tpu.sem_alloc : memref<!tpu.dma_semaphore, #tpu.memory_space<semaphore_mem>>
      %dma_start3A = arith.constant 0 : i32
      %dma_start3A_9 = tpu.memref_slice %arg9[%mul3A_0, %dma_start3A] : memref<10240x128xf32, #tpu.memory_space<vmem_shared>> -> memref<640x128xf32, #tpu.memory_space<vmem_shared>>
      %dma_start3A_10 = arith.constant 0 : i32
      %dma_start3A_11 = tpu.memref_slice %arg7[%mul3A_0, %dma_start3A_10] : memref<10240x128xf32, #tpu.memory_space<hbm>> -> memref<640x128xf32, #tpu.memory_space<hbm>>
      tpu.enqueue_dma source(%dma_start3A_11 : memref<640x128xf32, #tpu.memory_space<hbm>>) target(%dma_start3A_9 : memref<640x128xf32, #tpu.memory_space<vmem_shared>>) target_semaphore(%run_scoped3A : memref<!tpu.dma_semaphore, #tpu.memory_space<semaphore_mem>>)
      %dma_wait3A = arith.constant 0 : i32
      %dma_wait3A_12 = tpu.memref_slice %arg9[%mul3A_0, %dma_wait3A] : memref<10240x128xf32, #tpu.memory_space<vmem_shared>> -> memref<640x128xf32, #tpu.memory_space<vmem_shared>>
      %dma_wait3A_13 = arith.constant 0 : i32
      %dma_wait3A_14 = tpu.memref_slice %arg7[%mul3A_0, %dma_wait3A_13] : memref<10240x128xf32, #tpu.memory_space<hbm>> -> memref<640x128xf32, #tpu.memory_space<hbm>>
      tpu.wait_dma2 semaphore(%run_scoped3A : memref<!tpu.dma_semaphore, #tpu.memory_space<semaphore_mem>>) src(%dma_wait3A_14 : memref<640x128xf32, #tpu.memory_space<hbm>>) dst(%dma_wait3A_12 : memref<640x128xf32, #tpu.memory_space<vmem_shared>>)
      tpu.yield
    }) : () -> ()
    %barrier3A = arith.constant 0 : index
    tpu.barrier barrier_id(%barrier3A)
    %mul3A_1 = arith.constant 11040 : i32
    %mul3A_2 = arith.muli %arg1, %mul3A_1 : i32
    %scan3A = arith.constant 0 : i32
    %scan3A_3 = arith.constant 0 : i32
    %scan3A_4 = arith.constant 60 : i32
    %scan3A_5 = arith.addi %scan3A_3, %scan3A_4 : i32
    %scan3A_6 = arith.constant 1 : i32
    scf.for %scan3A_9 = %scan3A_3 to %scan3A_5 step %scan3A_6  : i32 {
      %mul3A_10 = arith.constant 184 : i32
      %mul3A_11 = arith.muli %scan3A_9, %mul3A_10 : i32
      %add3A = arith.addi %mul3A_2, %mul3A_11 : i32
      %multiple_of3A = tpu.assume_multiple %add3A, 8 : i32
      "tpu.region"() ({
        %run_scoped3A = tpu.sem_alloc : memref<!tpu.dma_semaphore, #tpu.memory_space<semaphore_mem>>
        %dma_start3A_38 = tpu.memref_slice %arg4[%multiple_of3A] : memref<176640xi32, #tpu.memory_space<hbm>> -> memref<184xi32, #tpu.memory_space<hbm>>
        %dma_start3A_39 = tpu.memref_slice %arg4[%multiple_of3A] : memref<176640xi32, #tpu.memory_space<hbm>> -> memref<184xi32, #tpu.memory_space<hbm>>
        tpu.enqueue_dma source(%dma_start3A_39 : memref<184xi32, #tpu.memory_space<hbm>>) target(%arg10 : memref<184xi32, #tpu.memory_space<vmem>>) target_semaphore(%run_scoped3A : memref<!tpu.dma_semaphore, #tpu.memory_space<semaphore_mem>>)
        %dma_wait3A_40 = tpu.memref_slice %arg4[%multiple_of3A] : memref<176640xi32, #tpu.memory_space<hbm>> -> memref<184xi32, #tpu.memory_space<hbm>>
        %dma_wait3A_41 = tpu.memref_slice %arg4[%multiple_of3A] : memref<176640xi32, #tpu.memory_space<hbm>> -> memref<184xi32, #tpu.memory_space<hbm>>
        tpu.wait_dma2 semaphore(%run_scoped3A : memref<!tpu.dma_semaphore, #tpu.memory_space<semaphore_mem>>) src(%dma_wait3A_41 : memref<184xi32, #tpu.memory_space<hbm>>) dst(%arg10 : memref<184xi32, #tpu.memory_space<vmem>>)
        tpu.yield
      }) : () -> ()
      "tpu.region"() ({
        %run_scoped3A = tpu.sem_alloc : memref<!tpu.dma_semaphore, #tpu.memory_space<semaphore_mem>>
        %dma_start3A_38 = tpu.memref_slice %arg5[%multiple_of3A] : memref<176640xi32, #tpu.memory_space<hbm>> -> memref<184xi32, #tpu.memory_space<hbm>>
        %dma_start3A_39 = tpu.memref_slice %arg5[%multiple_of3A] : memref<176640xi32, #tpu.memory_space<hbm>> -> memref<184xi32, #tpu.memory_space<hbm>>
        tpu.enqueue_dma source(%dma_start3A_39 : memref<184xi32, #tpu.memory_space<hbm>>) target(%arg11 : memref<184xi32, #tpu.memory_space<vmem>>) target_semaphore(%run_scoped3A : memref<!tpu.dma_semaphore, #tpu.memory_space<semaphore_mem>>)
        %dma_wait3A_40 = tpu.memref_slice %arg5[%multiple_of3A] : memref<176640xi32, #tpu.memory_space<hbm>> -> memref<184xi32, #tpu.memory_space<hbm>>
        %dma_wait3A_41 = tpu.memref_slice %arg5[%multiple_of3A] : memref<176640xi32, #tpu.memory_space<hbm>> -> memref<184xi32, #tpu.memory_space<hbm>>
        tpu.wait_dma2 semaphore(%run_scoped3A : memref<!tpu.dma_semaphore, #tpu.memory_space<semaphore_mem>>) src(%dma_wait3A_41 : memref<184xi32, #tpu.memory_space<hbm>>) dst(%arg11 : memref<184xi32, #tpu.memory_space<vmem>>)
        tpu.yield
      }) : () -> ()
      %dma_start3A = arith.constant 0 : i32
      %dma_start3A_12 = arith.constant 0 : i32
      %dma_start3A_13 = tpu.memref_slice %arg2[%arg0, %dma_start3A, %dma_start3A_12] : memref<2x10240x128xf32, #tpu.memory_space<hbm>> -> memref<1x10240x128xf32, #tpu.memory_space<hbm>>
      %dma_start3A_14 = tpu.memref_squeeze %dma_start3A_13 : memref<1x10240x128xf32, #tpu.memory_space<hbm>> -> memref<10240x128xf32, #tpu.memory_space<hbm>>
      %dma_start3A_15 = arith.constant 0 : i32
      %dma_start3A_16 = arith.constant 0 : i32
      %dma_start3A_17 = tpu.memref_slice %dma_start3A_14[%dma_start3A_15, %dma_start3A_16] : memref<10240x128xf32, #tpu.memory_space<hbm>> -> memref<10240x128xf32, #tpu.memory_space<hbm>>
      tpu.enqueue_indirect_dma source(%dma_start3A_17 : memref<10240x128xf32, #tpu.memory_space<hbm>>) target(%arg16 : memref<184x128xf32, #tpu.memory_space<vmem>>) offsets(%arg10 : memref<184xi32, #tpu.memory_space<vmem>>) semaphore(%arg18 : memref<!tpu.dma_semaphore, #tpu.memory_space<semaphore_mem>>)
      %dma_wait3A = arith.constant 0 : i32
      %dma_wait3A_18 = arith.constant 0 : i32
      %dma_wait3A_19 = tpu.memref_slice %arg2[%arg0, %dma_wait3A, %dma_wait3A_18] : memref<2x10240x128xf32, #tpu.memory_space<hbm>> -> memref<1x10240x128xf32, #tpu.memory_space<hbm>>
      %dma_wait3A_20 = tpu.memref_squeeze %dma_wait3A_19 : memref<1x10240x128xf32, #tpu.memory_space<hbm>> -> memref<10240x128xf32, #tpu.memory_space<hbm>>
      %dma_wait3A_21 = arith.constant 0 : i32
      %dma_wait3A_22 = arith.constant 0 : i32
      %dma_wait3A_23 = tpu.memref_slice %dma_wait3A_20[%dma_wait3A_21, %dma_wait3A_22] : memref<10240x128xf32, #tpu.memory_space<hbm>> -> memref<10240x128xf32, #tpu.memory_space<hbm>>
      tpu.wait_indirect_dma semaphore(%arg18 : memref<!tpu.dma_semaphore, #tpu.memory_space<semaphore_mem>>) src(%dma_wait3A_23 : memref<10240x128xf32, #tpu.memory_space<hbm>>) dst(%arg16 : memref<184x128xf32, #tpu.memory_space<vmem>>)
      %dma_start3A_24 = arith.constant 0 : i32
      %dma_start3A_25 = arith.constant 0 : i32
      %dma_start3A_26 = tpu.memref_slice %arg3[%arg0, %dma_start3A_24, %dma_start3A_25] : memref<2x18x128xf32, #tpu.memory_space<hbm>> -> memref<1x18x128xf32, #tpu.memory_space<hbm>>
      %dma_start3A_27 = tpu.memref_squeeze %dma_start3A_26 : memref<1x18x128xf32, #tpu.memory_space<hbm>> -> memref<18x128xf32, #tpu.memory_space<hbm>>
      %dma_start3A_28 = arith.constant 0 : i32
      %dma_start3A_29 = arith.constant 0 : i32
      %dma_start3A_30 = tpu.memref_slice %dma_start3A_27[%dma_start3A_28, %dma_start3A_29] : memref<18x128xf32, #tpu.memory_space<hbm>> -> memref<18x128xf32, #tpu.memory_space<hbm>>
      tpu.enqueue_indirect_dma source(%dma_start3A_30 : memref<18x128xf32, #tpu.memory_space<hbm>>) target(%arg16 : memref<184x128xf32, #tpu.memory_space<vmem>>) offsets(%arg11 : memref<184xi32, #tpu.memory_space<vmem>>) semaphore(%arg18 : memref<!tpu.dma_semaphore, #tpu.memory_space<semaphore_mem>>) {add = true}
      %dma_wait3A_31 = arith.constant 0 : i32
      %dma_wait3A_32 = arith.constant 0 : i32
      %dma_wait3A_33 = tpu.memref_slice %arg3[%arg0, %dma_wait3A_31, %dma_wait3A_32] : memref<2x18x128xf32, #tpu.memory_space<hbm>> -> memref<1x18x128xf32, #tpu.memory_space<hbm>>
      %dma_wait3A_34 = tpu.memref_squeeze %dma_wait3A_33 : memref<1x18x128xf32, #tpu.memory_space<hbm>> -> memref<18x128xf32, #tpu.memory_space<hbm>>
      %dma_wait3A_35 = arith.constant 0 : i32
      %dma_wait3A_36 = arith.constant 0 : i32
      %dma_wait3A_37 = tpu.memref_slice %dma_wait3A_34[%dma_wait3A_35, %dma_wait3A_36] : memref<18x128xf32, #tpu.memory_space<hbm>> -> memref<18x128xf32, #tpu.memory_space<hbm>>
      tpu.wait_indirect_dma semaphore(%arg18 : memref<!tpu.dma_semaphore, #tpu.memory_space<semaphore_mem>>) src(%dma_wait3A_37 : memref<18x128xf32, #tpu.memory_space<hbm>>) dst(%arg16 : memref<184x128xf32, #tpu.memory_space<vmem>>)
      "tpu.region"() ({
        %run_scoped3A = tpu.sem_alloc : memref<!tpu.dma_semaphore, #tpu.memory_space<semaphore_mem>>
        %dma_start3A_38 = tpu.memref_slice %arg6[%multiple_of3A] : memref<176640xi32, #tpu.memory_space<hbm>> -> memref<184xi32, #tpu.memory_space<hbm>>
        %dma_start3A_39 = tpu.memref_slice %arg6[%multiple_of3A] : memref<176640xi32, #tpu.memory_space<hbm>> -> memref<184xi32, #tpu.memory_space<hbm>>
        tpu.enqueue_dma source(%dma_start3A_39 : memref<184xi32, #tpu.memory_space<hbm>>) target(%arg14 : memref<184xi32, #tpu.memory_space<vmem>>) target_semaphore(%run_scoped3A : memref<!tpu.dma_semaphore, #tpu.memory_space<semaphore_mem>>)
        %dma_wait3A_40 = tpu.memref_slice %arg6[%multiple_of3A] : memref<176640xi32, #tpu.memory_space<hbm>> -> memref<184xi32, #tpu.memory_space<hbm>>
        %dma_wait3A_41 = tpu.memref_slice %arg6[%multiple_of3A] : memref<176640xi32, #tpu.memory_space<hbm>> -> memref<184xi32, #tpu.memory_space<hbm>>
        tpu.wait_dma2 semaphore(%run_scoped3A : memref<!tpu.dma_semaphore, #tpu.memory_space<semaphore_mem>>) src(%dma_wait3A_41 : memref<184xi32, #tpu.memory_space<hbm>>) dst(%arg14 : memref<184xi32, #tpu.memory_space<vmem>>)
        tpu.yield
      }) : () -> ()
      "tpu.region"() ({
        %run_scoped3A = tpu.sem_alloc : memref<!tpu.dma_semaphore, #tpu.memory_space<semaphore_mem>>
        %dma_start3A_38 = arith.constant 0 : i32
        %dma_start3A_39 = arith.constant 0 : i32
        %dma_start3A_40 = tpu.memref_slice %arg9[%dma_start3A_38, %dma_start3A_39] : memref<10240x128xf32, #tpu.memory_space<vmem_shared>> -> memref<10240x128xf32, #tpu.memory_space<vmem_shared>>
        tpu.enqueue_indirect_dma source(%arg16 : memref<184x128xf32, #tpu.memory_space<vmem>>) target(%dma_start3A_40 : memref<10240x128xf32, #tpu.memory_space<vmem_shared>>) offsets(%arg14 : memref<184xi32, #tpu.memory_space<vmem>>) semaphore(%run_scoped3A : memref<!tpu.dma_semaphore, #tpu.memory_space<semaphore_mem>>) {add = true}
        %dma_wait3A_41 = arith.constant 0 : i32
        %dma_wait3A_42 = arith.constant 0 : i32
        %dma_wait3A_43 = tpu.memref_slice %arg9[%dma_wait3A_41, %dma_wait3A_42] : memref<10240x128xf32, #tpu.memory_space<vmem_shared>> -> memref<10240x128xf32, #tpu.memory_space<vmem_shared>>
        tpu.wait_indirect_dma semaphore(%run_scoped3A : memref<!tpu.dma_semaphore, #tpu.memory_space<semaphore_mem>>) src(%arg16 : memref<184x128xf32, #tpu.memory_space<vmem>>) dst(%dma_wait3A_43 : memref<10240x128xf32, #tpu.memory_space<vmem_shared>>)
        tpu.yield
      }) : () -> ()
    }
    %scan3A_7 = arith.constant 60 : i32
    %barrier3A_8 = arith.constant 0 : index
    tpu.barrier barrier_id(%barrier3A_8)
    "tpu.region"() ({
      %run_scoped3A = tpu.sem_alloc : memref<!tpu.dma_semaphore, #tpu.memory_space<semaphore_mem>>
      %dma_start3A = arith.constant 0 : i32
      %dma_start3A_9 = tpu.memref_slice %arg8[%arg0, %mul3A_0, %dma_start3A] : memref<2x10240x128xf32, #tpu.memory_space<hbm>> -> memref<1x640x128xf32, #tpu.memory_space<hbm>>
      %dma_start3A_10 = tpu.memref_squeeze %dma_start3A_9 : memref<1x640x128xf32, #tpu.memory_space<hbm>> -> memref<640x128xf32, #tpu.memory_space<hbm>>
      %dma_start3A_11 = arith.constant 0 : i32
      %dma_start3A_12 = tpu.memref_slice %arg9[%mul3A_0, %dma_start3A_11] : memref<10240x128xf32, #tpu.memory_space<vmem_shared>> -> memref<640x128xf32, #tpu.memory_space<vmem_shared>>
      tpu.enqueue_dma source(%dma_start3A_12 : memref<640x128xf32, #tpu.memory_space<vmem_shared>>) target(%dma_start3A_10 : memref<640x128xf32, #tpu.memory_space<hbm>>) target_semaphore(%run_scoped3A : memref<!tpu.dma_semaphore, #tpu.memory_space<semaphore_mem>>)
      %dma_wait3A = arith.constant 0 : i32
      %dma_wait3A_13 = tpu.memref_slice %arg8[%arg0, %mul3A_0, %dma_wait3A] : memref<2x10240x128xf32, #tpu.memory_space<hbm>> -> memref<1x640x128xf32, #tpu.memory_space<hbm>>
      %dma_wait3A_14 = tpu.memref_squeeze %dma_wait3A_13 : memref<1x640x128xf32, #tpu.memory_space<hbm>> -> memref<640x128xf32, #tpu.memory_space<hbm>>
      %dma_wait3A_15 = arith.constant 0 : i32
      %dma_wait3A_16 = tpu.memref_slice %arg9[%mul3A_0, %dma_wait3A_15] : memref<10240x128xf32, #tpu.memory_space<vmem_shared>> -> memref<640x128xf32, #tpu.memory_space<vmem_shared>>
      tpu.wait_dma2 semaphore(%run_scoped3A : memref<!tpu.dma_semaphore, #tpu.memory_space<semaphore_mem>>) src(%dma_wait3A_16 : memref<640x128xf32, #tpu.memory_space<vmem_shared>>) dst(%dma_wait3A_14 : memref<640x128xf32, #tpu.memory_space<hbm>>)
      tpu.yield
    }) : () -> ()
    return
  }
}

#map = affine_map<(d0, d1) -> (0, 0, 0)>
#map1 = affine_map<(d0, d1) -> (0)>
#map2 = affine_map<(d0, d1) -> (0, 0)>
module attributes {stable_mosaic.version = 14 : i64} {
  func.func @_sc_aggr_k(%arg0: i32, %arg1: i32, %arg2: memref<2x10240x128xf32, #tpu.memory_space<hbm>>, %arg3: memref<2x18x128xf32, #tpu.memory_space<hbm>>, %arg4: memref<176640xi32, #tpu.memory_space<hbm>>, %arg5: memref<176640xi32, #tpu.memory_space<hbm>>, %arg6: memref<176640xi32, #tpu.memory_space<hbm>>, %arg7: memref<10240x128xf32, #tpu.memory_space<hbm>>, %arg8: memref<2x10240x128xf32, #tpu.memory_space<hbm>>, %arg9: memref<10240x128xf32, #tpu.memory_space<vmem_shared>>, %arg10: memref<184xi32, #tpu.memory_space<vmem>>, %arg11: memref<184xi32, #tpu.memory_space<vmem>>, %arg12: memref<184xi32, #tpu.memory_space<vmem>>, %arg13: memref<184xi32, #tpu.memory_space<vmem>>, %arg14: memref<184xi32, #tpu.memory_space<vmem>>, %arg15: memref<184xi32, #tpu.memory_space<vmem>>, %arg16: memref<184x128xf32, #tpu.memory_space<vmem>>, %arg17: memref<184x128xf32, #tpu.memory_space<vmem>>, %arg18: memref<!tpu.dma_semaphore, #tpu.memory_space<semaphore_mem>>, %arg19: memref<!tpu.dma_semaphore, #tpu.memory_space<semaphore_mem>>) attributes {dimension_semantics = [#tpu.dimension_semantics<core_parallel>, #tpu.dimension_semantics<subcore_parallel>], iteration_bounds = array<i64: 2, 16>, scalar_prefetch = 0 : i64, scratch_operands = 11 : i64, tpu.core_type = #tpu.core_type<sc_vector_subcore>, window_params = [{transform_indices = #map}, {transform_indices = #map}, {transform_indices = #map1}, {transform_indices = #map1}, {transform_indices = #map1}, {transform_indices = #map2}, {transform_indices = #map}]} {
    %mul3A = arith.constant 640 : i32
    %mul3A_0 = arith.muli %arg1, %mul3A : i32
    "tpu.region"() ({
      %run_scoped3A = tpu.sem_alloc : memref<!tpu.dma_semaphore, #tpu.memory_space<semaphore_mem>>
      %dma_start3A = arith.constant 0 : i32
      %dma_start3A_9 = tpu.memref_slice %arg9[%mul3A_0, %dma_start3A] : memref<10240x128xf32, #tpu.memory_space<vmem_shared>> -> memref<640x128xf32, #tpu.memory_space<vmem_shared>>
      %dma_start3A_10 = arith.constant 0 : i32
      %dma_start3A_11 = tpu.memref_slice %arg7[%mul3A_0, %dma_start3A_10] : memref<10240x128xf32, #tpu.memory_space<hbm>> -> memref<640x128xf32, #tpu.memory_space<hbm>>
      tpu.enqueue_dma source(%dma_start3A_11 : memref<640x128xf32, #tpu.memory_space<hbm>>) target(%dma_start3A_9 : memref<640x128xf32, #tpu.memory_space<vmem_shared>>) target_semaphore(%run_scoped3A : memref<!tpu.dma_semaphore, #tpu.memory_space<semaphore_mem>>)
      %dma_wait3A = arith.constant 0 : i32
      %dma_wait3A_12 = tpu.memref_slice %arg9[%mul3A_0, %dma_wait3A] : memref<10240x128xf32, #tpu.memory_space<vmem_shared>> -> memref<640x128xf32, #tpu.memory_space<vmem_shared>>
      %dma_wait3A_13 = arith.constant 0 : i32
      %dma_wait3A_14 = tpu.memref_slice %arg7[%mul3A_0, %dma_wait3A_13] : memref<10240x128xf32, #tpu.memory_space<hbm>> -> memref<640x128xf32, #tpu.memory_space<hbm>>
      tpu.wait_dma2 semaphore(%run_scoped3A : memref<!tpu.dma_semaphore, #tpu.memory_space<semaphore_mem>>) src(%dma_wait3A_14 : memref<640x128xf32, #tpu.memory_space<hbm>>) dst(%dma_wait3A_12 : memref<640x128xf32, #tpu.memory_space<vmem_shared>>)
      tpu.yield
    }) : () -> ()
    %barrier3A = arith.constant 0 : index
    tpu.barrier barrier_id(%barrier3A)
    %mul3A_1 = arith.constant 11040 : i32
    %mul3A_2 = arith.muli %arg1, %mul3A_1 : i32
    %scan3A = arith.constant 0 : i32
    %scan3A_3 = arith.constant 0 : i32
    %scan3A_4 = arith.constant 60 : i32
    %scan3A_5 = arith.addi %scan3A_3, %scan3A_4 : i32
    %scan3A_6 = arith.constant 1 : i32
    scf.for %scan3A_9 = %scan3A_3 to %scan3A_5 step %scan3A_6  : i32 {
      %mul3A_10 = arith.constant 184 : i32
      %mul3A_11 = arith.muli %scan3A_9, %mul3A_10 : i32
      %add3A = arith.addi %mul3A_2, %mul3A_11 : i32
      %multiple_of3A = tpu.assume_multiple %add3A, 8 : i32
      "tpu.region"() ({
        %run_scoped3A = tpu.sem_alloc : memref<!tpu.dma_semaphore, #tpu.memory_space<semaphore_mem>>
        %dma_start3A_38 = tpu.memref_slice %arg4[%multiple_of3A] : memref<176640xi32, #tpu.memory_space<hbm>> -> memref<184xi32, #tpu.memory_space<hbm>>
        %dma_start3A_39 = tpu.memref_slice %arg4[%multiple_of3A] : memref<176640xi32, #tpu.memory_space<hbm>> -> memref<184xi32, #tpu.memory_space<hbm>>
        tpu.enqueue_dma source(%dma_start3A_39 : memref<184xi32, #tpu.memory_space<hbm>>) target(%arg10 : memref<184xi32, #tpu.memory_space<vmem>>) target_semaphore(%run_scoped3A : memref<!tpu.dma_semaphore, #tpu.memory_space<semaphore_mem>>)
        %dma_wait3A_40 = tpu.memref_slice %arg4[%multiple_of3A] : memref<176640xi32, #tpu.memory_space<hbm>> -> memref<184xi32, #tpu.memory_space<hbm>>
        %dma_wait3A_41 = tpu.memref_slice %arg4[%multiple_of3A] : memref<176640xi32, #tpu.memory_space<hbm>> -> memref<184xi32, #tpu.memory_space<hbm>>
        tpu.wait_dma2 semaphore(%run_scoped3A : memref<!tpu.dma_semaphore, #tpu.memory_space<semaphore_mem>>) src(%dma_wait3A_41 : memref<184xi32, #tpu.memory_space<hbm>>) dst(%arg10 : memref<184xi32, #tpu.memory_space<vmem>>)
        tpu.yield
      }) : () -> ()
      "tpu.region"() ({
        %run_scoped3A = tpu.sem_alloc : memref<!tpu.dma_semaphore, #tpu.memory_space<semaphore_mem>>
        %dma_start3A_38 = tpu.memref_slice %arg5[%multiple_of3A] : memref<176640xi32, #tpu.memory_space<hbm>> -> memref<184xi32, #tpu.memory_space<hbm>>
        %dma_start3A_39 = tpu.memref_slice %arg5[%multiple_of3A] : memref<176640xi32, #tpu.memory_space<hbm>> -> memref<184xi32, #tpu.memory_space<hbm>>
        tpu.enqueue_dma source(%dma_start3A_39 : memref<184xi32, #tpu.memory_space<hbm>>) target(%arg11 : memref<184xi32, #tpu.memory_space<vmem>>) target_semaphore(%run_scoped3A : memref<!tpu.dma_semaphore, #tpu.memory_space<semaphore_mem>>)
        %dma_wait3A_40 = tpu.memref_slice %arg5[%multiple_of3A] : memref<176640xi32, #tpu.memory_space<hbm>> -> memref<184xi32, #tpu.memory_space<hbm>>
        %dma_wait3A_41 = tpu.memref_slice %arg5[%multiple_of3A] : memref<176640xi32, #tpu.memory_space<hbm>> -> memref<184xi32, #tpu.memory_space<hbm>>
        tpu.wait_dma2 semaphore(%run_scoped3A : memref<!tpu.dma_semaphore, #tpu.memory_space<semaphore_mem>>) src(%dma_wait3A_41 : memref<184xi32, #tpu.memory_space<hbm>>) dst(%arg11 : memref<184xi32, #tpu.memory_space<vmem>>)
        tpu.yield
      }) : () -> ()
      %dma_start3A = arith.constant 0 : i32
      %dma_start3A_12 = arith.constant 0 : i32
      %dma_start3A_13 = tpu.memref_slice %arg2[%arg0, %dma_start3A, %dma_start3A_12] : memref<2x10240x128xf32, #tpu.memory_space<hbm>> -> memref<1x10240x128xf32, #tpu.memory_space<hbm>>
      %dma_start3A_14 = tpu.memref_squeeze %dma_start3A_13 : memref<1x10240x128xf32, #tpu.memory_space<hbm>> -> memref<10240x128xf32, #tpu.memory_space<hbm>>
      %dma_start3A_15 = arith.constant 0 : i32
      %dma_start3A_16 = arith.constant 0 : i32
      %dma_start3A_17 = tpu.memref_slice %dma_start3A_14[%dma_start3A_15, %dma_start3A_16] : memref<10240x128xf32, #tpu.memory_space<hbm>> -> memref<10240x128xf32, #tpu.memory_space<hbm>>
      tpu.enqueue_indirect_dma source(%dma_start3A_17 : memref<10240x128xf32, #tpu.memory_space<hbm>>) target(%arg16 : memref<184x128xf32, #tpu.memory_space<vmem>>) offsets(%arg10 : memref<184xi32, #tpu.memory_space<vmem>>) semaphore(%arg18 : memref<!tpu.dma_semaphore, #tpu.memory_space<semaphore_mem>>)
      %dma_wait3A = arith.constant 0 : i32
      %dma_wait3A_18 = arith.constant 0 : i32
      %dma_wait3A_19 = tpu.memref_slice %arg2[%arg0, %dma_wait3A, %dma_wait3A_18] : memref<2x10240x128xf32, #tpu.memory_space<hbm>> -> memref<1x10240x128xf32, #tpu.memory_space<hbm>>
      %dma_wait3A_20 = tpu.memref_squeeze %dma_wait3A_19 : memref<1x10240x128xf32, #tpu.memory_space<hbm>> -> memref<10240x128xf32, #tpu.memory_space<hbm>>
      %dma_wait3A_21 = arith.constant 0 : i32
      %dma_wait3A_22 = arith.constant 0 : i32
      %dma_wait3A_23 = tpu.memref_slice %dma_wait3A_20[%dma_wait3A_21, %dma_wait3A_22] : memref<10240x128xf32, #tpu.memory_space<hbm>> -> memref<10240x128xf32, #tpu.memory_space<hbm>>
      tpu.wait_indirect_dma semaphore(%arg18 : memref<!tpu.dma_semaphore, #tpu.memory_space<semaphore_mem>>) src(%dma_wait3A_23 : memref<10240x128xf32, #tpu.memory_space<hbm>>) dst(%arg16 : memref<184x128xf32, #tpu.memory_space<vmem>>)
      %dma_start3A_24 = arith.constant 0 : i32
      %dma_start3A_25 = arith.constant 0 : i32
      %dma_start3A_26 = tpu.memref_slice %arg3[%arg0, %dma_start3A_24, %dma_start3A_25] : memref<2x18x128xf32, #tpu.memory_space<hbm>> -> memref<1x18x128xf32, #tpu.memory_space<hbm>>
      %dma_start3A_27 = tpu.memref_squeeze %dma_start3A_26 : memref<1x18x128xf32, #tpu.memory_space<hbm>> -> memref<18x128xf32, #tpu.memory_space<hbm>>
      %dma_start3A_28 = arith.constant 0 : i32
      %dma_start3A_29 = arith.constant 0 : i32
      %dma_start3A_30 = tpu.memref_slice %dma_start3A_27[%dma_start3A_28, %dma_start3A_29] : memref<18x128xf32, #tpu.memory_space<hbm>> -> memref<18x128xf32, #tpu.memory_space<hbm>>
      tpu.enqueue_indirect_dma source(%dma_start3A_30 : memref<18x128xf32, #tpu.memory_space<hbm>>) target(%arg16 : memref<184x128xf32, #tpu.memory_space<vmem>>) offsets(%arg11 : memref<184xi32, #tpu.memory_space<vmem>>) semaphore(%arg18 : memref<!tpu.dma_semaphore, #tpu.memory_space<semaphore_mem>>) {add = true}
      %dma_wait3A_31 = arith.constant 0 : i32
      %dma_wait3A_32 = arith.constant 0 : i32
      %dma_wait3A_33 = tpu.memref_slice %arg3[%arg0, %dma_wait3A_31, %dma_wait3A_32] : memref<2x18x128xf32, #tpu.memory_space<hbm>> -> memref<1x18x128xf32, #tpu.memory_space<hbm>>
      %dma_wait3A_34 = tpu.memref_squeeze %dma_wait3A_33 : memref<1x18x128xf32, #tpu.memory_space<hbm>> -> memref<18x128xf32, #tpu.memory_space<hbm>>
      %dma_wait3A_35 = arith.constant 0 : i32
      %dma_wait3A_36 = arith.constant 0 : i32
      %dma_wait3A_37 = tpu.memref_slice %dma_wait3A_34[%dma_wait3A_35, %dma_wait3A_36] : memref<18x128xf32, #tpu.memory_space<hbm>> -> memref<18x128xf32, #tpu.memory_space<hbm>>
      tpu.wait_indirect_dma semaphore(%arg18 : memref<!tpu.dma_semaphore, #tpu.memory_space<semaphore_mem>>) src(%dma_wait3A_37 : memref<18x128xf32, #tpu.memory_space<hbm>>) dst(%arg16 : memref<184x128xf32, #tpu.memory_space<vmem>>)
      "tpu.region"() ({
        %run_scoped3A = tpu.sem_alloc : memref<!tpu.dma_semaphore, #tpu.memory_space<semaphore_mem>>
        %dma_start3A_38 = tpu.memref_slice %arg6[%multiple_of3A] : memref<176640xi32, #tpu.memory_space<hbm>> -> memref<184xi32, #tpu.memory_space<hbm>>
        %dma_start3A_39 = tpu.memref_slice %arg6[%multiple_of3A] : memref<176640xi32, #tpu.memory_space<hbm>> -> memref<184xi32, #tpu.memory_space<hbm>>
        tpu.enqueue_dma source(%dma_start3A_39 : memref<184xi32, #tpu.memory_space<hbm>>) target(%arg14 : memref<184xi32, #tpu.memory_space<vmem>>) target_semaphore(%run_scoped3A : memref<!tpu.dma_semaphore, #tpu.memory_space<semaphore_mem>>)
        %dma_wait3A_40 = tpu.memref_slice %arg6[%multiple_of3A] : memref<176640xi32, #tpu.memory_space<hbm>> -> memref<184xi32, #tpu.memory_space<hbm>>
        %dma_wait3A_41 = tpu.memref_slice %arg6[%multiple_of3A] : memref<176640xi32, #tpu.memory_space<hbm>> -> memref<184xi32, #tpu.memory_space<hbm>>
        tpu.wait_dma2 semaphore(%run_scoped3A : memref<!tpu.dma_semaphore, #tpu.memory_space<semaphore_mem>>) src(%dma_wait3A_41 : memref<184xi32, #tpu.memory_space<hbm>>) dst(%arg14 : memref<184xi32, #tpu.memory_space<vmem>>)
        tpu.yield
      }) : () -> ()
      "tpu.region"() ({
        %run_scoped3A = tpu.sem_alloc : memref<!tpu.dma_semaphore, #tpu.memory_space<semaphore_mem>>
        %dma_start3A_38 = arith.constant 0 : i32
        %dma_start3A_39 = arith.constant 0 : i32
        %dma_start3A_40 = tpu.memref_slice %arg9[%dma_start3A_38, %dma_start3A_39] : memref<10240x128xf32, #tpu.memory_space<vmem_shared>> -> memref<10240x128xf32, #tpu.memory_space<vmem_shared>>
        tpu.enqueue_indirect_dma source(%arg16 : memref<184x128xf32, #tpu.memory_space<vmem>>) target(%dma_start3A_40 : memref<10240x128xf32, #tpu.memory_space<vmem_shared>>) offsets(%arg14 : memref<184xi32, #tpu.memory_space<vmem>>) semaphore(%run_scoped3A : memref<!tpu.dma_semaphore, #tpu.memory_space<semaphore_mem>>) {add = true}
        %dma_wait3A_41 = arith.constant 0 : i32
        %dma_wait3A_42 = arith.constant 0 : i32
        %dma_wait3A_43 = tpu.memref_slice %arg9[%dma_wait3A_41, %dma_wait3A_42] : memref<10240x128xf32, #tpu.memory_space<vmem_shared>> -> memref<10240x128xf32, #tpu.memory_space<vmem_shared>>
        tpu.wait_indirect_dma semaphore(%run_scoped3A : memref<!tpu.dma_semaphore, #tpu.memory_space<semaphore_mem>>) src(%arg16 : memref<184x128xf32, #tpu.memory_space<vmem>>) dst(%dma_wait3A_43 : memref<10240x128xf32, #tpu.memory_space<vmem_shared>>)
        tpu.yield
      }) : () -> ()
    }
    %scan3A_7 = arith.constant 60 : i32
    %barrier3A_8 = arith.constant 0 : index
    tpu.barrier barrier_id(%barrier3A_8)
    "tpu.region"() ({
      %run_scoped3A = tpu.sem_alloc : memref<!tpu.dma_semaphore, #tpu.memory_space<semaphore_mem>>
      %dma_start3A = arith.constant 0 : i32
      %dma_start3A_9 = tpu.memref_slice %arg8[%arg0, %mul3A_0, %dma_start3A] : memref<2x10240x128xf32, #tpu.memory_space<hbm>> -> memref<1x640x128xf32, #tpu.memory_space<hbm>>
      %dma_start3A_10 = tpu.memref_squeeze %dma_start3A_9 : memref<1x640x128xf32, #tpu.memory_space<hbm>> -> memref<640x128xf32, #tpu.memory_space<hbm>>
      %dma_start3A_11 = arith.constant 0 : i32
      %dma_start3A_12 = tpu.memref_slice %arg9[%mul3A_0, %dma_start3A_11] : memref<10240x128xf32, #tpu.memory_space<vmem_shared>> -> memref<640x128xf32, #tpu.memory_space<vmem_shared>>
      tpu.enqueue_dma source(%dma_start3A_12 : memref<640x128xf32, #tpu.memory_space<vmem_shared>>) target(%dma_start3A_10 : memref<640x128xf32, #tpu.memory_space<hbm>>) target_semaphore(%run_scoped3A : memref<!tpu.dma_semaphore, #tpu.memory_space<semaphore_mem>>)
      %dma_wait3A = arith.constant 0 : i32
      %dma_wait3A_13 = tpu.memref_slice %arg8[%arg0, %mul3A_0, %dma_wait3A] : memref<2x10240x128xf32, #tpu.memory_space<hbm>> -> memref<1x640x128xf32, #tpu.memory_space<hbm>>
      %dma_wait3A_14 = tpu.memref_squeeze %dma_wait3A_13 : memref<1x640x128xf32, #tpu.memory_space<hbm>> -> memref<640x128xf32, #tpu.memory_space<hbm>>
      %dma_wait3A_15 = arith.constant 0 : i32
      %dma_wait3A_16 = tpu.memref_slice %arg9[%mul3A_0, %dma_wait3A_15] : memref<10240x128xf32, #tpu.memory_space<vmem_shared>> -> memref<640x128xf32, #tpu.memory_space<vmem_shared>>
      tpu.wait_dma2 semaphore(%run_scoped3A : memref<!tpu.dma_semaphore, #tpu.memory_space<semaphore_mem>>) src(%dma_wait3A_16 : memref<640x128xf32, #tpu.memory_space<vmem_shared>>) dst(%dma_wait3A_14 : memref<640x128xf32, #tpu.memory_space<hbm>>)
      tpu.yield
    }) : () -> ()
    return
  }
}

#map = affine_map<(d0, d1) -> (0, 0, 0)>
#map1 = affine_map<(d0, d1) -> (0)>
#map2 = affine_map<(d0, d1) -> (0, 0)>
module attributes {stable_mosaic.version = 14 : i64} {
  func.func @_sc_aggr_k(%arg0: i32, %arg1: i32, %arg2: memref<2x10240x128xf32, #tpu.memory_space<hbm>>, %arg3: memref<2x18x128xf32, #tpu.memory_space<hbm>>, %arg4: memref<176640xi32, #tpu.memory_space<hbm>>, %arg5: memref<176640xi32, #tpu.memory_space<hbm>>, %arg6: memref<176640xi32, #tpu.memory_space<hbm>>, %arg7: memref<10240x128xf32, #tpu.memory_space<hbm>>, %arg8: memref<2x10240x128xf32, #tpu.memory_space<hbm>>, %arg9: memref<10240x128xf32, #tpu.memory_space<vmem_shared>>, %arg10: memref<184xi32, #tpu.memory_space<vmem>>, %arg11: memref<184xi32, #tpu.memory_space<vmem>>, %arg12: memref<184xi32, #tpu.memory_space<vmem>>, %arg13: memref<184xi32, #tpu.memory_space<vmem>>, %arg14: memref<184xi32, #tpu.memory_space<vmem>>, %arg15: memref<184xi32, #tpu.memory_space<vmem>>, %arg16: memref<184x128xf32, #tpu.memory_space<vmem>>, %arg17: memref<184x128xf32, #tpu.memory_space<vmem>>, %arg18: memref<!tpu.dma_semaphore, #tpu.memory_space<semaphore_mem>>, %arg19: memref<!tpu.dma_semaphore, #tpu.memory_space<semaphore_mem>>) attributes {dimension_semantics = [#tpu.dimension_semantics<core_parallel>, #tpu.dimension_semantics<subcore_parallel>], iteration_bounds = array<i64: 2, 16>, scalar_prefetch = 0 : i64, scratch_operands = 11 : i64, tpu.core_type = #tpu.core_type<sc_vector_subcore>, window_params = [{transform_indices = #map}, {transform_indices = #map}, {transform_indices = #map1}, {transform_indices = #map1}, {transform_indices = #map1}, {transform_indices = #map2}, {transform_indices = #map}]} {
    %mul3A = arith.constant 640 : i32
    %mul3A_0 = arith.muli %arg1, %mul3A : i32
    "tpu.region"() ({
      %run_scoped3A = tpu.sem_alloc : memref<!tpu.dma_semaphore, #tpu.memory_space<semaphore_mem>>
      %dma_start3A = arith.constant 0 : i32
      %dma_start3A_9 = tpu.memref_slice %arg9[%mul3A_0, %dma_start3A] : memref<10240x128xf32, #tpu.memory_space<vmem_shared>> -> memref<640x128xf32, #tpu.memory_space<vmem_shared>>
      %dma_start3A_10 = arith.constant 0 : i32
      %dma_start3A_11 = tpu.memref_slice %arg7[%mul3A_0, %dma_start3A_10] : memref<10240x128xf32, #tpu.memory_space<hbm>> -> memref<640x128xf32, #tpu.memory_space<hbm>>
      tpu.enqueue_dma source(%dma_start3A_11 : memref<640x128xf32, #tpu.memory_space<hbm>>) target(%dma_start3A_9 : memref<640x128xf32, #tpu.memory_space<vmem_shared>>) target_semaphore(%run_scoped3A : memref<!tpu.dma_semaphore, #tpu.memory_space<semaphore_mem>>)
      %dma_wait3A = arith.constant 0 : i32
      %dma_wait3A_12 = tpu.memref_slice %arg9[%mul3A_0, %dma_wait3A] : memref<10240x128xf32, #tpu.memory_space<vmem_shared>> -> memref<640x128xf32, #tpu.memory_space<vmem_shared>>
      %dma_wait3A_13 = arith.constant 0 : i32
      %dma_wait3A_14 = tpu.memref_slice %arg7[%mul3A_0, %dma_wait3A_13] : memref<10240x128xf32, #tpu.memory_space<hbm>> -> memref<640x128xf32, #tpu.memory_space<hbm>>
      tpu.wait_dma2 semaphore(%run_scoped3A : memref<!tpu.dma_semaphore, #tpu.memory_space<semaphore_mem>>) src(%dma_wait3A_14 : memref<640x128xf32, #tpu.memory_space<hbm>>) dst(%dma_wait3A_12 : memref<640x128xf32, #tpu.memory_space<vmem_shared>>)
      tpu.yield
    }) : () -> ()
    %barrier3A = arith.constant 0 : index
    tpu.barrier barrier_id(%barrier3A)
    %mul3A_1 = arith.constant 11040 : i32
    %mul3A_2 = arith.muli %arg1, %mul3A_1 : i32
    %scan3A = arith.constant 0 : i32
    %scan3A_3 = arith.constant 0 : i32
    %scan3A_4 = arith.constant 60 : i32
    %scan3A_5 = arith.addi %scan3A_3, %scan3A_4 : i32
    %scan3A_6 = arith.constant 1 : i32
    scf.for %scan3A_9 = %scan3A_3 to %scan3A_5 step %scan3A_6  : i32 {
      %mul3A_10 = arith.constant 184 : i32
      %mul3A_11 = arith.muli %scan3A_9, %mul3A_10 : i32
      %add3A = arith.addi %mul3A_2, %mul3A_11 : i32
      %multiple_of3A = tpu.assume_multiple %add3A, 8 : i32
      "tpu.region"() ({
        %run_scoped3A = tpu.sem_alloc : memref<!tpu.dma_semaphore, #tpu.memory_space<semaphore_mem>>
        %dma_start3A_38 = tpu.memref_slice %arg4[%multiple_of3A] : memref<176640xi32, #tpu.memory_space<hbm>> -> memref<184xi32, #tpu.memory_space<hbm>>
        %dma_start3A_39 = tpu.memref_slice %arg4[%multiple_of3A] : memref<176640xi32, #tpu.memory_space<hbm>> -> memref<184xi32, #tpu.memory_space<hbm>>
        tpu.enqueue_dma source(%dma_start3A_39 : memref<184xi32, #tpu.memory_space<hbm>>) target(%arg10 : memref<184xi32, #tpu.memory_space<vmem>>) target_semaphore(%run_scoped3A : memref<!tpu.dma_semaphore, #tpu.memory_space<semaphore_mem>>)
        %dma_wait3A_40 = tpu.memref_slice %arg4[%multiple_of3A] : memref<176640xi32, #tpu.memory_space<hbm>> -> memref<184xi32, #tpu.memory_space<hbm>>
        %dma_wait3A_41 = tpu.memref_slice %arg4[%multiple_of3A] : memref<176640xi32, #tpu.memory_space<hbm>> -> memref<184xi32, #tpu.memory_space<hbm>>
        tpu.wait_dma2 semaphore(%run_scoped3A : memref<!tpu.dma_semaphore, #tpu.memory_space<semaphore_mem>>) src(%dma_wait3A_41 : memref<184xi32, #tpu.memory_space<hbm>>) dst(%arg10 : memref<184xi32, #tpu.memory_space<vmem>>)
        tpu.yield
      }) : () -> ()
      "tpu.region"() ({
        %run_scoped3A = tpu.sem_alloc : memref<!tpu.dma_semaphore, #tpu.memory_space<semaphore_mem>>
        %dma_start3A_38 = tpu.memref_slice %arg5[%multiple_of3A] : memref<176640xi32, #tpu.memory_space<hbm>> -> memref<184xi32, #tpu.memory_space<hbm>>
        %dma_start3A_39 = tpu.memref_slice %arg5[%multiple_of3A] : memref<176640xi32, #tpu.memory_space<hbm>> -> memref<184xi32, #tpu.memory_space<hbm>>
        tpu.enqueue_dma source(%dma_start3A_39 : memref<184xi32, #tpu.memory_space<hbm>>) target(%arg11 : memref<184xi32, #tpu.memory_space<vmem>>) target_semaphore(%run_scoped3A : memref<!tpu.dma_semaphore, #tpu.memory_space<semaphore_mem>>)
        %dma_wait3A_40 = tpu.memref_slice %arg5[%multiple_of3A] : memref<176640xi32, #tpu.memory_space<hbm>> -> memref<184xi32, #tpu.memory_space<hbm>>
        %dma_wait3A_41 = tpu.memref_slice %arg5[%multiple_of3A] : memref<176640xi32, #tpu.memory_space<hbm>> -> memref<184xi32, #tpu.memory_space<hbm>>
        tpu.wait_dma2 semaphore(%run_scoped3A : memref<!tpu.dma_semaphore, #tpu.memory_space<semaphore_mem>>) src(%dma_wait3A_41 : memref<184xi32, #tpu.memory_space<hbm>>) dst(%arg11 : memref<184xi32, #tpu.memory_space<vmem>>)
        tpu.yield
      }) : () -> ()
      %dma_start3A = arith.constant 0 : i32
      %dma_start3A_12 = arith.constant 0 : i32
      %dma_start3A_13 = tpu.memref_slice %arg2[%arg0, %dma_start3A, %dma_start3A_12] : memref<2x10240x128xf32, #tpu.memory_space<hbm>> -> memref<1x10240x128xf32, #tpu.memory_space<hbm>>
      %dma_start3A_14 = tpu.memref_squeeze %dma_start3A_13 : memref<1x10240x128xf32, #tpu.memory_space<hbm>> -> memref<10240x128xf32, #tpu.memory_space<hbm>>
      %dma_start3A_15 = arith.constant 0 : i32
      %dma_start3A_16 = arith.constant 0 : i32
      %dma_start3A_17 = tpu.memref_slice %dma_start3A_14[%dma_start3A_15, %dma_start3A_16] : memref<10240x128xf32, #tpu.memory_space<hbm>> -> memref<10240x128xf32, #tpu.memory_space<hbm>>
      tpu.enqueue_indirect_dma source(%dma_start3A_17 : memref<10240x128xf32, #tpu.memory_space<hbm>>) target(%arg16 : memref<184x128xf32, #tpu.memory_space<vmem>>) offsets(%arg10 : memref<184xi32, #tpu.memory_space<vmem>>) semaphore(%arg18 : memref<!tpu.dma_semaphore, #tpu.memory_space<semaphore_mem>>)
      %dma_wait3A = arith.constant 0 : i32
      %dma_wait3A_18 = arith.constant 0 : i32
      %dma_wait3A_19 = tpu.memref_slice %arg2[%arg0, %dma_wait3A, %dma_wait3A_18] : memref<2x10240x128xf32, #tpu.memory_space<hbm>> -> memref<1x10240x128xf32, #tpu.memory_space<hbm>>
      %dma_wait3A_20 = tpu.memref_squeeze %dma_wait3A_19 : memref<1x10240x128xf32, #tpu.memory_space<hbm>> -> memref<10240x128xf32, #tpu.memory_space<hbm>>
      %dma_wait3A_21 = arith.constant 0 : i32
      %dma_wait3A_22 = arith.constant 0 : i32
      %dma_wait3A_23 = tpu.memref_slice %dma_wait3A_20[%dma_wait3A_21, %dma_wait3A_22] : memref<10240x128xf32, #tpu.memory_space<hbm>> -> memref<10240x128xf32, #tpu.memory_space<hbm>>
      tpu.wait_indirect_dma semaphore(%arg18 : memref<!tpu.dma_semaphore, #tpu.memory_space<semaphore_mem>>) src(%dma_wait3A_23 : memref<10240x128xf32, #tpu.memory_space<hbm>>) dst(%arg16 : memref<184x128xf32, #tpu.memory_space<vmem>>)
      %dma_start3A_24 = arith.constant 0 : i32
      %dma_start3A_25 = arith.constant 0 : i32
      %dma_start3A_26 = tpu.memref_slice %arg3[%arg0, %dma_start3A_24, %dma_start3A_25] : memref<2x18x128xf32, #tpu.memory_space<hbm>> -> memref<1x18x128xf32, #tpu.memory_space<hbm>>
      %dma_start3A_27 = tpu.memref_squeeze %dma_start3A_26 : memref<1x18x128xf32, #tpu.memory_space<hbm>> -> memref<18x128xf32, #tpu.memory_space<hbm>>
      %dma_start3A_28 = arith.constant 0 : i32
      %dma_start3A_29 = arith.constant 0 : i32
      %dma_start3A_30 = tpu.memref_slice %dma_start3A_27[%dma_start3A_28, %dma_start3A_29] : memref<18x128xf32, #tpu.memory_space<hbm>> -> memref<18x128xf32, #tpu.memory_space<hbm>>
      tpu.enqueue_indirect_dma source(%dma_start3A_30 : memref<18x128xf32, #tpu.memory_space<hbm>>) target(%arg16 : memref<184x128xf32, #tpu.memory_space<vmem>>) offsets(%arg11 : memref<184xi32, #tpu.memory_space<vmem>>) semaphore(%arg18 : memref<!tpu.dma_semaphore, #tpu.memory_space<semaphore_mem>>) {add = true}
      %dma_wait3A_31 = arith.constant 0 : i32
      %dma_wait3A_32 = arith.constant 0 : i32
      %dma_wait3A_33 = tpu.memref_slice %arg3[%arg0, %dma_wait3A_31, %dma_wait3A_32] : memref<2x18x128xf32, #tpu.memory_space<hbm>> -> memref<1x18x128xf32, #tpu.memory_space<hbm>>
      %dma_wait3A_34 = tpu.memref_squeeze %dma_wait3A_33 : memref<1x18x128xf32, #tpu.memory_space<hbm>> -> memref<18x128xf32, #tpu.memory_space<hbm>>
      %dma_wait3A_35 = arith.constant 0 : i32
      %dma_wait3A_36 = arith.constant 0 : i32
      %dma_wait3A_37 = tpu.memref_slice %dma_wait3A_34[%dma_wait3A_35, %dma_wait3A_36] : memref<18x128xf32, #tpu.memory_space<hbm>> -> memref<18x128xf32, #tpu.memory_space<hbm>>
      tpu.wait_indirect_dma semaphore(%arg18 : memref<!tpu.dma_semaphore, #tpu.memory_space<semaphore_mem>>) src(%dma_wait3A_37 : memref<18x128xf32, #tpu.memory_space<hbm>>) dst(%arg16 : memref<184x128xf32, #tpu.memory_space<vmem>>)
      "tpu.region"() ({
        %run_scoped3A = tpu.sem_alloc : memref<!tpu.dma_semaphore, #tpu.memory_space<semaphore_mem>>
        %dma_start3A_38 = tpu.memref_slice %arg6[%multiple_of3A] : memref<176640xi32, #tpu.memory_space<hbm>> -> memref<184xi32, #tpu.memory_space<hbm>>
        %dma_start3A_39 = tpu.memref_slice %arg6[%multiple_of3A] : memref<176640xi32, #tpu.memory_space<hbm>> -> memref<184xi32, #tpu.memory_space<hbm>>
        tpu.enqueue_dma source(%dma_start3A_39 : memref<184xi32, #tpu.memory_space<hbm>>) target(%arg14 : memref<184xi32, #tpu.memory_space<vmem>>) target_semaphore(%run_scoped3A : memref<!tpu.dma_semaphore, #tpu.memory_space<semaphore_mem>>)
        %dma_wait3A_40 = tpu.memref_slice %arg6[%multiple_of3A] : memref<176640xi32, #tpu.memory_space<hbm>> -> memref<184xi32, #tpu.memory_space<hbm>>
        %dma_wait3A_41 = tpu.memref_slice %arg6[%multiple_of3A] : memref<176640xi32, #tpu.memory_space<hbm>> -> memref<184xi32, #tpu.memory_space<hbm>>
        tpu.wait_dma2 semaphore(%run_scoped3A : memref<!tpu.dma_semaphore, #tpu.memory_space<semaphore_mem>>) src(%dma_wait3A_41 : memref<184xi32, #tpu.memory_space<hbm>>) dst(%arg14 : memref<184xi32, #tpu.memory_space<vmem>>)
        tpu.yield
      }) : () -> ()
      "tpu.region"() ({
        %run_scoped3A = tpu.sem_alloc : memref<!tpu.dma_semaphore, #tpu.memory_space<semaphore_mem>>
        %dma_start3A_38 = arith.constant 0 : i32
        %dma_start3A_39 = arith.constant 0 : i32
        %dma_start3A_40 = tpu.memref_slice %arg9[%dma_start3A_38, %dma_start3A_39] : memref<10240x128xf32, #tpu.memory_space<vmem_shared>> -> memref<10240x128xf32, #tpu.memory_space<vmem_shared>>
        tpu.enqueue_indirect_dma source(%arg16 : memref<184x128xf32, #tpu.memory_space<vmem>>) target(%dma_start3A_40 : memref<10240x128xf32, #tpu.memory_space<vmem_shared>>) offsets(%arg14 : memref<184xi32, #tpu.memory_space<vmem>>) semaphore(%run_scoped3A : memref<!tpu.dma_semaphore, #tpu.memory_space<semaphore_mem>>) {add = true}
        %dma_wait3A_41 = arith.constant 0 : i32
        %dma_wait3A_42 = arith.constant 0 : i32
        %dma_wait3A_43 = tpu.memref_slice %arg9[%dma_wait3A_41, %dma_wait3A_42] : memref<10240x128xf32, #tpu.memory_space<vmem_shared>> -> memref<10240x128xf32, #tpu.memory_space<vmem_shared>>
        tpu.wait_indirect_dma semaphore(%run_scoped3A : memref<!tpu.dma_semaphore, #tpu.memory_space<semaphore_mem>>) src(%arg16 : memref<184x128xf32, #tpu.memory_space<vmem>>) dst(%dma_wait3A_43 : memref<10240x128xf32, #tpu.memory_space<vmem_shared>>)
        tpu.yield
      }) : () -> ()
    }
    %scan3A_7 = arith.constant 60 : i32
    %barrier3A_8 = arith.constant 0 : index
    tpu.barrier barrier_id(%barrier3A_8)
    "tpu.region"() ({
      %run_scoped3A = tpu.sem_alloc : memref<!tpu.dma_semaphore, #tpu.memory_space<semaphore_mem>>
      %dma_start3A = arith.constant 0 : i32
      %dma_start3A_9 = tpu.memref_slice %arg8[%arg0, %mul3A_0, %dma_start3A] : memref<2x10240x128xf32, #tpu.memory_space<hbm>> -> memref<1x640x128xf32, #tpu.memory_space<hbm>>
      %dma_start3A_10 = tpu.memref_squeeze %dma_start3A_9 : memref<1x640x128xf32, #tpu.memory_space<hbm>> -> memref<640x128xf32, #tpu.memory_space<hbm>>
      %dma_start3A_11 = arith.constant 0 : i32
      %dma_start3A_12 = tpu.memref_slice %arg9[%mul3A_0, %dma_start3A_11] : memref<10240x128xf32, #tpu.memory_space<vmem_shared>> -> memref<640x128xf32, #tpu.memory_space<vmem_shared>>
      tpu.enqueue_dma source(%dma_start3A_12 : memref<640x128xf32, #tpu.memory_space<vmem_shared>>) target(%dma_start3A_10 : memref<640x128xf32, #tpu.memory_space<hbm>>) target_semaphore(%run_scoped3A : memref<!tpu.dma_semaphore, #tpu.memory_space<semaphore_mem>>)
      %dma_wait3A = arith.constant 0 : i32
      %dma_wait3A_13 = tpu.memref_slice %arg8[%arg0, %mul3A_0, %dma_wait3A] : memref<2x10240x128xf32, #tpu.memory_space<hbm>> -> memref<1x640x128xf32, #tpu.memory_space<hbm>>
      %dma_wait3A_14 = tpu.memref_squeeze %dma_wait3A_13 : memref<1x640x128xf32, #tpu.memory_space<hbm>> -> memref<640x128xf32, #tpu.memory_space<hbm>>
      %dma_wait3A_15 = arith.constant 0 : i32
      %dma_wait3A_16 = tpu.memref_slice %arg9[%mul3A_0, %dma_wait3A_15] : memref<10240x128xf32, #tpu.memory_space<vmem_shared>> -> memref<640x128xf32, #tpu.memory_space<vmem_shared>>
      tpu.wait_dma2 semaphore(%run_scoped3A : memref<!tpu.dma_semaphore, #tpu.memory_space<semaphore_mem>>) src(%dma_wait3A_16 : memref<640x128xf32, #tpu.memory_space<vmem_shared>>) dst(%dma_wait3A_14 : memref<640x128xf32, #tpu.memory_space<hbm>>)
      tpu.yield
    }) : () -> ()
    return
  }
}

#map = affine_map<(d0, d1) -> (0, 0, 0)>
#map1 = affine_map<(d0, d1) -> (0)>
#map2 = affine_map<(d0, d1) -> (0, 0)>
module attributes {stable_mosaic.version = 14 : i64} {
  func.func @_sc_aggr_k(%arg0: i32, %arg1: i32, %arg2: memref<2x10240x128xf32, #tpu.memory_space<hbm>>, %arg3: memref<2x18x128xf32, #tpu.memory_space<hbm>>, %arg4: memref<176640xi32, #tpu.memory_space<hbm>>, %arg5: memref<176640xi32, #tpu.memory_space<hbm>>, %arg6: memref<176640xi32, #tpu.memory_space<hbm>>, %arg7: memref<10240x128xf32, #tpu.memory_space<hbm>>, %arg8: memref<2x10240x128xf32, #tpu.memory_space<hbm>>, %arg9: memref<10240x128xf32, #tpu.memory_space<vmem_shared>>, %arg10: memref<184xi32, #tpu.memory_space<vmem>>, %arg11: memref<184xi32, #tpu.memory_space<vmem>>, %arg12: memref<184xi32, #tpu.memory_space<vmem>>, %arg13: memref<184xi32, #tpu.memory_space<vmem>>, %arg14: memref<184xi32, #tpu.memory_space<vmem>>, %arg15: memref<184xi32, #tpu.memory_space<vmem>>, %arg16: memref<184x128xf32, #tpu.memory_space<vmem>>, %arg17: memref<184x128xf32, #tpu.memory_space<vmem>>, %arg18: memref<!tpu.dma_semaphore, #tpu.memory_space<semaphore_mem>>, %arg19: memref<!tpu.dma_semaphore, #tpu.memory_space<semaphore_mem>>) attributes {dimension_semantics = [#tpu.dimension_semantics<core_parallel>, #tpu.dimension_semantics<subcore_parallel>], iteration_bounds = array<i64: 2, 16>, scalar_prefetch = 0 : i64, scratch_operands = 11 : i64, tpu.core_type = #tpu.core_type<sc_vector_subcore>, window_params = [{transform_indices = #map}, {transform_indices = #map}, {transform_indices = #map1}, {transform_indices = #map1}, {transform_indices = #map1}, {transform_indices = #map2}, {transform_indices = #map}]} {
    %mul3A = arith.constant 640 : i32
    %mul3A_0 = arith.muli %arg1, %mul3A : i32
    "tpu.region"() ({
      %run_scoped3A = tpu.sem_alloc : memref<!tpu.dma_semaphore, #tpu.memory_space<semaphore_mem>>
      %dma_start3A = arith.constant 0 : i32
      %dma_start3A_9 = tpu.memref_slice %arg9[%mul3A_0, %dma_start3A] : memref<10240x128xf32, #tpu.memory_space<vmem_shared>> -> memref<640x128xf32, #tpu.memory_space<vmem_shared>>
      %dma_start3A_10 = arith.constant 0 : i32
      %dma_start3A_11 = tpu.memref_slice %arg7[%mul3A_0, %dma_start3A_10] : memref<10240x128xf32, #tpu.memory_space<hbm>> -> memref<640x128xf32, #tpu.memory_space<hbm>>
      tpu.enqueue_dma source(%dma_start3A_11 : memref<640x128xf32, #tpu.memory_space<hbm>>) target(%dma_start3A_9 : memref<640x128xf32, #tpu.memory_space<vmem_shared>>) target_semaphore(%run_scoped3A : memref<!tpu.dma_semaphore, #tpu.memory_space<semaphore_mem>>)
      %dma_wait3A = arith.constant 0 : i32
      %dma_wait3A_12 = tpu.memref_slice %arg9[%mul3A_0, %dma_wait3A] : memref<10240x128xf32, #tpu.memory_space<vmem_shared>> -> memref<640x128xf32, #tpu.memory_space<vmem_shared>>
      %dma_wait3A_13 = arith.constant 0 : i32
      %dma_wait3A_14 = tpu.memref_slice %arg7[%mul3A_0, %dma_wait3A_13] : memref<10240x128xf32, #tpu.memory_space<hbm>> -> memref<640x128xf32, #tpu.memory_space<hbm>>
      tpu.wait_dma2 semaphore(%run_scoped3A : memref<!tpu.dma_semaphore, #tpu.memory_space<semaphore_mem>>) src(%dma_wait3A_14 : memref<640x128xf32, #tpu.memory_space<hbm>>) dst(%dma_wait3A_12 : memref<640x128xf32, #tpu.memory_space<vmem_shared>>)
      tpu.yield
    }) : () -> ()
    %barrier3A = arith.constant 0 : index
    tpu.barrier barrier_id(%barrier3A)
    %mul3A_1 = arith.constant 11040 : i32
    %mul3A_2 = arith.muli %arg1, %mul3A_1 : i32
    %scan3A = arith.constant 0 : i32
    %scan3A_3 = arith.constant 0 : i32
    %scan3A_4 = arith.constant 60 : i32
    %scan3A_5 = arith.addi %scan3A_3, %scan3A_4 : i32
    %scan3A_6 = arith.constant 1 : i32
    scf.for %scan3A_9 = %scan3A_3 to %scan3A_5 step %scan3A_6  : i32 {
      %mul3A_10 = arith.constant 184 : i32
      %mul3A_11 = arith.muli %scan3A_9, %mul3A_10 : i32
      %add3A = arith.addi %mul3A_2, %mul3A_11 : i32
      %multiple_of3A = tpu.assume_multiple %add3A, 8 : i32
      "tpu.region"() ({
        %run_scoped3A = tpu.sem_alloc : memref<!tpu.dma_semaphore, #tpu.memory_space<semaphore_mem>>
        %dma_start3A_38 = tpu.memref_slice %arg4[%multiple_of3A] : memref<176640xi32, #tpu.memory_space<hbm>> -> memref<184xi32, #tpu.memory_space<hbm>>
        %dma_start3A_39 = tpu.memref_slice %arg4[%multiple_of3A] : memref<176640xi32, #tpu.memory_space<hbm>> -> memref<184xi32, #tpu.memory_space<hbm>>
        tpu.enqueue_dma source(%dma_start3A_39 : memref<184xi32, #tpu.memory_space<hbm>>) target(%arg10 : memref<184xi32, #tpu.memory_space<vmem>>) target_semaphore(%run_scoped3A : memref<!tpu.dma_semaphore, #tpu.memory_space<semaphore_mem>>)
        %dma_wait3A_40 = tpu.memref_slice %arg4[%multiple_of3A] : memref<176640xi32, #tpu.memory_space<hbm>> -> memref<184xi32, #tpu.memory_space<hbm>>
        %dma_wait3A_41 = tpu.memref_slice %arg4[%multiple_of3A] : memref<176640xi32, #tpu.memory_space<hbm>> -> memref<184xi32, #tpu.memory_space<hbm>>
        tpu.wait_dma2 semaphore(%run_scoped3A : memref<!tpu.dma_semaphore, #tpu.memory_space<semaphore_mem>>) src(%dma_wait3A_41 : memref<184xi32, #tpu.memory_space<hbm>>) dst(%arg10 : memref<184xi32, #tpu.memory_space<vmem>>)
        tpu.yield
      }) : () -> ()
      "tpu.region"() ({
        %run_scoped3A = tpu.sem_alloc : memref<!tpu.dma_semaphore, #tpu.memory_space<semaphore_mem>>
        %dma_start3A_38 = tpu.memref_slice %arg5[%multiple_of3A] : memref<176640xi32, #tpu.memory_space<hbm>> -> memref<184xi32, #tpu.memory_space<hbm>>
        %dma_start3A_39 = tpu.memref_slice %arg5[%multiple_of3A] : memref<176640xi32, #tpu.memory_space<hbm>> -> memref<184xi32, #tpu.memory_space<hbm>>
        tpu.enqueue_dma source(%dma_start3A_39 : memref<184xi32, #tpu.memory_space<hbm>>) target(%arg11 : memref<184xi32, #tpu.memory_space<vmem>>) target_semaphore(%run_scoped3A : memref<!tpu.dma_semaphore, #tpu.memory_space<semaphore_mem>>)
        %dma_wait3A_40 = tpu.memref_slice %arg5[%multiple_of3A] : memref<176640xi32, #tpu.memory_space<hbm>> -> memref<184xi32, #tpu.memory_space<hbm>>
        %dma_wait3A_41 = tpu.memref_slice %arg5[%multiple_of3A] : memref<176640xi32, #tpu.memory_space<hbm>> -> memref<184xi32, #tpu.memory_space<hbm>>
        tpu.wait_dma2 semaphore(%run_scoped3A : memref<!tpu.dma_semaphore, #tpu.memory_space<semaphore_mem>>) src(%dma_wait3A_41 : memref<184xi32, #tpu.memory_space<hbm>>) dst(%arg11 : memref<184xi32, #tpu.memory_space<vmem>>)
        tpu.yield
      }) : () -> ()
      %dma_start3A = arith.constant 0 : i32
      %dma_start3A_12 = arith.constant 0 : i32
      %dma_start3A_13 = tpu.memref_slice %arg2[%arg0, %dma_start3A, %dma_start3A_12] : memref<2x10240x128xf32, #tpu.memory_space<hbm>> -> memref<1x10240x128xf32, #tpu.memory_space<hbm>>
      %dma_start3A_14 = tpu.memref_squeeze %dma_start3A_13 : memref<1x10240x128xf32, #tpu.memory_space<hbm>> -> memref<10240x128xf32, #tpu.memory_space<hbm>>
      %dma_start3A_15 = arith.constant 0 : i32
      %dma_start3A_16 = arith.constant 0 : i32
      %dma_start3A_17 = tpu.memref_slice %dma_start3A_14[%dma_start3A_15, %dma_start3A_16] : memref<10240x128xf32, #tpu.memory_space<hbm>> -> memref<10240x128xf32, #tpu.memory_space<hbm>>
      tpu.enqueue_indirect_dma source(%dma_start3A_17 : memref<10240x128xf32, #tpu.memory_space<hbm>>) target(%arg16 : memref<184x128xf32, #tpu.memory_space<vmem>>) offsets(%arg10 : memref<184xi32, #tpu.memory_space<vmem>>) semaphore(%arg18 : memref<!tpu.dma_semaphore, #tpu.memory_space<semaphore_mem>>)
      %dma_wait3A = arith.constant 0 : i32
      %dma_wait3A_18 = arith.constant 0 : i32
      %dma_wait3A_19 = tpu.memref_slice %arg2[%arg0, %dma_wait3A, %dma_wait3A_18] : memref<2x10240x128xf32, #tpu.memory_space<hbm>> -> memref<1x10240x128xf32, #tpu.memory_space<hbm>>
      %dma_wait3A_20 = tpu.memref_squeeze %dma_wait3A_19 : memref<1x10240x128xf32, #tpu.memory_space<hbm>> -> memref<10240x128xf32, #tpu.memory_space<hbm>>
      %dma_wait3A_21 = arith.constant 0 : i32
      %dma_wait3A_22 = arith.constant 0 : i32
      %dma_wait3A_23 = tpu.memref_slice %dma_wait3A_20[%dma_wait3A_21, %dma_wait3A_22] : memref<10240x128xf32, #tpu.memory_space<hbm>> -> memref<10240x128xf32, #tpu.memory_space<hbm>>
      tpu.wait_indirect_dma semaphore(%arg18 : memref<!tpu.dma_semaphore, #tpu.memory_space<semaphore_mem>>) src(%dma_wait3A_23 : memref<10240x128xf32, #tpu.memory_space<hbm>>) dst(%arg16 : memref<184x128xf32, #tpu.memory_space<vmem>>)
      %dma_start3A_24 = arith.constant 0 : i32
      %dma_start3A_25 = arith.constant 0 : i32
      %dma_start3A_26 = tpu.memref_slice %arg3[%arg0, %dma_start3A_24, %dma_start3A_25] : memref<2x18x128xf32, #tpu.memory_space<hbm>> -> memref<1x18x128xf32, #tpu.memory_space<hbm>>
      %dma_start3A_27 = tpu.memref_squeeze %dma_start3A_26 : memref<1x18x128xf32, #tpu.memory_space<hbm>> -> memref<18x128xf32, #tpu.memory_space<hbm>>
      %dma_start3A_28 = arith.constant 0 : i32
      %dma_start3A_29 = arith.constant 0 : i32
      %dma_start3A_30 = tpu.memref_slice %dma_start3A_27[%dma_start3A_28, %dma_start3A_29] : memref<18x128xf32, #tpu.memory_space<hbm>> -> memref<18x128xf32, #tpu.memory_space<hbm>>
      tpu.enqueue_indirect_dma source(%dma_start3A_30 : memref<18x128xf32, #tpu.memory_space<hbm>>) target(%arg16 : memref<184x128xf32, #tpu.memory_space<vmem>>) offsets(%arg11 : memref<184xi32, #tpu.memory_space<vmem>>) semaphore(%arg18 : memref<!tpu.dma_semaphore, #tpu.memory_space<semaphore_mem>>) {add = true}
      %dma_wait3A_31 = arith.constant 0 : i32
      %dma_wait3A_32 = arith.constant 0 : i32
      %dma_wait3A_33 = tpu.memref_slice %arg3[%arg0, %dma_wait3A_31, %dma_wait3A_32] : memref<2x18x128xf32, #tpu.memory_space<hbm>> -> memref<1x18x128xf32, #tpu.memory_space<hbm>>
      %dma_wait3A_34 = tpu.memref_squeeze %dma_wait3A_33 : memref<1x18x128xf32, #tpu.memory_space<hbm>> -> memref<18x128xf32, #tpu.memory_space<hbm>>
      %dma_wait3A_35 = arith.constant 0 : i32
      %dma_wait3A_36 = arith.constant 0 : i32
      %dma_wait3A_37 = tpu.memref_slice %dma_wait3A_34[%dma_wait3A_35, %dma_wait3A_36] : memref<18x128xf32, #tpu.memory_space<hbm>> -> memref<18x128xf32, #tpu.memory_space<hbm>>
      tpu.wait_indirect_dma semaphore(%arg18 : memref<!tpu.dma_semaphore, #tpu.memory_space<semaphore_mem>>) src(%dma_wait3A_37 : memref<18x128xf32, #tpu.memory_space<hbm>>) dst(%arg16 : memref<184x128xf32, #tpu.memory_space<vmem>>)
      "tpu.region"() ({
        %run_scoped3A = tpu.sem_alloc : memref<!tpu.dma_semaphore, #tpu.memory_space<semaphore_mem>>
        %dma_start3A_38 = tpu.memref_slice %arg6[%multiple_of3A] : memref<176640xi32, #tpu.memory_space<hbm>> -> memref<184xi32, #tpu.memory_space<hbm>>
        %dma_start3A_39 = tpu.memref_slice %arg6[%multiple_of3A] : memref<176640xi32, #tpu.memory_space<hbm>> -> memref<184xi32, #tpu.memory_space<hbm>>
        tpu.enqueue_dma source(%dma_start3A_39 : memref<184xi32, #tpu.memory_space<hbm>>) target(%arg14 : memref<184xi32, #tpu.memory_space<vmem>>) target_semaphore(%run_scoped3A : memref<!tpu.dma_semaphore, #tpu.memory_space<semaphore_mem>>)
        %dma_wait3A_40 = tpu.memref_slice %arg6[%multiple_of3A] : memref<176640xi32, #tpu.memory_space<hbm>> -> memref<184xi32, #tpu.memory_space<hbm>>
        %dma_wait3A_41 = tpu.memref_slice %arg6[%multiple_of3A] : memref<176640xi32, #tpu.memory_space<hbm>> -> memref<184xi32, #tpu.memory_space<hbm>>
        tpu.wait_dma2 semaphore(%run_scoped3A : memref<!tpu.dma_semaphore, #tpu.memory_space<semaphore_mem>>) src(%dma_wait3A_41 : memref<184xi32, #tpu.memory_space<hbm>>) dst(%arg14 : memref<184xi32, #tpu.memory_space<vmem>>)
        tpu.yield
      }) : () -> ()
      "tpu.region"() ({
        %run_scoped3A = tpu.sem_alloc : memref<!tpu.dma_semaphore, #tpu.memory_space<semaphore_mem>>
        %dma_start3A_38 = arith.constant 0 : i32
        %dma_start3A_39 = arith.constant 0 : i32
        %dma_start3A_40 = tpu.memref_slice %arg9[%dma_start3A_38, %dma_start3A_39] : memref<10240x128xf32, #tpu.memory_space<vmem_shared>> -> memref<10240x128xf32, #tpu.memory_space<vmem_shared>>
        tpu.enqueue_indirect_dma source(%arg16 : memref<184x128xf32, #tpu.memory_space<vmem>>) target(%dma_start3A_40 : memref<10240x128xf32, #tpu.memory_space<vmem_shared>>) offsets(%arg14 : memref<184xi32, #tpu.memory_space<vmem>>) semaphore(%run_scoped3A : memref<!tpu.dma_semaphore, #tpu.memory_space<semaphore_mem>>) {add = true}
        %dma_wait3A_41 = arith.constant 0 : i32
        %dma_wait3A_42 = arith.constant 0 : i32
        %dma_wait3A_43 = tpu.memref_slice %arg9[%dma_wait3A_41, %dma_wait3A_42] : memref<10240x128xf32, #tpu.memory_space<vmem_shared>> -> memref<10240x128xf32, #tpu.memory_space<vmem_shared>>
        tpu.wait_indirect_dma semaphore(%run_scoped3A : memref<!tpu.dma_semaphore, #tpu.memory_space<semaphore_mem>>) src(%arg16 : memref<184x128xf32, #tpu.memory_space<vmem>>) dst(%dma_wait3A_43 : memref<10240x128xf32, #tpu.memory_space<vmem_shared>>)
        tpu.yield
      }) : () -> ()
    }
    %scan3A_7 = arith.constant 60 : i32
    %barrier3A_8 = arith.constant 0 : index
    tpu.barrier barrier_id(%barrier3A_8)
    "tpu.region"() ({
      %run_scoped3A = tpu.sem_alloc : memref<!tpu.dma_semaphore, #tpu.memory_space<semaphore_mem>>
      %dma_start3A = arith.constant 0 : i32
      %dma_start3A_9 = tpu.memref_slice %arg8[%arg0, %mul3A_0, %dma_start3A] : memref<2x10240x128xf32, #tpu.memory_space<hbm>> -> memref<1x640x128xf32, #tpu.memory_space<hbm>>
      %dma_start3A_10 = tpu.memref_squeeze %dma_start3A_9 : memref<1x640x128xf32, #tpu.memory_space<hbm>> -> memref<640x128xf32, #tpu.memory_space<hbm>>
      %dma_start3A_11 = arith.constant 0 : i32
      %dma_start3A_12 = tpu.memref_slice %arg9[%mul3A_0, %dma_start3A_11] : memref<10240x128xf32, #tpu.memory_space<vmem_shared>> -> memref<640x128xf32, #tpu.memory_space<vmem_shared>>
      tpu.enqueue_dma source(%dma_start3A_12 : memref<640x128xf32, #tpu.memory_space<vmem_shared>>) target(%dma_start3A_10 : memref<640x128xf32, #tpu.memory_space<hbm>>) target_semaphore(%run_scoped3A : memref<!tpu.dma_semaphore, #tpu.memory_space<semaphore_mem>>)
      %dma_wait3A = arith.constant 0 : i32
      %dma_wait3A_13 = tpu.memref_slice %arg8[%arg0, %mul3A_0, %dma_wait3A] : memref<2x10240x128xf32, #tpu.memory_space<hbm>> -> memref<1x640x128xf32, #tpu.memory_space<hbm>>
      %dma_wait3A_14 = tpu.memref_squeeze %dma_wait3A_13 : memref<1x640x128xf32, #tpu.memory_space<hbm>> -> memref<640x128xf32, #tpu.memory_space<hbm>>
      %dma_wait3A_15 = arith.constant 0 : i32
      %dma_wait3A_16 = tpu.memref_slice %arg9[%mul3A_0, %dma_wait3A_15] : memref<10240x128xf32, #tpu.memory_space<vmem_shared>> -> memref<640x128xf32, #tpu.memory_space<vmem_shared>>
      tpu.wait_dma2 semaphore(%run_scoped3A : memref<!tpu.dma_semaphore, #tpu.memory_space<semaphore_mem>>) src(%dma_wait3A_16 : memref<640x128xf32, #tpu.memory_space<vmem_shared>>) dst(%dma_wait3A_14 : memref<640x128xf32, #tpu.memory_space<hbm>>)
      tpu.yield
    }) : () -> ()
    return
  }
}

module attributes {stable_mosaic.version = 14 : i64} {
  func.func @_mlp_body(%arg0: i32, %arg1: memref<2x1000x128xf32, #tpu.memory_space<vmem>>, %arg2: memref<2x1000x128xf32, #tpu.memory_space<vmem>>, %arg3: memref<1x256xf32, #tpu.memory_space<vmem>>, %arg4: memref<256x512xf32, #tpu.memory_space<vmem>>, %arg5: memref<1x512xf32, #tpu.memory_space<vmem>>, %arg6: memref<512x256xf32, #tpu.memory_space<vmem>>, %arg7: memref<1x256xf32, #tpu.memory_space<vmem>>, %arg8: memref<1000x256xf32, #tpu.memory_space<vmem>>) attributes {dimension_semantics = [#tpu.dimension_semantics<arbitrary>], iteration_bounds = array<i64: 10>, scalar_prefetch = 0 : i64, scratch_operands = 0 : i64, tpu.core_type = #tpu.core_type<tc>, window_params = [{transform_indices = @transform_0, window_bounds = array<i64: 2, 1000, 128>}, {transform_indices = @transform_1, window_bounds = array<i64: 2, 1000, 128>}, {pipeline_mode = #tpu.pipeline_mode<synchronous>, transform_indices = @transform_2, window_bounds = array<i64: 1, 256>}, {pipeline_mode = #tpu.pipeline_mode<synchronous>, transform_indices = @transform_3, window_bounds = array<i64: 256, 512>}, {pipeline_mode = #tpu.pipeline_mode<synchronous>, transform_indices = @transform_4, window_bounds = array<i64: 1, 512>}, {pipeline_mode = #tpu.pipeline_mode<synchronous>, transform_indices = @transform_5, window_bounds = array<i64: 512, 256>}, {pipeline_mode = #tpu.pipeline_mode<synchronous>, transform_indices = @transform_6, window_bounds = array<i64: 1, 256>}, {transform_indices = @transform_7, window_bounds = array<i64: 1000, 256>}]} {
    %get3A = arith.constant 0 : index
    %get3A_0 = arith.constant 0 : index
    %get3A_1 = arith.constant 0 : index
    %get3A_2 = vector.load %arg2[%get3A, %get3A_0, %get3A_1] : memref<2x1000x128xf32, #tpu.memory_space<vmem>>, vector<1x1000x128xf32>
    %get3A_3 = vector.shape_cast %get3A_2 : vector<1x1000x128xf32> to vector<1000x128xf32>
    %get3A_4 = arith.constant 0 : index
    %get3A_5 = arith.constant 0 : index
    %get3A_6 = vector.load %arg3[%get3A_4, %get3A_5] : memref<1x256xf32, #tpu.memory_space<vmem>>, vector<1x128xf32>
    %add3A = vector.broadcast %get3A_6 : vector<1x128xf32> to vector<1000x128xf32>
    %add3A_7 = arith.addf %get3A_3, %add3A : vector<1000x128xf32>
    %get3A_8 = arith.constant 1 : index
    %get3A_9 = arith.constant 0 : index
    %get3A_10 = arith.constant 0 : index
    %get3A_11 = vector.load %arg2[%get3A_8, %get3A_9, %get3A_10] : memref<2x1000x128xf32, #tpu.memory_space<vmem>>, vector<1x1000x128xf32>
    %get3A_12 = vector.shape_cast %get3A_11 : vector<1x1000x128xf32> to vector<1000x128xf32>
    %get3A_13 = arith.constant 0 : index
    %get3A_14 = arith.constant 128 : index
    %get3A_15 = vector.load %arg3[%get3A_13, %get3A_14] : memref<1x256xf32, #tpu.memory_space<vmem>>, vector<1x128xf32>
    %add3A_16 = vector.broadcast %get3A_15 : vector<1x128xf32> to vector<1000x128xf32>
    %add3A_17 = arith.addf %get3A_12, %add3A_16 : vector<1000x128xf32>
    %get3A_18 = arith.constant 0 : index
    %get3A_19 = arith.constant 0 : index
    %get3A_20 = arith.constant 0 : index
    %get3A_21 = vector.load %arg1[%get3A_18, %get3A_19, %get3A_20] : memref<2x1000x128xf32, #tpu.memory_space<vmem>>, vector<1x1000x128xf32>
    %get3A_22 = vector.shape_cast %get3A_21 : vector<1x1000x128xf32> to vector<1000x128xf32>
    %add3A_23 = arith.addf %get3A_22, %add3A_7 : vector<1000x128xf32>
    %get3A_24 = arith.constant 1 : index
    %get3A_25 = arith.constant 0 : index
    %get3A_26 = arith.constant 0 : index
    %get3A_27 = vector.load %arg1[%get3A_24, %get3A_25, %get3A_26] : memref<2x1000x128xf32, #tpu.memory_space<vmem>>, vector<1x1000x128xf32>
    %get3A_28 = vector.shape_cast %get3A_27 : vector<1x1000x128xf32> to vector<1000x128xf32>
    %add3A_29 = arith.addf %get3A_28, %add3A_17 : vector<1000x128xf32>
    %concatenate3A = tpu.concatenate %add3A_23, %add3A_29 in 1 : vector<1000x128xf32>, vector<1000x128xf32> -> vector<1000x256xf32>
    %get3A_30 = arith.constant 0 : index
    %get3A_31 = arith.constant 0 : index
    %get3A_32 = vector.load %arg4[%get3A_30, %get3A_31] : memref<256x512xf32, #tpu.memory_space<vmem>>, vector<256x512xf32>
    %dot_general3A = arith.constant dense<0.000000e+00> : vector<1000x512xf32>
    %dot_general3A_33 = tpu.matmul %concatenate3A, %get3A_32, %dot_general3A {dimension_numbers = #tpu.dot_dimension_numbers<[1], [0], [0], [1], [0, 0, 1, 1], [], []>, transpose_lhs_hint = false} : vector<1000x256xf32>, vector<256x512xf32>, vector<1000x512xf32> -> vector<1000x512xf32>
    %get3A_34 = arith.constant 0 : index
    %get3A_35 = arith.constant 0 : index
    %get3A_36 = vector.load %arg5[%get3A_34, %get3A_35] : memref<1x512xf32, #tpu.memory_space<vmem>>, vector<1x512xf32>
    %add3A_37 = vector.broadcast %get3A_36 : vector<1x512xf32> to vector<1000x512xf32>
    %add3A_38 = arith.addf %dot_general3A_33, %add3A_37 : vector<1000x512xf32>
    %max3A = arith.constant 0.000000e+00 : f32
    %max3A_39 = vector.broadcast %max3A : f32 to vector<1000x512xf32>
    %max3A_40 = arith.maximumf %add3A_38, %max3A_39 : vector<1000x512xf32>
    %get3A_41 = arith.constant 0 : index
    %get3A_42 = arith.constant 0 : index
    %get3A_43 = vector.load %arg6[%get3A_41, %get3A_42] : memref<512x256xf32, #tpu.memory_space<vmem>>, vector<512x256xf32>
    %dot_general3A_44 = arith.constant dense<0.000000e+00> : vector<1000x256xf32>
    %dot_general3A_45 = tpu.matmul %max3A_40, %get3A_43, %dot_general3A_44 {dimension_numbers = #tpu.dot_dimension_numbers<[1], [0], [0], [1], [0, 0, 1, 1], [], []>, transpose_lhs_hint = false} : vector<1000x512xf32>, vector<512x256xf32>, vector<1000x256xf32> -> vector<1000x256xf32>
    %get3A_46 = arith.constant 0 : index
    %get3A_47 = arith.constant 0 : index
    %get3A_48 = vector.load %arg7[%get3A_46, %get3A_47] : memref<1x256xf32, #tpu.memory_space<vmem>>, vector<1x256xf32>
    %add3A_49 = vector.broadcast %get3A_48 : vector<1x256xf32> to vector<1000x256xf32>
    %add3A_50 = arith.addf %dot_general3A_45, %add3A_49 : vector<1000x256xf32>
    %swap3A = arith.constant 0 : index
    %swap3A_51 = arith.constant 0 : index
    %swap3A_52 = vector.load %arg8[%swap3A, %swap3A_51] : memref<1000x256xf32, #tpu.memory_space<vmem>>, vector<1000x256xf32>
    tpu.vector_store %arg8[%swap3A, %swap3A_51], %add3A_50 {strides = array<i32>} : memref<1000x256xf32, #tpu.memory_space<vmem>>, vector<1000x256xf32>,
    return
  }
  func.func @transform_0(%arg0: i32) -> (i32, i32, i32) {
    %c0_i32 = arith.constant 0 : i32
    %c0_i32_0 = arith.constant 0 : i32
    %c0_i32_1 = arith.constant 0 : i32
    return %c0_i32, %arg0, %c0_i32_0 : i32, i32, i32
  }
  func.func @transform_1(%arg0: i32) -> (i32, i32, i32) {
    %c0_i32 = arith.constant 0 : i32
    %c0_i32_0 = arith.constant 0 : i32
    %c0_i32_1 = arith.constant 0 : i32
    return %c0_i32, %arg0, %c0_i32_0 : i32, i32, i32
  }
  func.func @transform_2(%arg0: i32) -> (i32, i32) {
    %c0_i32 = arith.constant 0 : i32
    %c0_i32_0 = arith.constant 0 : i32
    %c0_i32_1 = arith.constant 0 : i32
    return %c0_i32, %c0_i32_0 : i32, i32
  }
  func.func @transform_3(%arg0: i32) -> (i32, i32) {
    %c0_i32 = arith.constant 0 : i32
    %c0_i32_0 = arith.constant 0 : i32
    %c0_i32_1 = arith.constant 0 : i32
    return %c0_i32, %c0_i32_0 : i32, i32
  }
  func.func @transform_4(%arg0: i32) -> (i32, i32) {
    %c0_i32 = arith.constant 0 : i32
    %c0_i32_0 = arith.constant 0 : i32
    %c0_i32_1 = arith.constant 0 : i32
    return %c0_i32, %c0_i32_0 : i32, i32
  }
  func.func @transform_5(%arg0: i32) -> (i32, i32) {
    %c0_i32 = arith.constant 0 : i32
    %c0_i32_0 = arith.constant 0 : i32
    %c0_i32_1 = arith.constant 0 : i32
    return %c0_i32, %c0_i32_0 : i32, i32
  }
  func.func @transform_6(%arg0: i32) -> (i32, i32) {
    %c0_i32 = arith.constant 0 : i32
    %c0_i32_0 = arith.constant 0 : i32
    %c0_i32_1 = arith.constant 0 : i32
    return %c0_i32, %c0_i32_0 : i32, i32
  }
  func.func @transform_7(%arg0: i32) -> (i32, i32) {
    %c0_i32 = arith.constant 0 : i32
    %c0_i32_0 = arith.constant 0 : i32
    return %arg0, %c0_i32 : i32, i32
  }
}

module attributes {stable_mosaic.version = 14 : i64} {
  func.func @_bn_body_split(%arg0: i32, %arg1: memref<1000x256xf32, #tpu.memory_space<vmem>>, %arg2: memref<1x256xf32, #tpu.memory_space<vmem>>, %arg3: memref<1x256xf32, #tpu.memory_space<vmem>>, %arg4: memref<1x256xf32, #tpu.memory_space<vmem>>, %arg5: memref<1x256xf32, #tpu.memory_space<vmem>>, %arg6: memref<2x1000x128xf32, #tpu.memory_space<vmem>>) attributes {dimension_semantics = [#tpu.dimension_semantics<arbitrary>], iteration_bounds = array<i64: 10>, scalar_prefetch = 0 : i64, scratch_operands = 0 : i64, tpu.core_type = #tpu.core_type<tc>, window_params = [{transform_indices = @transform_0, window_bounds = array<i64: 1000, 256>}, {pipeline_mode = #tpu.pipeline_mode<synchronous>, transform_indices = @transform_1, window_bounds = array<i64: 1, 256>}, {pipeline_mode = #tpu.pipeline_mode<synchronous>, transform_indices = @transform_2, window_bounds = array<i64: 1, 256>}, {pipeline_mode = #tpu.pipeline_mode<synchronous>, transform_indices = @transform_3, window_bounds = array<i64: 1, 256>}, {pipeline_mode = #tpu.pipeline_mode<synchronous>, transform_indices = @transform_4, window_bounds = array<i64: 1, 256>}, {transform_indices = @transform_5, window_bounds = array<i64: 2, 1000, 128>}]} {
    %get3A = arith.constant 0 : index
    %get3A_0 = arith.constant 0 : index
    %get3A_1 = vector.load %arg1[%get3A, %get3A_0] : memref<1000x256xf32, #tpu.memory_space<vmem>>, vector<1000x256xf32>
    %get3A_2 = arith.constant 0 : index
    %get3A_3 = arith.constant 0 : index
    %get3A_4 = vector.load %arg2[%get3A_2, %get3A_3] : memref<1x256xf32, #tpu.memory_space<vmem>>, vector<1x256xf32>
    %sub3A = vector.broadcast %get3A_4 : vector<1x256xf32> to vector<1000x256xf32>
    %sub3A_5 = arith.subf %get3A_1, %sub3A : vector<1000x256xf32>
    %get3A_6 = arith.constant 0 : index
    %get3A_7 = arith.constant 0 : index
    %get3A_8 = vector.load %arg3[%get3A_6, %get3A_7] : memref<1x256xf32, #tpu.memory_space<vmem>>, vector<1x256xf32>
    %add3A = arith.constant 9.99999974E-6 : f32
    %add3A_9 = vector.broadcast %add3A : f32 to vector<1x256xf32>
    %add3A_10 = arith.addf %get3A_8, %add3A_9 : vector<1x256xf32>
    %sqrt3A = math.sqrt %add3A_10 : vector<1x256xf32>
    %div3A = vector.broadcast %sqrt3A : vector<1x256xf32> to vector<1000x256xf32>
    %div3A_11 = arith.divf %sub3A_5, %div3A : vector<1000x256xf32>
    %get3A_12 = arith.constant 0 : index
    %get3A_13 = arith.constant 0 : index
    %get3A_14 = vector.load %arg4[%get3A_12, %get3A_13] : memref<1x256xf32, #tpu.memory_space<vmem>>, vector<1x256xf32>
    %mul3A = vector.broadcast %get3A_14 : vector<1x256xf32> to vector<1000x256xf32>
    %mul3A_15 = arith.mulf %div3A_11, %mul3A : vector<1000x256xf32>
    %get3A_16 = arith.constant 0 : index
    %get3A_17 = arith.constant 0 : index
    %get3A_18 = vector.load %arg5[%get3A_16, %get3A_17] : memref<1x256xf32, #tpu.memory_space<vmem>>, vector<1x256xf32>
    %add3A_19 = vector.broadcast %get3A_18 : vector<1x256xf32> to vector<1000x256xf32>
    %add3A_20 = arith.addf %mul3A_15, %add3A_19 : vector<1000x256xf32>
    %max3A = arith.constant 0.000000e+00 : f32
    %max3A_21 = vector.broadcast %max3A : f32 to vector<1000x256xf32>
    %max3A_22 = arith.maximumf %add3A_20, %max3A_21 : vector<1000x256xf32>
    %slice3A = vector.extract_strided_slice %max3A_22 {offsets = [0, 0], sizes = [1000, 128], strides = [1, 1]} : vector<1000x256xf32> to vector<1000x128xf32>
    %swap3A = arith.constant 0 : index
    %swap3A_23 = arith.constant 0 : index
    %swap3A_24 = arith.constant 0 : index
    %swap3A_25 = vector.load %arg6[%swap3A, %swap3A_23, %swap3A_24] : memref<2x1000x128xf32, #tpu.memory_space<vmem>>, vector<1x1000x128xf32>
    %swap3A_26 = vector.shape_cast %swap3A_25 : vector<1x1000x128xf32> to vector<1000x128xf32>
    %swap3A_27 = vector.shape_cast %slice3A : vector<1000x128xf32> to vector<1x1000x128xf32>
    tpu.vector_store %arg6[%swap3A, %swap3A_23, %swap3A_24], %swap3A_27 {strides = array<i32>} : memref<2x1000x128xf32, #tpu.memory_space<vmem>>, vector<1x1000x128xf32>,
    %slice3A_28 = vector.extract_strided_slice %max3A_22 {offsets = [0, 128], sizes = [1000, 128], strides = [1, 1]} : vector<1000x256xf32> to vector<1000x128xf32>
    %swap3A_29 = arith.constant 1 : index
    %swap3A_30 = arith.constant 0 : index
    %swap3A_31 = arith.constant 0 : index
    %swap3A_32 = vector.load %arg6[%swap3A_29, %swap3A_30, %swap3A_31] : memref<2x1000x128xf32, #tpu.memory_space<vmem>>, vector<1x1000x128xf32>
    %swap3A_33 = vector.shape_cast %swap3A_32 : vector<1x1000x128xf32> to vector<1000x128xf32>
    %swap3A_34 = vector.shape_cast %slice3A_28 : vector<1000x128xf32> to vector<1x1000x128xf32>
    tpu.vector_store %arg6[%swap3A_29, %swap3A_30, %swap3A_31], %swap3A_34 {strides = array<i32>} : memref<2x1000x128xf32, #tpu.memory_space<vmem>>, vector<1x1000x128xf32>,
    return
  }
  func.func @transform_0(%arg0: i32) -> (i32, i32) {
    %c0_i32 = arith.constant 0 : i32
    %c0_i32_0 = arith.constant 0 : i32
    return %arg0, %c0_i32 : i32, i32
  }
  func.func @transform_1(%arg0: i32) -> (i32, i32) {
    %c0_i32 = arith.constant 0 : i32
    %c0_i32_0 = arith.constant 0 : i32
    %c0_i32_1 = arith.constant 0 : i32
    return %c0_i32, %c0_i32_0 : i32, i32
  }
  func.func @transform_2(%arg0: i32) -> (i32, i32) {
    %c0_i32 = arith.constant 0 : i32
    %c0_i32_0 = arith.constant 0 : i32
    %c0_i32_1 = arith.constant 0 : i32
    return %c0_i32, %c0_i32_0 : i32, i32
  }
  func.func @transform_3(%arg0: i32) -> (i32, i32) {
    %c0_i32 = arith.constant 0 : i32
    %c0_i32_0 = arith.constant 0 : i32
    %c0_i32_1 = arith.constant 0 : i32
    return %c0_i32, %c0_i32_0 : i32, i32
  }
  func.func @transform_4(%arg0: i32) -> (i32, i32) {
    %c0_i32 = arith.constant 0 : i32
    %c0_i32_0 = arith.constant 0 : i32
    %c0_i32_1 = arith.constant 0 : i32
    return %c0_i32, %c0_i32_0 : i32, i32
  }
  func.func @transform_5(%arg0: i32) -> (i32, i32, i32) {
    %c0_i32 = arith.constant 0 : i32
    %c0_i32_0 = arith.constant 0 : i32
    %c0_i32_1 = arith.constant 0 : i32
    return %c0_i32, %arg0, %c0_i32_0 : i32, i32, i32
  }
}

module attributes {stable_mosaic.version = 14 : i64} {
  func.func @_bn_body_final(%arg0: i32, %arg1: memref<1000x256xf32, #tpu.memory_space<vmem>>, %arg2: memref<1x256xf32, #tpu.memory_space<vmem>>, %arg3: memref<1x256xf32, #tpu.memory_space<vmem>>, %arg4: memref<1x256xf32, #tpu.memory_space<vmem>>, %arg5: memref<1x256xf32, #tpu.memory_space<vmem>>, %arg6: memref<1000x256xf32, #tpu.memory_space<vmem>>) attributes {dimension_semantics = [#tpu.dimension_semantics<arbitrary>], iteration_bounds = array<i64: 10>, scalar_prefetch = 0 : i64, scratch_operands = 0 : i64, tpu.core_type = #tpu.core_type<tc>, window_params = [{transform_indices = @transform_0, window_bounds = array<i64: 1000, 256>}, {pipeline_mode = #tpu.pipeline_mode<synchronous>, transform_indices = @transform_1, window_bounds = array<i64: 1, 256>}, {pipeline_mode = #tpu.pipeline_mode<synchronous>, transform_indices = @transform_2, window_bounds = array<i64: 1, 256>}, {pipeline_mode = #tpu.pipeline_mode<synchronous>, transform_indices = @transform_3, window_bounds = array<i64: 1, 256>}, {pipeline_mode = #tpu.pipeline_mode<synchronous>, transform_indices = @transform_4, window_bounds = array<i64: 1, 256>}, {transform_indices = @transform_5, window_bounds = array<i64: 1000, 256>}]} {
    %get3A = arith.constant 0 : index
    %get3A_0 = arith.constant 0 : index
    %get3A_1 = vector.load %arg1[%get3A, %get3A_0] : memref<1000x256xf32, #tpu.memory_space<vmem>>, vector<1000x256xf32>
    %get3A_2 = arith.constant 0 : index
    %get3A_3 = arith.constant 0 : index
    %get3A_4 = vector.load %arg2[%get3A_2, %get3A_3] : memref<1x256xf32, #tpu.memory_space<vmem>>, vector<1x256xf32>
    %sub3A = vector.broadcast %get3A_4 : vector<1x256xf32> to vector<1000x256xf32>
    %sub3A_5 = arith.subf %get3A_1, %sub3A : vector<1000x256xf32>
    %get3A_6 = arith.constant 0 : index
    %get3A_7 = arith.constant 0 : index
    %get3A_8 = vector.load %arg3[%get3A_6, %get3A_7] : memref<1x256xf32, #tpu.memory_space<vmem>>, vector<1x256xf32>
    %add3A = arith.constant 9.99999974E-6 : f32
    %add3A_9 = vector.broadcast %add3A : f32 to vector<1x256xf32>
    %add3A_10 = arith.addf %get3A_8, %add3A_9 : vector<1x256xf32>
    %sqrt3A = math.sqrt %add3A_10 : vector<1x256xf32>
    %div3A = vector.broadcast %sqrt3A : vector<1x256xf32> to vector<1000x256xf32>
    %div3A_11 = arith.divf %sub3A_5, %div3A : vector<1000x256xf32>
    %get3A_12 = arith.constant 0 : index
    %get3A_13 = arith.constant 0 : index
    %get3A_14 = vector.load %arg4[%get3A_12, %get3A_13] : memref<1x256xf32, #tpu.memory_space<vmem>>, vector<1x256xf32>
    %mul3A = vector.broadcast %get3A_14 : vector<1x256xf32> to vector<1000x256xf32>
    %mul3A_15 = arith.mulf %div3A_11, %mul3A : vector<1000x256xf32>
    %get3A_16 = arith.constant 0 : index
    %get3A_17 = arith.constant 0 : index
    %get3A_18 = vector.load %arg5[%get3A_16, %get3A_17] : memref<1x256xf32, #tpu.memory_space<vmem>>, vector<1x256xf32>
    %add3A_19 = vector.broadcast %get3A_18 : vector<1x256xf32> to vector<1000x256xf32>
    %add3A_20 = arith.addf %mul3A_15, %add3A_19 : vector<1000x256xf32>
    %swap3A = arith.constant 0 : index
    %swap3A_21 = arith.constant 0 : index
    %swap3A_22 = vector.load %arg6[%swap3A, %swap3A_21] : memref<1000x256xf32, #tpu.memory_space<vmem>>, vector<1000x256xf32>
    tpu.vector_store %arg6[%swap3A, %swap3A_21], %add3A_20 {strides = array<i32>} : memref<1000x256xf32, #tpu.memory_space<vmem>>, vector<1000x256xf32>,
    return
  }
  func.func @transform_0(%arg0: i32) -> (i32, i32) {
    %c0_i32 = arith.constant 0 : i32
    %c0_i32_0 = arith.constant 0 : i32
    return %arg0, %c0_i32 : i32, i32
  }
  func.func @transform_1(%arg0: i32) -> (i32, i32) {
    %c0_i32 = arith.constant 0 : i32
    %c0_i32_0 = arith.constant 0 : i32
    %c0_i32_1 = arith.constant 0 : i32
    return %c0_i32, %c0_i32_0 : i32, i32
  }
  func.func @transform_2(%arg0: i32) -> (i32, i32) {
    %c0_i32 = arith.constant 0 : i32
    %c0_i32_0 = arith.constant 0 : i32
    %c0_i32_1 = arith.constant 0 : i32
    return %c0_i32, %c0_i32_0 : i32, i32
  }
  func.func @transform_3(%arg0: i32) -> (i32, i32) {
    %c0_i32 = arith.constant 0 : i32
    %c0_i32_0 = arith.constant 0 : i32
    %c0_i32_1 = arith.constant 0 : i32
    return %c0_i32, %c0_i32_0 : i32, i32
  }
  func.func @transform_4(%arg0: i32) -> (i32, i32) {
    %c0_i32 = arith.constant 0 : i32
    %c0_i32_0 = arith.constant 0 : i32
    %c0_i32_1 = arith.constant 0 : i32
    return %c0_i32, %c0_i32_0 : i32, i32
  }
  func.func @transform_5(%arg0: i32) -> (i32, i32) {
    %c0_i32 = arith.constant 0 : i32
    %c0_i32_0 = arith.constant 0 : i32
    return %arg0, %c0_i32 : i32, i32
  }
}

</mosaic_0001>

<sc_bundles>
// kernel: gather_offload_async_start.1
scs
__scs_entry_jumppad:
0x0: {  	(pc) =	sbr.rel $0x88, $3  }
0x1: {  	(tag) =	ssettag $0x0;
	lr =	simm.s32 $0x1  }
0x2: {  	[smem:$0x3F92] =	sst lr;
	_ =	strace $0xD0000000  }
0x3: {  	_ = 	snop  }
0x4: {  	_ = 	snop  }
0x5: {  	_ = 	snop  }
0x6: {  	_ = 	snop  }
0x7: {  	_ = 	snop  }
__scs_overlays_trampoline_lowered:
0x8: {  	[smem:$0x3FA1] =	sst s0  }
0x9: {  	[smem:$0x3FA2] =	sst s1  }
0xa: {  	[smem:$0x3FA3] =	sst s2  }
0xb: {  	[smem:$0x3FA4] =	sst s3  }
0xc: {  	[smem:$0x3FA5] =	sst s4  }
0xd: {  	[smem:$0x3FA6] =	sst s5  }
0xe: {  	[smem:$0x3FA7] =	sst s6  }
0xf: {  	[smem:$0x3FA8] =	sst s7  }
0x10: {  	[smem:$0x3FA9] =	sst s8  }
0x11: {  	[smem:$0x3FAA] =	sst s9;
	s0 =	simm.s32 @!p0 $0x0  }
0x12: {  	s1 =	sld [smem:$0x3F90];
	s0 =	simm.s32 @p0 $0x1  }
0x13: {  	[smem:$0x3FAB] =	sst s0;
	s0 =	simm.s32 @!p1 $0x0  }
0x14: {  	s2 =	sld [smem:$0x3F8F];
	s0 =	simm.s32 @p1 $0x1  }
0x15: {  	[smem:$0x3FAC] =	sst s0;
	s0 =	simm.s32 @!p2 $0x0  }
0x16: {  	s3 =	sld [smem:$0x3FDB];
	s0 =	simm.s32 @p2 $0x1  }
0x17: {  	s4 =	simm.s32 $0x1BF5;
	[smem:$0x3FAE] =	sst s0  }
0x18: {  	s0 =	sld [smem:$0x3F91];
	_ =	swait.ge [sflag:s4], $0x0  }
0x19: {  	s7 =	sld [smem:$0x3F92]  }
0x1a: {  	s8 =	sadd.s32 $0xFFFFE003, lr  }
0x1b: {  	s9 =	sadd.s32 $0xFFFFFEF7, lr;
	s5 =	simm.s32 $0xFFFFFFFF;
	p2 =	slt.u32 s8, $0xFFFFF086  }
0x1c: {  	p1 =	slt.u32 s9, $0xF7A;
	s5 =	simm.s32 @!p2 $0x0  }
0x1d: {  	s5 =	simm.s32 @p1 $0x1;
	p0 =	seq.s32 s7, s2  }
0x1e: {  	s7 =	smul.u32 @!p0 $0xF7A, s2;
	p2 =	seq.s32 @!p0 s5, $0x0  }
0x1f: {  	s9 =	smul.u32 $0xF7A, s1;
	s8 =	simm.s32 @!p0 $0x1BF5;
	p2 =	por !p2, p0  }
0x20: {  	[sflag:s8] =	ssyncset.s32 @!p0 $0xFFFFF086;
	s6 =	sadd.s32 @!p0 s3, s7;
	s7 =	simm.s32 @!p0 $0x108  }
0x21: {  	s3 =	sadd.s32 s3, s9;
	s6 =	sadd.s32 @!p0 $0x88, s6;
	s7 =	simm.s32 @p2 $0x1082  }
0x22: {  	[simem:s7], [sflag:s8] =	dma.local @!p0 [hbm:s6], $0xF7A  }
0x23: {  	s9 =	sor.u32 $0xD0000000, s2;
	s6 =	simm.s32 $0x108;
	_ =	swait.ge @!p0 [sflag:s8], $0x0  }
0x24: {  	s3 =	sadd.s32 $0x88, s3;
	s6 =	simm.s32 @!p1 $0x1082;
	[sflag:s4] =	ssyncset.s32 $0xFFFFF086  }
0x25: {  	[simem:s6], [sflag:s4] =	dma.local [hbm:s3], $0xF7A  }
0x26: {  	[smem:$0x3F92] =	sst s1;
	(tag) =	ssettag s2;
	_ =	strace s9  }
0x27: {  	s1 =	sld [smem:$0x3FA2]  }
0x28: {  	s2 =	sld [smem:$0x3FA3]  }
0x29: {  	s4 =	sld [smem:$0x3FA5]  }
0x2a: {  	p0 =	seq.s32 s5, $0x0;
	s5 =	sld [smem:$0x3FA6]  }
0x2b: {  	s6 =	sld [smem:$0x3FA7]  }
0x2c: {  	s7 =	sld [smem:$0x3FA8]  }
0x2d: {  	s3 =	simm.s32 $0x108;
	s8 =	sld [smem:$0x3FA9]  }
0x2e: {  	s3 =	simm.s32 @!p0 $0x1082;
	s9 =	sld [smem:$0x3FAA]  }
0x2f: {  	lr =	sadd.s32 s0, s3;
	s0 =	sld [smem:$0x3FA1]  }
0x30: {  	s3 =	sld [smem:$0x3FA4]  }
0x31: {  	[smem:$0x3FAD] =	sst s10  }
0x32: {  	s10 =	sld [smem:$0x3FAB];
	_ =	sdelay $0x3  }
0x33: {  	p0 =	seq.s32 s10, $0x1;
	s10 =	sld [smem:$0x3FAD];
	_ =	sdelay $0x3  }
0x34: {  	[smem:$0x3FAD] =	sst s10  }
0x35: {  	s10 =	sld [smem:$0x3FAC];
	_ =	sdelay $0x3  }
0x36: {  	p1 =	seq.s32 s10, $0x1;
	s10 =	sld [smem:$0x3FAD];
	_ =	sdelay $0x3  }
0x37: {  	[smem:$0x3FAD] =	sst s10  }
0x38: {  	s10 =	sld [smem:$0x3FAE]  }
0x39: {  	_ = 	snop;
	(pc) =	sbr.ind lr, $3  }
0x3a: {  	_ = 	snop  }
0x3b: {  	_ = 	snop  }
0x3c: {  	p2 =	seq.s32 s10, $0x1;
	s10 =	sld [smem:$0x3FAD]  }
0x3d: {  	_ =	shalt  }
0x3e: {  	_ =	shalt  }
0x3f: {  	_ =	shalt  }
0x40: {  	_ =	shalt  }
0x41: {  	_ =	shalt  }
0x42: {  	_ =	shalt  }
0x43: {  	_ =	shalt  }
0x44: {  	_ =	shalt  }
0x45: {  	_ =	shalt  }
0x46: {  	_ =	shalt  }
0x47: {  	_ =	shalt  }
0x48: {  	_ =	shalt  }
0x49: {  	_ =	shalt  }
0x4a: {  	_ =	shalt  }
0x4b: {  	_ =	shalt  }
0x4c: {  	_ =	shalt  }
0x4d: {  	_ =	shalt  }
0x4e: {  	_ =	shalt  }
0x4f: {  	_ =	shalt  }
0x50: {  	_ =	shalt  }
0x51: {  	_ =	shalt  }
0x52: {  	_ =	shalt  }
0x53: {  	_ =	shalt  }
0x54: {  	_ =	shalt  }
0x55: {  	_ =	shalt  }
0x56: {  	_ =	shalt  }
0x57: {  	_ =	shalt  }
0x58: {  	_ =	shalt  }
0x59: {  	_ =	shalt  }
0x5a: {  	_ =	shalt  }
0x5b: {  	_ =	shalt  }
0x5c: {  	_ =	shalt  }
0x5d: {  	_ =	shalt  }
0x5e: {  	_ =	shalt  }
0x5f: {  	_ =	shalt  }
0x60: {  	_ =	shalt  }
0x61: {  	_ =	shalt  }
0x62: {  	_ =	shalt  }
0x63: {  	_ =	shalt  }
0x64: {  	_ =	shalt  }
0x65: {  	_ =	shalt  }
0x66: {  	_ =	shalt  }
0x67: {  	_ =	shalt  }
0x68: {  	_ =	shalt  }
0x69: {  	_ =	shalt  }
0x6a: {  	_ =	shalt  }
0x6b: {  	_ =	shalt  }
0x6c: {  	_ =	shalt  }
0x6d: {  	_ =	shalt  }
0x6e: {  	_ =	shalt  }
0x6f: {  	_ =	shalt  }
0x70: {  	_ =	shalt  }
0x71: {  	_ =	shalt  }
0x72: {  	_ =	shalt  }
0x73: {  	_ =	shalt  }
0x74: {  	_ =	shalt  }
0x75: {  	_ =	shalt  }
0x76: {  	_ =	shalt  }
0x77: {  	_ =	shalt  }
0x78: {  	_ =	shalt  }
0x79: {  	_ =	shalt  }
0x7a: {  	_ =	shalt  }
0x7b: {  	_ =	shalt  }
0x7c: {  	_ =	shalt  }
0x7d: {  	_ =	shalt  }
0x7e: {  	_ =	shalt  }
0x7f: {  	_ =	shalt  }
0x80: {  	_ =	shalt  }
0x81: {  	_ =	shalt  }
0x82: {  	_ =	shalt  }
0x83: {  	_ =	shalt  }
0x84: {  	_ =	shalt  }
0x85: {  	_ =	shalt  }
0x86: {  	_ =	shalt  }
0x87: {  	_ =	shalt  }
.Lfunc_end0:
.L_simem_size_0:
called_computation.1_lowered:
.L_overlay_start_0:
0x88: {  	s2 =	sld [smem:$0x3FD9]  }
0x89: {  	s3 =	sld [smem:$0x3FFE];
	_ =	sdelay $0x1  }
0x8a: {  	s1 =	srdreg.scid  }
0x8b: {  	s0 =	sand.u32 $0x1, s1  }
0x8c: {  	s17 =	sshll.u32 s0, $0xA;
	s2 =	sadd.s32 s3, s2  }
0x8d: {  	s2 =	sadd.s32 s2, s17  }
0x8e: {  	[smem:$0x3FB9] =	sst s2  }
0x8f: {  	_ = 	snop  }
0x90: {  	s2 =	sld [smem:$0x3FD0];
	(tm) =	ssettm $0x1  }
0x91: {  	s18 =	sld [smem:$0x3FFB];
	_ =	sdelay $0x3  }
0x92: {  	_ =	strace s18  }
0x93: {  	s3 =	sld [smem:$0x3FFC];
	_ =	sdelay $0x3  }
0x94: {  	_ =	strace s3  }
0x95: {  	s3 =	sld [smem:$0x3FFD];
	_ =	sdelay $0x3  }
0x96: {  	_ =	strace s3  }
0x97: {  	_ =	strace $0x8FFFFFFF  }
0x98: {  	s19 =	sld [smem:$0x3FDB];
	_ =	sdelay $0x1  }
0x99: {  	s4 =	simm.s32 $_scs_section_size  }
0x9a: {  	s5 =	simm.s32 $_size__tile_overlayer_lowered;
	s6 =	simm.s32 $_tile_overlayer_lowered  }
0x9b: {  	s22 =	simm.s32 $0x1BFF;
	s21 =	sshll.u32 s6, $0x1;
	s3 =	sadd.s32 s4, s19  }
0x9c: {  	s7 =	simm.s32 $0x0;
	s20 =	sshll.u32 s5, $0x1;
	s5 =	sadd.s32 s21, s3  }
0x9d: {  	[timem:s7], [sflag:s22] =	dma.local [hbm:s5], s20  }
0x9e: {  	_ =	swait.ge [sflag:s22], s20  }
0x9f: {  	s4 =	ssub.s32 $0x0, s20;
	[sflag:s22] =	ssyncset.done $0x0  }
0xa0: {  	[sflag:s22] =	ssyncadd.s32 s4;
	_ =	sdelay $0x1  }
0xa1: {  	s23 =	simm.s32 $0x1B8B  }
0xa2: {  	_ =	swait.ge [sflag:s23], $0x1  }
0xa3: {  	[sflag:s23] =	ssyncset.done $0x0  }
0xa4: {  	s25 =	simm.s32 $0x1B8E;
	s24 =	sld [smem:$0x3FFE];
	[sflag:s23] =	ssyncadd.s32 $0xFFFFFFFF  }
0xa5: {  	s26 =	simm.s32 $execute0_lowered;
	[smem:$0x3FD2] =	sst s25  }
0xa6: {  	s5 =	sshll.u32 s26, $0x1;
	_ =	strace $0x80000046;
	[dreg:$0x1] =	wrdreg $0xFFFFFFFF  }
0xa7: {  	s28 =	simm.s32 $_size_execute0_lowered;
	s3 =	sadd.s32 s3, s5;
	[dreg:$0x0] =	wrdreg $0x0  }
0xa8: {  	s5 =	sshll.u32 s28, $0x1;
	[dreg:$0x2] =	wrdreg s3  }
0xa9: {  	[dreg:$0x3] =	wrdreg s5  }
0xaa: {  	[dreg:$0x4] =	wrdreg $0xC0  }
0xab: {  	_ =	task [dreg:s7], $0x5FFFF  }
0xac: {  	[dreg:$0x1] =	wrdreg $0xFFFFFFFF  }
0xad: {  	[dreg:$0x0] =	wrdreg $0x60  }
0xae: {  	[dreg:$0x2] =	wrdreg s2  }
0xaf: {  	[dreg:$0x3] =	wrdreg s24  }
0xb0: {  	[dreg:$0x4] =	wrdreg $0x9  }
0xb1: {  	_ =	task.clear_ibuf [dreg:s7], $0x5FFFF;
	_ =	strace $0x90000046  }
0xb2: {  	s29 =	simm.s32 $0x9;
	_ =	strace $0x80000048  }
0xb3: {  	_ =	swait.ge [sflag:s29], $0x1  }
0xb4: {  	[sflag:s29] =	ssyncadd.s32 $0xFFFFFFFF  }
0xb5: {  	_ =	strace $0x90000048  }
0xb6: {  	_ =	sfence  }
0xb7: {  	s30 =	sld [smem:$0x0];
	_ =	sdelay $0x2  }
0xb8: {  	s31 =	sshll.u32 s1, $0xD;
	s1 =	sshrl.u32 s1, $0x2  }
0xb9: {  	s3 =	sand.u32 $0x4000, s31;
	s1 =	sadd.s32 s1, s30  }
0xba: {  	s0 =	sor.u32 s3, s0;
	s1 =	sshll.u32 s1, $0x11  }
0xbb: {  	s0 =	sor.u32 s1, s0  }
0xbc: {  	s0 =	sadd.s32 $0x8F2B, s0  }
0xbd: {  	[sflag:s0] =	ssyncadd.remote.s32 $0x1  }
0xbe: {  	_ =	sfence.sel $0xFFFF  }
0xbf: {  	[dreg:$0x0] =	wrdreg $0xFFFFFFFF;
	(pc) =	sbr.abs _section_cstart, $3  }
0xc0: {  	[dreg:$0x1] =	wrdreg $0xFFFFFFFF  }
0xc1: {  	_ =	task.clear_ibuf [dreg:s7], $0x2FFFF;
	_ =	strace $0x9FFFFFFF  }
0xc2: {  	(tm) =	ssettm $0x7FFFFFFF  }
0xc3: {  	_ =	shalt  }
tec
execute0_lowered:
.L_overlay_start_1:
0x0: {  	(tag) =	ssettag $0x1  }
0x1: {  	s2 =	rddreg [dreg:$0x0]  }
0x2: {  	s8 =	rddreg [dreg:$0x1]  }
0x3: {  	s0 =	rddreg [dreg:$0x2];
	s1 =	stileid.u32  }
0x4: {  	s3 =	srdreg.scid;
	_ =	strace $0x80000047;
	s4 =	simm.s32 $0x1  }
0x5: {  	s7 =	simm.s32 $0x1;
	s9 =	simm.s32 $0x1;
	s10 =	simm.s32 $0x3  }
0x6: {  	s13 =	simm.s32 $0x0;
	s5 =	sand.u32 $0x1, s3;
	s6 =	sshll.u32 s1, $0x1  }
0x7: {  	s12 =	simm.s32 $0x0;
	s3 =	sadd.s32 $0xAE00, s8;
	s5 =	sor.u32 s6, s5  }
.Ltmp0:
0x8: {  	[sflag:s4] =	ssyncpa.u1 $0x0;
	p0 =	slt.u32 s5, $0x9;
	(pc) =	sbr.rel .LBB2_1-.Ltmp0, $4  }
0x9: {  	s6 =	simm.s32 $0x2;
	s7 =	simm.s32 @!p0 $0x0;
	p0 =	sne.s32 s5, $0x8  }
0xa: {  	[sflag:s6] =	ssyncpa.u1 $0x0;
	s5 =	smul.u32 $0xFA0, s5;
	s9 =	simm.s32 @!p0 $0x0  }
0xb: {  	s8 =	sadd.s32 $0x17000, s8;
	[sflag:s10] =	ssyncpa.u1 $0x0;
	s7 =	sadd.s32 s9, s7  }
0xc: {  	vm0 =	vmmov $0xffff;
	s10 =	simm.s32 $0x0;
	s11 =	smov.u32 s5;
	s9 =	sadd.s32 $0x1, s7  }
.LBB2_4:
0xd: {  	v2 =	vnsel vm1, $0x0, v2  }
0xe: {  	vm1 =	vgt.s32 v0, $0x0;
	v2 =	vmin.u32 v2, $0x270FF  }
0xf: {  	v0 =	vnsel vm1, $0x0, v0  }
0x10: {  	v0 =	vmin.u32 v0, $0x270FF  }
0x11: {  	[tilespmem:s18], [sflag:$0x1] =	stream.indirect_vreg.gather [hbm4b:s2+s10], $0x1, v1, vm0, $0x4038;
	[tilespmem:$0x3E80] =	vst v63  }
0x12: {  	(ifvalue) =	ssetifvalue $0x7FFFFFFF  }
0x13: {  	[tilespmem:s15], [sflag:$0x1] =	stream.indirect_vreg.gather [hbm4b:s2+s10], $0x1, v2, vm0, $0x4038;
	[tilespmem:$0x3E80] =	vst v63  }
0x14: {  	s29 =	sadd.s32 $0x10, s15;
	(ifvalue) =	ssetifvalue $0x7FFFFFFF  }
0x15: {  	[tilespmem:s29], [sflag:$0x1] =	stream.indirect_vreg.gather [hbm4b:s2+s10], $0x1, v0, vm0, $0x4038;
	[tilespmem:$0x3E80] =	vst v63  }
0x16: {  	_ =	swait.ge [sflag:s4], $0xFA0  }
0x17: {  	s30 =	sshrl.u32 s13, $0x3;
	[sflag:s4] =	ssyncset.done $0x0  }
0x18: {  	s31 =	sand.u32 $0x7, s13;
	s15 =	sadd.s32 s8, s30;
	[sflag:s4] =	ssyncadd.s32 $0xFFFFF060  }
0x19: {  	[hbm4b:s15+s31] =	stream.linear.scatter [tilespmem:s14], [sflag:$0x3], $0xFA0, $0x38;
	[tilespmem:$0x3E80] =	vst v63  }
.LBB2_5:
0x1a: {  	s15 =	sadd.s32 $0x1F400, s11  }
0x1b: {  	p1 =	sgt.s32 s15, $0x270FF  }
0x1c: {  	s15 =	smov.u32 @p1 s5;
	p1 =	sne.s32 s12, s9  }
.Ltmp1:
0x1d: {  	p0 =	slt.u32 s12, $0x2;
	(pc) =	sbr.rel @!p1 .LBB2_6-.Ltmp1, $4  }
0x1e: {  	s14 =	simm.s32 @!p0 $0x3  }
0x1f: {  	_ =	swait.ge @!p0 [sflag:s14], $0xFA0  }
0x20: {  	s16 =	sadd.s32 $0x1, s12;
	s13 =	smov.u32 s11;
	[sflag:s14] =	ssyncset.done @!p0 $0x0  }
0x21: {  	s12 =	smov.u32 s16;
	s11 =	smov.u32 s15;
	[sflag:s14] =	ssyncadd.s32 @!p0 $0xFFFFF060  }
.LBB2_1:
0x22: {  	p0 =	sge.u32 s12, s7  }
0x23: {  	s14 =	sxor.u32 @!p0 $0x1, s12  }
0x24: {  	s14 =	smul.u32 @!p0 $0x3E80, s14  }
0x25: {  	s31 =	sadd.s32 $0xFFFFFFFF, s12;
	s15 =	sshrl.u32 @!p0 s11, $0x3  }
0x26: {  	s16 =	sand.u32 @!p0 $0x7, s11;
	s15 =	sadd.s32 @!p0 s3, s15;
	s14 =	sshra.s32 @!p0 s14, $0x2  }
0x27: {  	[tilespmem:s14], [sflag:$0x2] =	stream.linear.gather @!p0 [hbm4b:s15+s16], $0xFA0, $0x38;
	[tilespmem:$0x3E80] =	vst v63  }
0x28: {  	p0 =	sge.u32 s31, s7  }
.Ltmp2:
0x29: {  	_ = 	snop;
	(pc) =	sbr.rel @p0 .LBB2_5-.Ltmp2, $1  }
0x2a: {  	_ =	sdelay $0x3  }
0x2b: {  	s14 =	sand.u32 $0x1, s12  }
0x2c: {  	_ =	swait.ge [sflag:s6], $0xFA0;
	p0 =	seq.s32 s14, $0x1;
	s14 =	simm.s32 $0xFA0  }
0x2d: {  	[sflag:s6] =	ssyncset.done $0x0;
	s14 =	simm.s32 @!p0 $0x0  }
0x2e: {  	[sflag:s6] =	ssyncadd.s32 $0xFFFFF060;
	(ifvalue) =	ssetifvalue $0x7FFFFFFF;
	v0 =	vld.msk [tilespmem:s14+$0x0 ss:$0x1], $0xffff;
	_ =	sdelay $0x4  }
0x2f: {  	s15 =	sadd.s32 $0x10, s14;
	vm1 =	vgt.s32 v0, $0x0  }
0x30: {  	v2 =	vld.msk [tilespmem:s15+$0x0 ss:$0x1], $0xffff;
	v1 =	vnsel vm1, $0x0, v0  }
0x31: {  	v1 =	vmin.u32 v1, $0x270FF;
	_ =	sdelay $0x2  }
0x32: {  	s17 =	simm.s32 $0x20;
	s14 =	sadd.s32 $0x1F40, s14;
	s16 =	sadd.s32 $0x10, s15  }
0x33: {  	s15 =	sadd.s32 $0x10, s14;
	s18 =	smov.u32 s14;
	v0 =	vld.msk [tilespmem:s16+$0x0 ss:$0x1], $0xffff;
	vm1 =	vgt.s32 v2, $0x0;
	(ifvalue) =	ssetifvalue $0x7FFFFFFF  }
.LBB2_3:
0x34: {  	[tilespmem:s18], [sflag:$0x1] =	stream.indirect_vreg.gather [hbm4b:s2+s10], $0x1, v1, vm0, $0x4038;
	[tilespmem:$0x3E80] =	vst v63  }
0x35: {  	s17 =	sadd.s32 $0x10, s17  }
0x36: {  	v2 =	vnsel vm1, $0x0, v2;
	p0 =	slt.u32 s17, $0xF90  }
.Ltmp3:
0x37: {  	s18 =	smov.u32 s15;
	v1 =	vmin.u32 v2, $0x270FF;
	(pc) =	sbr.rel @p0 .LBB2_3-.Ltmp3, $3  }
0x38: {  	_ =	sdelay $0x1  }
0x39: {  	s16 =	sadd.s32 $0x10, s16  }
0x3a: {  	vm1 =	vgt.s32 v0, $0x0;
	s15 =	sadd.s32 $0x10, s15;
	v2 =	vmov v0;
	(ifvalue) =	ssetifvalue $0x7FFFFFFF;
	v0 =	vld.msk [tilespmem:s16+$0x0 ss:$0x1], $0xffff  }
.Ltmp4:
0x3b: {  	_ = 	snop;
	(pc) =	sbr.rel .LBB2_4-.Ltmp4, $1  }
0x3c: {  	_ =	sdelay $0x3  }
.LBB2_6:
0x3d: {  	_ =	sfence.sel $0x180000  }
0x3e: {  	s2 =	simm.s32 $0x2;
	[bflag:$0x0] =	sbarrier.arrive $0xFFFF  }
0x3f: {  	s30 =	simm.s32 $0x3;
	[sflag:s2] =	ssyncpa.u1 $0x1  }
0x40: {  	s31 =	simm.s32 $0x1;
	[sflag:s30] =	ssyncpa.u1 $0x1  }
0x41: {  	[sflag:s31] =	ssyncpa.u1 $0x1  }
0x42: {  	p0 =	sne.s32 s1, $0x0;
	_ =	strace $0x90000047  }
0x43: {  	s0 =	sadd.s32 @!p0 $0x100000, s0;
	[bflag:$0x2] =	sbarrier.arrive $0xFFFF  }
0x44: {  	[sflag:s0] =	ssyncadd.tile.s32 @!p0 $0x1;
	_ =	shalt  }
.Lfunc_end2:
_tile_overlayer_lowered:
.L_overlay_start_2:
0x45: {  	(tag) =	ssettag $0x2  }
0x46: {  	s0 =	rddreg [dreg:$0x0];
	s2 =	stileid.u32  }
0x47: {  	s1 =	rddreg [dreg:$0x1];
	p0 =	sne.s32 s2, $0x0  }
0x48: {  	s3 =	rddreg [dreg:$0x2];
	[bflag:$0x3] =	sbarrier.arrive $0xFFFF;
	s2 =	simm.s32 @!p0 $0x1C01  }
0x49: {  	[timem:s3], [sflag:s2] =	dma.local @!p0 [hbm:s0], s1  }
0x4a: {  	s0 =	simm.s32 @!p0 $0x1  }
0x4b: {  	_ =	swait.ge @!p0 [sflag:s0], s1  }
0x4c: {  	s1 =	ssub.s32 @!p0 $0x0, s1;
	[sflag:s0] =	ssyncset.done @!p0 $0x0  }
0x4d: {  	[sflag:s0] =	ssyncadd.s32 @!p0 s1  }
0x4e: {  	[bflag:$0x3] =	sbarrier.arrive $0xFFFF  }
0x4f: {  	_ =	shalt  }

// kernel: gather_offload_async_start.2
scs
__scs_entry_jumppad:
0x0: {  	(pc) =	sbr.rel $0x88, $3  }
0x1: {  	(tag) =	ssettag $0x0;
	lr =	simm.s32 $0x1  }
0x2: {  	[smem:$0x3F92] =	sst lr;
	_ =	strace $0xD0000000  }
0x3: {  	_ = 	snop  }
0x4: {  	_ = 	snop  }
0x5: {  	_ = 	snop  }
0x6: {  	_ = 	snop  }
0x7: {  	_ = 	snop  }
__scs_overlays_trampoline_lowered:
0x8: {  	[smem:$0x3FA1] =	sst s0  }
0x9: {  	[smem:$0x3FA2] =	sst s1  }
0xa: {  	[smem:$0x3FA3] =	sst s2  }
0xb: {  	[smem:$0x3FA4] =	sst s3  }
0xc: {  	[smem:$0x3FA5] =	sst s4  }
0xd: {  	[smem:$0x3FA6] =	sst s5  }
0xe: {  	[smem:$0x3FA7] =	sst s6  }
0xf: {  	[smem:$0x3FA8] =	sst s7  }
0x10: {  	[smem:$0x3FA9] =	sst s8  }
0x11: {  	[smem:$0x3FAA] =	sst s9;
	s0 =	simm.s32 @!p0 $0x0  }
0x12: {  	s1 =	sld [smem:$0x3F90];
	s0 =	simm.s32 @p0 $0x1  }
0x13: {  	[smem:$0x3FAB] =	sst s0;
	s0 =	simm.s32 @!p1 $0x0  }
0x14: {  	s2 =	sld [smem:$0x3F8F];
	s0 =	simm.s32 @p1 $0x1  }
0x15: {  	[smem:$0x3FAC] =	sst s0;
	s0 =	simm.s32 @!p2 $0x0  }
0x16: {  	s3 =	sld [smem:$0x3FDB];
	s0 =	simm.s32 @p2 $0x1  }
0x17: {  	s4 =	simm.s32 $0x1BF5;
	[smem:$0x3FAE] =	sst s0  }
0x18: {  	s0 =	sld [smem:$0x3F91];
	_ =	swait.ge [sflag:s4], $0x0  }
0x19: {  	s7 =	sld [smem:$0x3F92]  }
0x1a: {  	s8 =	sadd.s32 $0xFFFFE003, lr  }
0x1b: {  	s9 =	sadd.s32 $0xFFFFFEF7, lr;
	s5 =	simm.s32 $0xFFFFFFFF;
	p2 =	slt.u32 s8, $0xFFFFF086  }
0x1c: {  	p1 =	slt.u32 s9, $0xF7A;
	s5 =	simm.s32 @!p2 $0x0  }
0x1d: {  	s5 =	simm.s32 @p1 $0x1;
	p0 =	seq.s32 s7, s2  }
0x1e: {  	s7 =	smul.u32 @!p0 $0xF7A, s2;
	p2 =	seq.s32 @!p0 s5, $0x0  }
0x1f: {  	s9 =	smul.u32 $0xF7A, s1;
	s8 =	simm.s32 @!p0 $0x1BF5;
	p2 =	por !p2, p0  }
0x20: {  	[sflag:s8] =	ssyncset.s32 @!p0 $0xFFFFF086;
	s6 =	sadd.s32 @!p0 s3, s7;
	s7 =	simm.s32 @!p0 $0x108  }
0x21: {  	s3 =	sadd.s32 s3, s9;
	s6 =	sadd.s32 @!p0 $0x88, s6;
	s7 =	simm.s32 @p2 $0x1082  }
0x22: {  	[simem:s7], [sflag:s8] =	dma.local @!p0 [hbm:s6], $0xF7A  }
0x23: {  	s9 =	sor.u32 $0xD0000000, s2;
	s6 =	simm.s32 $0x108;
	_ =	swait.ge @!p0 [sflag:s8], $0x0  }
0x24: {  	s3 =	sadd.s32 $0x88, s3;
	s6 =	simm.s32 @!p1 $0x1082;
	[sflag:s4] =	ssyncset.s32 $0xFFFFF086  }
0x25: {  	[simem:s6], [sflag:s4] =	dma.local [hbm:s3], $0xF7A  }
0x26: {  	[smem:$0x3F92] =	sst s1;
	(tag) =	ssettag s2;
	_ =	strace s9  }
0x27: {  	s1 =	sld [smem:$0x3FA2]  }
0x28: {  	s2 =	sld [smem:$0x3FA3]  }
0x29: {  	s4 =	sld [smem:$0x3FA5]  }
0x2a: {  	p0 =	seq.s32 s5, $0x0;
	s5 =	sld [smem:$0x3FA6]  }
0x2b: {  	s6 =	sld [smem:$0x3FA7]  }
0x2c: {  	s7 =	sld [smem:$0x3FA8]  }
0x2d: {  	s3 =	simm.s32 $0x108;
	s8 =	sld [smem:$0x3FA9]  }
0x2e: {  	s3 =	simm.s32 @!p0 $0x1082;
	s9 =	sld [smem:$0x3FAA]  }
0x2f: {  	lr =	sadd.s32 s0, s3;
	s0 =	sld [smem:$0x3FA1]  }
0x30: {  	s3 =	sld [smem:$0x3FA4]  }
0x31: {  	[smem:$0x3FAD] =	sst s10  }
0x32: {  	s10 =	sld [smem:$0x3FAB];
	_ =	sdelay $0x3  }
0x33: {  	p0 =	seq.s32 s10, $0x1;
	s10 =	sld [smem:$0x3FAD];
	_ =	sdelay $0x3  }
0x34: {  	[smem:$0x3FAD] =	sst s10  }
0x35: {  	s10 =	sld [smem:$0x3FAC];
	_ =	sdelay $0x3  }
0x36: {  	p1 =	seq.s32 s10, $0x1;
	s10 =	sld [smem:$0x3FAD];
	_ =	sdelay $0x3  }
0x37: {  	[smem:$0x3FAD] =	sst s10  }
0x38: {  	s10 =	sld [smem:$0x3FAE]  }
0x39: {  	_ = 	snop;
	(pc) =	sbr.ind lr, $3  }
0x3a: {  	_ = 	snop  }
0x3b: {  	_ = 	snop  }
0x3c: {  	p2 =	seq.s32 s10, $0x1;
	s10 =	sld [smem:$0x3FAD]  }
0x3d: {  	_ =	shalt  }
0x3e: {  	_ =	shalt  }
0x3f: {  	_ =	shalt  }
0x40: {  	_ =	shalt  }
0x41: {  	_ =	shalt  }
0x42: {  	_ =	shalt  }
0x43: {  	_ =	shalt  }
0x44: {  	_ =	shalt  }
0x45: {  	_ =	shalt  }
0x46: {  	_ =	shalt  }
0x47: {  	_ =	shalt  }
0x48: {  	_ =	shalt  }
0x49: {  	_ =	shalt  }
0x4a: {  	_ =	shalt  }
0x4b: {  	_ =	shalt  }
0x4c: {  	_ =	shalt  }
0x4d: {  	_ =	shalt  }
0x4e: {  	_ =	shalt  }
0x4f: {  	_ =	shalt  }
0x50: {  	_ =	shalt  }
0x51: {  	_ =	shalt  }
0x52: {  	_ =	shalt  }
0x53: {  	_ =	shalt  }
0x54: {  	_ =	shalt  }
0x55: {  	_ =	shalt  }
0x56: {  	_ =	shalt  }
0x57: {  	_ =	shalt  }
0x58: {  	_ =	shalt  }
0x59: {  	_ =	shalt  }
0x5a: {  	_ =	shalt  }
0x5b: {  	_ =	shalt  }
0x5c: {  	_ =	shalt  }
0x5d: {  	_ =	shalt  }
0x5e: {  	_ =	shalt  }
0x5f: {  	_ =	shalt  }
0x60: {  	_ =	shalt  }
0x61: {  	_ =	shalt  }
0x62: {  	_ =	shalt  }
0x63: {  	_ =	shalt  }
0x64: {  	_ =	shalt  }
0x65: {  	_ =	shalt  }
0x66: {  	_ =	shalt  }
0x67: {  	_ =	shalt  }
0x68: {  	_ =	shalt  }
0x69: {  	_ =	shalt  }
0x6a: {  	_ =	shalt  }
0x6b: {  	_ =	shalt  }
0x6c: {  	_ =	shalt  }
0x6d: {  	_ =	shalt  }
0x6e: {  	_ =	shalt  }
0x6f: {  	_ =	shalt  }
0x70: {  	_ =	shalt  }
0x71: {  	_ =	shalt  }
0x72: {  	_ =	shalt  }
0x73: {  	_ =	shalt  }
0x74: {  	_ =	shalt  }
0x75: {  	_ =	shalt  }
0x76: {  	_ =	shalt  }
0x77: {  	_ =	shalt  }
0x78: {  	_ =	shalt  }
0x79: {  	_ =	shalt  }
0x7a: {  	_ =	shalt  }
0x7b: {  	_ =	shalt  }
0x7c: {  	_ =	shalt  }
0x7d: {  	_ =	shalt  }
0x7e: {  	_ =	shalt  }
0x7f: {  	_ =	shalt  }
0x80: {  	_ =	shalt  }
0x81: {  	_ =	shalt  }
0x82: {  	_ =	shalt  }
0x83: {  	_ =	shalt  }
0x84: {  	_ =	shalt  }
0x85: {  	_ =	shalt  }
0x86: {  	_ =	shalt  }
0x87: {  	_ =	shalt  }
.Lfunc_end0:
.L_simem_size_0:
called_computation.2_lowered:
.L_overlay_start_0:
0x88: {  	s2 =	sld [smem:$0x3FD9]  }
0x89: {  	s3 =	sld [smem:$0x3FFE];
	_ =	sdelay $0x1  }
0x8a: {  	s1 =	srdreg.scid  }
0x8b: {  	s0 =	sand.u32 $0x1, s1  }
0x8c: {  	s17 =	sshll.u32 s0, $0xA;
	s2 =	sadd.s32 s3, s2  }
0x8d: {  	s2 =	sadd.s32 s2, s17  }
0x8e: {  	[smem:$0x3FB9] =	sst s2  }
0x8f: {  	_ = 	snop  }
0x90: {  	(tm) =	ssettm $0x1  }
0x91: {  	s18 =	sld [smem:$0x3FFB];
	_ =	sdelay $0x3  }
0x92: {  	_ =	strace s18  }
0x93: {  	s2 =	sld [smem:$0x3FFC];
	_ =	sdelay $0x3  }
0x94: {  	_ =	strace s2  }
0x95: {  	s2 =	sld [smem:$0x3FFD];
	_ =	sdelay $0x3  }
0x96: {  	_ =	strace s2  }
0x97: {  	_ =	strace $0x8FFFFFFF  }
0x98: {  	s19 =	sld [smem:$0x3FDB];
	_ =	sdelay $0x1  }
0x99: {  	s20 =	simm.s32 $_scs_section_size  }
0x9a: {  	s4 =	simm.s32 $_size__tile_overlayer_lowered;
	s5 =	simm.s32 $_tile_overlayer_lowered  }
0x9b: {  	s6 =	simm.s32 $0x1BFF;
	s21 =	sshll.u32 s5, $0x1;
	s3 =	sadd.s32 s20, s19  }
0x9c: {  	s22 =	simm.s32 $0x0;
	s4 =	sshll.u32 s4, $0x1;
	s5 =	sadd.s32 s21, s3  }
0x9d: {  	[timem:s22], [sflag:s6] =	dma.local [hbm:s5], s4  }
0x9e: {  	_ =	swait.ge [sflag:s6], s4  }
0x9f: {  	s4 =	ssub.s32 $0x0, s4;
	[sflag:s6] =	ssyncset.done $0x0  }
0xa0: {  	[sflag:s6] =	ssyncadd.s32 s4;
	_ =	sdelay $0x1  }
0xa1: {  	s23 =	simm.s32 $0x1B8B  }
0xa2: {  	_ =	swait.ge [sflag:s23], $0x1  }
0xa3: {  	[sflag:s23] =	ssyncset.done $0x0  }
0xa4: {  	[sflag:s23] =	ssyncadd.s32 $0xFFFFFFFF  }
0xa5: {  	s4 =	sld [smem:$0x0]  }
0xa6: {  	s5 =	sand.u32 $0xFFFFFFFE, s1  }
0xa7: {  	p0 =	sne.s32 s1, s5  }
0xa8: {  	s5 =	sshll.u32 @p0 s5, $0xE  }
0xa9: {  	s5 =	sadd.s32 @p0 $0x11B8D, s5;
	s6 =	sshll.u32 @p0 s4, $0x11  }
0xaa: {  	s5 =	sor.u32 @p0 s6, s5  }
0xab: {  	[sflag:s5] =	ssyncadd.remote.s32 @p0 $0x1;
	_ =	sdelay $0x1  }
0xac: {  	s5 =	simm.s32 @p0 $0x1B8D  }
0xad: {  	_ =	swait.eq @p0 [sflag:s5], $0x1  }
0xae: {  	[sflag:s5] =	ssyncadd.s32 @p0 $0xFFFFFFFF  }
0xaf: {  	s6 =	sshll.u32 @!p0 s1, $0xE  }
0xb0: {  	s6 =	sor.u32 @!p0 $0x4000, s6;
	s5 =	simm.s32 @!p0 $0x1B8D  }
0xb1: {  	s4 =	sshll.u32 @!p0 s4, $0x11;
	s6 =	sadd.s32 @!p0 $0x11B8D, s6;
	_ =	swait.eq @!p0 [sflag:s5], $0x1  }
0xb2: {  	s4 =	sor.u32 @!p0 s4, s6;
	[sflag:s5] =	ssyncadd.s32 @!p0 $0xFFFFFFFF  }
0xb3: {  	s25 =	simm.s32 $0x1B8E;
	s24 =	sld [smem:$0x3FFE];
	[sflag:s4] =	ssyncadd.remote.s32 @!p0 $0x1  }
0xb4: {  	s26 =	simm.s32 $execute0_lowered;
	[smem:$0x3FD2] =	sst s25  }
0xb5: {  	s5 =	sshll.u32 s26, $0x1;
	_ =	strace $0x8000004C;
	[dreg:$0x1] =	wrdreg $0xFFFFFFFF  }
0xb6: {  	s28 =	simm.s32 $_size_execute0_lowered;
	s3 =	sadd.s32 s3, s5;
	[dreg:$0x0] =	wrdreg $0x0  }
0xb7: {  	s5 =	sshll.u32 s28, $0x1;
	[dreg:$0x2] =	wrdreg s3  }
0xb8: {  	[dreg:$0x3] =	wrdreg s5  }
0xb9: {  	[dreg:$0x4] =	wrdreg $0xC0  }
0xba: {  	_ =	task [dreg:s22], $0x5FFFF  }
0xbb: {  	[dreg:$0x1] =	wrdreg $0xFFFFFFFF  }
0xbc: {  	[dreg:$0x0] =	wrdreg $0x60  }
0xbd: {  	[dreg:$0x2] =	wrdreg s24  }
0xbe: {  	[dreg:$0x3] =	wrdreg $0xB  }
0xbf: {  	_ =	task.clear_ibuf [dreg:s22], $0x4FFFF;
	_ =	strace $0x9000004C  }
0xc0: {  	s29 =	simm.s32 $0xB;
	_ =	strace $0x8000004E  }
0xc1: {  	_ =	swait.ge [sflag:s29], $0x1  }
0xc2: {  	[sflag:s29] =	ssyncadd.s32 $0xFFFFFFFF  }
0xc3: {  	_ =	strace $0x9000004E  }
0xc4: {  	_ =	sfence  }
0xc5: {  	s30 =	sld [smem:$0x0];
	_ =	sdelay $0x2  }
0xc6: {  	s31 =	sshll.u32 s1, $0xD;
	s1 =	sshrl.u32 s1, $0x2  }
0xc7: {  	s4 =	sand.u32 $0x4000, s31;
	s1 =	sadd.s32 s1, s30  }
0xc8: {  	s0 =	sor.u32 s4, s0;
	s1 =	sshll.u32 s1, $0x11  }
0xc9: {  	s0 =	sor.u32 s1, s0  }
0xca: {  	s0 =	sadd.s32 $0x8F2B, s0  }
0xcb: {  	[sflag:s0] =	ssyncadd.remote.s32 $0x1  }
0xcc: {  	_ =	sfence.sel $0xFFFF  }
0xcd: {  	[dreg:$0x0] =	wrdreg $0xFFFFFFFF;
	(pc) =	sbr.abs _section_cstart, $3  }
0xce: {  	[dreg:$0x1] =	wrdreg $0xFFFFFFFF  }
0xcf: {  	_ =	task.clear_ibuf [dreg:s22], $0x2FFFF;
	_ =	strace $0x9FFFFFFF  }
0xd0: {  	(tm) =	ssettm $0x7FFFFFFF  }
0xd1: {  	_ =	shalt  }
tec
execute0_lowered:
.L_overlay_start_1:
0x0: {  	(tag) =	ssettag $0x1  }
0x1: {  	s8 =	rddreg [dreg:$0x0]  }
0x2: {  	s0 =	rddreg [dreg:$0x1];
	_ =	strace $0x8000004D;
	s1 =	stileid.u32  }
0x3: {  	s3 =	srdreg.scid;
	s4 =	simm.s32 $0x1;
	s7 =	simm.s32 $0x1  }
0x4: {  	s9 =	simm.s32 $0x1;
	s10 =	simm.s32 $0x3;
	s13 =	simm.s32 $0x0  }
0x5: {  	s12 =	simm.s32 $0x0;
	s5 =	sand.u32 $0x1, s3;
	s6 =	sshll.u32 s1, $0x1  }
0x6: {  	s2 =	sadd.s32 $0x11000, s8;
	s3 =	sadd.s32 $0xAE00, s8;
	s5 =	sor.u32 s6, s5  }
.Ltmp0:
0x7: {  	[sflag:s4] =	ssyncpa.u1 $0x0;
	p0 =	slt.u32 s5, $0x9;
	(pc) =	sbr.rel .LBB2_1-.Ltmp0, $4  }
0x8: {  	s6 =	simm.s32 $0x2;
	s7 =	simm.s32 @!p0 $0x0;
	p0 =	sne.s32 s5, $0x8  }
0x9: {  	[sflag:s6] =	ssyncpa.u1 $0x0;
	s5 =	smul.u32 $0xFA0, s5;
	s9 =	simm.s32 @!p0 $0x0  }
0xa: {  	s8 =	sadd.s32 $0x21000, s8;
	[sflag:s10] =	ssyncpa.u1 $0x0;
	s7 =	sadd.s32 s9, s7  }
0xb: {  	vm0 =	vmmov $0xffff;
	s10 =	simm.s32 $0x0;
	s11 =	smov.u32 s5;
	s9 =	sadd.s32 $0x1, s7  }
.LBB2_4:
0xc: {  	v2 =	vnsel vm1, $0x0, v2  }
0xd: {  	vm1 =	vgt.s32 v0, $0x0;
	v2 =	vmin.u32 v2, $0x270FF  }
0xe: {  	v0 =	vnsel vm1, $0x0, v0  }
0xf: {  	v0 =	vmin.u32 v0, $0x270FF  }
0x10: {  	[tilespmem:s18], [sflag:$0x1] =	stream.indirect_vreg.gather [hbm4b:s2+s10], $0x1, v1, vm0, $0x4038;
	[tilespmem:$0x3E80] =	vst v63  }
0x11: {  	(ifvalue) =	ssetifvalue $0x7FFFFFFF  }
0x12: {  	[tilespmem:s15], [sflag:$0x1] =	stream.indirect_vreg.gather [hbm4b:s2+s10], $0x1, v2, vm0, $0x4038;
	[tilespmem:$0x3E80] =	vst v63  }
0x13: {  	s29 =	sadd.s32 $0x10, s15;
	(ifvalue) =	ssetifvalue $0x7FFFFFFF  }
0x14: {  	[tilespmem:s29], [sflag:$0x1] =	stream.indirect_vreg.gather [hbm4b:s2+s10], $0x1, v0, vm0, $0x4038;
	[tilespmem:$0x3E80] =	vst v63  }
0x15: {  	_ =	swait.ge [sflag:s4], $0xFA0  }
0x16: {  	s30 =	sshrl.u32 s13, $0x3;
	[sflag:s4] =	ssyncset.done $0x0  }
0x17: {  	s31 =	sand.u32 $0x7, s13;
	s15 =	sadd.s32 s8, s30;
	[sflag:s4] =	ssyncadd.s32 $0xFFFFF060  }
0x18: {  	[hbm4b:s15+s31] =	stream.linear.scatter [tilespmem:s14], [sflag:$0x3], $0xFA0, $0x38;
	[tilespmem:$0x3E80] =	vst v63  }
.LBB2_5:
0x19: {  	s15 =	sadd.s32 $0x1F400, s11  }
0x1a: {  	p1 =	sgt.s32 s15, $0x270FF  }
0x1b: {  	s15 =	smov.u32 @p1 s5;
	p1 =	sne.s32 s12, s9  }
.Ltmp1:
0x1c: {  	p0 =	slt.u32 s12, $0x2;
	(pc) =	sbr.rel @!p1 .LBB2_6-.Ltmp1, $4  }
0x1d: {  	s14 =	simm.s32 @!p0 $0x3  }
0x1e: {  	_ =	swait.ge @!p0 [sflag:s14], $0xFA0  }
0x1f: {  	s16 =	sadd.s32 $0x1, s12;
	s13 =	smov.u32 s11;
	[sflag:s14] =	ssyncset.done @!p0 $0x0  }
0x20: {  	s12 =	smov.u32 s16;
	s11 =	smov.u32 s15;
	[sflag:s14] =	ssyncadd.s32 @!p0 $0xFFFFF060  }
.LBB2_1:
0x21: {  	p0 =	sge.u32 s12, s7  }
0x22: {  	s14 =	sxor.u32 @!p0 $0x1, s12  }
0x23: {  	s14 =	smul.u32 @!p0 $0x3E80, s14  }
0x24: {  	s31 =	sadd.s32 $0xFFFFFFFF, s12;
	s15 =	sshrl.u32 @!p0 s11, $0x3  }
0x25: {  	s16 =	sand.u32 @!p0 $0x7, s11;
	s15 =	sadd.s32 @!p0 s3, s15;
	s14 =	sshra.s32 @!p0 s14, $0x2  }
0x26: {  	[tilespmem:s14], [sflag:$0x2] =	stream.linear.gather @!p0 [hbm4b:s15+s16], $0xFA0, $0x38;
	[tilespmem:$0x3E80] =	vst v63  }
0x27: {  	p0 =	sge.u32 s31, s7  }
.Ltmp2:
0x28: {  	_ = 	snop;
	(pc) =	sbr.rel @p0 .LBB2_5-.Ltmp2, $1  }
0x29: {  	_ =	sdelay $0x3  }
0x2a: {  	s14 =	sand.u32 $0x1, s12  }
0x2b: {  	_ =	swait.ge [sflag:s6], $0xFA0;
	p0 =	seq.s32 s14, $0x1;
	s14 =	simm.s32 $0xFA0  }
0x2c: {  	[sflag:s6] =	ssyncset.done $0x0;
	s14 =	simm.s32 @!p0 $0x0  }
0x2d: {  	[sflag:s6] =	ssyncadd.s32 $0xFFFFF060;
	(ifvalue) =	ssetifvalue $0x7FFFFFFF;
	v0 =	vld.msk [tilespmem:s14+$0x0 ss:$0x1], $0xffff;
	_ =	sdelay $0x4  }
0x2e: {  	s15 =	sadd.s32 $0x10, s14;
	vm1 =	vgt.s32 v0, $0x0  }
0x2f: {  	v2 =	vld.msk [tilespmem:s15+$0x0 ss:$0x1], $0xffff;
	v1 =	vnsel vm1, $0x0, v0  }
0x30: {  	v1 =	vmin.u32 v1, $0x270FF;
	_ =	sdelay $0x2  }
0x31: {  	s17 =	simm.s32 $0x20;
	s14 =	sadd.s32 $0x1F40, s14;
	s16 =	sadd.s32 $0x10, s15  }
0x32: {  	s15 =	sadd.s32 $0x10, s14;
	s18 =	smov.u32 s14;
	v0 =	vld.msk [tilespmem:s16+$0x0 ss:$0x1], $0xffff;
	vm1 =	vgt.s32 v2, $0x0;
	(ifvalue) =	ssetifvalue $0x7FFFFFFF  }
.LBB2_3:
0x33: {  	[tilespmem:s18], [sflag:$0x1] =	stream.indirect_vreg.gather [hbm4b:s2+s10], $0x1, v1, vm0, $0x4038;
	[tilespmem:$0x3E80] =	vst v63  }
0x34: {  	s17 =	sadd.s32 $0x10, s17  }
0x35: {  	v2 =	vnsel vm1, $0x0, v2;
	p0 =	slt.u32 s17, $0xF90  }
.Ltmp3:
0x36: {  	s18 =	smov.u32 s15;
	v1 =	vmin.u32 v2, $0x270FF;
	(pc) =	sbr.rel @p0 .LBB2_3-.Ltmp3, $3  }
0x37: {  	_ =	sdelay $0x1  }
0x38: {  	s16 =	sadd.s32 $0x10, s16  }
0x39: {  	vm1 =	vgt.s32 v0, $0x0;
	s15 =	sadd.s32 $0x10, s15;
	v2 =	vmov v0;
	(ifvalue) =	ssetifvalue $0x7FFFFFFF;
	v0 =	vld.msk [tilespmem:s16+$0x0 ss:$0x1], $0xffff  }
.Ltmp4:
0x3a: {  	_ = 	snop;
	(pc) =	sbr.rel .LBB2_4-.Ltmp4, $1  }
0x3b: {  	_ =	sdelay $0x3  }
.LBB2_6:
0x3c: {  	_ =	sfence.sel $0x180000  }
0x3d: {  	s2 =	simm.s32 $0x2;
	[bflag:$0x0] =	sbarrier.arrive $0xFFFF  }
0x3e: {  	s30 =	simm.s32 $0x3;
	[sflag:s2] =	ssyncpa.u1 $0x1  }
0x3f: {  	s31 =	simm.s32 $0x1;
	[sflag:s30] =	ssyncpa.u1 $0x1  }
0x40: {  	[sflag:s31] =	ssyncpa.u1 $0x1  }
0x41: {  	p0 =	sne.s32 s1, $0x0;
	_ =	strace $0x9000004D  }
0x42: {  	s0 =	sadd.s32 @!p0 $0x100000, s0;
	[bflag:$0x2] =	sbarrier.arrive $0xFFFF  }
0x43: {  	[sflag:s0] =	ssyncadd.tile.s32 @!p0 $0x1;
	_ =	shalt  }
.Lfunc_end2:
_tile_overlayer_lowered:
.L_overlay_start_2:
0x44: {  	(tag) =	ssettag $0x2  }
0x45: {  	s0 =	rddreg [dreg:$0x0];
	s2 =	stileid.u32  }
0x46: {  	s1 =	rddreg [dreg:$0x1];
	p0 =	sne.s32 s2, $0x0  }
0x47: {  	s3 =	rddreg [dreg:$0x2];
	[bflag:$0x3] =	sbarrier.arrive $0xFFFF;
	s2 =	simm.s32 @!p0 $0x1C01  }
0x48: {  	[timem:s3], [sflag:s2] =	dma.local @!p0 [hbm:s0], s1  }
0x49: {  	s0 =	simm.s32 @!p0 $0x1  }
0x4a: {  	_ =	swait.ge @!p0 [sflag:s0], s1  }
0x4b: {  	s1 =	ssub.s32 @!p0 $0x0, s1;
	[sflag:s0] =	ssyncset.done @!p0 $0x0  }
0x4c: {  	[sflag:s0] =	ssyncadd.s32 @!p0 s1  }
0x4d: {  	[bflag:$0x3] =	sbarrier.arrive $0xFFFF  }
0x4e: {  	_ =	shalt  }

// kernel: gather_offload_async_start.3
scs
__scs_entry_jumppad:
0x0: {  	(pc) =	sbr.rel $0x88, $3  }
0x1: {  	(tag) =	ssettag $0x0;
	lr =	simm.s32 $0x1  }
0x2: {  	[smem:$0x3F92] =	sst lr;
	_ =	strace $0xD0000000  }
0x3: {  	_ = 	snop  }
0x4: {  	_ = 	snop  }
0x5: {  	_ = 	snop  }
0x6: {  	_ = 	snop  }
0x7: {  	_ = 	snop  }
__scs_overlays_trampoline_lowered:
0x8: {  	[smem:$0x3FA1] =	sst s0  }
0x9: {  	[smem:$0x3FA2] =	sst s1  }
0xa: {  	[smem:$0x3FA3] =	sst s2  }
0xb: {  	[smem:$0x3FA4] =	sst s3  }
0xc: {  	[smem:$0x3FA5] =	sst s4  }
0xd: {  	[smem:$0x3FA6] =	sst s5  }
0xe: {  	[smem:$0x3FA7] =	sst s6  }
0xf: {  	[smem:$0x3FA8] =	sst s7  }
0x10: {  	[smem:$0x3FA9] =	sst s8  }
0x11: {  	[smem:$0x3FAA] =	sst s9;
	s0 =	simm.s32 @!p0 $0x0  }
0x12: {  	s1 =	sld [smem:$0x3F90];
	s0 =	simm.s32 @p0 $0x1  }
0x13: {  	[smem:$0x3FAB] =	sst s0;
	s0 =	simm.s32 @!p1 $0x0  }
0x14: {  	s2 =	sld [smem:$0x3F8F];
	s0 =	simm.s32 @p1 $0x1  }
0x15: {  	[smem:$0x3FAC] =	sst s0;
	s0 =	simm.s32 @!p2 $0x0  }
0x16: {  	s3 =	sld [smem:$0x3FDB];
	s0 =	simm.s32 @p2 $0x1  }
0x17: {  	s4 =	simm.s32 $0x1BF5;
	[smem:$0x3FAE] =	sst s0  }
0x18: {  	s0 =	sld [smem:$0x3F91];
	_ =	swait.ge [sflag:s4], $0x0  }
0x19: {  	s7 =	sld [smem:$0x3F92]  }
0x1a: {  	s8 =	sadd.s32 $0xFFFFE003, lr  }
0x1b: {  	s9 =	sadd.s32 $0xFFFFFEF7, lr;
	s5 =	simm.s32 $0xFFFFFFFF;
	p2 =	slt.u32 s8, $0xFFFFF086  }
0x1c: {  	p1 =	slt.u32 s9, $0xF7A;
	s5 =	simm.s32 @!p2 $0x0  }
0x1d: {  	s5 =	simm.s32 @p1 $0x1;
	p0 =	seq.s32 s7, s2  }
0x1e: {  	s7 =	smul.u32 @!p0 $0xF7A, s2;
	p2 =	seq.s32 @!p0 s5, $0x0  }
0x1f: {  	s9 =	smul.u32 $0xF7A, s1;
	s8 =	simm.s32 @!p0 $0x1BF5;
	p2 =	por !p2, p0  }
0x20: {  	[sflag:s8] =	ssyncset.s32 @!p0 $0xFFFFF086;
	s6 =	sadd.s32 @!p0 s3, s7;
	s7 =	simm.s32 @!p0 $0x108  }
0x21: {  	s3 =	sadd.s32 s3, s9;
	s6 =	sadd.s32 @!p0 $0x88, s6;
	s7 =	simm.s32 @p2 $0x1082  }
0x22: {  	[simem:s7], [sflag:s8] =	dma.local @!p0 [hbm:s6], $0xF7A  }
0x23: {  	s9 =	sor.u32 $0xD0000000, s2;
	s6 =	simm.s32 $0x108;
	_ =	swait.ge @!p0 [sflag:s8], $0x0  }
0x24: {  	s3 =	sadd.s32 $0x88, s3;
	s6 =	simm.s32 @!p1 $0x1082;
	[sflag:s4] =	ssyncset.s32 $0xFFFFF086  }
0x25: {  	[simem:s6], [sflag:s4] =	dma.local [hbm:s3], $0xF7A  }
0x26: {  	[smem:$0x3F92] =	sst s1;
	(tag) =	ssettag s2;
	_ =	strace s9  }
0x27: {  	s1 =	sld [smem:$0x3FA2]  }
0x28: {  	s2 =	sld [smem:$0x3FA3]  }
0x29: {  	s4 =	sld [smem:$0x3FA5]  }
0x2a: {  	p0 =	seq.s32 s5, $0x0;
	s5 =	sld [smem:$0x3FA6]  }
0x2b: {  	s6 =	sld [smem:$0x3FA7]  }
0x2c: {  	s7 =	sld [smem:$0x3FA8]  }
0x2d: {  	s3 =	simm.s32 $0x108;
	s8 =	sld [smem:$0x3FA9]  }
0x2e: {  	s3 =	simm.s32 @!p0 $0x1082;
	s9 =	sld [smem:$0x3FAA]  }
0x2f: {  	lr =	sadd.s32 s0, s3;
	s0 =	sld [smem:$0x3FA1]  }
0x30: {  	s3 =	sld [smem:$0x3FA4]  }
0x31: {  	[smem:$0x3FAD] =	sst s10  }
0x32: {  	s10 =	sld [smem:$0x3FAB];
	_ =	sdelay $0x3  }
0x33: {  	p0 =	seq.s32 s10, $0x1;
	s10 =	sld [smem:$0x3FAD];
	_ =	sdelay $0x3  }
0x34: {  	[smem:$0x3FAD] =	sst s10  }
0x35: {  	s10 =	sld [smem:$0x3FAC];
	_ =	sdelay $0x3  }
0x36: {  	p1 =	seq.s32 s10, $0x1;
	s10 =	sld [smem:$0x3FAD];
	_ =	sdelay $0x3  }
0x37: {  	[smem:$0x3FAD] =	sst s10  }
0x38: {  	s10 =	sld [smem:$0x3FAE]  }
0x39: {  	_ = 	snop;
	(pc) =	sbr.ind lr, $3  }
0x3a: {  	_ = 	snop  }
0x3b: {  	_ = 	snop  }
0x3c: {  	p2 =	seq.s32 s10, $0x1;
	s10 =	sld [smem:$0x3FAD]  }
0x3d: {  	_ =	shalt  }
0x3e: {  	_ =	shalt  }
0x3f: {  	_ =	shalt  }
0x40: {  	_ =	shalt  }
0x41: {  	_ =	shalt  }
0x42: {  	_ =	shalt  }
0x43: {  	_ =	shalt  }
0x44: {  	_ =	shalt  }
0x45: {  	_ =	shalt  }
0x46: {  	_ =	shalt  }
0x47: {  	_ =	shalt  }
0x48: {  	_ =	shalt  }
0x49: {  	_ =	shalt  }
0x4a: {  	_ =	shalt  }
0x4b: {  	_ =	shalt  }
0x4c: {  	_ =	shalt  }
0x4d: {  	_ =	shalt  }
0x4e: {  	_ =	shalt  }
0x4f: {  	_ =	shalt  }
0x50: {  	_ =	shalt  }
0x51: {  	_ =	shalt  }
0x52: {  	_ =	shalt  }
0x53: {  	_ =	shalt  }
0x54: {  	_ =	shalt  }
0x55: {  	_ =	shalt  }
0x56: {  	_ =	shalt  }
0x57: {  	_ =	shalt  }
0x58: {  	_ =	shalt  }
0x59: {  	_ =	shalt  }
0x5a: {  	_ =	shalt  }
0x5b: {  	_ =	shalt  }
0x5c: {  	_ =	shalt  }
0x5d: {  	_ =	shalt  }
0x5e: {  	_ =	shalt  }
0x5f: {  	_ =	shalt  }
0x60: {  	_ =	shalt  }
0x61: {  	_ =	shalt  }
0x62: {  	_ =	shalt  }
0x63: {  	_ =	shalt  }
0x64: {  	_ =	shalt  }
0x65: {  	_ =	shalt  }
0x66: {  	_ =	shalt  }
0x67: {  	_ =	shalt  }
0x68: {  	_ =	shalt  }
0x69: {  	_ =	shalt  }
0x6a: {  	_ =	shalt  }
0x6b: {  	_ =	shalt  }
0x6c: {  	_ =	shalt  }
0x6d: {  	_ =	shalt  }
0x6e: {  	_ =	shalt  }
0x6f: {  	_ =	shalt  }
0x70: {  	_ =	shalt  }
0x71: {  	_ =	shalt  }
0x72: {  	_ =	shalt  }
0x73: {  	_ =	shalt  }
0x74: {  	_ =	shalt  }
0x75: {  	_ =	shalt  }
0x76: {  	_ =	shalt  }
0x77: {  	_ =	shalt  }
0x78: {  	_ =	shalt  }
0x79: {  	_ =	shalt  }
0x7a: {  	_ =	shalt  }
0x7b: {  	_ =	shalt  }
0x7c: {  	_ =	shalt  }
0x7d: {  	_ =	shalt  }
0x7e: {  	_ =	shalt  }
0x7f: {  	_ =	shalt  }
0x80: {  	_ =	shalt  }
0x81: {  	_ =	shalt  }
0x82: {  	_ =	shalt  }
0x83: {  	_ =	shalt  }
0x84: {  	_ =	shalt  }
0x85: {  	_ =	shalt  }
0x86: {  	_ =	shalt  }
0x87: {  	_ =	shalt  }
.Lfunc_end0:
.L_simem_size_0:
called_computation.3_lowered:
.L_overlay_start_0:
0x88: {  	s2 =	sld [smem:$0x3FD9]  }
0x89: {  	s3 =	sld [smem:$0x3FFE];
	_ =	sdelay $0x1  }
0x8a: {  	s1 =	srdreg.scid  }
0x8b: {  	s0 =	sand.u32 $0x1, s1  }
0x8c: {  	s17 =	sshll.u32 s0, $0xA;
	s2 =	sadd.s32 s3, s2  }
0x8d: {  	s2 =	sadd.s32 s2, s17  }
0x8e: {  	[smem:$0x3FB9] =	sst s2  }
0x8f: {  	_ = 	snop  }
0x90: {  	s18 =	sld [smem:$0x3FD0];
	(tm) =	ssettm $0x1  }
0x91: {  	s19 =	sld [smem:$0x3FFB];
	_ =	sdelay $0x3  }
0x92: {  	_ =	strace s19  }
0x93: {  	s2 =	sld [smem:$0x3FFC];
	_ =	sdelay $0x3  }
0x94: {  	_ =	strace s2  }
0x95: {  	s2 =	sld [smem:$0x3FFD];
	_ =	sdelay $0x3  }
0x96: {  	_ =	strace s2  }
0x97: {  	_ =	strace $0x8FFFFFFF  }
0x98: {  	s20 =	sld [smem:$0x3FDB];
	_ =	sdelay $0x1  }
0x99: {  	s4 =	simm.s32 $_scs_section_size  }
0x9a: {  	s5 =	simm.s32 $_size__tile_overlayer_lowered;
	s6 =	simm.s32 $_tile_overlayer_lowered  }
0x9b: {  	s7 =	simm.s32 $0x1BFF;
	s21 =	sshll.u32 s6, $0x1;
	s4 =	sadd.s32 s4, s20  }
0x9c: {  	s22 =	simm.s32 $0x0;
	s5 =	sshll.u32 s5, $0x1;
	s6 =	sadd.s32 s21, s4  }
0x9d: {  	[timem:s22], [sflag:s7] =	dma.local [hbm:s6], s5  }
0x9e: {  	_ =	swait.ge [sflag:s7], s5  }
0x9f: {  	s5 =	ssub.s32 $0x0, s5;
	[sflag:s7] =	ssyncset.done $0x0  }
0xa0: {  	[sflag:s7] =	ssyncadd.s32 s5;
	_ =	sdelay $0x1  }
0xa1: {  	s23 =	simm.s32 $0x1B8B  }
0xa2: {  	_ =	swait.ge [sflag:s23], $0x1  }
0xa3: {  	[sflag:s23] =	ssyncset.done $0x0  }
0xa4: {  	[sflag:s23] =	ssyncadd.s32 $0xFFFFFFFF  }
0xa5: {  	s5 =	sld [smem:$0x0]  }
0xa6: {  	s6 =	sand.u32 $0xFFFFFFFE, s1  }
0xa7: {  	p0 =	sne.s32 s1, s6  }
0xa8: {  	s6 =	sshll.u32 @p0 s6, $0xE  }
0xa9: {  	s6 =	sadd.s32 @p0 $0x11B8D, s6;
	s7 =	sshll.u32 @p0 s5, $0x11  }
0xaa: {  	s6 =	sor.u32 @p0 s7, s6  }
0xab: {  	[sflag:s6] =	ssyncadd.remote.s32 @p0 $0x1;
	_ =	sdelay $0x1  }
0xac: {  	s6 =	simm.s32 @p0 $0x1B8D  }
0xad: {  	_ =	swait.eq @p0 [sflag:s6], $0x1  }
0xae: {  	[sflag:s6] =	ssyncadd.s32 @p0 $0xFFFFFFFF  }
0xaf: {  	s7 =	sshll.u32 @!p0 s1, $0xE  }
0xb0: {  	s7 =	sor.u32 @!p0 $0x4000, s7;
	s6 =	simm.s32 @!p0 $0x1B8D  }
0xb1: {  	s5 =	sshll.u32 @!p0 s5, $0x11;
	s7 =	sadd.s32 @!p0 $0x11B8D, s7;
	_ =	swait.eq @!p0 [sflag:s6], $0x1  }
0xb2: {  	s5 =	sor.u32 @!p0 s5, s7;
	[sflag:s6] =	ssyncadd.s32 @!p0 $0xFFFFFFFF  }
0xb3: {  	s25 =	simm.s32 $0x1B8E;
	s24 =	sld [smem:$0x3FFE];
	[sflag:s5] =	ssyncadd.remote.s32 @!p0 $0x1  }
0xb4: {  	s26 =	simm.s32 $execute0_lowered;
	[smem:$0x3FD2] =	sst s25  }
0xb5: {  	s6 =	sshll.u32 s26, $0x1;
	_ =	strace $0x80000052;
	[dreg:$0x1] =	wrdreg $0xFFFFFFFF  }
0xb6: {  	s28 =	simm.s32 $_size_execute0_lowered;
	s4 =	sadd.s32 s4, s6;
	[dreg:$0x0] =	wrdreg $0x0  }
0xb7: {  	s6 =	sshll.u32 s28, $0x1;
	[dreg:$0x2] =	wrdreg s4  }
0xb8: {  	[dreg:$0x3] =	wrdreg s6  }
0xb9: {  	[dreg:$0x4] =	wrdreg $0xC0  }
0xba: {  	_ =	task [dreg:s22], $0x5FFFF  }
0xbb: {  	[dreg:$0x1] =	wrdreg $0xFFFFFFFF  }
0xbc: {  	[dreg:$0x0] =	wrdreg $0x60  }
0xbd: {  	[dreg:$0x2] =	wrdreg s24  }
0xbe: {  	[dreg:$0x3] =	wrdreg s18  }
0xbf: {  	[dreg:$0x4] =	wrdreg $0xA  }
0xc0: {  	_ =	task.clear_ibuf [dreg:s22], $0x5FFFF;
	_ =	strace $0x90000052  }
0xc1: {  	s29 =	simm.s32 $0xA;
	_ =	strace $0x80000054  }
0xc2: {  	_ =	swait.ge [sflag:s29], $0x1  }
0xc3: {  	[sflag:s29] =	ssyncadd.s32 $0xFFFFFFFF  }
0xc4: {  	_ =	strace $0x90000054  }
0xc5: {  	_ =	sfence  }
0xc6: {  	s30 =	sld [smem:$0x0];
	_ =	sdelay $0x2  }
0xc7: {  	s31 =	sshll.u32 s1, $0xD;
	s1 =	sshrl.u32 s1, $0x2  }
0xc8: {  	s4 =	sand.u32 $0x4000, s31;
	s1 =	sadd.s32 s1, s30  }
0xc9: {  	s0 =	sor.u32 s4, s0;
	s1 =	sshll.u32 s1, $0x11  }
0xca: {  	s0 =	sor.u32 s1, s0  }
0xcb: {  	s0 =	sadd.s32 $0x8F2B, s0  }
0xcc: {  	[sflag:s0] =	ssyncadd.remote.s32 $0x1  }
0xcd: {  	_ =	sfence.sel $0xFFFF  }
0xce: {  	[dreg:$0x0] =	wrdreg $0xFFFFFFFF;
	(pc) =	sbr.abs _section_cstart, $3  }
0xcf: {  	[dreg:$0x1] =	wrdreg $0xFFFFFFFF  }
0xd0: {  	_ =	task.clear_ibuf [dreg:s22], $0x2FFFF;
	_ =	strace $0x9FFFFFFF  }
0xd1: {  	(tm) =	ssettm $0x7FFFFFFF  }
tec
execute0_lowered:
.L_overlay_start_1:
0x0: {  	(tag) =	ssettag $0x1  }
0x1: {  	s8 =	rddreg [dreg:$0x0];
	s0 =	stileid.u32  }
0x2: {  	s1 =	srdreg.scid;
	s2 =	rddreg [dreg:$0x1]  }
0x3: {  	s5 =	simm.s32 $0x1;
	s9 =	simm.s32 $0x1;
	s10 =	simm.s32 $0x3  }
0x4: {  	s13 =	simm.s32 $0x0;
	s3 =	sand.u32 $0x1, s1;
	s4 =	sshll.u32 s0, $0x1  }
0x5: {  	s12 =	simm.s32 $0x0;
	s1 =	rddreg [dreg:$0x2];
	s6 =	sor.u32 s4, s3  }
0x6: {  	_ =	strace $0x80000053;
	s3 =	sadd.s32 $0x1C000, s8;
	s4 =	smul.u32 $0x1140, s6  }
0x7: {  	[sflag:s5] =	ssyncpa.u1 $0x0;
	p0 =	slt.u32 s6, $0x9;
	s6 =	simm.s32 $0x22800  }
.Ltmp0:
0x8: {  	s6 =	simm.s32 @!p0 $0x0;
	s7 =	ssub.s32 $0x2B200, s4;
	(pc) =	sbr.rel .LBB2_1-.Ltmp0, $4  }
0x9: {  	s9 =	simm.s32 @!p0 $0x0;
	p0 =	sne.s32 s7, s6;
	s7 =	simm.s32 $0x1  }
0xa: {  	s8 =	sadd.s32 $0x5200, s8;
	s6 =	simm.s32 $0x2;
	s7 =	simm.s32 @!p0 $0x0  }
0xb: {  	s11 =	smov.u32 s4;
	[sflag:s6] =	ssyncpa.u1 $0x0;
	s7 =	sadd.s32 s9, s7  }
0xc: {  	vm0 =	vmmov $0xffff;
	[sflag:s10] =	ssyncpa.u1 $0x0;
	s10 =	simm.s32 $0x0;
	s9 =	sadd.s32 $0x1, s7  }
.LBB2_4:
0xd: {  	v2 =	vnsel vm1, $0x0, v2  }
0xe: {  	vm1 =	vgt.s32 v0, $0x0;
	v2 =	vmin.u32 v2, $0x270FF  }
0xf: {  	v0 =	vnsel vm1, $0x0, v0  }
0x10: {  	v0 =	vmin.u32 v0, $0x270FF  }
0x11: {  	[tilespmem:s18], [sflag:$0x1] =	stream.indirect_vreg.gather [hbm4b:s3+s10], $0x1, v1, vm0, $0x4038;
	[tilespmem:$0x4500] =	vst v63  }
0x12: {  	(ifvalue) =	ssetifvalue $0x7FFFFFFF  }
0x13: {  	[tilespmem:s15], [sflag:$0x1] =	stream.indirect_vreg.gather [hbm4b:s3+s10], $0x1, v2, vm0, $0x4038;
	[tilespmem:$0x4500] =	vst v63  }
0x14: {  	s29 =	sadd.s32 $0x10, s15;
	(ifvalue) =	ssetifvalue $0x7FFFFFFF  }
0x15: {  	[tilespmem:s29], [sflag:$0x1] =	stream.indirect_vreg.gather [hbm4b:s3+s10], $0x1, v0, vm0, $0x4038;
	[tilespmem:$0x4500] =	vst v63  }
0x16: {  	_ =	swait.ge [sflag:s5], $0x1140  }
0x17: {  	s30 =	sshrl.u32 s13, $0x3;
	[sflag:s5] =	ssyncset.done $0x0  }
0x18: {  	s31 =	sand.u32 $0x7, s13;
	s15 =	sadd.s32 s8, s30;
	[sflag:s5] =	ssyncadd.s32 $0xFFFFEEC0  }
0x19: {  	[hbm4b:s15+s31] =	stream.linear.scatter [tilespmem:s14], [sflag:$0x3], $0x1140, $0x38;
	[tilespmem:$0x4500] =	vst v63  }
.LBB2_5:
0x1a: {  	s15 =	sadd.s32 $0x22800, s11  }
0x1b: {  	p1 =	sgt.s32 s15, $0x2B1FF  }
0x1c: {  	s15 =	smov.u32 @p1 s4;
	p1 =	sne.s32 s12, s9  }
.Ltmp1:
0x1d: {  	p0 =	slt.u32 s12, $0x2;
	(pc) =	sbr.rel @!p1 .LBB2_6-.Ltmp1, $4  }
0x1e: {  	s14 =	simm.s32 @!p0 $0x3  }
0x1f: {  	_ =	swait.ge @!p0 [sflag:s14], $0x1140  }
0x20: {  	s16 =	sadd.s32 $0x1, s12;
	s13 =	smov.u32 s11;
	[sflag:s14] =	ssyncset.done @!p0 $0x0  }
0x21: {  	s12 =	smov.u32 s16;
	s11 =	smov.u32 s15;
	[sflag:s14] =	ssyncadd.s32 @!p0 $0xFFFFEEC0  }
.LBB2_1:
0x22: {  	p0 =	sge.u32 s12, s7  }
0x23: {  	s14 =	sxor.u32 @!p0 $0x1, s12  }
0x24: {  	s14 =	smul.u32 @!p0 $0x4500, s14  }
0x25: {  	s31 =	sadd.s32 $0xFFFFFFFF, s12;
	s15 =	sshrl.u32 @!p0 s11, $0x3  }
0x26: {  	s16 =	sand.u32 @!p0 $0x7, s11;
	s15 =	sadd.s32 @!p0 s2, s15;
	s14 =	sshra.s32 @!p0 s14, $0x2  }
0x27: {  	[tilespmem:s14], [sflag:$0x2] =	stream.linear.gather @!p0 [hbm4b:s15+s16], $0x1140, $0x38;
	[tilespmem:$0x4500] =	vst v63  }
0x28: {  	p0 =	sge.u32 s31, s7  }
.Ltmp2:
0x29: {  	_ = 	snop;
	(pc) =	sbr.rel @p0 .LBB2_5-.Ltmp2, $1  }
0x2a: {  	_ =	sdelay $0x3  }
0x2b: {  	s14 =	sand.u32 $0x1, s12  }
0x2c: {  	_ =	swait.ge [sflag:s6], $0x1140;
	p0 =	seq.s32 s14, $0x1;
	s14 =	simm.s32 $0x1140  }
0x2d: {  	[sflag:s6] =	ssyncset.done $0x0;
	s14 =	simm.s32 @!p0 $0x0  }
0x2e: {  	[sflag:s6] =	ssyncadd.s32 $0xFFFFEEC0;
	(ifvalue) =	ssetifvalue $0x7FFFFFFF;
	v0 =	vld.msk [tilespmem:s14+$0x0 ss:$0x1], $0xffff;
	_ =	sdelay $0x4  }
0x2f: {  	s15 =	sadd.s32 $0x10, s14;
	vm1 =	vgt.s32 v0, $0x0  }
0x30: {  	v2 =	vld.msk [tilespmem:s15+$0x0 ss:$0x1], $0xffff;
	v1 =	vnsel vm1, $0x0, v0  }
0x31: {  	v1 =	vmin.u32 v1, $0x270FF;
	_ =	sdelay $0x2  }
0x32: {  	s17 =	simm.s32 $0x20;
	s14 =	sor.u32 $0x2280, s14;
	s16 =	sadd.s32 $0x10, s15  }
0x33: {  	s15 =	sadd.s32 $0x10, s14;
	s18 =	smov.u32 s14;
	v0 =	vld.msk [tilespmem:s16+$0x0 ss:$0x1], $0xffff;
	vm1 =	vgt.s32 v2, $0x0;
	(ifvalue) =	ssetifvalue $0x7FFFFFFF  }
.LBB2_3:
0x34: {  	[tilespmem:s18], [sflag:$0x1] =	stream.indirect_vreg.gather [hbm4b:s3+s10], $0x1, v1, vm0, $0x4038;
	[tilespmem:$0x4500] =	vst v63  }
0x35: {  	s17 =	sadd.s32 $0x10, s17  }
0x36: {  	v2 =	vnsel vm1, $0x0, v2;
	p0 =	slt.u32 s17, $0x1130  }
.Ltmp3:
0x37: {  	s18 =	smov.u32 s15;
	v1 =	vmin.u32 v2, $0x270FF;
	(pc) =	sbr.rel @p0 .LBB2_3-.Ltmp3, $3  }
0x38: {  	_ =	sdelay $0x1  }
0x39: {  	s16 =	sadd.s32 $0x10, s16  }
0x3a: {  	vm1 =	vgt.s32 v0, $0x0;
	s15 =	sadd.s32 $0x10, s15;
	v2 =	vmov v0;
	(ifvalue) =	ssetifvalue $0x7FFFFFFF;
	v0 =	vld.msk [tilespmem:s16+$0x0 ss:$0x1], $0xffff  }
.Ltmp4:
0x3b: {  	_ = 	snop;
	(pc) =	sbr.rel .LBB2_4-.Ltmp4, $1  }
0x3c: {  	_ =	sdelay $0x3  }
.LBB2_6:
0x3d: {  	_ =	sfence.sel $0x180000  }
0x3e: {  	s2 =	simm.s32 $0x2;
	[bflag:$0x0] =	sbarrier.arrive $0xFFFF  }
0x3f: {  	s30 =	simm.s32 $0x3;
	[sflag:s2] =	ssyncpa.u1 $0x1  }
0x40: {  	s31 =	simm.s32 $0x1;
	[sflag:s30] =	ssyncpa.u1 $0x1  }
0x41: {  	[sflag:s31] =	ssyncpa.u1 $0x1  }
0x42: {  	p0 =	sne.s32 s0, $0x0;
	_ =	strace $0x90000053  }
0x43: {  	s0 =	sadd.s32 @!p0 $0x100000, s1;
	[bflag:$0x2] =	sbarrier.arrive $0xFFFF  }
0x44: {  	[sflag:s0] =	ssyncadd.tile.s32 @!p0 $0x1;
	_ =	shalt  }
.Lfunc_end2:
_tile_overlayer_lowered:
.L_overlay_start_2:
0x45: {  	(tag) =	ssettag $0x2  }
0x46: {  	s0 =	rddreg [dreg:$0x0];
	s2 =	stileid.u32  }
0x47: {  	s1 =	rddreg [dreg:$0x1];
	p0 =	sne.s32 s2, $0x0  }
0x48: {  	s3 =	rddreg [dreg:$0x2];
	[bflag:$0x3] =	sbarrier.arrive $0xFFFF;
	s2 =	simm.s32 @!p0 $0x1C01  }
0x49: {  	[timem:s3], [sflag:s2] =	dma.local @!p0 [hbm:s0], s1  }
0x4a: {  	s0 =	simm.s32 @!p0 $0x1  }
0x4b: {  	_ =	swait.ge @!p0 [sflag:s0], s1  }
0x4c: {  	s1 =	ssub.s32 @!p0 $0x0, s1;
	[sflag:s0] =	ssyncset.done @!p0 $0x0  }
0x4d: {  	[sflag:s0] =	ssyncadd.s32 @!p0 s1  }
0x4e: {  	[bflag:$0x3] =	sbarrier.arrive $0xFFFF  }
0x4f: {  	_ =	shalt  }

// kernel: gather_offload_async_start.4
scs
__scs_entry_jumppad:
0x0: {  	(pc) =	sbr.rel $0x88, $3  }
0x1: {  	(tag) =	ssettag $0x0;
	lr =	simm.s32 $0x1  }
0x2: {  	[smem:$0x3F92] =	sst lr;
	_ =	strace $0xD0000000  }
0x3: {  	_ = 	snop  }
0x4: {  	_ = 	snop  }
0x5: {  	_ = 	snop  }
0x6: {  	_ = 	snop  }
0x7: {  	_ = 	snop  }
__scs_overlays_trampoline_lowered:
0x8: {  	[smem:$0x3FA1] =	sst s0  }
0x9: {  	[smem:$0x3FA2] =	sst s1  }
0xa: {  	[smem:$0x3FA3] =	sst s2  }
0xb: {  	[smem:$0x3FA4] =	sst s3  }
0xc: {  	[smem:$0x3FA5] =	sst s4  }
0xd: {  	[smem:$0x3FA6] =	sst s5  }
0xe: {  	[smem:$0x3FA7] =	sst s6  }
0xf: {  	[smem:$0x3FA8] =	sst s7  }
0x10: {  	[smem:$0x3FA9] =	sst s8  }
0x11: {  	[smem:$0x3FAA] =	sst s9;
	s0 =	simm.s32 @!p0 $0x0  }
0x12: {  	s1 =	sld [smem:$0x3F90];
	s0 =	simm.s32 @p0 $0x1  }
0x13: {  	[smem:$0x3FAB] =	sst s0;
	s0 =	simm.s32 @!p1 $0x0  }
0x14: {  	s2 =	sld [smem:$0x3F8F];
	s0 =	simm.s32 @p1 $0x1  }
0x15: {  	[smem:$0x3FAC] =	sst s0;
	s0 =	simm.s32 @!p2 $0x0  }
0x16: {  	s3 =	sld [smem:$0x3FDB];
	s0 =	simm.s32 @p2 $0x1  }
0x17: {  	s4 =	simm.s32 $0x1BF5;
	[smem:$0x3FAE] =	sst s0  }
0x18: {  	s0 =	sld [smem:$0x3F91];
	_ =	swait.ge [sflag:s4], $0x0  }
0x19: {  	s7 =	sld [smem:$0x3F92]  }
0x1a: {  	s8 =	sadd.s32 $0xFFFFE003, lr  }
0x1b: {  	s9 =	sadd.s32 $0xFFFFFEF7, lr;
	s5 =	simm.s32 $0xFFFFFFFF;
	p2 =	slt.u32 s8, $0xFFFFF086  }
0x1c: {  	p1 =	slt.u32 s9, $0xF7A;
	s5 =	simm.s32 @!p2 $0x0  }
0x1d: {  	s5 =	simm.s32 @p1 $0x1;
	p0 =	seq.s32 s7, s2  }
0x1e: {  	s7 =	smul.u32 @!p0 $0xF7A, s2;
	p2 =	seq.s32 @!p0 s5, $0x0  }
0x1f: {  	s9 =	smul.u32 $0xF7A, s1;
	s8 =	simm.s32 @!p0 $0x1BF5;
	p2 =	por !p2, p0  }
0x20: {  	[sflag:s8] =	ssyncset.s32 @!p0 $0xFFFFF086;
	s6 =	sadd.s32 @!p0 s3, s7;
	s7 =	simm.s32 @!p0 $0x108  }
0x21: {  	s3 =	sadd.s32 s3, s9;
	s6 =	sadd.s32 @!p0 $0x88, s6;
	s7 =	simm.s32 @p2 $0x1082  }
0x22: {  	[simem:s7], [sflag:s8] =	dma.local @!p0 [hbm:s6], $0xF7A  }
0x23: {  	s9 =	sor.u32 $0xD0000000, s2;
	s6 =	simm.s32 $0x108;
	_ =	swait.ge @!p0 [sflag:s8], $0x0  }
0x24: {  	s3 =	sadd.s32 $0x88, s3;
	s6 =	simm.s32 @!p1 $0x1082;
	[sflag:s4] =	ssyncset.s32 $0xFFFFF086  }
0x25: {  	[simem:s6], [sflag:s4] =	dma.local [hbm:s3], $0xF7A  }
0x26: {  	[smem:$0x3F92] =	sst s1;
	(tag) =	ssettag s2;
	_ =	strace s9  }
0x27: {  	s1 =	sld [smem:$0x3FA2]  }
0x28: {  	s2 =	sld [smem:$0x3FA3]  }
0x29: {  	s4 =	sld [smem:$0x3FA5]  }
0x2a: {  	p0 =	seq.s32 s5, $0x0;
	s5 =	sld [smem:$0x3FA6]  }
0x2b: {  	s6 =	sld [smem:$0x3FA7]  }
0x2c: {  	s7 =	sld [smem:$0x3FA8]  }
0x2d: {  	s3 =	simm.s32 $0x108;
	s8 =	sld [smem:$0x3FA9]  }
0x2e: {  	s3 =	simm.s32 @!p0 $0x1082;
	s9 =	sld [smem:$0x3FAA]  }
0x2f: {  	lr =	sadd.s32 s0, s3;
	s0 =	sld [smem:$0x3FA1]  }
0x30: {  	s3 =	sld [smem:$0x3FA4]  }
0x31: {  	[smem:$0x3FAD] =	sst s10  }
0x32: {  	s10 =	sld [smem:$0x3FAB];
	_ =	sdelay $0x3  }
0x33: {  	p0 =	seq.s32 s10, $0x1;
	s10 =	sld [smem:$0x3FAD];
	_ =	sdelay $0x3  }
0x34: {  	[smem:$0x3FAD] =	sst s10  }
0x35: {  	s10 =	sld [smem:$0x3FAC];
	_ =	sdelay $0x3  }
0x36: {  	p1 =	seq.s32 s10, $0x1;
	s10 =	sld [smem:$0x3FAD];
	_ =	sdelay $0x3  }
0x37: {  	[smem:$0x3FAD] =	sst s10  }
0x38: {  	s10 =	sld [smem:$0x3FAE]  }
0x39: {  	_ = 	snop;
	(pc) =	sbr.ind lr, $3  }
0x3a: {  	_ = 	snop  }
0x3b: {  	_ = 	snop  }
0x3c: {  	p2 =	seq.s32 s10, $0x1;
	s10 =	sld [smem:$0x3FAD]  }
0x3d: {  	_ =	shalt  }
0x3e: {  	_ =	shalt  }
0x3f: {  	_ =	shalt  }
0x40: {  	_ =	shalt  }
0x41: {  	_ =	shalt  }
0x42: {  	_ =	shalt  }
0x43: {  	_ =	shalt  }
0x44: {  	_ =	shalt  }
0x45: {  	_ =	shalt  }
0x46: {  	_ =	shalt  }
0x47: {  	_ =	shalt  }
0x48: {  	_ =	shalt  }
0x49: {  	_ =	shalt  }
0x4a: {  	_ =	shalt  }
0x4b: {  	_ =	shalt  }
0x4c: {  	_ =	shalt  }
0x4d: {  	_ =	shalt  }
0x4e: {  	_ =	shalt  }
0x4f: {  	_ =	shalt  }
0x50: {  	_ =	shalt  }
0x51: {  	_ =	shalt  }
0x52: {  	_ =	shalt  }
0x53: {  	_ =	shalt  }
0x54: {  	_ =	shalt  }
0x55: {  	_ =	shalt  }
0x56: {  	_ =	shalt  }
0x57: {  	_ =	shalt  }
0x58: {  	_ =	shalt  }
0x59: {  	_ =	shalt  }
0x5a: {  	_ =	shalt  }
0x5b: {  	_ =	shalt  }
0x5c: {  	_ =	shalt  }
0x5d: {  	_ =	shalt  }
0x5e: {  	_ =	shalt  }
0x5f: {  	_ =	shalt  }
0x60: {  	_ =	shalt  }
0x61: {  	_ =	shalt  }
0x62: {  	_ =	shalt  }
0x63: {  	_ =	shalt  }
0x64: {  	_ =	shalt  }
0x65: {  	_ =	shalt  }
0x66: {  	_ =	shalt  }
0x67: {  	_ =	shalt  }
0x68: {  	_ =	shalt  }
0x69: {  	_ =	shalt  }
0x6a: {  	_ =	shalt  }
0x6b: {  	_ =	shalt  }
0x6c: {  	_ =	shalt  }
0x6d: {  	_ =	shalt  }
0x6e: {  	_ =	shalt  }
0x6f: {  	_ =	shalt  }
0x70: {  	_ =	shalt  }
0x71: {  	_ =	shalt  }
0x72: {  	_ =	shalt  }
0x73: {  	_ =	shalt  }
0x74: {  	_ =	shalt  }
0x75: {  	_ =	shalt  }
0x76: {  	_ =	shalt  }
0x77: {  	_ =	shalt  }
0x78: {  	_ =	shalt  }
0x79: {  	_ =	shalt  }
0x7a: {  	_ =	shalt  }
0x7b: {  	_ =	shalt  }
0x7c: {  	_ =	shalt  }
0x7d: {  	_ =	shalt  }
0x7e: {  	_ =	shalt  }
0x7f: {  	_ =	shalt  }
0x80: {  	_ =	shalt  }
0x81: {  	_ =	shalt  }
0x82: {  	_ =	shalt  }
0x83: {  	_ =	shalt  }
0x84: {  	_ =	shalt  }
0x85: {  	_ =	shalt  }
0x86: {  	_ =	shalt  }
0x87: {  	_ =	shalt  }
.Lfunc_end0:
.L_simem_size_0:
called_computation.4_lowered:
.L_overlay_start_0:
0x88: {  	s2 =	sld [smem:$0x3FD9]  }
0x89: {  	s3 =	sld [smem:$0x3FFE];
	_ =	sdelay $0x1  }
0x8a: {  	s1 =	srdreg.scid  }
0x8b: {  	s0 =	sand.u32 $0x1, s1  }
0x8c: {  	s17 =	sshll.u32 s0, $0xA;
	s2 =	sadd.s32 s3, s2  }
0x8d: {  	s2 =	sadd.s32 s2, s17  }
0x8e: {  	[smem:$0x3FB9] =	sst s2  }
0x8f: {  	_ = 	snop  }
0x90: {  	s18 =	sld [smem:$0x3FD0];
	(tm) =	ssettm $0x1  }
0x91: {  	s19 =	sld [smem:$0x3FFB];
	_ =	sdelay $0x3  }
0x92: {  	_ =	strace s19  }
0x93: {  	s2 =	sld [smem:$0x3FFC];
	_ =	sdelay $0x3  }
0x94: {  	_ =	strace s2  }
0x95: {  	s2 =	sld [smem:$0x3FFD];
	_ =	sdelay $0x3  }
0x96: {  	_ =	strace s2  }
0x97: {  	_ =	strace $0x8FFFFFFF  }
0x98: {  	s20 =	sld [smem:$0x3FDB];
	_ =	sdelay $0x1  }
0x99: {  	s4 =	simm.s32 $_scs_section_size  }
0x9a: {  	s5 =	simm.s32 $_size__tile_overlayer_lowered;
	s6 =	simm.s32 $_tile_overlayer_lowered  }
0x9b: {  	s7 =	simm.s32 $0x1BFF;
	s21 =	sshll.u32 s6, $0x1;
	s4 =	sadd.s32 s4, s20  }
0x9c: {  	s22 =	simm.s32 $0x0;
	s5 =	sshll.u32 s5, $0x1;
	s6 =	sadd.s32 s21, s4  }
0x9d: {  	[timem:s22], [sflag:s7] =	dma.local [hbm:s6], s5  }
0x9e: {  	_ =	swait.ge [sflag:s7], s5  }
0x9f: {  	s5 =	ssub.s32 $0x0, s5;
	[sflag:s7] =	ssyncset.done $0x0  }
0xa0: {  	[sflag:s7] =	ssyncadd.s32 s5;
	_ =	sdelay $0x1  }
0xa1: {  	s23 =	simm.s32 $0x1B8B  }
0xa2: {  	_ =	swait.ge [sflag:s23], $0x1  }
0xa3: {  	[sflag:s23] =	ssyncset.done $0x0  }
0xa4: {  	[sflag:s23] =	ssyncadd.s32 $0xFFFFFFFF  }
0xa5: {  	s5 =	sld [smem:$0x0]  }
0xa6: {  	s6 =	sand.u32 $0xFFFFFFFE, s1  }
0xa7: {  	p0 =	sne.s32 s1, s6  }
0xa8: {  	s6 =	sshll.u32 @p0 s6, $0xE  }
0xa9: {  	s6 =	sadd.s32 @p0 $0x11B8D, s6;
	s7 =	sshll.u32 @p0 s5, $0x11  }
0xaa: {  	s6 =	sor.u32 @p0 s7, s6  }
0xab: {  	[sflag:s6] =	ssyncadd.remote.s32 @p0 $0x1;
	_ =	sdelay $0x1  }
0xac: {  	s6 =	simm.s32 @p0 $0x1B8D  }
0xad: {  	_ =	swait.eq @p0 [sflag:s6], $0x1  }
0xae: {  	[sflag:s6] =	ssyncadd.s32 @p0 $0xFFFFFFFF  }
0xaf: {  	s7 =	sshll.u32 @!p0 s1, $0xE  }
0xb0: {  	s7 =	sor.u32 @!p0 $0x4000, s7;
	s6 =	simm.s32 @!p0 $0x1B8D  }
0xb1: {  	s5 =	sshll.u32 @!p0 s5, $0x11;
	s7 =	sadd.s32 @!p0 $0x11B8D, s7;
	_ =	swait.eq @!p0 [sflag:s6], $0x1  }
0xb2: {  	s5 =	sor.u32 @!p0 s5, s7;
	[sflag:s6] =	ssyncadd.s32 @!p0 $0xFFFFFFFF  }
0xb3: {  	s25 =	simm.s32 $0x1B8E;
	s24 =	sld [smem:$0x3FFE];
	[sflag:s5] =	ssyncadd.remote.s32 @!p0 $0x1  }
0xb4: {  	s26 =	simm.s32 $execute0_lowered;
	[smem:$0x3FD2] =	sst s25  }
0xb5: {  	s6 =	sshll.u32 s26, $0x1;
	_ =	strace $0x80000055;
	[dreg:$0x1] =	wrdreg $0xFFFFFFFF  }
0xb6: {  	s28 =	simm.s32 $_size_execute0_lowered;
	s4 =	sadd.s32 s4, s6;
	[dreg:$0x0] =	wrdreg $0x0  }
0xb7: {  	s6 =	sshll.u32 s28, $0x1;
	[dreg:$0x2] =	wrdreg s4  }
0xb8: {  	[dreg:$0x3] =	wrdreg s6  }
0xb9: {  	[dreg:$0x4] =	wrdreg $0xC0  }
0xba: {  	_ =	task [dreg:s22], $0x5FFFF  }
0xbb: {  	[dreg:$0x1] =	wrdreg $0xFFFFFFFF  }
0xbc: {  	[dreg:$0x0] =	wrdreg $0x60  }
0xbd: {  	[dreg:$0x2] =	wrdreg s24  }
0xbe: {  	[dreg:$0x3] =	wrdreg s18  }
0xbf: {  	[dreg:$0x4] =	wrdreg $0xB  }
0xc0: {  	_ =	task.clear_ibuf [dreg:s22], $0x5FFFF;
	_ =	strace $0x90000055  }
0xc1: {  	s29 =	simm.s32 $0xB;
	_ =	strace $0x80000057  }
0xc2: {  	_ =	swait.ge [sflag:s29], $0x1  }
0xc3: {  	[sflag:s29] =	ssyncadd.s32 $0xFFFFFFFF  }
0xc4: {  	_ =	strace $0x90000057  }
0xc5: {  	_ =	sfence  }
0xc6: {  	s30 =	sld [smem:$0x0];
	_ =	sdelay $0x2  }
0xc7: {  	s31 =	sshll.u32 s1, $0xD;
	s1 =	sshrl.u32 s1, $0x2  }
0xc8: {  	s4 =	sand.u32 $0x4000, s31;
	s1 =	sadd.s32 s1, s30  }
0xc9: {  	s0 =	sor.u32 s4, s0;
	s1 =	sshll.u32 s1, $0x11  }
0xca: {  	s0 =	sor.u32 s1, s0  }
0xcb: {  	s0 =	sadd.s32 $0x8F2B, s0  }
0xcc: {  	[sflag:s0] =	ssyncadd.remote.s32 $0x1  }
0xcd: {  	_ =	sfence.sel $0xFFFF  }
0xce: {  	[dreg:$0x0] =	wrdreg $0xFFFFFFFF;
	(pc) =	sbr.abs _section_cstart, $3  }
0xcf: {  	[dreg:$0x1] =	wrdreg $0xFFFFFFFF  }
0xd0: {  	_ =	task.clear_ibuf [dreg:s22], $0x2FFFF;
	_ =	strace $0x9FFFFFFF  }
0xd1: {  	(tm) =	ssettm $0x7FFFFFFF  }
tec
execute0_lowered:
.L_overlay_start_1:
0x0: {  	(tag) =	ssettag $0x1  }
0x1: {  	s8 =	rddreg [dreg:$0x0];
	s0 =	stileid.u32  }
0x2: {  	s1 =	srdreg.scid;
	s2 =	rddreg [dreg:$0x1]  }
0x3: {  	s5 =	simm.s32 $0x1;
	s9 =	simm.s32 $0x1;
	s10 =	simm.s32 $0x3  }
0x4: {  	s13 =	simm.s32 $0x0;
	s3 =	sand.u32 $0x1, s1;
	s4 =	sshll.u32 s0, $0x1  }
0x5: {  	s12 =	simm.s32 $0x0;
	s1 =	rddreg [dreg:$0x2];
	s6 =	sor.u32 s4, s3  }
0x6: {  	_ =	strace $0x80000056;
	s3 =	sadd.s32 $0x21000, s8;
	s4 =	smul.u32 $0x1140, s6  }
0x7: {  	[sflag:s5] =	ssyncpa.u1 $0x0;
	p0 =	slt.u32 s6, $0x9;
	s6 =	simm.s32 $0x22800  }
.Ltmp0:
0x8: {  	s6 =	simm.s32 @!p0 $0x0;
	s7 =	ssub.s32 $0x2B200, s4;
	(pc) =	sbr.rel .LBB2_1-.Ltmp0, $4  }
0x9: {  	s9 =	simm.s32 @!p0 $0x0;
	p0 =	sne.s32 s7, s6;
	s7 =	simm.s32 $0x1  }
0xa: {  	s8 =	sadd.s32 $0x2B800, s8;
	s6 =	simm.s32 $0x2;
	s7 =	simm.s32 @!p0 $0x0  }
0xb: {  	s11 =	smov.u32 s4;
	[sflag:s6] =	ssyncpa.u1 $0x0;
	s7 =	sadd.s32 s9, s7  }
0xc: {  	vm0 =	vmmov $0xffff;
	[sflag:s10] =	ssyncpa.u1 $0x0;
	s10 =	simm.s32 $0x0;
	s9 =	sadd.s32 $0x1, s7  }
.LBB2_4:
0xd: {  	v2 =	vnsel vm1, $0x0, v2  }
0xe: {  	vm1 =	vgt.s32 v0, $0x0;
	v2 =	vmin.u32 v2, $0x270FF  }
0xf: {  	v0 =	vnsel vm1, $0x0, v0  }
0x10: {  	v0 =	vmin.u32 v0, $0x270FF  }
0x11: {  	[tilespmem:s18], [sflag:$0x1] =	stream.indirect_vreg.gather [hbm4b:s3+s10], $0x1, v1, vm0, $0x4038;
	[tilespmem:$0x4500] =	vst v63  }
0x12: {  	(ifvalue) =	ssetifvalue $0x7FFFFFFF  }
0x13: {  	[tilespmem:s15], [sflag:$0x1] =	stream.indirect_vreg.gather [hbm4b:s3+s10], $0x1, v2, vm0, $0x4038;
	[tilespmem:$0x4500] =	vst v63  }
0x14: {  	s29 =	sadd.s32 $0x10, s15;
	(ifvalue) =	ssetifvalue $0x7FFFFFFF  }
0x15: {  	[tilespmem:s29], [sflag:$0x1] =	stream.indirect_vreg.gather [hbm4b:s3+s10], $0x1, v0, vm0, $0x4038;
	[tilespmem:$0x4500] =	vst v63  }
0x16: {  	_ =	swait.ge [sflag:s5], $0x1140  }
0x17: {  	s30 =	sshrl.u32 s13, $0x3;
	[sflag:s5] =	ssyncset.done $0x0  }
0x18: {  	s31 =	sand.u32 $0x7, s13;
	s15 =	sadd.s32 s8, s30;
	[sflag:s5] =	ssyncadd.s32 $0xFFFFEEC0  }
0x19: {  	[hbm4b:s15+s31] =	stream.linear.scatter [tilespmem:s14], [sflag:$0x3], $0x1140, $0x38;
	[tilespmem:$0x4500] =	vst v63  }
.LBB2_5:
0x1a: {  	s15 =	sadd.s32 $0x22800, s11  }
0x1b: {  	p1 =	sgt.s32 s15, $0x2B1FF  }
0x1c: {  	s15 =	smov.u32 @p1 s4;
	p1 =	sne.s32 s12, s9  }
.Ltmp1:
0x1d: {  	p0 =	slt.u32 s12, $0x2;
	(pc) =	sbr.rel @!p1 .LBB2_6-.Ltmp1, $4  }
0x1e: {  	s14 =	simm.s32 @!p0 $0x3  }
0x1f: {  	_ =	swait.ge @!p0 [sflag:s14], $0x1140  }
0x20: {  	s16 =	sadd.s32 $0x1, s12;
	s13 =	smov.u32 s11;
	[sflag:s14] =	ssyncset.done @!p0 $0x0  }
0x21: {  	s12 =	smov.u32 s16;
	s11 =	smov.u32 s15;
	[sflag:s14] =	ssyncadd.s32 @!p0 $0xFFFFEEC0  }
.LBB2_1:
0x22: {  	p0 =	sge.u32 s12, s7  }
0x23: {  	s14 =	sxor.u32 @!p0 $0x1, s12  }
0x24: {  	s14 =	smul.u32 @!p0 $0x4500, s14  }
0x25: {  	s31 =	sadd.s32 $0xFFFFFFFF, s12;
	s15 =	sshrl.u32 @!p0 s11, $0x3  }
0x26: {  	s16 =	sand.u32 @!p0 $0x7, s11;
	s15 =	sadd.s32 @!p0 s2, s15;
	s14 =	sshra.s32 @!p0 s14, $0x2  }
0x27: {  	[tilespmem:s14], [sflag:$0x2] =	stream.linear.gather @!p0 [hbm4b:s15+s16], $0x1140, $0x38;
	[tilespmem:$0x4500] =	vst v63  }
0x28: {  	p0 =	sge.u32 s31, s7  }
.Ltmp2:
0x29: {  	_ = 	snop;
	(pc) =	sbr.rel @p0 .LBB2_5-.Ltmp2, $1  }
0x2a: {  	_ =	sdelay $0x3  }
0x2b: {  	s14 =	sand.u32 $0x1, s12  }
0x2c: {  	_ =	swait.ge [sflag:s6], $0x1140;
	p0 =	seq.s32 s14, $0x1;
	s14 =	simm.s32 $0x1140  }
0x2d: {  	[sflag:s6] =	ssyncset.done $0x0;
	s14 =	simm.s32 @!p0 $0x0  }
0x2e: {  	[sflag:s6] =	ssyncadd.s32 $0xFFFFEEC0;
	(ifvalue) =	ssetifvalue $0x7FFFFFFF;
	v0 =	vld.msk [tilespmem:s14+$0x0 ss:$0x1], $0xffff;
	_ =	sdelay $0x4  }
0x2f: {  	s15 =	sadd.s32 $0x10, s14;
	vm1 =	vgt.s32 v0, $0x0  }
0x30: {  	v2 =	vld.msk [tilespmem:s15+$0x0 ss:$0x1], $0xffff;
	v1 =	vnsel vm1, $0x0, v0  }
0x31: {  	v1 =	vmin.u32 v1, $0x270FF;
	_ =	sdelay $0x2  }
0x32: {  	s17 =	simm.s32 $0x20;
	s14 =	sor.u32 $0x2280, s14;
	s16 =	sadd.s32 $0x10, s15  }
0x33: {  	s15 =	sadd.s32 $0x10, s14;
	s18 =	smov.u32 s14;
	v0 =	vld.msk [tilespmem:s16+$0x0 ss:$0x1], $0xffff;
	vm1 =	vgt.s32 v2, $0x0;
	(ifvalue) =	ssetifvalue $0x7FFFFFFF  }
.LBB2_3:
0x34: {  	[tilespmem:s18], [sflag:$0x1] =	stream.indirect_vreg.gather [hbm4b:s3+s10], $0x1, v1, vm0, $0x4038;
	[tilespmem:$0x4500] =	vst v63  }
0x35: {  	s17 =	sadd.s32 $0x10, s17  }
0x36: {  	v2 =	vnsel vm1, $0x0, v2;
	p0 =	slt.u32 s17, $0x1130  }
.Ltmp3:
0x37: {  	s18 =	smov.u32 s15;
	v1 =	vmin.u32 v2, $0x270FF;
	(pc) =	sbr.rel @p0 .LBB2_3-.Ltmp3, $3  }
0x38: {  	_ =	sdelay $0x1  }
0x39: {  	s16 =	sadd.s32 $0x10, s16  }
0x3a: {  	vm1 =	vgt.s32 v0, $0x0;
	s15 =	sadd.s32 $0x10, s15;
	v2 =	vmov v0;
	(ifvalue) =	ssetifvalue $0x7FFFFFFF;
	v0 =	vld.msk [tilespmem:s16+$0x0 ss:$0x1], $0xffff  }
.Ltmp4:
0x3b: {  	_ = 	snop;
	(pc) =	sbr.rel .LBB2_4-.Ltmp4, $1  }
0x3c: {  	_ =	sdelay $0x3  }
.LBB2_6:
0x3d: {  	_ =	sfence.sel $0x180000  }
0x3e: {  	s2 =	simm.s32 $0x2;
	[bflag:$0x0] =	sbarrier.arrive $0xFFFF  }
0x3f: {  	s30 =	simm.s32 $0x3;
	[sflag:s2] =	ssyncpa.u1 $0x1  }
0x40: {  	s31 =	simm.s32 $0x1;
	[sflag:s30] =	ssyncpa.u1 $0x1  }
0x41: {  	[sflag:s31] =	ssyncpa.u1 $0x1  }
0x42: {  	p0 =	sne.s32 s0, $0x0;
	_ =	strace $0x90000056  }
0x43: {  	s0 =	sadd.s32 @!p0 $0x100000, s1;
	[bflag:$0x2] =	sbarrier.arrive $0xFFFF  }
0x44: {  	[sflag:s0] =	ssyncadd.tile.s32 @!p0 $0x1;
	_ =	shalt  }
.Lfunc_end2:
_tile_overlayer_lowered:
.L_overlay_start_2:
0x45: {  	(tag) =	ssettag $0x2  }
0x46: {  	s0 =	rddreg [dreg:$0x0];
	s2 =	stileid.u32  }
0x47: {  	s1 =	rddreg [dreg:$0x1];
	p0 =	sne.s32 s2, $0x0  }
0x48: {  	s3 =	rddreg [dreg:$0x2];
	[bflag:$0x3] =	sbarrier.arrive $0xFFFF;
	s2 =	simm.s32 @!p0 $0x1C01  }
0x49: {  	[timem:s3], [sflag:s2] =	dma.local @!p0 [hbm:s0], s1  }
0x4a: {  	s0 =	simm.s32 @!p0 $0x1  }
0x4b: {  	_ =	swait.ge @!p0 [sflag:s0], s1  }
0x4c: {  	s1 =	ssub.s32 @!p0 $0x0, s1;
	[sflag:s0] =	ssyncset.done @!p0 $0x0  }
0x4d: {  	[sflag:s0] =	ssyncadd.s32 @!p0 s1  }
0x4e: {  	[bflag:$0x3] =	sbarrier.arrive $0xFFFF  }
0x4f: {  	_ =	shalt  }

// kernel: gather_offload_async_start.5
scs
__scs_entry_jumppad:
0x0: {  	(pc) =	sbr.rel $0x88, $3  }
0x1: {  	(tag) =	ssettag $0x0;
	lr =	simm.s32 $0x1  }
0x2: {  	[smem:$0x3F92] =	sst lr;
	_ =	strace $0xD0000000  }
0x3: {  	_ = 	snop  }
0x4: {  	_ = 	snop  }
0x5: {  	_ = 	snop  }
0x6: {  	_ = 	snop  }
0x7: {  	_ = 	snop  }
__scs_overlays_trampoline_lowered:
0x8: {  	[smem:$0x3FA1] =	sst s0  }
0x9: {  	[smem:$0x3FA2] =	sst s1  }
0xa: {  	[smem:$0x3FA3] =	sst s2  }
0xb: {  	[smem:$0x3FA4] =	sst s3  }
0xc: {  	[smem:$0x3FA5] =	sst s4  }
0xd: {  	[smem:$0x3FA6] =	sst s5  }
0xe: {  	[smem:$0x3FA7] =	sst s6  }
0xf: {  	[smem:$0x3FA8] =	sst s7  }
0x10: {  	[smem:$0x3FA9] =	sst s8  }
0x11: {  	[smem:$0x3FAA] =	sst s9;
	s0 =	simm.s32 @!p0 $0x0  }
0x12: {  	s1 =	sld [smem:$0x3F90];
	s0 =	simm.s32 @p0 $0x1  }
0x13: {  	[smem:$0x3FAB] =	sst s0;
	s0 =	simm.s32 @!p1 $0x0  }
0x14: {  	s2 =	sld [smem:$0x3F8F];
	s0 =	simm.s32 @p1 $0x1  }
0x15: {  	[smem:$0x3FAC] =	sst s0;
	s0 =	simm.s32 @!p2 $0x0  }
0x16: {  	s3 =	sld [smem:$0x3FDB];
	s0 =	simm.s32 @p2 $0x1  }
0x17: {  	s4 =	simm.s32 $0x1BF5;
	[smem:$0x3FAE] =	sst s0  }
0x18: {  	s0 =	sld [smem:$0x3F91];
	_ =	swait.ge [sflag:s4], $0x0  }
0x19: {  	s7 =	sld [smem:$0x3F92]  }
0x1a: {  	s8 =	sadd.s32 $0xFFFFE003, lr  }
0x1b: {  	s9 =	sadd.s32 $0xFFFFFEF7, lr;
	s5 =	simm.s32 $0xFFFFFFFF;
	p2 =	slt.u32 s8, $0xFFFFF086  }
0x1c: {  	p1 =	slt.u32 s9, $0xF7A;
	s5 =	simm.s32 @!p2 $0x0  }
0x1d: {  	s5 =	simm.s32 @p1 $0x1;
	p0 =	seq.s32 s7, s2  }
0x1e: {  	s7 =	smul.u32 @!p0 $0xF7A, s2;
	p2 =	seq.s32 @!p0 s5, $0x0  }
0x1f: {  	s9 =	smul.u32 $0xF7A, s1;
	s8 =	simm.s32 @!p0 $0x1BF5;
	p2 =	por !p2, p0  }
0x20: {  	[sflag:s8] =	ssyncset.s32 @!p0 $0xFFFFF086;
	s6 =	sadd.s32 @!p0 s3, s7;
	s7 =	simm.s32 @!p0 $0x108  }
0x21: {  	s3 =	sadd.s32 s3, s9;
	s6 =	sadd.s32 @!p0 $0x88, s6;
	s7 =	simm.s32 @p2 $0x1082  }
0x22: {  	[simem:s7], [sflag:s8] =	dma.local @!p0 [hbm:s6], $0xF7A  }
0x23: {  	s9 =	sor.u32 $0xD0000000, s2;
	s6 =	simm.s32 $0x108;
	_ =	swait.ge @!p0 [sflag:s8], $0x0  }
0x24: {  	s3 =	sadd.s32 $0x88, s3;
	s6 =	simm.s32 @!p1 $0x1082;
	[sflag:s4] =	ssyncset.s32 $0xFFFFF086  }
0x25: {  	[simem:s6], [sflag:s4] =	dma.local [hbm:s3], $0xF7A  }
0x26: {  	[smem:$0x3F92] =	sst s1;
	(tag) =	ssettag s2;
	_ =	strace s9  }
0x27: {  	s1 =	sld [smem:$0x3FA2]  }
0x28: {  	s2 =	sld [smem:$0x3FA3]  }
0x29: {  	s4 =	sld [smem:$0x3FA5]  }
0x2a: {  	p0 =	seq.s32 s5, $0x0;
	s5 =	sld [smem:$0x3FA6]  }
0x2b: {  	s6 =	sld [smem:$0x3FA7]  }
0x2c: {  	s7 =	sld [smem:$0x3FA8]  }
0x2d: {  	s3 =	simm.s32 $0x108;
	s8 =	sld [smem:$0x3FA9]  }
0x2e: {  	s3 =	simm.s32 @!p0 $0x1082;
	s9 =	sld [smem:$0x3FAA]  }
0x2f: {  	lr =	sadd.s32 s0, s3;
	s0 =	sld [smem:$0x3FA1]  }
0x30: {  	s3 =	sld [smem:$0x3FA4]  }
0x31: {  	[smem:$0x3FAD] =	sst s10  }
0x32: {  	s10 =	sld [smem:$0x3FAB];
	_ =	sdelay $0x3  }
0x33: {  	p0 =	seq.s32 s10, $0x1;
	s10 =	sld [smem:$0x3FAD];
	_ =	sdelay $0x3  }
0x34: {  	[smem:$0x3FAD] =	sst s10  }
0x35: {  	s10 =	sld [smem:$0x3FAC];
	_ =	sdelay $0x3  }
0x36: {  	p1 =	seq.s32 s10, $0x1;
	s10 =	sld [smem:$0x3FAD];
	_ =	sdelay $0x3  }
0x37: {  	[smem:$0x3FAD] =	sst s10  }
0x38: {  	s10 =	sld [smem:$0x3FAE]  }
0x39: {  	_ = 	snop;
	(pc) =	sbr.ind lr, $3  }
0x3a: {  	_ = 	snop  }
0x3b: {  	_ = 	snop  }
0x3c: {  	p2 =	seq.s32 s10, $0x1;
	s10 =	sld [smem:$0x3FAD]  }
0x3d: {  	_ =	shalt  }
0x3e: {  	_ =	shalt  }
0x3f: {  	_ =	shalt  }
0x40: {  	_ =	shalt  }
0x41: {  	_ =	shalt  }
0x42: {  	_ =	shalt  }
0x43: {  	_ =	shalt  }
0x44: {  	_ =	shalt  }
0x45: {  	_ =	shalt  }
0x46: {  	_ =	shalt  }
0x47: {  	_ =	shalt  }
0x48: {  	_ =	shalt  }
0x49: {  	_ =	shalt  }
0x4a: {  	_ =	shalt  }
0x4b: {  	_ =	shalt  }
0x4c: {  	_ =	shalt  }
0x4d: {  	_ =	shalt  }
0x4e: {  	_ =	shalt  }
0x4f: {  	_ =	shalt  }
0x50: {  	_ =	shalt  }
0x51: {  	_ =	shalt  }
0x52: {  	_ =	shalt  }
0x53: {  	_ =	shalt  }
0x54: {  	_ =	shalt  }
0x55: {  	_ =	shalt  }
0x56: {  	_ =	shalt  }
0x57: {  	_ =	shalt  }
0x58: {  	_ =	shalt  }
0x59: {  	_ =	shalt  }
0x5a: {  	_ =	shalt  }
0x5b: {  	_ =	shalt  }
0x5c: {  	_ =	shalt  }
0x5d: {  	_ =	shalt  }
0x5e: {  	_ =	shalt  }
0x5f: {  	_ =	shalt  }
0x60: {  	_ =	shalt  }
0x61: {  	_ =	shalt  }
0x62: {  	_ =	shalt  }
0x63: {  	_ =	shalt  }
0x64: {  	_ =	shalt  }
0x65: {  	_ =	shalt  }
0x66: {  	_ =	shalt  }
0x67: {  	_ =	shalt  }
0x68: {  	_ =	shalt  }
0x69: {  	_ =	shalt  }
0x6a: {  	_ =	shalt  }
0x6b: {  	_ =	shalt  }
0x6c: {  	_ =	shalt  }
0x6d: {  	_ =	shalt  }
0x6e: {  	_ =	shalt  }
0x6f: {  	_ =	shalt  }
0x70: {  	_ =	shalt  }
0x71: {  	_ =	shalt  }
0x72: {  	_ =	shalt  }
0x73: {  	_ =	shalt  }
0x74: {  	_ =	shalt  }
0x75: {  	_ =	shalt  }
0x76: {  	_ =	shalt  }
0x77: {  	_ =	shalt  }
0x78: {  	_ =	shalt  }
0x79: {  	_ =	shalt  }
0x7a: {  	_ =	shalt  }
0x7b: {  	_ =	shalt  }
0x7c: {  	_ =	shalt  }
0x7d: {  	_ =	shalt  }
0x7e: {  	_ =	shalt  }
0x7f: {  	_ =	shalt  }
0x80: {  	_ =	shalt  }
0x81: {  	_ =	shalt  }
0x82: {  	_ =	shalt  }
0x83: {  	_ =	shalt  }
0x84: {  	_ =	shalt  }
0x85: {  	_ =	shalt  }
0x86: {  	_ =	shalt  }
0x87: {  	_ =	shalt  }
.Lfunc_end0:
.L_simem_size_0:
called_computation.5_lowered:
.L_overlay_start_0:
0x88: {  	s2 =	sld [smem:$0x3FD9]  }
0x89: {  	s3 =	sld [smem:$0x3FFE];
	_ =	sdelay $0x1  }
0x8a: {  	s1 =	srdreg.scid  }
0x8b: {  	s0 =	sand.u32 $0x1, s1  }
0x8c: {  	s17 =	sshll.u32 s0, $0xA;
	s2 =	sadd.s32 s3, s2  }
0x8d: {  	s2 =	sadd.s32 s2, s17  }
0x8e: {  	[smem:$0x3FB9] =	sst s2  }
0x8f: {  	_ = 	snop  }
0x90: {  	s18 =	sld [smem:$0x3FD0];
	(tm) =	ssettm $0x1  }
0x91: {  	s19 =	sld [smem:$0x3FFB];
	_ =	sdelay $0x3  }
0x92: {  	_ =	strace s19  }
0x93: {  	s2 =	sld [smem:$0x3FFC];
	_ =	sdelay $0x3  }
0x94: {  	_ =	strace s2  }
0x95: {  	s2 =	sld [smem:$0x3FFD];
	_ =	sdelay $0x3  }
0x96: {  	_ =	strace s2  }
0x97: {  	_ =	strace $0x8FFFFFFF  }
0x98: {  	s20 =	sld [smem:$0x3FDB];
	_ =	sdelay $0x1  }
0x99: {  	s4 =	simm.s32 $_scs_section_size  }
0x9a: {  	s5 =	simm.s32 $_size__tile_overlayer_lowered;
	s6 =	simm.s32 $_tile_overlayer_lowered  }
0x9b: {  	s7 =	simm.s32 $0x1BFF;
	s21 =	sshll.u32 s6, $0x1;
	s4 =	sadd.s32 s4, s20  }
0x9c: {  	s22 =	simm.s32 $0x0;
	s5 =	sshll.u32 s5, $0x1;
	s6 =	sadd.s32 s21, s4  }
0x9d: {  	[timem:s22], [sflag:s7] =	dma.local [hbm:s6], s5  }
0x9e: {  	_ =	swait.ge [sflag:s7], s5  }
0x9f: {  	s5 =	ssub.s32 $0x0, s5;
	[sflag:s7] =	ssyncset.done $0x0  }
0xa0: {  	[sflag:s7] =	ssyncadd.s32 s5;
	_ =	sdelay $0x1  }
0xa1: {  	s23 =	simm.s32 $0x1B8B  }
0xa2: {  	_ =	swait.ge [sflag:s23], $0x1  }
0xa3: {  	[sflag:s23] =	ssyncset.done $0x0  }
0xa4: {  	[sflag:s23] =	ssyncadd.s32 $0xFFFFFFFF  }
0xa5: {  	s5 =	sld [smem:$0x0]  }
0xa6: {  	s6 =	sand.u32 $0xFFFFFFFE, s1  }
0xa7: {  	p0 =	sne.s32 s1, s6  }
0xa8: {  	s6 =	sshll.u32 @p0 s6, $0xE  }
0xa9: {  	s6 =	sadd.s32 @p0 $0x11B8D, s6;
	s7 =	sshll.u32 @p0 s5, $0x11  }
0xaa: {  	s6 =	sor.u32 @p0 s7, s6  }
0xab: {  	[sflag:s6] =	ssyncadd.remote.s32 @p0 $0x1;
	_ =	sdelay $0x1  }
0xac: {  	s6 =	simm.s32 @p0 $0x1B8D  }
0xad: {  	_ =	swait.eq @p0 [sflag:s6], $0x1  }
0xae: {  	[sflag:s6] =	ssyncadd.s32 @p0 $0xFFFFFFFF  }
0xaf: {  	s7 =	sshll.u32 @!p0 s1, $0xE  }
0xb0: {  	s7 =	sor.u32 @!p0 $0x4000, s7;
	s6 =	simm.s32 @!p0 $0x1B8D  }
0xb1: {  	s5 =	sshll.u32 @!p0 s5, $0x11;
	s7 =	sadd.s32 @!p0 $0x11B8D, s7;
	_ =	swait.eq @!p0 [sflag:s6], $0x1  }
0xb2: {  	s5 =	sor.u32 @!p0 s5, s7;
	[sflag:s6] =	ssyncadd.s32 @!p0 $0xFFFFFFFF  }
0xb3: {  	s25 =	simm.s32 $0x1B8E;
	s24 =	sld [smem:$0x3FFE];
	[sflag:s5] =	ssyncadd.remote.s32 @!p0 $0x1  }
0xb4: {  	s26 =	simm.s32 $execute0_lowered;
	[smem:$0x3FD2] =	sst s25  }
0xb5: {  	s6 =	sshll.u32 s26, $0x1;
	_ =	strace $0x8000004F;
	[dreg:$0x1] =	wrdreg $0xFFFFFFFF  }
0xb6: {  	s28 =	simm.s32 $_size_execute0_lowered;
	s4 =	sadd.s32 s4, s6;
	[dreg:$0x0] =	wrdreg $0x0  }
0xb7: {  	s6 =	sshll.u32 s28, $0x1;
	[dreg:$0x2] =	wrdreg s4  }
0xb8: {  	[dreg:$0x3] =	wrdreg s6  }
0xb9: {  	[dreg:$0x4] =	wrdreg $0xC0  }
0xba: {  	_ =	task [dreg:s22], $0x5FFFF  }
0xbb: {  	[dreg:$0x1] =	wrdreg $0xFFFFFFFF  }
0xbc: {  	[dreg:$0x0] =	wrdreg $0x60  }
0xbd: {  	[dreg:$0x2] =	wrdreg s24  }
0xbe: {  	[dreg:$0x3] =	wrdreg s18  }
0xbf: {  	[dreg:$0x4] =	wrdreg $0x9  }
0xc0: {  	_ =	task.clear_ibuf [dreg:s22], $0x5FFFF;
	_ =	strace $0x9000004F  }
0xc1: {  	s29 =	simm.s32 $0x9;
	_ =	strace $0x80000051  }
0xc2: {  	_ =	swait.ge [sflag:s29], $0x1  }
0xc3: {  	[sflag:s29] =	ssyncadd.s32 $0xFFFFFFFF  }
0xc4: {  	_ =	strace $0x90000051  }
0xc5: {  	_ =	sfence  }
0xc6: {  	s30 =	sld [smem:$0x0];
	_ =	sdelay $0x2  }
0xc7: {  	s31 =	sshll.u32 s1, $0xD;
	s1 =	sshrl.u32 s1, $0x2  }
0xc8: {  	s4 =	sand.u32 $0x4000, s31;
	s1 =	sadd.s32 s1, s30  }
0xc9: {  	s0 =	sor.u32 s4, s0;
	s1 =	sshll.u32 s1, $0x11  }
0xca: {  	s0 =	sor.u32 s1, s0  }
0xcb: {  	s0 =	sadd.s32 $0x8F2B, s0  }
0xcc: {  	[sflag:s0] =	ssyncadd.remote.s32 $0x1  }
0xcd: {  	_ =	sfence.sel $0xFFFF  }
0xce: {  	[dreg:$0x0] =	wrdreg $0xFFFFFFFF;
	(pc) =	sbr.abs _section_cstart, $3  }
0xcf: {  	[dreg:$0x1] =	wrdreg $0xFFFFFFFF  }
0xd0: {  	_ =	task.clear_ibuf [dreg:s22], $0x2FFFF;
	_ =	strace $0x9FFFFFFF  }
0xd1: {  	(tm) =	ssettm $0x7FFFFFFF  }
tec
execute0_lowered:
.L_overlay_start_1:
0x0: {  	(tag) =	ssettag $0x1  }
0x1: {  	s8 =	rddreg [dreg:$0x0];
	s0 =	stileid.u32  }
0x2: {  	s1 =	srdreg.scid;
	s2 =	rddreg [dreg:$0x1]  }
0x3: {  	s5 =	simm.s32 $0x1;
	s9 =	simm.s32 $0x1;
	s10 =	simm.s32 $0x3  }
0x4: {  	s13 =	simm.s32 $0x0;
	s3 =	sand.u32 $0x1, s1;
	s4 =	sshll.u32 s0, $0x1  }
0x5: {  	s12 =	simm.s32 $0x0;
	s1 =	rddreg [dreg:$0x2];
	s6 =	sor.u32 s4, s3  }
0x6: {  	_ =	strace $0x80000050;
	s3 =	sadd.s32 $0x17000, s8;
	s4 =	smul.u32 $0x1140, s6  }
0x7: {  	[sflag:s5] =	ssyncpa.u1 $0x0;
	p0 =	slt.u32 s6, $0x9;
	s6 =	simm.s32 $0x22800  }
.Ltmp0:
0x8: {  	s6 =	simm.s32 @!p0 $0x0;
	s7 =	ssub.s32 $0x2B200, s4;
	(pc) =	sbr.rel .LBB2_1-.Ltmp0, $4  }
0x9: {  	s9 =	simm.s32 @!p0 $0x0;
	p0 =	sne.s32 s7, s6;
	s7 =	simm.s32 $0x1  }
0xa: {  	s8 =	sadd.s32 $0x26000, s8;
	s6 =	simm.s32 $0x2;
	s7 =	simm.s32 @!p0 $0x0  }
0xb: {  	s11 =	smov.u32 s4;
	[sflag:s6] =	ssyncpa.u1 $0x0;
	s7 =	sadd.s32 s9, s7  }
0xc: {  	vm0 =	vmmov $0xffff;
	[sflag:s10] =	ssyncpa.u1 $0x0;
	s10 =	simm.s32 $0x0;
	s9 =	sadd.s32 $0x1, s7  }
.LBB2_4:
0xd: {  	v2 =	vnsel vm1, $0x0, v2  }
0xe: {  	vm1 =	vgt.s32 v0, $0x0;
	v2 =	vmin.u32 v2, $0x270FF  }
0xf: {  	v0 =	vnsel vm1, $0x0, v0  }
0x10: {  	v0 =	vmin.u32 v0, $0x270FF  }
0x11: {  	[tilespmem:s18], [sflag:$0x1] =	stream.indirect_vreg.gather [hbm4b:s3+s10], $0x1, v1, vm0, $0x4038;
	[tilespmem:$0x4500] =	vst v63  }
0x12: {  	(ifvalue) =	ssetifvalue $0x7FFFFFFF  }
0x13: {  	[tilespmem:s15], [sflag:$0x1] =	stream.indirect_vreg.gather [hbm4b:s3+s10], $0x1, v2, vm0, $0x4038;
	[tilespmem:$0x4500] =	vst v63  }
0x14: {  	s29 =	sadd.s32 $0x10, s15;
	(ifvalue) =	ssetifvalue $0x7FFFFFFF  }
0x15: {  	[tilespmem:s29], [sflag:$0x1] =	stream.indirect_vreg.gather [hbm4b:s3+s10], $0x1, v0, vm0, $0x4038;
	[tilespmem:$0x4500] =	vst v63  }
0x16: {  	_ =	swait.ge [sflag:s5], $0x1140  }
0x17: {  	s30 =	sshrl.u32 s13, $0x3;
	[sflag:s5] =	ssyncset.done $0x0  }
0x18: {  	s31 =	sand.u32 $0x7, s13;
	s15 =	sadd.s32 s8, s30;
	[sflag:s5] =	ssyncadd.s32 $0xFFFFEEC0  }
0x19: {  	[hbm4b:s15+s31] =	stream.linear.scatter [tilespmem:s14], [sflag:$0x3], $0x1140, $0x38;
	[tilespmem:$0x4500] =	vst v63  }
.LBB2_5:
0x1a: {  	s15 =	sadd.s32 $0x22800, s11  }
0x1b: {  	p1 =	sgt.s32 s15, $0x2B1FF  }
0x1c: {  	s15 =	smov.u32 @p1 s4;
	p1 =	sne.s32 s12, s9  }
.Ltmp1:
0x1d: {  	p0 =	slt.u32 s12, $0x2;
	(pc) =	sbr.rel @!p1 .LBB2_6-.Ltmp1, $4  }
0x1e: {  	s14 =	simm.s32 @!p0 $0x3  }
0x1f: {  	_ =	swait.ge @!p0 [sflag:s14], $0x1140  }
0x20: {  	s16 =	sadd.s32 $0x1, s12;
	s13 =	smov.u32 s11;
	[sflag:s14] =	ssyncset.done @!p0 $0x0  }
0x21: {  	s12 =	smov.u32 s16;
	s11 =	smov.u32 s15;
	[sflag:s14] =	ssyncadd.s32 @!p0 $0xFFFFEEC0  }
.LBB2_1:
0x22: {  	p0 =	sge.u32 s12, s7  }
0x23: {  	s14 =	sxor.u32 @!p0 $0x1, s12  }
0x24: {  	s14 =	smul.u32 @!p0 $0x4500, s14  }
0x25: {  	s31 =	sadd.s32 $0xFFFFFFFF, s12;
	s15 =	sshrl.u32 @!p0 s11, $0x3  }
0x26: {  	s16 =	sand.u32 @!p0 $0x7, s11;
	s15 =	sadd.s32 @!p0 s2, s15;
	s14 =	sshra.s32 @!p0 s14, $0x2  }
0x27: {  	[tilespmem:s14], [sflag:$0x2] =	stream.linear.gather @!p0 [hbm4b:s15+s16], $0x1140, $0x38;
	[tilespmem:$0x4500] =	vst v63  }
0x28: {  	p0 =	sge.u32 s31, s7  }
.Ltmp2:
0x29: {  	_ = 	snop;
	(pc) =	sbr.rel @p0 .LBB2_5-.Ltmp2, $1  }
0x2a: {  	_ =	sdelay $0x3  }
0x2b: {  	s14 =	sand.u32 $0x1, s12  }
0x2c: {  	_ =	swait.ge [sflag:s6], $0x1140;
	p0 =	seq.s32 s14, $0x1;
	s14 =	simm.s32 $0x1140  }
0x2d: {  	[sflag:s6] =	ssyncset.done $0x0;
	s14 =	simm.s32 @!p0 $0x0  }
0x2e: {  	[sflag:s6] =	ssyncadd.s32 $0xFFFFEEC0;
	(ifvalue) =	ssetifvalue $0x7FFFFFFF;
	v0 =	vld.msk [tilespmem:s14+$0x0 ss:$0x1], $0xffff;
	_ =	sdelay $0x4  }
0x2f: {  	s15 =	sadd.s32 $0x10, s14;
	vm1 =	vgt.s32 v0, $0x0  }
0x30: {  	v2 =	vld.msk [tilespmem:s15+$0x0 ss:$0x1], $0xffff;
	v1 =	vnsel vm1, $0x0, v0  }
0x31: {  	v1 =	vmin.u32 v1, $0x270FF;
	_ =	sdelay $0x2  }
0x32: {  	s17 =	simm.s32 $0x20;
	s14 =	sor.u32 $0x2280, s14;
	s16 =	sadd.s32 $0x10, s15  }
0x33: {  	s15 =	sadd.s32 $0x10, s14;
	s18 =	smov.u32 s14;
	v0 =	vld.msk [tilespmem:s16+$0x0 ss:$0x1], $0xffff;
	vm1 =	vgt.s32 v2, $0x0;
	(ifvalue) =	ssetifvalue $0x7FFFFFFF  }
.LBB2_3:
0x34: {  	[tilespmem:s18], [sflag:$0x1] =	stream.indirect_vreg.gather [hbm4b:s3+s10], $0x1, v1, vm0, $0x4038;
	[tilespmem:$0x4500] =	vst v63  }
0x35: {  	s17 =	sadd.s32 $0x10, s17  }
0x36: {  	v2 =	vnsel vm1, $0x0, v2;
	p0 =	slt.u32 s17, $0x1130  }
.Ltmp3:
0x37: {  	s18 =	smov.u32 s15;
	v1 =	vmin.u32 v2, $0x270FF;
	(pc) =	sbr.rel @p0 .LBB2_3-.Ltmp3, $3  }
0x38: {  	_ =	sdelay $0x1  }
0x39: {  	s16 =	sadd.s32 $0x10, s16  }
0x3a: {  	vm1 =	vgt.s32 v0, $0x0;
	s15 =	sadd.s32 $0x10, s15;
	v2 =	vmov v0;
	(ifvalue) =	ssetifvalue $0x7FFFFFFF;
	v0 =	vld.msk [tilespmem:s16+$0x0 ss:$0x1], $0xffff  }
.Ltmp4:
0x3b: {  	_ = 	snop;
	(pc) =	sbr.rel .LBB2_4-.Ltmp4, $1  }
0x3c: {  	_ =	sdelay $0x3  }
.LBB2_6:
0x3d: {  	_ =	sfence.sel $0x180000  }
0x3e: {  	s2 =	simm.s32 $0x2;
	[bflag:$0x0] =	sbarrier.arrive $0xFFFF  }
0x3f: {  	s30 =	simm.s32 $0x3;
	[sflag:s2] =	ssyncpa.u1 $0x1  }
0x40: {  	s31 =	simm.s32 $0x1;
	[sflag:s30] =	ssyncpa.u1 $0x1  }
0x41: {  	[sflag:s31] =	ssyncpa.u1 $0x1  }
0x42: {  	p0 =	sne.s32 s0, $0x0;
	_ =	strace $0x90000050  }
0x43: {  	s0 =	sadd.s32 @!p0 $0x100000, s1;
	[bflag:$0x2] =	sbarrier.arrive $0xFFFF  }
0x44: {  	[sflag:s0] =	ssyncadd.tile.s32 @!p0 $0x1;
	_ =	shalt  }
.Lfunc_end2:
_tile_overlayer_lowered:
.L_overlay_start_2:
0x45: {  	(tag) =	ssettag $0x2  }
0x46: {  	s0 =	rddreg [dreg:$0x0];
	s2 =	stileid.u32  }
0x47: {  	s1 =	rddreg [dreg:$0x1];
	p0 =	sne.s32 s2, $0x0  }
0x48: {  	s3 =	rddreg [dreg:$0x2];
	[bflag:$0x3] =	sbarrier.arrive $0xFFFF;
	s2 =	simm.s32 @!p0 $0x1C01  }
0x49: {  	[timem:s3], [sflag:s2] =	dma.local @!p0 [hbm:s0], s1  }
0x4a: {  	s0 =	simm.s32 @!p0 $0x1  }
0x4b: {  	_ =	swait.ge @!p0 [sflag:s0], s1  }
0x4c: {  	s1 =	ssub.s32 @!p0 $0x0, s1;
	[sflag:s0] =	ssyncset.done @!p0 $0x0  }
0x4d: {  	[sflag:s0] =	ssyncadd.s32 @!p0 s1  }
0x4e: {  	[bflag:$0x3] =	sbarrier.arrive $0xFFFF  }
0x4f: {  	_ =	shalt  }

// kernel: gather_offload_async_start
scs
__scs_entry_jumppad:
0x0: {  	(pc) =	sbr.rel $0x88, $3  }
0x1: {  	(tag) =	ssettag $0x0;
	lr =	simm.s32 $0x1  }
0x2: {  	[smem:$0x3F92] =	sst lr;
	_ =	strace $0xD0000000  }
0x3: {  	_ = 	snop  }
0x4: {  	_ = 	snop  }
0x5: {  	_ = 	snop  }
0x6: {  	_ = 	snop  }
0x7: {  	_ = 	snop  }
__scs_overlays_trampoline_lowered:
0x8: {  	[smem:$0x3FA1] =	sst s0  }
0x9: {  	[smem:$0x3FA2] =	sst s1  }
0xa: {  	[smem:$0x3FA3] =	sst s2  }
0xb: {  	[smem:$0x3FA4] =	sst s3  }
0xc: {  	[smem:$0x3FA5] =	sst s4  }
0xd: {  	[smem:$0x3FA6] =	sst s5  }
0xe: {  	[smem:$0x3FA7] =	sst s6  }
0xf: {  	[smem:$0x3FA8] =	sst s7  }
0x10: {  	[smem:$0x3FA9] =	sst s8  }
0x11: {  	[smem:$0x3FAA] =	sst s9;
	s0 =	simm.s32 @!p0 $0x0  }
0x12: {  	s1 =	sld [smem:$0x3F90];
	s0 =	simm.s32 @p0 $0x1  }
0x13: {  	[smem:$0x3FAB] =	sst s0;
	s0 =	simm.s32 @!p1 $0x0  }
0x14: {  	s2 =	sld [smem:$0x3F8F];
	s0 =	simm.s32 @p1 $0x1  }
0x15: {  	[smem:$0x3FAC] =	sst s0;
	s0 =	simm.s32 @!p2 $0x0  }
0x16: {  	s3 =	sld [smem:$0x3FDB];
	s0 =	simm.s32 @p2 $0x1  }
0x17: {  	s4 =	simm.s32 $0x1BF5;
	[smem:$0x3FAE] =	sst s0  }
0x18: {  	s0 =	sld [smem:$0x3F91];
	_ =	swait.ge [sflag:s4], $0x0  }
0x19: {  	s7 =	sld [smem:$0x3F92]  }
0x1a: {  	s8 =	sadd.s32 $0xFFFFE003, lr  }
0x1b: {  	s9 =	sadd.s32 $0xFFFFFEF7, lr;
	s5 =	simm.s32 $0xFFFFFFFF;
	p2 =	slt.u32 s8, $0xFFFFF086  }
0x1c: {  	p1 =	slt.u32 s9, $0xF7A;
	s5 =	simm.s32 @!p2 $0x0  }
0x1d: {  	s5 =	simm.s32 @p1 $0x1;
	p0 =	seq.s32 s7, s2  }
0x1e: {  	s7 =	smul.u32 @!p0 $0xF7A, s2;
	p2 =	seq.s32 @!p0 s5, $0x0  }
0x1f: {  	s9 =	smul.u32 $0xF7A, s1;
	s8 =	simm.s32 @!p0 $0x1BF5;
	p2 =	por !p2, p0  }
0x20: {  	[sflag:s8] =	ssyncset.s32 @!p0 $0xFFFFF086;
	s6 =	sadd.s32 @!p0 s3, s7;
	s7 =	simm.s32 @!p0 $0x108  }
0x21: {  	s3 =	sadd.s32 s3, s9;
	s6 =	sadd.s32 @!p0 $0x88, s6;
	s7 =	simm.s32 @p2 $0x1082  }
0x22: {  	[simem:s7], [sflag:s8] =	dma.local @!p0 [hbm:s6], $0xF7A  }
0x23: {  	s9 =	sor.u32 $0xD0000000, s2;
	s6 =	simm.s32 $0x108;
	_ =	swait.ge @!p0 [sflag:s8], $0x0  }
0x24: {  	s3 =	sadd.s32 $0x88, s3;
	s6 =	simm.s32 @!p1 $0x1082;
	[sflag:s4] =	ssyncset.s32 $0xFFFFF086  }
0x25: {  	[simem:s6], [sflag:s4] =	dma.local [hbm:s3], $0xF7A  }
0x26: {  	[smem:$0x3F92] =	sst s1;
	(tag) =	ssettag s2;
	_ =	strace s9  }
0x27: {  	s1 =	sld [smem:$0x3FA2]  }
0x28: {  	s2 =	sld [smem:$0x3FA3]  }
0x29: {  	s4 =	sld [smem:$0x3FA5]  }
0x2a: {  	p0 =	seq.s32 s5, $0x0;
	s5 =	sld [smem:$0x3FA6]  }
0x2b: {  	s6 =	sld [smem:$0x3FA7]  }
0x2c: {  	s7 =	sld [smem:$0x3FA8]  }
0x2d: {  	s3 =	simm.s32 $0x108;
	s8 =	sld [smem:$0x3FA9]  }
0x2e: {  	s3 =	simm.s32 @!p0 $0x1082;
	s9 =	sld [smem:$0x3FAA]  }
0x2f: {  	lr =	sadd.s32 s0, s3;
	s0 =	sld [smem:$0x3FA1]  }
0x30: {  	s3 =	sld [smem:$0x3FA4]  }
0x31: {  	[smem:$0x3FAD] =	sst s10  }
0x32: {  	s10 =	sld [smem:$0x3FAB];
	_ =	sdelay $0x3  }
0x33: {  	p0 =	seq.s32 s10, $0x1;
	s10 =	sld [smem:$0x3FAD];
	_ =	sdelay $0x3  }
0x34: {  	[smem:$0x3FAD] =	sst s10  }
0x35: {  	s10 =	sld [smem:$0x3FAC];
	_ =	sdelay $0x3  }
0x36: {  	p1 =	seq.s32 s10, $0x1;
	s10 =	sld [smem:$0x3FAD];
	_ =	sdelay $0x3  }
0x37: {  	[smem:$0x3FAD] =	sst s10  }
0x38: {  	s10 =	sld [smem:$0x3FAE]  }
0x39: {  	_ = 	snop;
	(pc) =	sbr.ind lr, $3  }
0x3a: {  	_ = 	snop  }
0x3b: {  	_ = 	snop  }
0x3c: {  	p2 =	seq.s32 s10, $0x1;
	s10 =	sld [smem:$0x3FAD]  }
0x3d: {  	_ =	shalt  }
0x3e: {  	_ =	shalt  }
0x3f: {  	_ =	shalt  }
0x40: {  	_ =	shalt  }
0x41: {  	_ =	shalt  }
0x42: {  	_ =	shalt  }
0x43: {  	_ =	shalt  }
0x44: {  	_ =	shalt  }
0x45: {  	_ =	shalt  }
0x46: {  	_ =	shalt  }
0x47: {  	_ =	shalt  }
0x48: {  	_ =	shalt  }
0x49: {  	_ =	shalt  }
0x4a: {  	_ =	shalt  }
0x4b: {  	_ =	shalt  }
0x4c: {  	_ =	shalt  }
0x4d: {  	_ =	shalt  }
0x4e: {  	_ =	shalt  }
0x4f: {  	_ =	shalt  }
0x50: {  	_ =	shalt  }
0x51: {  	_ =	shalt  }
0x52: {  	_ =	shalt  }
0x53: {  	_ =	shalt  }
0x54: {  	_ =	shalt  }
0x55: {  	_ =	shalt  }
0x56: {  	_ =	shalt  }
0x57: {  	_ =	shalt  }
0x58: {  	_ =	shalt  }
0x59: {  	_ =	shalt  }
0x5a: {  	_ =	shalt  }
0x5b: {  	_ =	shalt  }
0x5c: {  	_ =	shalt  }
0x5d: {  	_ =	shalt  }
0x5e: {  	_ =	shalt  }
0x5f: {  	_ =	shalt  }
0x60: {  	_ =	shalt  }
0x61: {  	_ =	shalt  }
0x62: {  	_ =	shalt  }
0x63: {  	_ =	shalt  }
0x64: {  	_ =	shalt  }
0x65: {  	_ =	shalt  }
0x66: {  	_ =	shalt  }
0x67: {  	_ =	shalt  }
0x68: {  	_ =	shalt  }
0x69: {  	_ =	shalt  }
0x6a: {  	_ =	shalt  }
0x6b: {  	_ =	shalt  }
0x6c: {  	_ =	shalt  }
0x6d: {  	_ =	shalt  }
0x6e: {  	_ =	shalt  }
0x6f: {  	_ =	shalt  }
0x70: {  	_ =	shalt  }
0x71: {  	_ =	shalt  }
0x72: {  	_ =	shalt  }
0x73: {  	_ =	shalt  }
0x74: {  	_ =	shalt  }
0x75: {  	_ =	shalt  }
0x76: {  	_ =	shalt  }
0x77: {  	_ =	shalt  }
0x78: {  	_ =	shalt  }
0x79: {  	_ =	shalt  }
0x7a: {  	_ =	shalt  }
0x7b: {  	_ =	shalt  }
0x7c: {  	_ =	shalt  }
0x7d: {  	_ =	shalt  }
0x7e: {  	_ =	shalt  }
0x7f: {  	_ =	shalt  }
0x80: {  	_ =	shalt  }
0x81: {  	_ =	shalt  }
0x82: {  	_ =	shalt  }
0x83: {  	_ =	shalt  }
0x84: {  	_ =	shalt  }
0x85: {  	_ =	shalt  }
0x86: {  	_ =	shalt  }
0x87: {  	_ =	shalt  }
.Lfunc_end0:
.L_simem_size_0:
called_computation_lowered:
.L_overlay_start_0:
0x88: {  	s2 =	sld [smem:$0x3FD9]  }
0x89: {  	s3 =	sld [smem:$0x3FFE];
	_ =	sdelay $0x1  }
0x8a: {  	s1 =	srdreg.scid  }
0x8b: {  	s0 =	sand.u32 $0x1, s1  }
0x8c: {  	s16 =	sshll.u32 s0, $0xA;
	s2 =	sadd.s32 s3, s2  }
0x8d: {  	s2 =	sadd.s32 s2, s16  }
0x8e: {  	[smem:$0x3FB9] =	sst s2  }
0x8f: {  	_ = 	snop  }
0x90: {  	(tm) =	ssettm $0x1  }
0x91: {  	s17 =	sld [smem:$0x3FFB];
	_ =	sdelay $0x3  }
0x92: {  	_ =	strace s17  }
0x93: {  	s2 =	sld [smem:$0x3FFC];
	_ =	sdelay $0x3  }
0x94: {  	_ =	strace s2  }
0x95: {  	s2 =	sld [smem:$0x3FFD];
	_ =	sdelay $0x3  }
0x96: {  	_ =	strace s2  }
0x97: {  	_ =	strace $0x8FFFFFFF  }
0x98: {  	s18 =	sld [smem:$0x3FDB];
	_ =	sdelay $0x1  }
0x99: {  	s19 =	simm.s32 $_scs_section_size  }
0x9a: {  	s4 =	simm.s32 $_size__tile_overlayer_lowered;
	s5 =	simm.s32 $_tile_overlayer_lowered  }
0x9b: {  	s22 =	simm.s32 $0x1BFF;
	s21 =	sshll.u32 s5, $0x1;
	s2 =	sadd.s32 s19, s18  }
0x9c: {  	s6 =	simm.s32 $0x0;
	s20 =	sshll.u32 s4, $0x1;
	s4 =	sadd.s32 s21, s2  }
0x9d: {  	[timem:s6], [sflag:s22] =	dma.local [hbm:s4], s20  }
0x9e: {  	_ =	swait.ge [sflag:s22], s20  }
0x9f: {  	s3 =	ssub.s32 $0x0, s20;
	[sflag:s22] =	ssyncset.done $0x0  }
0xa0: {  	[sflag:s22] =	ssyncadd.s32 s3;
	_ =	sdelay $0x1  }
0xa1: {  	s23 =	simm.s32 $0x1B8B  }
0xa2: {  	_ =	swait.ge [sflag:s23], $0x1  }
0xa3: {  	[sflag:s23] =	ssyncset.done $0x0  }
0xa4: {  	s25 =	simm.s32 $0x1B8E;
	s24 =	sld [smem:$0x3FFE];
	[sflag:s23] =	ssyncadd.s32 $0xFFFFFFFF  }
0xa5: {  	s26 =	simm.s32 $execute0_lowered;
	[smem:$0x3FD2] =	sst s25  }
0xa6: {  	s4 =	sshll.u32 s26, $0x1;
	_ =	strace $0x80000049;
	[dreg:$0x1] =	wrdreg $0xFFFFFFFF  }
0xa7: {  	s28 =	simm.s32 $_size_execute0_lowered;
	s2 =	sadd.s32 s2, s4;
	[dreg:$0x0] =	wrdreg $0x0  }
0xa8: {  	s4 =	sshll.u32 s28, $0x1;
	[dreg:$0x2] =	wrdreg s2  }
0xa9: {  	[dreg:$0x3] =	wrdreg s4  }
0xaa: {  	[dreg:$0x4] =	wrdreg $0xC0  }
0xab: {  	_ =	task [dreg:s6], $0x5FFFF  }
0xac: {  	[dreg:$0x1] =	wrdreg $0xFFFFFFFF  }
0xad: {  	[dreg:$0x0] =	wrdreg $0x60  }
0xae: {  	[dreg:$0x2] =	wrdreg s24  }
0xaf: {  	[dreg:$0x3] =	wrdreg $0xA  }
0xb0: {  	_ =	task.clear_ibuf [dreg:s6], $0x4FFFF;
	_ =	strace $0x90000049  }
0xb1: {  	s29 =	simm.s32 $0xA;
	_ =	strace $0x8000004B  }
0xb2: {  	_ =	swait.ge [sflag:s29], $0x1  }
0xb3: {  	[sflag:s29] =	ssyncadd.s32 $0xFFFFFFFF  }
0xb4: {  	_ =	strace $0x9000004B  }
0xb5: {  	_ =	sfence  }
0xb6: {  	s30 =	sld [smem:$0x0];
	_ =	sdelay $0x2  }
0xb7: {  	s31 =	sshll.u32 s1, $0xD;
	s1 =	sshrl.u32 s1, $0x2  }
0xb8: {  	s3 =	sand.u32 $0x4000, s31;
	s1 =	sadd.s32 s1, s30  }
0xb9: {  	s0 =	sor.u32 s3, s0;
	s1 =	sshll.u32 s1, $0x11  }
0xba: {  	s0 =	sor.u32 s1, s0  }
0xbb: {  	s0 =	sadd.s32 $0x8F2B, s0  }
0xbc: {  	[sflag:s0] =	ssyncadd.remote.s32 $0x1  }
0xbd: {  	_ =	sfence.sel $0xFFFF  }
0xbe: {  	[dreg:$0x0] =	wrdreg $0xFFFFFFFF;
	(pc) =	sbr.abs _section_cstart, $3  }
0xbf: {  	[dreg:$0x1] =	wrdreg $0xFFFFFFFF  }
0xc0: {  	_ =	task.clear_ibuf [dreg:s6], $0x2FFFF;
	_ =	strace $0x9FFFFFFF  }
0xc1: {  	(tm) =	ssettm $0x7FFFFFFF  }
tec
execute0_lowered:
.L_overlay_start_1:
0x0: {  	(tag) =	ssettag $0x1  }
0x1: {  	s8 =	rddreg [dreg:$0x0]  }
0x2: {  	s0 =	rddreg [dreg:$0x1];
	_ =	strace $0x8000004A;
	s1 =	stileid.u32  }
0x3: {  	s3 =	srdreg.scid;
	s4 =	simm.s32 $0x1;
	s7 =	simm.s32 $0x1  }
0x4: {  	s9 =	simm.s32 $0x1;
	s10 =	simm.s32 $0x3;
	s13 =	simm.s32 $0x0  }
0x5: {  	s12 =	simm.s32 $0x0;
	s5 =	sand.u32 $0x1, s3;
	s6 =	sshll.u32 s1, $0x1  }
0x6: {  	s2 =	sadd.s32 $0x5E00, s8;
	s3 =	sadd.s32 $0xAE00, s8;
	s5 =	sor.u32 s6, s5  }
.Ltmp0:
0x7: {  	[sflag:s4] =	ssyncpa.u1 $0x0;
	p0 =	slt.u32 s5, $0x9;
	(pc) =	sbr.rel .LBB2_1-.Ltmp0, $4  }
0x8: {  	s6 =	simm.s32 $0x2;
	s7 =	simm.s32 @!p0 $0x0;
	p0 =	sne.s32 s5, $0x8  }
0x9: {  	[sflag:s6] =	ssyncpa.u1 $0x0;
	s5 =	smul.u32 $0xFA0, s5;
	s9 =	simm.s32 @!p0 $0x0  }
0xa: {  	s8 =	sadd.s32 $0x1C000, s8;
	[sflag:s10] =	ssyncpa.u1 $0x0;
	s7 =	sadd.s32 s9, s7  }
0xb: {  	vm0 =	vmmov $0xffff;
	s10 =	simm.s32 $0x0;
	s11 =	smov.u32 s5;
	s9 =	sadd.s32 $0x1, s7  }
.LBB2_4:
0xc: {  	v2 =	vnsel vm1, $0x0, v2  }
0xd: {  	vm1 =	vgt.s32 v0, $0x0;
	v2 =	vmin.u32 v2, $0x270FF  }
0xe: {  	v0 =	vnsel vm1, $0x0, v0  }
0xf: {  	v0 =	vmin.u32 v0, $0x270FF  }
0x10: {  	[tilespmem:s18], [sflag:$0x1] =	stream.indirect_vreg.gather [hbm4b:s2+s10], $0x1, v1, vm0, $0x4038;
	[tilespmem:$0x3E80] =	vst v63  }
0x11: {  	(ifvalue) =	ssetifvalue $0x7FFFFFFF  }
0x12: {  	[tilespmem:s15], [sflag:$0x1] =	stream.indirect_vreg.gather [hbm4b:s2+s10], $0x1, v2, vm0, $0x4038;
	[tilespmem:$0x3E80] =	vst v63  }
0x13: {  	s29 =	sadd.s32 $0x10, s15;
	(ifvalue) =	ssetifvalue $0x7FFFFFFF  }
0x14: {  	[tilespmem:s29], [sflag:$0x1] =	stream.indirect_vreg.gather [hbm4b:s2+s10], $0x1, v0, vm0, $0x4038;
	[tilespmem:$0x3E80] =	vst v63  }
0x15: {  	_ =	swait.ge [sflag:s4], $0xFA0  }
0x16: {  	s30 =	sshrl.u32 s13, $0x3;
	[sflag:s4] =	ssyncset.done $0x0  }
0x17: {  	s31 =	sand.u32 $0x7, s13;
	s15 =	sadd.s32 s8, s30;
	[sflag:s4] =	ssyncadd.s32 $0xFFFFF060  }
0x18: {  	[hbm4b:s15+s31] =	stream.linear.scatter [tilespmem:s14], [sflag:$0x3], $0xFA0, $0x38;
	[tilespmem:$0x3E80] =	vst v63  }
.LBB2_5:
0x19: {  	s15 =	sadd.s32 $0x1F400, s11  }
0x1a: {  	p1 =	sgt.s32 s15, $0x270FF  }
0x1b: {  	s15 =	smov.u32 @p1 s5;
	p1 =	sne.s32 s12, s9  }
.Ltmp1:
0x1c: {  	p0 =	slt.u32 s12, $0x2;
	(pc) =	sbr.rel @!p1 .LBB2_6-.Ltmp1, $4  }
0x1d: {  	s14 =	simm.s32 @!p0 $0x3  }
0x1e: {  	_ =	swait.ge @!p0 [sflag:s14], $0xFA0  }
0x1f: {  	s16 =	sadd.s32 $0x1, s12;
	s13 =	smov.u32 s11;
	[sflag:s14] =	ssyncset.done @!p0 $0x0  }
0x20: {  	s12 =	smov.u32 s16;
	s11 =	smov.u32 s15;
	[sflag:s14] =	ssyncadd.s32 @!p0 $0xFFFFF060  }
.LBB2_1:
0x21: {  	p0 =	sge.u32 s12, s7  }
0x22: {  	s14 =	sxor.u32 @!p0 $0x1, s12  }
0x23: {  	s14 =	smul.u32 @!p0 $0x3E80, s14  }
0x24: {  	s31 =	sadd.s32 $0xFFFFFFFF, s12;
	s15 =	sshrl.u32 @!p0 s11, $0x3  }
0x25: {  	s16 =	sand.u32 @!p0 $0x7, s11;
	s15 =	sadd.s32 @!p0 s3, s15;
	s14 =	sshra.s32 @!p0 s14, $0x2  }
0x26: {  	[tilespmem:s14], [sflag:$0x2] =	stream.linear.gather @!p0 [hbm4b:s15+s16], $0xFA0, $0x38;
	[tilespmem:$0x3E80] =	vst v63  }
0x27: {  	p0 =	sge.u32 s31, s7  }
.Ltmp2:
0x28: {  	_ = 	snop;
	(pc) =	sbr.rel @p0 .LBB2_5-.Ltmp2, $1  }
0x29: {  	_ =	sdelay $0x3  }
0x2a: {  	s14 =	sand.u32 $0x1, s12  }
0x2b: {  	_ =	swait.ge [sflag:s6], $0xFA0;
	p0 =	seq.s32 s14, $0x1;
	s14 =	simm.s32 $0xFA0  }
0x2c: {  	[sflag:s6] =	ssyncset.done $0x0;
	s14 =	simm.s32 @!p0 $0x0  }
0x2d: {  	[sflag:s6] =	ssyncadd.s32 $0xFFFFF060;
	(ifvalue) =	ssetifvalue $0x7FFFFFFF;
	v0 =	vld.msk [tilespmem:s14+$0x0 ss:$0x1], $0xffff;
	_ =	sdelay $0x4  }
0x2e: {  	s15 =	sadd.s32 $0x10, s14;
	vm1 =	vgt.s32 v0, $0x0  }
0x2f: {  	v2 =	vld.msk [tilespmem:s15+$0x0 ss:$0x1], $0xffff;
	v1 =	vnsel vm1, $0x0, v0  }
0x30: {  	v1 =	vmin.u32 v1, $0x270FF;
	_ =	sdelay $0x2  }
0x31: {  	s17 =	simm.s32 $0x20;
	s14 =	sadd.s32 $0x1F40, s14;
	s16 =	sadd.s32 $0x10, s15  }
0x32: {  	s15 =	sadd.s32 $0x10, s14;
	s18 =	smov.u32 s14;
	v0 =	vld.msk [tilespmem:s16+$0x0 ss:$0x1], $0xffff;
	vm1 =	vgt.s32 v2, $0x0;
	(ifvalue) =	ssetifvalue $0x7FFFFFFF  }
.LBB2_3:
0x33: {  	[tilespmem:s18], [sflag:$0x1] =	stream.indirect_vreg.gather [hbm4b:s2+s10], $0x1, v1, vm0, $0x4038;
	[tilespmem:$0x3E80] =	vst v63  }
0x34: {  	s17 =	sadd.s32 $0x10, s17  }
0x35: {  	v2 =	vnsel vm1, $0x0, v2;
	p0 =	slt.u32 s17, $0xF90  }
.Ltmp3:
0x36: {  	s18 =	smov.u32 s15;
	v1 =	vmin.u32 v2, $0x270FF;
	(pc) =	sbr.rel @p0 .LBB2_3-.Ltmp3, $3  }
0x37: {  	_ =	sdelay $0x1  }
0x38: {  	s16 =	sadd.s32 $0x10, s16  }
0x39: {  	vm1 =	vgt.s32 v0, $0x0;
	s15 =	sadd.s32 $0x10, s15;
	v2 =	vmov v0;
	(ifvalue) =	ssetifvalue $0x7FFFFFFF;
	v0 =	vld.msk [tilespmem:s16+$0x0 ss:$0x1], $0xffff  }
.Ltmp4:
0x3a: {  	_ = 	snop;
	(pc) =	sbr.rel .LBB2_4-.Ltmp4, $1  }
0x3b: {  	_ =	sdelay $0x3  }
.LBB2_6:
0x3c: {  	_ =	sfence.sel $0x180000  }
0x3d: {  	s2 =	simm.s32 $0x2;
	[bflag:$0x0] =	sbarrier.arrive $0xFFFF  }
0x3e: {  	s30 =	simm.s32 $0x3;
	[sflag:s2] =	ssyncpa.u1 $0x1  }
0x3f: {  	s31 =	simm.s32 $0x1;
	[sflag:s30] =	ssyncpa.u1 $0x1  }
0x40: {  	[sflag:s31] =	ssyncpa.u1 $0x1  }
0x41: {  	p0 =	sne.s32 s1, $0x0;
	_ =	strace $0x9000004A  }
0x42: {  	s0 =	sadd.s32 @!p0 $0x100000, s0;
	[bflag:$0x2] =	sbarrier.arrive $0xFFFF  }
0x43: {  	[sflag:s0] =	ssyncadd.tile.s32 @!p0 $0x1;
	_ =	shalt  }
.Lfunc_end2:
_tile_overlayer_lowered:
.L_overlay_start_2:
0x44: {  	(tag) =	ssettag $0x2  }
0x45: {  	s0 =	rddreg [dreg:$0x0];
	s2 =	stileid.u32  }
0x46: {  	s1 =	rddreg [dreg:$0x1];
	p0 =	sne.s32 s2, $0x0  }
0x47: {  	s3 =	rddreg [dreg:$0x2];
	[bflag:$0x3] =	sbarrier.arrive $0xFFFF;
	s2 =	simm.s32 @!p0 $0x1C01  }
0x48: {  	[timem:s3], [sflag:s2] =	dma.local @!p0 [hbm:s0], s1  }
0x49: {  	s0 =	simm.s32 @!p0 $0x1  }
0x4a: {  	_ =	swait.ge @!p0 [sflag:s0], s1  }
0x4b: {  	s1 =	ssub.s32 @!p0 $0x0, s1;
	[sflag:s0] =	ssyncset.done @!p0 $0x0  }
0x4c: {  	[sflag:s0] =	ssyncadd.s32 @!p0 s1  }
0x4d: {  	[bflag:$0x3] =	sbarrier.arrive $0xFFFF  }
0x4e: {  	_ =	shalt  }

// kernel: kernel.18.cloned.1.call-start
scs
__scs_entry_jumppad:
0x0: {  	(pc) =	sbr.rel $0x88, $3  }
0x1: {  	(tag) =	ssettag $0x0;
	lr =	simm.s32 $0x1  }
0x2: {  	[smem:$0x3F92] =	sst lr;
	_ =	strace $0xD0000000  }
0x3: {  	_ = 	snop  }
0x4: {  	_ = 	snop  }
0x5: {  	_ = 	snop  }
0x6: {  	_ = 	snop  }
0x7: {  	_ = 	snop  }
__scs_overlays_trampoline_lowered:
0x8: {  	[smem:$0x3FA1] =	sst s0  }
0x9: {  	[smem:$0x3FA2] =	sst s1  }
0xa: {  	[smem:$0x3FA3] =	sst s2  }
0xb: {  	[smem:$0x3FA4] =	sst s3  }
0xc: {  	[smem:$0x3FA5] =	sst s4  }
0xd: {  	[smem:$0x3FA6] =	sst s5  }
0xe: {  	[smem:$0x3FA7] =	sst s6  }
0xf: {  	[smem:$0x3FA8] =	sst s7  }
0x10: {  	[smem:$0x3FA9] =	sst s8  }
0x11: {  	[smem:$0x3FAA] =	sst s9;
	s0 =	simm.s32 @!p0 $0x0  }
0x12: {  	s1 =	sld [smem:$0x3F90];
	s0 =	simm.s32 @p0 $0x1  }
0x13: {  	[smem:$0x3FAB] =	sst s0;
	s0 =	simm.s32 @!p1 $0x0  }
0x14: {  	s2 =	sld [smem:$0x3F8F];
	s0 =	simm.s32 @p1 $0x1  }
0x15: {  	[smem:$0x3FAC] =	sst s0;
	s0 =	simm.s32 @!p2 $0x0  }
0x16: {  	s3 =	sld [smem:$0x3FDB];
	s0 =	simm.s32 @p2 $0x1  }
0x17: {  	s4 =	simm.s32 $0x1BF5;
	[smem:$0x3FAE] =	sst s0  }
0x18: {  	s0 =	sld [smem:$0x3F91];
	_ =	swait.ge [sflag:s4], $0x0  }
0x19: {  	s7 =	sld [smem:$0x3F92]  }
0x1a: {  	s8 =	sadd.s32 $0xFFFFE003, lr  }
0x1b: {  	s9 =	sadd.s32 $0xFFFFFEF7, lr;
	s5 =	simm.s32 $0xFFFFFFFF;
	p2 =	slt.u32 s8, $0xFFFFF086  }
0x1c: {  	p1 =	slt.u32 s9, $0xF7A;
	s5 =	simm.s32 @!p2 $0x0  }
0x1d: {  	s5 =	simm.s32 @p1 $0x1;
	p0 =	seq.s32 s7, s2  }
0x1e: {  	s7 =	smul.u32 @!p0 $0xF7A, s2;
	p2 =	seq.s32 @!p0 s5, $0x0  }
0x1f: {  	s9 =	smul.u32 $0xF7A, s1;
	s8 =	simm.s32 @!p0 $0x1BF5;
	p2 =	por !p2, p0  }
0x20: {  	[sflag:s8] =	ssyncset.s32 @!p0 $0xFFFFF086;
	s6 =	sadd.s32 @!p0 s3, s7;
	s7 =	simm.s32 @!p0 $0x108  }
0x21: {  	s3 =	sadd.s32 s3, s9;
	s6 =	sadd.s32 @!p0 $0x88, s6;
	s7 =	simm.s32 @p2 $0x1082  }
0x22: {  	[simem:s7], [sflag:s8] =	dma.local @!p0 [hbm:s6], $0xF7A  }
0x23: {  	s9 =	sor.u32 $0xD0000000, s2;
	s6 =	simm.s32 $0x108;
	_ =	swait.ge @!p0 [sflag:s8], $0x0  }
0x24: {  	s3 =	sadd.s32 $0x88, s3;
	s6 =	simm.s32 @!p1 $0x1082;
	[sflag:s4] =	ssyncset.s32 $0xFFFFF086  }
0x25: {  	[simem:s6], [sflag:s4] =	dma.local [hbm:s3], $0xF7A  }
0x26: {  	[smem:$0x3F92] =	sst s1;
	(tag) =	ssettag s2;
	_ =	strace s9  }
0x27: {  	s1 =	sld [smem:$0x3FA2]  }
0x28: {  	s2 =	sld [smem:$0x3FA3]  }
0x29: {  	s4 =	sld [smem:$0x3FA5]  }
0x2a: {  	p0 =	seq.s32 s5, $0x0;
	s5 =	sld [smem:$0x3FA6]  }
0x2b: {  	s6 =	sld [smem:$0x3FA7]  }
0x2c: {  	s7 =	sld [smem:$0x3FA8]  }
0x2d: {  	s3 =	simm.s32 $0x108;
	s8 =	sld [smem:$0x3FA9]  }
0x2e: {  	s3 =	simm.s32 @!p0 $0x1082;
	s9 =	sld [smem:$0x3FAA]  }
0x2f: {  	lr =	sadd.s32 s0, s3;
	s0 =	sld [smem:$0x3FA1]  }
0x30: {  	s3 =	sld [smem:$0x3FA4]  }
0x31: {  	[smem:$0x3FAD] =	sst s10  }
0x32: {  	s10 =	sld [smem:$0x3FAB];
	_ =	sdelay $0x3  }
0x33: {  	p0 =	seq.s32 s10, $0x1;
	s10 =	sld [smem:$0x3FAD];
	_ =	sdelay $0x3  }
0x34: {  	[smem:$0x3FAD] =	sst s10  }
0x35: {  	s10 =	sld [smem:$0x3FAC];
	_ =	sdelay $0x3  }
0x36: {  	p1 =	seq.s32 s10, $0x1;
	s10 =	sld [smem:$0x3FAD];
	_ =	sdelay $0x3  }
0x37: {  	[smem:$0x3FAD] =	sst s10  }
0x38: {  	s10 =	sld [smem:$0x3FAE]  }
0x39: {  	_ = 	snop;
	(pc) =	sbr.ind lr, $3  }
0x3a: {  	_ = 	snop  }
0x3b: {  	_ = 	snop  }
0x3c: {  	p2 =	seq.s32 s10, $0x1;
	s10 =	sld [smem:$0x3FAD]  }
0x3d: {  	_ =	shalt  }
0x3e: {  	_ =	shalt  }
0x3f: {  	_ =	shalt  }
0x40: {  	_ =	shalt  }
0x41: {  	_ =	shalt  }
0x42: {  	_ =	shalt  }
0x43: {  	_ =	shalt  }
0x44: {  	_ =	shalt  }
0x45: {  	_ =	shalt  }
0x46: {  	_ =	shalt  }
0x47: {  	_ =	shalt  }
0x48: {  	_ =	shalt  }
0x49: {  	_ =	shalt  }
0x4a: {  	_ =	shalt  }
0x4b: {  	_ =	shalt  }
0x4c: {  	_ =	shalt  }
0x4d: {  	_ =	shalt  }
0x4e: {  	_ =	shalt  }
0x4f: {  	_ =	shalt  }
0x50: {  	_ =	shalt  }
0x51: {  	_ =	shalt  }
0x52: {  	_ =	shalt  }
0x53: {  	_ =	shalt  }
0x54: {  	_ =	shalt  }
0x55: {  	_ =	shalt  }
0x56: {  	_ =	shalt  }
0x57: {  	_ =	shalt  }
0x58: {  	_ =	shalt  }
0x59: {  	_ =	shalt  }
0x5a: {  	_ =	shalt  }
0x5b: {  	_ =	shalt  }
0x5c: {  	_ =	shalt  }
0x5d: {  	_ =	shalt  }
0x5e: {  	_ =	shalt  }
0x5f: {  	_ =	shalt  }
0x60: {  	_ =	shalt  }
0x61: {  	_ =	shalt  }
0x62: {  	_ =	shalt  }
0x63: {  	_ =	shalt  }
0x64: {  	_ =	shalt  }
0x65: {  	_ =	shalt  }
0x66: {  	_ =	shalt  }
0x67: {  	_ =	shalt  }
0x68: {  	_ =	shalt  }
0x69: {  	_ =	shalt  }
0x6a: {  	_ =	shalt  }
0x6b: {  	_ =	shalt  }
0x6c: {  	_ =	shalt  }
0x6d: {  	_ =	shalt  }
0x6e: {  	_ =	shalt  }
0x6f: {  	_ =	shalt  }
0x70: {  	_ =	shalt  }
0x71: {  	_ =	shalt  }
0x72: {  	_ =	shalt  }
0x73: {  	_ =	shalt  }
0x74: {  	_ =	shalt  }
0x75: {  	_ =	shalt  }
0x76: {  	_ =	shalt  }
0x77: {  	_ =	shalt  }
0x78: {  	_ =	shalt  }
0x79: {  	_ =	shalt  }
0x7a: {  	_ =	shalt  }
0x7b: {  	_ =	shalt  }
0x7c: {  	_ =	shalt  }
0x7d: {  	_ =	shalt  }
0x7e: {  	_ =	shalt  }
0x7f: {  	_ =	shalt  }
0x80: {  	_ =	shalt  }
0x81: {  	_ =	shalt  }
0x82: {  	_ =	shalt  }
0x83: {  	_ =	shalt  }
0x84: {  	_ =	shalt  }
0x85: {  	_ =	shalt  }
0x86: {  	_ =	shalt  }
0x87: {  	_ =	shalt  }
.Lfunc_end0:
.L_simem_size_0:
called_computation.6_lowered:
.L_overlay_start_0:
0x88: {  	s2 =	sld [smem:$0x3FD9]  }
0x89: {  	s3 =	sld [smem:$0x3FFE];
	_ =	sdelay $0x1  }
0x8a: {  	s1 =	srdreg.scid  }
0x8b: {  	s0 =	sand.u32 $0x1, s1  }
0x8c: {  	s17 =	sshll.u32 s0, $0xA;
	s2 =	sadd.s32 s3, s2  }
0x8d: {  	s2 =	sadd.s32 s2, s17  }
0x8e: {  	[smem:$0x3FB9] =	sst s2  }
0x8f: {  	_ = 	snop  }
0x90: {  	(tm) =	ssettm $0x1  }
0x91: {  	s18 =	sld [smem:$0x3FFB];
	_ =	sdelay $0x3  }
0x92: {  	_ =	strace s18  }
0x93: {  	s2 =	sld [smem:$0x3FFC];
	_ =	sdelay $0x3  }
0x94: {  	_ =	strace s2  }
0x95: {  	s2 =	sld [smem:$0x3FFD];
	_ =	sdelay $0x3  }
0x96: {  	_ =	strace s2  }
0x97: {  	_ =	strace $0x8FFFFFFF  }
0x98: {  	s19 =	sld [smem:$0x3FDB];
	_ =	sdelay $0x1  }
0x99: {  	s20 =	simm.s32 $_scs_section_size  }
0x9a: {  	s4 =	simm.s32 $_size__tile_overlayer_lowered;
	s5 =	simm.s32 $_tile_overlayer_lowered  }
0x9b: {  	s6 =	simm.s32 $0x1BFF;
	s21 =	sshll.u32 s5, $0x1;
	s3 =	sadd.s32 s20, s19  }
0x9c: {  	s22 =	simm.s32 $0x0;
	s4 =	sshll.u32 s4, $0x1;
	s5 =	sadd.s32 s21, s3  }
0x9d: {  	[timem:s22], [sflag:s6] =	dma.local [hbm:s5], s4  }
0x9e: {  	_ =	swait.ge [sflag:s6], s4  }
0x9f: {  	s4 =	ssub.s32 $0x0, s4;
	[sflag:s6] =	ssyncset.done $0x0  }
0xa0: {  	[sflag:s6] =	ssyncadd.s32 s4;
	_ =	sdelay $0x1  }
0xa1: {  	s23 =	simm.s32 $0x1B8B  }
0xa2: {  	_ =	swait.ge [sflag:s23], $0x1  }
0xa3: {  	[sflag:s23] =	ssyncset.done $0x0  }
0xa4: {  	[sflag:s23] =	ssyncadd.s32 $0xFFFFFFFF  }
0xa5: {  	s4 =	sld [smem:$0x0]  }
0xa6: {  	s5 =	sand.u32 $0xFFFFFFFE, s1  }
0xa7: {  	p0 =	sne.s32 s1, s5  }
0xa8: {  	s5 =	sshll.u32 @p0 s5, $0xE  }
0xa9: {  	s5 =	sadd.s32 @p0 $0x11B8D, s5;
	s6 =	sshll.u32 @p0 s4, $0x11  }
0xaa: {  	s5 =	sor.u32 @p0 s6, s5  }
0xab: {  	[sflag:s5] =	ssyncadd.remote.s32 @p0 $0x1;
	_ =	sdelay $0x1  }
0xac: {  	s5 =	simm.s32 @p0 $0x1B8D  }
0xad: {  	_ =	swait.eq @p0 [sflag:s5], $0x1  }
0xae: {  	[sflag:s5] =	ssyncadd.s32 @p0 $0xFFFFFFFF  }
0xaf: {  	s6 =	sshll.u32 @!p0 s1, $0xE  }
0xb0: {  	s6 =	sor.u32 @!p0 $0x4000, s6;
	s5 =	simm.s32 @!p0 $0x1B8D  }
0xb1: {  	s4 =	sshll.u32 @!p0 s4, $0x11;
	s6 =	sadd.s32 @!p0 $0x11B8D, s6;
	_ =	swait.eq @!p0 [sflag:s5], $0x1  }
0xb2: {  	s4 =	sor.u32 @!p0 s4, s6;
	[sflag:s5] =	ssyncadd.s32 @!p0 $0xFFFFFFFF  }
0xb3: {  	s25 =	simm.s32 $0x1B8E;
	s24 =	sld [smem:$0x3FFE];
	[sflag:s4] =	ssyncadd.remote.s32 @!p0 $0x1  }
0xb4: {  	s26 =	simm.s32 $execute0_lowered;
	[smem:$0x3FD2] =	sst s25  }
0xb5: {  	s5 =	sshll.u32 s26, $0x1;
	_ =	strace $0x80000058;
	[dreg:$0x1] =	wrdreg $0xFFFFFFFF  }
0xb6: {  	s28 =	simm.s32 $_size_execute0_lowered;
	s3 =	sadd.s32 s3, s5;
	[dreg:$0x0] =	wrdreg $0x0  }
0xb7: {  	s5 =	sshll.u32 s28, $0x1;
	[dreg:$0x2] =	wrdreg s3  }
0xb8: {  	[dreg:$0x3] =	wrdreg s5  }
0xb9: {  	[dreg:$0x4] =	wrdreg $0xC0  }
0xba: {  	_ =	task [dreg:s22], $0x5FFFF  }
0xbb: {  	[dreg:$0x1] =	wrdreg $0xFFFFFFFF  }
0xbc: {  	[dreg:$0x0] =	wrdreg $0x60  }
0xbd: {  	[dreg:$0x2] =	wrdreg s24  }
0xbe: {  	[dreg:$0x3] =	wrdreg $0xC  }
0xbf: {  	_ =	task.clear_ibuf [dreg:s22], $0x4FFFF;
	_ =	strace $0x90000058  }
0xc0: {  	s29 =	simm.s32 $0xC;
	_ =	strace $0x8000005A  }
0xc1: {  	_ =	swait.ge [sflag:s29], $0x1  }
0xc2: {  	[sflag:s29] =	ssyncadd.s32 $0xFFFFFFFF  }
0xc3: {  	_ =	strace $0x9000005A  }
0xc4: {  	_ =	sfence  }
0xc5: {  	s30 =	sld [smem:$0x0];
	_ =	sdelay $0x2  }
0xc6: {  	s31 =	sshll.u32 s1, $0xD;
	s1 =	sshrl.u32 s1, $0x2  }
0xc7: {  	s4 =	sand.u32 $0x4000, s31;
	s1 =	sadd.s32 s1, s30  }
0xc8: {  	s0 =	sor.u32 s4, s0;
	s1 =	sshll.u32 s1, $0x11  }
0xc9: {  	s0 =	sor.u32 s1, s0  }
0xca: {  	s0 =	sadd.s32 $0x8F2B, s0  }
0xcb: {  	[sflag:s0] =	ssyncadd.remote.s32 $0x1  }
0xcc: {  	_ =	sfence.sel $0xFFFF  }
0xcd: {  	[dreg:$0x0] =	wrdreg $0xFFFFFFFF;
	(pc) =	sbr.abs _section_cstart, $3  }
0xce: {  	[dreg:$0x1] =	wrdreg $0xFFFFFFFF  }
0xcf: {  	_ =	task.clear_ibuf [dreg:s22], $0x2FFFF;
	_ =	strace $0x9FFFFFFF  }
0xd0: {  	(tm) =	ssettm $0x7FFFFFFF  }
0xd1: {  	_ =	shalt  }
tec
execute0_lowered:
.L_overlay_start_1:
0x0: {  	(tag) =	ssettag $0x1  }
0x1: {  	s11 =	rddreg [dreg:$0x0];
	s1 =	stileid.u32  }
0x2: {  	s0 =	rddreg [dreg:$0x1];
	s3 =	smul.u32 $0x50, s1  }
0x3: {  	s2 =	simm.s32 $0x0;
	s6 =	srdreg.scid;
	s8 =	simm.s32 $0x500  }
0x4: {  	s9 =	simm.s32 $0x1;
	[smem:$0x7FF] =	sst s2;
	s5 =	sadd.s32 s3, s11  }
0x5: {  	_ =	strace $0x80000059;
	s3 =	simm.s32 $0x2;
	s4 =	sadd.s32 $0x10400, s5  }
0x6: {  	[tilespmem:s2], [sflag:$0x2] =	stream.linear.gather [hbm4b:s4+s2], $0x280, $0x38;
	[tilespmem:$0x14500] =	vst v63  }
0x7: {  	s10 =	sand.u32 $0x1, s6;
	s13 =	smul.u32 $0x14000, s1;
	_ =	swait.ge [sflag:s3], $0x280  }
0x8: {  	s6 =	simm.s32 $0x280;
	s7 =	smul.u32 $0x780, s10;
	[sflag:s3] =	ssyncset.done $0x0  }
0x9: {  	s12 =	smul.u32 $0x140000, s10;
	s5 =	sadd.s32 $0x10A00, s5;
	[sflag:s3] =	ssyncadd.s32 $0xFFFFFD80  }
0xa: {  	[tilespmem:s6], [sflag:$0x2] =	stream.linear.gather [hbm4b:s5+s2], $0x280, $0x38;
	[tilespmem:$0x14500] =	vst v63  }
0xb: {  	s14 =	sshll.u32 s10, $0x6;
	s29 =	ssub.s32 $0x2, s10;
	_ =	swait.ge [sflag:s3], $0x280  }
0xc: {  	s14 =	sadd.s32 s14, s11;
	s7 =	sadd.s32 s7, s11;
	[sflag:s3] =	ssyncset.done $0x0  }
0xd: {  	s30 =	sshrl.u32 s29, $0x1;
	s7 =	sadd.s32 $0x16000, s7;
	[sflag:s3] =	ssyncadd.s32 $0xFFFFFD80  }
0xe: {  	[tilespmem:s8], [sflag:$0x1] =	stream.indirect.gather [hbm4b:s7+s6], $0x80, s2, s6, $0xb8;
	[tilespmem:$0x14500] =	vst v63  }
0xf: {  	s12 =	sadd.s32 s13, s12;
	s10 =	sadd.s32 $0x10000, s14;
	_ =	swait.ge [sflag:s9], $0x14000  }
0x10: {  	s31 =	ssub.s32 s29, s30;
	s12 =	sshrl.u32 s12, $0x3;
	[sflag:s9] =	ssyncset.done $0x0  }
0x11: {  	s11 =	sadd.s32 s12, s11;
	s12 =	smax.u32 s31, $0x1;
	[sflag:s9] =	ssyncadd.s32 $0xFFFEC000  }
0x12: {  	[tilespmem:s8], [sflag:$0x1] =	stream.indirect.gather.add.f32 [hbm:s10], $0x80, s6, s6, $0xb8;
	[tilespmem:$0x14500] =	vst v63  }
0x13: {  	p0 =	sne.s32 s12, $0x1;
	_ =	swait.ge [sflag:s9], $0x14000  }
.Ltmp0:
0x14: {  	[sflag:s9] =	ssyncset.done $0x0;
	(pc) =	sbr.rel @!p0 .LBB2_2-.Ltmp0, $4  }
0x15: {  	s11 =	sadd.s32 $0x31000, s11;
	[sflag:s9] =	ssyncadd.s32 $0xFFFEC000  }
0x16: {  	[hbm4b:s11+s2] =	stream.linear.scatter [tilespmem:s8], [sflag:$0x2], $0x14000, $0x38;
	[tilespmem:$0x14500] =	vst v63  }
0x17: {  	_ =	swait.ge [sflag:s3], $0x14000  }
0x18: {  	s12 =	sadd.s32 $0xFFFFFFFF, s12;
	[sflag:s3] =	ssyncset.done $0x0  }
.LBB2_1:
0x19: {  	p0 =	sne.s32 s12, $0x1;
	s12 =	sadd.s32 $0xFFFFFFFF, s12;
	[sflag:s3] =	ssyncadd.s32 $0xFFFEC000  }
0x1a: {  	[tilespmem:s2], [sflag:$0x2] =	stream.linear.gather [hbm4b:s4+s2], $0x280, $0x38;
	[tilespmem:$0x14500] =	vst v63  }
0x1b: {  	_ =	swait.ge [sflag:s3], $0x280  }
0x1c: {  	[sflag:s3] =	ssyncset.done $0x0  }
0x1d: {  	[sflag:s3] =	ssyncadd.s32 $0xFFFFFD80  }
0x1e: {  	[tilespmem:s6], [sflag:$0x2] =	stream.linear.gather [hbm4b:s5+s2], $0x280, $0x38;
	[tilespmem:$0x14500] =	vst v63  }
0x1f: {  	_ =	swait.ge [sflag:s3], $0x280  }
0x20: {  	[sflag:s3] =	ssyncset.done $0x0  }
0x21: {  	[sflag:s3] =	ssyncadd.s32 $0xFFFFFD80  }
0x22: {  	[tilespmem:s8], [sflag:$0x1] =	stream.indirect.gather [hbm4b:s7+s6], $0x80, s2, s6, $0xb8;
	[tilespmem:$0x14500] =	vst v63  }
0x23: {  	_ =	swait.ge [sflag:s9], $0x14000  }
0x24: {  	[sflag:s9] =	ssyncset.done $0x0  }
0x25: {  	[sflag:s9] =	ssyncadd.s32 $0xFFFEC000  }
0x26: {  	[tilespmem:s8], [sflag:$0x1] =	stream.indirect.gather.add.f32 [hbm:s10], $0x80, s6, s6, $0xb8;
	[tilespmem:$0x14500] =	vst v63  }
0x27: {  	_ =	swait.ge [sflag:s9], $0x14000  }
.Ltmp1:
0x28: {  	[sflag:s9] =	ssyncset.done $0x0;
	(pc) =	sbr.rel @p0 .LBB2_1-.Ltmp1, $4  }
0x29: {  	[sflag:s9] =	ssyncadd.s32 $0xFFFEC000  }
0x2a: {  	[hbm4b:s11+s2] =	stream.linear.scatter [tilespmem:s8], [sflag:$0x2], $0x14000, $0x38;
	[tilespmem:$0x14500] =	vst v63  }
0x2b: {  	_ =	swait.ge [sflag:s3], $0x14000  }
0x2c: {  	[sflag:s3] =	ssyncset.done $0x0  }
.LBB2_2:
0x2d: {  	[sflag:s3] =	ssyncadd.s32 $0xFFFEC000  }
0x2e: {  	_ =	sfence.sel $0x180000  }
0x2f: {  	[bflag:$0x0] =	sbarrier.arrive $0xFFFF  }
0x30: {  	p0 =	sne.s32 s1, $0x0;
	_ =	strace $0x90000059  }
0x31: {  	s0 =	sadd.s32 @!p0 $0x100000, s0;
	[bflag:$0x2] =	sbarrier.arrive $0xFFFF  }
0x32: {  	[sflag:s0] =	ssyncadd.tile.s32 @!p0 $0x1;
	_ =	shalt  }
.Lfunc_end2:
_tile_overlayer_lowered:
.L_overlay_start_2:
0x33: {  	(tag) =	ssettag $0x2  }
0x34: {  	s0 =	rddreg [dreg:$0x0];
	s2 =	stileid.u32  }
0x35: {  	s1 =	rddreg [dreg:$0x1];
	p0 =	sne.s32 s2, $0x0  }
0x36: {  	s3 =	rddreg [dreg:$0x2];
	[bflag:$0x3] =	sbarrier.arrive $0xFFFF;
	s2 =	simm.s32 @!p0 $0x1C02  }
0x37: {  	[timem:s3], [sflag:s2] =	dma.local @!p0 [hbm:s0], s1  }
0x38: {  	s0 =	simm.s32 @!p0 $0x2  }
0x39: {  	_ =	swait.ge @!p0 [sflag:s0], s1  }
0x3a: {  	s1 =	ssub.s32 @!p0 $0x0, s1;
	[sflag:s0] =	ssyncset.done @!p0 $0x0  }
0x3b: {  	[sflag:s0] =	ssyncadd.s32 @!p0 s1  }
0x3c: {  	[bflag:$0x3] =	sbarrier.arrive $0xFFFF  }
0x3d: {  	_ =	shalt  }

// kernel: kernel.21.cloned.1.call-start
scs
__scs_entry_jumppad:
0x0: {  	(pc) =	sbr.rel $0x88, $3  }
0x1: {  	(tag) =	ssettag $0x0;
	lr =	simm.s32 $0x1  }
0x2: {  	[smem:$0x3F92] =	sst lr;
	_ =	strace $0xD0000000  }
0x3: {  	_ = 	snop  }
0x4: {  	_ = 	snop  }
0x5: {  	_ = 	snop  }
0x6: {  	_ = 	snop  }
0x7: {  	_ = 	snop  }
__scs_overlays_trampoline_lowered:
0x8: {  	[smem:$0x3FA1] =	sst s0  }
0x9: {  	[smem:$0x3FA2] =	sst s1  }
0xa: {  	[smem:$0x3FA3] =	sst s2  }
0xb: {  	[smem:$0x3FA4] =	sst s3  }
0xc: {  	[smem:$0x3FA5] =	sst s4  }
0xd: {  	[smem:$0x3FA6] =	sst s5  }
0xe: {  	[smem:$0x3FA7] =	sst s6  }
0xf: {  	[smem:$0x3FA8] =	sst s7  }
0x10: {  	[smem:$0x3FA9] =	sst s8  }
0x11: {  	[smem:$0x3FAA] =	sst s9;
	s0 =	simm.s32 @!p0 $0x0  }
0x12: {  	s1 =	sld [smem:$0x3F90];
	s0 =	simm.s32 @p0 $0x1  }
0x13: {  	[smem:$0x3FAB] =	sst s0;
	s0 =	simm.s32 @!p1 $0x0  }
0x14: {  	s2 =	sld [smem:$0x3F8F];
	s0 =	simm.s32 @p1 $0x1  }
0x15: {  	[smem:$0x3FAC] =	sst s0;
	s0 =	simm.s32 @!p2 $0x0  }
0x16: {  	s3 =	sld [smem:$0x3FDB];
	s0 =	simm.s32 @p2 $0x1  }
0x17: {  	s4 =	simm.s32 $0x1BF5;
	[smem:$0x3FAE] =	sst s0  }
0x18: {  	s0 =	sld [smem:$0x3F91];
	_ =	swait.ge [sflag:s4], $0x0  }
0x19: {  	s7 =	sld [smem:$0x3F92]  }
0x1a: {  	s8 =	sadd.s32 $0xFFFFE003, lr  }
0x1b: {  	s9 =	sadd.s32 $0xFFFFFEF7, lr;
	s5 =	simm.s32 $0xFFFFFFFF;
	p2 =	slt.u32 s8, $0xFFFFF086  }
0x1c: {  	p1 =	slt.u32 s9, $0xF7A;
	s5 =	simm.s32 @!p2 $0x0  }
0x1d: {  	s5 =	simm.s32 @p1 $0x1;
	p0 =	seq.s32 s7, s2  }
0x1e: {  	s7 =	smul.u32 @!p0 $0xF7A, s2;
	p2 =	seq.s32 @!p0 s5, $0x0  }
0x1f: {  	s9 =	smul.u32 $0xF7A, s1;
	s8 =	simm.s32 @!p0 $0x1BF5;
	p2 =	por !p2, p0  }
0x20: {  	[sflag:s8] =	ssyncset.s32 @!p0 $0xFFFFF086;
	s6 =	sadd.s32 @!p0 s3, s7;
	s7 =	simm.s32 @!p0 $0x108  }
0x21: {  	s3 =	sadd.s32 s3, s9;
	s6 =	sadd.s32 @!p0 $0x88, s6;
	s7 =	simm.s32 @p2 $0x1082  }
0x22: {  	[simem:s7], [sflag:s8] =	dma.local @!p0 [hbm:s6], $0xF7A  }
0x23: {  	s9 =	sor.u32 $0xD0000000, s2;
	s6 =	simm.s32 $0x108;
	_ =	swait.ge @!p0 [sflag:s8], $0x0  }
0x24: {  	s3 =	sadd.s32 $0x88, s3;
	s6 =	simm.s32 @!p1 $0x1082;
	[sflag:s4] =	ssyncset.s32 $0xFFFFF086  }
0x25: {  	[simem:s6], [sflag:s4] =	dma.local [hbm:s3], $0xF7A  }
0x26: {  	[smem:$0x3F92] =	sst s1;
	(tag) =	ssettag s2;
	_ =	strace s9  }
0x27: {  	s1 =	sld [smem:$0x3FA2]  }
0x28: {  	s2 =	sld [smem:$0x3FA3]  }
0x29: {  	s4 =	sld [smem:$0x3FA5]  }
0x2a: {  	p0 =	seq.s32 s5, $0x0;
	s5 =	sld [smem:$0x3FA6]  }
0x2b: {  	s6 =	sld [smem:$0x3FA7]  }
0x2c: {  	s7 =	sld [smem:$0x3FA8]  }
0x2d: {  	s3 =	simm.s32 $0x108;
	s8 =	sld [smem:$0x3FA9]  }
0x2e: {  	s3 =	simm.s32 @!p0 $0x1082;
	s9 =	sld [smem:$0x3FAA]  }
0x2f: {  	lr =	sadd.s32 s0, s3;
	s0 =	sld [smem:$0x3FA1]  }
0x30: {  	s3 =	sld [smem:$0x3FA4]  }
0x31: {  	[smem:$0x3FAD] =	sst s10  }
0x32: {  	s10 =	sld [smem:$0x3FAB];
	_ =	sdelay $0x3  }
0x33: {  	p0 =	seq.s32 s10, $0x1;
	s10 =	sld [smem:$0x3FAD];
	_ =	sdelay $0x3  }
0x34: {  	[smem:$0x3FAD] =	sst s10  }
0x35: {  	s10 =	sld [smem:$0x3FAC];
	_ =	sdelay $0x3  }
0x36: {  	p1 =	seq.s32 s10, $0x1;
	s10 =	sld [smem:$0x3FAD];
	_ =	sdelay $0x3  }
0x37: {  	[smem:$0x3FAD] =	sst s10  }
0x38: {  	s10 =	sld [smem:$0x3FAE]  }
0x39: {  	_ = 	snop;
	(pc) =	sbr.ind lr, $3  }
0x3a: {  	_ = 	snop  }
0x3b: {  	_ = 	snop  }
0x3c: {  	p2 =	seq.s32 s10, $0x1;
	s10 =	sld [smem:$0x3FAD]  }
0x3d: {  	_ =	shalt  }
0x3e: {  	_ =	shalt  }
0x3f: {  	_ =	shalt  }
0x40: {  	_ =	shalt  }
0x41: {  	_ =	shalt  }
0x42: {  	_ =	shalt  }
0x43: {  	_ =	shalt  }
0x44: {  	_ =	shalt  }
0x45: {  	_ =	shalt  }
0x46: {  	_ =	shalt  }
0x47: {  	_ =	shalt  }
0x48: {  	_ =	shalt  }
0x49: {  	_ =	shalt  }
0x4a: {  	_ =	shalt  }
0x4b: {  	_ =	shalt  }
0x4c: {  	_ =	shalt  }
0x4d: {  	_ =	shalt  }
0x4e: {  	_ =	shalt  }
0x4f: {  	_ =	shalt  }
0x50: {  	_ =	shalt  }
0x51: {  	_ =	shalt  }
0x52: {  	_ =	shalt  }
0x53: {  	_ =	shalt  }
0x54: {  	_ =	shalt  }
0x55: {  	_ =	shalt  }
0x56: {  	_ =	shalt  }
0x57: {  	_ =	shalt  }
0x58: {  	_ =	shalt  }
0x59: {  	_ =	shalt  }
0x5a: {  	_ =	shalt  }
0x5b: {  	_ =	shalt  }
0x5c: {  	_ =	shalt  }
0x5d: {  	_ =	shalt  }
0x5e: {  	_ =	shalt  }
0x5f: {  	_ =	shalt  }
0x60: {  	_ =	shalt  }
0x61: {  	_ =	shalt  }
0x62: {  	_ =	shalt  }
0x63: {  	_ =	shalt  }
0x64: {  	_ =	shalt  }
0x65: {  	_ =	shalt  }
0x66: {  	_ =	shalt  }
0x67: {  	_ =	shalt  }
0x68: {  	_ =	shalt  }
0x69: {  	_ =	shalt  }
0x6a: {  	_ =	shalt  }
0x6b: {  	_ =	shalt  }
0x6c: {  	_ =	shalt  }
0x6d: {  	_ =	shalt  }
0x6e: {  	_ =	shalt  }
0x6f: {  	_ =	shalt  }
0x70: {  	_ =	shalt  }
0x71: {  	_ =	shalt  }
0x72: {  	_ =	shalt  }
0x73: {  	_ =	shalt  }
0x74: {  	_ =	shalt  }
0x75: {  	_ =	shalt  }
0x76: {  	_ =	shalt  }
0x77: {  	_ =	shalt  }
0x78: {  	_ =	shalt  }
0x79: {  	_ =	shalt  }
0x7a: {  	_ =	shalt  }
0x7b: {  	_ =	shalt  }
0x7c: {  	_ =	shalt  }
0x7d: {  	_ =	shalt  }
0x7e: {  	_ =	shalt  }
0x7f: {  	_ =	shalt  }
0x80: {  	_ =	shalt  }
0x81: {  	_ =	shalt  }
0x82: {  	_ =	shalt  }
0x83: {  	_ =	shalt  }
0x84: {  	_ =	shalt  }
0x85: {  	_ =	shalt  }
0x86: {  	_ =	shalt  }
0x87: {  	_ =	shalt  }
.Lfunc_end0:
.L_simem_size_0:
called_computation.7_lowered:
.L_overlay_start_0:
0x88: {  	s2 =	sld [smem:$0x3FD9]  }
0x89: {  	s3 =	sld [smem:$0x3FFE];
	_ =	sdelay $0x1  }
0x8a: {  	s1 =	srdreg.scid  }
0x8b: {  	s0 =	sand.u32 $0x1, s1  }
0x8c: {  	s17 =	sshll.u32 s0, $0xA;
	s2 =	sadd.s32 s3, s2  }
0x8d: {  	s2 =	sadd.s32 s2, s17  }
0x8e: {  	[smem:$0x3FB9] =	sst s2  }
0x8f: {  	_ = 	snop  }
0x90: {  	s2 =	sld [smem:$0x3FD0];
	(tm) =	ssettm $0x1  }
0x91: {  	s18 =	sld [smem:$0x3FFB];
	_ =	sdelay $0x3  }
0x92: {  	_ =	strace s18  }
0x93: {  	s3 =	sld [smem:$0x3FFC];
	_ =	sdelay $0x3  }
0x94: {  	_ =	strace s3  }
0x95: {  	s3 =	sld [smem:$0x3FFD];
	_ =	sdelay $0x3  }
0x96: {  	_ =	strace s3  }
0x97: {  	_ =	strace $0x8FFFFFFF  }
0x98: {  	s19 =	sld [smem:$0x3FDB];
	_ =	sdelay $0x1  }
0x99: {  	s4 =	simm.s32 $_scs_section_size  }
0x9a: {  	s5 =	simm.s32 $_size__tile_overlayer_lowered;
	s6 =	simm.s32 $_tile_overlayer_lowered  }
0x9b: {  	s22 =	simm.s32 $0x1BFF;
	s21 =	sshll.u32 s6, $0x1;
	s3 =	sadd.s32 s4, s19  }
0x9c: {  	s7 =	simm.s32 $0x0;
	s20 =	sshll.u32 s5, $0x1;
	s5 =	sadd.s32 s21, s3  }
0x9d: {  	[timem:s7], [sflag:s22] =	dma.local [hbm:s5], s20  }
0x9e: {  	_ =	swait.ge [sflag:s22], s20  }
0x9f: {  	s4 =	ssub.s32 $0x0, s20;
	[sflag:s22] =	ssyncset.done $0x0  }
0xa0: {  	[sflag:s22] =	ssyncadd.s32 s4;
	_ =	sdelay $0x1  }
0xa1: {  	s23 =	simm.s32 $0x1B8B  }
0xa2: {  	_ =	swait.ge [sflag:s23], $0x1  }
0xa3: {  	[sflag:s23] =	ssyncset.done $0x0  }
0xa4: {  	s25 =	simm.s32 $0x1B8E;
	s24 =	sld [smem:$0x3FFE];
	[sflag:s23] =	ssyncadd.s32 $0xFFFFFFFF  }
0xa5: {  	s26 =	simm.s32 $execute0_lowered;
	[smem:$0x3FD2] =	sst s25  }
0xa6: {  	s5 =	sshll.u32 s26, $0x1;
	_ =	strace $0x8000005B;
	[dreg:$0x1] =	wrdreg $0xFFFFFFFF  }
0xa7: {  	s28 =	simm.s32 $_size_execute0_lowered;
	s3 =	sadd.s32 s3, s5;
	[dreg:$0x0] =	wrdreg $0x0  }
0xa8: {  	s5 =	sshll.u32 s28, $0x1;
	[dreg:$0x2] =	wrdreg s3  }
0xa9: {  	[dreg:$0x3] =	wrdreg s5  }
0xaa: {  	[dreg:$0x4] =	wrdreg $0xC0  }
0xab: {  	_ =	task [dreg:s7], $0x5FFFF  }
0xac: {  	[dreg:$0x1] =	wrdreg $0xFFFFFFFF  }
0xad: {  	[dreg:$0x0] =	wrdreg $0x60  }
0xae: {  	[dreg:$0x2] =	wrdreg s24  }
0xaf: {  	[dreg:$0x3] =	wrdreg s2  }
0xb0: {  	[dreg:$0x4] =	wrdreg $0x0  }
0xb1: {  	[dreg:$0x5] =	wrdreg $0x9  }
0xb2: {  	_ =	task.clear_ibuf [dreg:s7], $0x6FFFF;
	_ =	strace $0x9000005B  }
0xb3: {  	s29 =	simm.s32 $0x9;
	_ =	strace $0x8000005D  }
0xb4: {  	_ =	swait.ge [sflag:s29], $0x1  }
0xb5: {  	[sflag:s29] =	ssyncadd.s32 $0xFFFFFFFF  }
0xb6: {  	_ =	strace $0x9000005D  }
0xb7: {  	_ =	sfence  }
0xb8: {  	s30 =	sld [smem:$0x0];
	_ =	sdelay $0x2  }
0xb9: {  	s31 =	sshll.u32 s1, $0xD;
	s1 =	sshrl.u32 s1, $0x2  }
0xba: {  	s3 =	sand.u32 $0x4000, s31;
	s1 =	sadd.s32 s1, s30  }
0xbb: {  	s0 =	sor.u32 s3, s0;
	s1 =	sshll.u32 s1, $0x11  }
0xbc: {  	s0 =	sor.u32 s1, s0  }
0xbd: {  	s0 =	sadd.s32 $0x8F2B, s0  }
0xbe: {  	[sflag:s0] =	ssyncadd.remote.s32 $0x1  }
0xbf: {  	_ =	sfence.sel $0xFFFF  }
0xc0: {  	[dreg:$0x0] =	wrdreg $0xFFFFFFFF;
	(pc) =	sbr.abs _section_cstart, $3  }
0xc1: {  	[dreg:$0x1] =	wrdreg $0xFFFFFFFF  }
0xc2: {  	_ =	task.clear_ibuf [dreg:s7], $0x2FFFF;
	_ =	strace $0x9FFFFFFF  }
0xc3: {  	(tm) =	ssettm $0x7FFFFFFF  }
tec
execute0_lowered:
.L_overlay_start_1:
0x0: {  	(tag) =	ssettag $0x1  }
0x1: {  	s4 =	rddreg [dreg:$0x0]  }
0x2: {  	s5 =	rddreg [dreg:$0x1]  }
0x3: {  	s0 =	srdreg.scid;
	s1 =	rddreg [dreg:$0x2];
	s3 =	simm.s32 $0x0  }
0x4: {  	s2 =	stileid.u32;
	s15 =	simm.s32 $0x14000;
	s16 =	simm.s32 $0x14100  }
0x5: {  	s17 =	simm.s32 $0xB8;
	s18 =	simm.s32 $0x14300;
	s9 =	smul.u32 $0x14000, s2  }
0x6: {  	s19 =	simm.s32 $0x1;
	s20 =	simm.s32 $0x14200;
	s11 =	smul.u32 $0x564, s2  }
0x7: {  	s6 =	sand.u32 $0x1, s0;
	s0 =	rddreg [dreg:$0x3];
	s12 =	smul.u32 $0x50000, s2  }
0x8: {  	s21 =	simm.s32 $0x0;
	[smem:$0x7FF] =	sst s3;
	s7 =	smul.u32 $0x28000, s6  }
0x9: {  	s31 =	sshll.u32 s2, $0x6;
	s8 =	smul.u32 $0x180, s6;
	_ =	strace $0x8000005C  }
0xa: {  	s10 =	smul.u32 $0x140000, s6;
	s6 =	ssub.s32 $0x2, s6;
	s13 =	sadd.s32 s11, s4  }
0xb: {  	s28 =	sshrl.u32 s6, $0x1;
	s29 =	sshrl.u32 s12, $0x2;
	s30 =	sshrl.u32 s9, $0x3  }
0xc: {  	s7 =	sadd.s32 s7, s4;
	s8 =	sadd.s32 s8, s4;
	s10 =	sadd.s32 s9, s10  }
0xd: {  	s11 =	ssub.s32 s6, s28;
	s14 =	sadd.s32 s29, s1;
	s12 =	sadd.s32 $0x1C800, s13  }
0xe: {  	s10 =	sshrl.u32 s10, $0x3;
	s6 =	sadd.s32 $0x31000, s7;
	s7 =	sadd.s32 $0x11200, s8  }
0xf: {  	s9 =	smax.u32 s11, $0x1;
	s11 =	sadd.s32 $0x81000, s13;
	s10 =	sadd.s32 s10, s4  }
0x10: {  	s4 =	sadd.s32 s5, s30;
	s5 =	sor.u32 $0x1C02, s31;
	s8 =	sadd.s32 $0x86800, s10  }
0x11: {  	s10 =	sadd.s32 $0x17000, s13;
	s13 =	sshrl.u32 s14, $0x3;
	s14 =	simm.s32 $0x2  }
.LBB2_1:
0x12: {  	[spmem:s13], [sflag:s5] =	dma.local [hbm:s4], $0x2800  }
0x13: {  	_ =	swait.ge [sflag:s14], $0x2800  }
0x14: {  	[sflag:s14] =	ssyncset.done $0x0  }
0x15: {  	[sflag:s14] =	ssyncadd.s32 $0xFFFFD800  }
0x16: {  	s22 =	sadd.s32 $0x0, s12;
	[bflag:$0x0] =	sbarrier.arrive $0xFFFF  }
0x17: {  	[tilespmem:s15], [sflag:$0x2] =	stream.linear.gather [hbm4b:s22+s3], $0xB8, $0x38;
	[tilespmem:$0x19F00] =	vst v63  }
0x18: {  	_ =	swait.ge [sflag:s14], $0xB8  }
0x19: {  	[sflag:s14] =	ssyncset.done $0x0  }
0x1a: {  	s30 =	sadd.s32 $0x0, s11;
	[sflag:s14] =	ssyncadd.s32 $0xFFFFFF48  }
0x1b: {  	[tilespmem:s16], [sflag:$0x2] =	stream.linear.gather [hbm4b:s30+s3], $0xB8, $0x38;
	[tilespmem:$0x19F00] =	vst v63  }
0x1c: {  	_ =	swait.ge [sflag:s14], $0xB8  }
0x1d: {  	[sflag:s14] =	ssyncset.done $0x0  }
0x1e: {  	[sflag:s14] =	ssyncadd.s32 $0xFFFFFF48  }
0x1f: {  	[tilespmem:s18], [sflag:$0x1] =	stream.indirect.gather [hbm4b:s6+s17], $0x80, s15, s17, $0xb8;
	[tilespmem:$0x19F00] =	vst v63  }
0x20: {  	_ =	swait.ge [sflag:s19], $0x5C00  }
0x21: {  	[sflag:s19] =	ssyncset.done $0x0  }
0x22: {  	[sflag:s19] =	ssyncadd.s32 $0xFFFFA400  }
0x23: {  	[tilespmem:s18], [sflag:$0x1] =	stream.indirect.gather.add.f32 [hbm:s7], $0x80, s16, s17, $0xb8;
	[tilespmem:$0x19F00] =	vst v63  }
0x24: {  	_ =	swait.ge [sflag:s19], $0x5C00  }
0x25: {  	[sflag:s19] =	ssyncset.done $0x0  }
0x26: {  	s31 =	sadd.s32 $0x0, s10;
	[sflag:s19] =	ssyncadd.s32 $0xFFFFA400  }
0x27: {  	[tilespmem:s20], [sflag:$0x2] =	stream.linear.gather [hbm4b:s31+s3], $0xB8, $0x38;
	[tilespmem:$0x19F00] =	vst v63  }
0x28: {  	_ =	swait.ge [sflag:s14], $0xB8  }
0x29: {  	[sflag:s14] =	ssyncset.done $0x0  }
0x2a: {  	[sflag:s14] =	ssyncadd.s32 $0xFFFFFF48  }
0x2b: {  	[spmem:s1] =	stream.indirect.scatter.add.f32 [tilespmem:s18], [sflag:$0x2], $0x80, s20, s17, $0xb8;
	[tilespmem:$0x19F00] =	vst v63  }
0x2c: {  	_ =	swait.ge [sflag:s14], $0x5C00  }
0x2d: {  	s23 =	simm.s32 $0x2E;
	s22 =	simm.s32 $0x17;
	[sflag:s14] =	ssyncset.done $0x0  }
.LBB2_2:
0x2e: {  	s24 =	sadd.s32 s22, s12  }
0x2f: {  	[sflag:s14] =	ssyncadd.s32 $0xFFFFA400;
	s25 =	smov.u32 s23;
	s26 =	sadd.s32 $0x17, s23  }
0x30: {  	[tilespmem:s15], [sflag:$0x2] =	stream.linear.gather [hbm4b:s24+s3], $0xB8, $0x38;
	[tilespmem:$0x19F00] =	vst v63  }
0x31: {  	p0 =	sne.s32 s23, $0x54D;
	_ =	swait.ge [sflag:s14], $0xB8  }
0x32: {  	[sflag:s14] =	ssyncset.done $0x0  }
0x33: {  	s23 =	sadd.s32 s22, s11;
	[sflag:s14] =	ssyncadd.s32 $0xFFFFFF48  }
0x34: {  	[tilespmem:s16], [sflag:$0x2] =	stream.linear.gather [hbm4b:s23+s3], $0xB8, $0x38;
	[tilespmem:$0x19F00] =	vst v63  }
0x35: {  	_ =	swait.ge [sflag:s14], $0xB8  }
0x36: {  	[sflag:s14] =	ssyncset.done $0x0  }
0x37: {  	[sflag:s14] =	ssyncadd.s32 $0xFFFFFF48  }
0x38: {  	[tilespmem:s18], [sflag:$0x1] =	stream.indirect.gather [hbm4b:s6+s17], $0x80, s15, s17, $0xb8;
	[tilespmem:$0x19F00] =	vst v63  }
0x39: {  	_ =	swait.ge [sflag:s19], $0x5C00  }
0x3a: {  	[sflag:s19] =	ssyncset.done $0x0  }
0x3b: {  	[sflag:s19] =	ssyncadd.s32 $0xFFFFA400  }
0x3c: {  	[tilespmem:s18], [sflag:$0x1] =	stream.indirect.gather.add.f32 [hbm:s7], $0x80, s16, s17, $0xb8;
	[tilespmem:$0x19F00] =	vst v63  }
0x3d: {  	_ =	swait.ge [sflag:s19], $0x5C00  }
0x3e: {  	[sflag:s19] =	ssyncset.done $0x0  }
0x3f: {  	s23 =	sadd.s32 s22, s10;
	s22 =	smov.u32 s25;
	[sflag:s19] =	ssyncadd.s32 $0xFFFFA400  }
0x40: {  	[tilespmem:s20], [sflag:$0x2] =	stream.linear.gather [hbm4b:s23+s3], $0xB8, $0x38;
	[tilespmem:$0x19F00] =	vst v63  }
0x41: {  	_ =	swait.ge [sflag:s14], $0xB8  }
.Ltmp0:
0x42: {  	[sflag:s14] =	ssyncset.done $0x0;
	(pc) =	sbr.rel @p0 .LBB2_2-.Ltmp0, $4  }
0x43: {  	[sflag:s14] =	ssyncadd.s32 $0xFFFFFF48  }
0x44: {  	[spmem:s1] =	stream.indirect.scatter.add.f32 [tilespmem:s18], [sflag:$0x2], $0x80, s20, s17, $0xb8;
	[tilespmem:$0x19F00] =	vst v63  }
0x45: {  	_ =	swait.ge [sflag:s14], $0x5C00  }
0x46: {  	s23 =	smov.u32 s26;
	[sflag:s14] =	ssyncset.done $0x0  }
0x47: {  	s23 =	sadd.s32 s22, s12;
	[sflag:s14] =	ssyncadd.s32 $0xFFFFA400  }
0x48: {  	[tilespmem:s15], [sflag:$0x2] =	stream.linear.gather [hbm4b:s23+s3], $0xB8, $0x38;
	[tilespmem:$0x19F00] =	vst v63  }
0x49: {  	_ =	swait.ge [sflag:s14], $0xB8  }
0x4a: {  	[sflag:s14] =	ssyncset.done $0x0  }
0x4b: {  	s30 =	sadd.s32 s22, s11;
	[sflag:s14] =	ssyncadd.s32 $0xFFFFFF48  }
0x4c: {  	[tilespmem:s16], [sflag:$0x2] =	stream.linear.gather [hbm4b:s30+s3], $0xB8, $0x38;
	[tilespmem:$0x19F00] =	vst v63  }
0x4d: {  	_ =	swait.ge [sflag:s14], $0xB8  }
0x4e: {  	[sflag:s14] =	ssyncset.done $0x0  }
0x4f: {  	[sflag:s14] =	ssyncadd.s32 $0xFFFFFF48  }
0x50: {  	[tilespmem:s18], [sflag:$0x1] =	stream.indirect.gather [hbm4b:s6+s17], $0x80, s15, s17, $0xb8;
	[tilespmem:$0x19F00] =	vst v63  }
0x51: {  	_ =	swait.ge [sflag:s19], $0x5C00  }
0x52: {  	[sflag:s19] =	ssyncset.done $0x0  }
0x53: {  	[sflag:s19] =	ssyncadd.s32 $0xFFFFA400  }
0x54: {  	[tilespmem:s18], [sflag:$0x1] =	stream.indirect.gather.add.f32 [hbm:s7], $0x80, s16, s17, $0xb8;
	[tilespmem:$0x19F00] =	vst v63  }
0x55: {  	_ =	swait.ge [sflag:s19], $0x5C00  }
0x56: {  	[sflag:s19] =	ssyncset.done $0x0  }
0x57: {  	s31 =	sadd.s32 s22, s10;
	[sflag:s19] =	ssyncadd.s32 $0xFFFFA400  }
0x58: {  	[tilespmem:s20], [sflag:$0x2] =	stream.linear.gather [hbm4b:s31+s3], $0xB8, $0x38;
	[tilespmem:$0x19F00] =	vst v63  }
0x59: {  	_ =	swait.ge [sflag:s14], $0xB8  }
0x5a: {  	[sflag:s14] =	ssyncset.done $0x0  }
0x5b: {  	[sflag:s14] =	ssyncadd.s32 $0xFFFFFF48  }
0x5c: {  	[spmem:s1] =	stream.indirect.scatter.add.f32 [tilespmem:s18], [sflag:$0x2], $0x80, s20, s17, $0xb8;
	[tilespmem:$0x19F00] =	vst v63  }
0x5d: {  	_ =	swait.ge [sflag:s14], $0x5C00  }
0x5e: {  	s21 =	sadd.s32 $0x1, s21;
	[sflag:s14] =	ssyncset.done $0x0  }
0x5f: {  	p0 =	sne.s32 s21, s9;
	[sflag:s14] =	ssyncadd.s32 $0xFFFFA400  }
.Ltmp1:
0x60: {  	[bflag:$0x0] =	sbarrier.arrive $0xFFFF;
	(pc) =	sbr.rel @p0 .LBB2_1-.Ltmp1, $4  }
0x61: {  	[hbm:s8], [sflag:s5] =	dma.local [spmem:s13], $0x2800  }
0x62: {  	_ =	swait.ge [sflag:s14], $0x2800  }
0x63: {  	[sflag:s14] =	ssyncset.done $0x0  }
0x64: {  	[sflag:s14] =	ssyncadd.s32 $0xFFFFD800  }
0x65: {  	_ =	sfence.sel $0x180000  }
0x66: {  	[bflag:$0x0] =	sbarrier.arrive $0xFFFF  }
0x67: {  	p0 =	sne.s32 s2, $0x0;
	_ =	strace $0x9000005C  }
0x68: {  	s0 =	sadd.s32 @!p0 $0x100000, s0;
	[bflag:$0x2] =	sbarrier.arrive $0xFFFF  }
0x69: {  	[sflag:s0] =	ssyncadd.tile.s32 @!p0 $0x1;
	_ =	shalt  }
.Lfunc_end2:
_tile_overlayer_lowered:
.L_overlay_start_2:
0x6a: {  	(tag) =	ssettag $0x2  }
0x6b: {  	s0 =	rddreg [dreg:$0x0];
	s2 =	stileid.u32  }
0x6c: {  	s1 =	rddreg [dreg:$0x1];
	p0 =	sne.s32 s2, $0x0  }
0x6d: {  	s3 =	rddreg [dreg:$0x2];
	[bflag:$0x3] =	sbarrier.arrive $0xFFFF;
	s2 =	simm.s32 @!p0 $0x1C02  }
0x6e: {  	[timem:s3], [sflag:s2] =	dma.local @!p0 [hbm:s0], s1  }
0x6f: {  	s0 =	simm.s32 @!p0 $0x2  }
0x70: {  	_ =	swait.ge @!p0 [sflag:s0], s1  }
0x71: {  	s1 =	ssub.s32 @!p0 $0x0, s1;
	[sflag:s0] =	ssyncset.done @!p0 $0x0  }
0x72: {  	[sflag:s0] =	ssyncadd.s32 @!p0 s1  }
0x73: {  	[bflag:$0x3] =	sbarrier.arrive $0xFFFF  }
0x74: {  	_ =	shalt  }

// kernel: kernel.24.cloned.1.call-start
scs
__scs_entry_jumppad:
0x0: {  	(pc) =	sbr.rel $0x88, $3  }
0x1: {  	(tag) =	ssettag $0x0;
	lr =	simm.s32 $0x1  }
0x2: {  	[smem:$0x3F92] =	sst lr;
	_ =	strace $0xD0000000  }
0x3: {  	_ = 	snop  }
0x4: {  	_ = 	snop  }
0x5: {  	_ = 	snop  }
0x6: {  	_ = 	snop  }
0x7: {  	_ = 	snop  }
__scs_overlays_trampoline_lowered:
0x8: {  	[smem:$0x3FA1] =	sst s0  }
0x9: {  	[smem:$0x3FA2] =	sst s1  }
0xa: {  	[smem:$0x3FA3] =	sst s2  }
0xb: {  	[smem:$0x3FA4] =	sst s3  }
0xc: {  	[smem:$0x3FA5] =	sst s4  }
0xd: {  	[smem:$0x3FA6] =	sst s5  }
0xe: {  	[smem:$0x3FA7] =	sst s6  }
0xf: {  	[smem:$0x3FA8] =	sst s7  }
0x10: {  	[smem:$0x3FA9] =	sst s8  }
0x11: {  	[smem:$0x3FAA] =	sst s9;
	s0 =	simm.s32 @!p0 $0x0  }
0x12: {  	s1 =	sld [smem:$0x3F90];
	s0 =	simm.s32 @p0 $0x1  }
0x13: {  	[smem:$0x3FAB] =	sst s0;
	s0 =	simm.s32 @!p1 $0x0  }
0x14: {  	s2 =	sld [smem:$0x3F8F];
	s0 =	simm.s32 @p1 $0x1  }
0x15: {  	[smem:$0x3FAC] =	sst s0;
	s0 =	simm.s32 @!p2 $0x0  }
0x16: {  	s3 =	sld [smem:$0x3FDB];
	s0 =	simm.s32 @p2 $0x1  }
0x17: {  	s4 =	simm.s32 $0x1BF5;
	[smem:$0x3FAE] =	sst s0  }
0x18: {  	s0 =	sld [smem:$0x3F91];
	_ =	swait.ge [sflag:s4], $0x0  }
0x19: {  	s7 =	sld [smem:$0x3F92]  }
0x1a: {  	s8 =	sadd.s32 $0xFFFFE003, lr  }
0x1b: {  	s9 =	sadd.s32 $0xFFFFFEF7, lr;
	s5 =	simm.s32 $0xFFFFFFFF;
	p2 =	slt.u32 s8, $0xFFFFF086  }
0x1c: {  	p1 =	slt.u32 s9, $0xF7A;
	s5 =	simm.s32 @!p2 $0x0  }
0x1d: {  	s5 =	simm.s32 @p1 $0x1;
	p0 =	seq.s32 s7, s2  }
0x1e: {  	s7 =	smul.u32 @!p0 $0xF7A, s2;
	p2 =	seq.s32 @!p0 s5, $0x0  }
0x1f: {  	s9 =	smul.u32 $0xF7A, s1;
	s8 =	simm.s32 @!p0 $0x1BF5;
	p2 =	por !p2, p0  }
0x20: {  	[sflag:s8] =	ssyncset.s32 @!p0 $0xFFFFF086;
	s6 =	sadd.s32 @!p0 s3, s7;
	s7 =	simm.s32 @!p0 $0x108  }
0x21: {  	s3 =	sadd.s32 s3, s9;
	s6 =	sadd.s32 @!p0 $0x88, s6;
	s7 =	simm.s32 @p2 $0x1082  }
0x22: {  	[simem:s7], [sflag:s8] =	dma.local @!p0 [hbm:s6], $0xF7A  }
0x23: {  	s9 =	sor.u32 $0xD0000000, s2;
	s6 =	simm.s32 $0x108;
	_ =	swait.ge @!p0 [sflag:s8], $0x0  }
0x24: {  	s3 =	sadd.s32 $0x88, s3;
	s6 =	simm.s32 @!p1 $0x1082;
	[sflag:s4] =	ssyncset.s32 $0xFFFFF086  }
0x25: {  	[simem:s6], [sflag:s4] =	dma.local [hbm:s3], $0xF7A  }
0x26: {  	[smem:$0x3F92] =	sst s1;
	(tag) =	ssettag s2;
	_ =	strace s9  }
0x27: {  	s1 =	sld [smem:$0x3FA2]  }
0x28: {  	s2 =	sld [smem:$0x3FA3]  }
0x29: {  	s4 =	sld [smem:$0x3FA5]  }
0x2a: {  	p0 =	seq.s32 s5, $0x0;
	s5 =	sld [smem:$0x3FA6]  }
0x2b: {  	s6 =	sld [smem:$0x3FA7]  }
0x2c: {  	s7 =	sld [smem:$0x3FA8]  }
0x2d: {  	s3 =	simm.s32 $0x108;
	s8 =	sld [smem:$0x3FA9]  }
0x2e: {  	s3 =	simm.s32 @!p0 $0x1082;
	s9 =	sld [smem:$0x3FAA]  }
0x2f: {  	lr =	sadd.s32 s0, s3;
	s0 =	sld [smem:$0x3FA1]  }
0x30: {  	s3 =	sld [smem:$0x3FA4]  }
0x31: {  	[smem:$0x3FAD] =	sst s10  }
0x32: {  	s10 =	sld [smem:$0x3FAB];
	_ =	sdelay $0x3  }
0x33: {  	p0 =	seq.s32 s10, $0x1;
	s10 =	sld [smem:$0x3FAD];
	_ =	sdelay $0x3  }
0x34: {  	[smem:$0x3FAD] =	sst s10  }
0x35: {  	s10 =	sld [smem:$0x3FAC];
	_ =	sdelay $0x3  }
0x36: {  	p1 =	seq.s32 s10, $0x1;
	s10 =	sld [smem:$0x3FAD];
	_ =	sdelay $0x3  }
0x37: {  	[smem:$0x3FAD] =	sst s10  }
0x38: {  	s10 =	sld [smem:$0x3FAE]  }
0x39: {  	_ = 	snop;
	(pc) =	sbr.ind lr, $3  }
0x3a: {  	_ = 	snop  }
0x3b: {  	_ = 	snop  }
0x3c: {  	p2 =	seq.s32 s10, $0x1;
	s10 =	sld [smem:$0x3FAD]  }
0x3d: {  	_ =	shalt  }
0x3e: {  	_ =	shalt  }
0x3f: {  	_ =	shalt  }
0x40: {  	_ =	shalt  }
0x41: {  	_ =	shalt  }
0x42: {  	_ =	shalt  }
0x43: {  	_ =	shalt  }
0x44: {  	_ =	shalt  }
0x45: {  	_ =	shalt  }
0x46: {  	_ =	shalt  }
0x47: {  	_ =	shalt  }
0x48: {  	_ =	shalt  }
0x49: {  	_ =	shalt  }
0x4a: {  	_ =	shalt  }
0x4b: {  	_ =	shalt  }
0x4c: {  	_ =	shalt  }
0x4d: {  	_ =	shalt  }
0x4e: {  	_ =	shalt  }
0x4f: {  	_ =	shalt  }
0x50: {  	_ =	shalt  }
0x51: {  	_ =	shalt  }
0x52: {  	_ =	shalt  }
0x53: {  	_ =	shalt  }
0x54: {  	_ =	shalt  }
0x55: {  	_ =	shalt  }
0x56: {  	_ =	shalt  }
0x57: {  	_ =	shalt  }
0x58: {  	_ =	shalt  }
0x59: {  	_ =	shalt  }
0x5a: {  	_ =	shalt  }
0x5b: {  	_ =	shalt  }
0x5c: {  	_ =	shalt  }
0x5d: {  	_ =	shalt  }
0x5e: {  	_ =	shalt  }
0x5f: {  	_ =	shalt  }
0x60: {  	_ =	shalt  }
0x61: {  	_ =	shalt  }
0x62: {  	_ =	shalt  }
0x63: {  	_ =	shalt  }
0x64: {  	_ =	shalt  }
0x65: {  	_ =	shalt  }
0x66: {  	_ =	shalt  }
0x67: {  	_ =	shalt  }
0x68: {  	_ =	shalt  }
0x69: {  	_ =	shalt  }
0x6a: {  	_ =	shalt  }
0x6b: {  	_ =	shalt  }
0x6c: {  	_ =	shalt  }
0x6d: {  	_ =	shalt  }
0x6e: {  	_ =	shalt  }
0x6f: {  	_ =	shalt  }
0x70: {  	_ =	shalt  }
0x71: {  	_ =	shalt  }
0x72: {  	_ =	shalt  }
0x73: {  	_ =	shalt  }
0x74: {  	_ =	shalt  }
0x75: {  	_ =	shalt  }
0x76: {  	_ =	shalt  }
0x77: {  	_ =	shalt  }
0x78: {  	_ =	shalt  }
0x79: {  	_ =	shalt  }
0x7a: {  	_ =	shalt  }
0x7b: {  	_ =	shalt  }
0x7c: {  	_ =	shalt  }
0x7d: {  	_ =	shalt  }
0x7e: {  	_ =	shalt  }
0x7f: {  	_ =	shalt  }
0x80: {  	_ =	shalt  }
0x81: {  	_ =	shalt  }
0x82: {  	_ =	shalt  }
0x83: {  	_ =	shalt  }
0x84: {  	_ =	shalt  }
0x85: {  	_ =	shalt  }
0x86: {  	_ =	shalt  }
0x87: {  	_ =	shalt  }
.Lfunc_end0:
.L_simem_size_0:
called_computation.8_lowered:
.L_overlay_start_0:
0x88: {  	s2 =	sld [smem:$0x3FD9]  }
0x89: {  	s3 =	sld [smem:$0x3FFE];
	_ =	sdelay $0x1  }
0x8a: {  	s1 =	srdreg.scid  }
0x8b: {  	s0 =	sand.u32 $0x1, s1  }
0x8c: {  	s17 =	sshll.u32 s0, $0xA;
	s2 =	sadd.s32 s3, s2  }
0x8d: {  	s2 =	sadd.s32 s2, s17  }
0x8e: {  	[smem:$0x3FB9] =	sst s2  }
0x8f: {  	_ = 	snop  }
0x90: {  	s2 =	sld [smem:$0x3FD0];
	(tm) =	ssettm $0x1  }
0x91: {  	s18 =	sld [smem:$0x3FFB];
	_ =	sdelay $0x3  }
0x92: {  	_ =	strace s18  }
0x93: {  	s3 =	sld [smem:$0x3FFC];
	_ =	sdelay $0x3  }
0x94: {  	_ =	strace s3  }
0x95: {  	s3 =	sld [smem:$0x3FFD];
	_ =	sdelay $0x3  }
0x96: {  	_ =	strace s3  }
0x97: {  	_ =	strace $0x8FFFFFFF  }
0x98: {  	s19 =	sld [smem:$0x3FDB];
	_ =	sdelay $0x1  }
0x99: {  	s4 =	simm.s32 $_scs_section_size  }
0x9a: {  	s5 =	simm.s32 $_size__tile_overlayer_lowered;
	s6 =	simm.s32 $_tile_overlayer_lowered  }
0x9b: {  	s22 =	simm.s32 $0x1BFF;
	s21 =	sshll.u32 s6, $0x1;
	s3 =	sadd.s32 s4, s19  }
0x9c: {  	s7 =	simm.s32 $0x0;
	s20 =	sshll.u32 s5, $0x1;
	s5 =	sadd.s32 s21, s3  }
0x9d: {  	[timem:s7], [sflag:s22] =	dma.local [hbm:s5], s20  }
0x9e: {  	_ =	swait.ge [sflag:s22], s20  }
0x9f: {  	s4 =	ssub.s32 $0x0, s20;
	[sflag:s22] =	ssyncset.done $0x0  }
0xa0: {  	[sflag:s22] =	ssyncadd.s32 s4;
	_ =	sdelay $0x1  }
0xa1: {  	s23 =	simm.s32 $0x1B8B  }
0xa2: {  	_ =	swait.ge [sflag:s23], $0x1  }
0xa3: {  	[sflag:s23] =	ssyncset.done $0x0  }
0xa4: {  	s25 =	simm.s32 $0x1B8E;
	s24 =	sld [smem:$0x3FFE];
	[sflag:s23] =	ssyncadd.s32 $0xFFFFFFFF  }
0xa5: {  	s26 =	simm.s32 $execute0_lowered;
	[smem:$0x3FD2] =	sst s25  }
0xa6: {  	s5 =	sshll.u32 s26, $0x1;
	_ =	strace $0x8000005E;
	[dreg:$0x1] =	wrdreg $0xFFFFFFFF  }
0xa7: {  	s28 =	simm.s32 $_size_execute0_lowered;
	s3 =	sadd.s32 s3, s5;
	[dreg:$0x0] =	wrdreg $0x0  }
0xa8: {  	s5 =	sshll.u32 s28, $0x1;
	[dreg:$0x2] =	wrdreg s3  }
0xa9: {  	[dreg:$0x3] =	wrdreg s5  }
0xaa: {  	[dreg:$0x4] =	wrdreg $0xC0  }
0xab: {  	_ =	task [dreg:s7], $0x5FFFF  }
0xac: {  	[dreg:$0x1] =	wrdreg $0xFFFFFFFF  }
0xad: {  	[dreg:$0x0] =	wrdreg $0x60  }
0xae: {  	[dreg:$0x2] =	wrdreg s24  }
0xaf: {  	[dreg:$0x3] =	wrdreg s2  }
0xb0: {  	[dreg:$0x4] =	wrdreg $0x0  }
0xb1: {  	[dreg:$0x5] =	wrdreg $0x9  }
0xb2: {  	_ =	task.clear_ibuf [dreg:s7], $0x6FFFF;
	_ =	strace $0x9000005E  }
0xb3: {  	s29 =	simm.s32 $0x9;
	_ =	strace $0x80000060  }
0xb4: {  	_ =	swait.ge [sflag:s29], $0x1  }
0xb5: {  	[sflag:s29] =	ssyncadd.s32 $0xFFFFFFFF  }
0xb6: {  	_ =	strace $0x90000060  }
0xb7: {  	_ =	sfence  }
0xb8: {  	s30 =	sld [smem:$0x0];
	_ =	sdelay $0x2  }
0xb9: {  	s31 =	sshll.u32 s1, $0xD;
	s1 =	sshrl.u32 s1, $0x2  }
0xba: {  	s3 =	sand.u32 $0x4000, s31;
	s1 =	sadd.s32 s1, s30  }
0xbb: {  	s0 =	sor.u32 s3, s0;
	s1 =	sshll.u32 s1, $0x11  }
0xbc: {  	s0 =	sor.u32 s1, s0  }
0xbd: {  	s0 =	sadd.s32 $0x8F2B, s0  }
0xbe: {  	[sflag:s0] =	ssyncadd.remote.s32 $0x1  }
0xbf: {  	_ =	sfence.sel $0xFFFF  }
0xc0: {  	[dreg:$0x0] =	wrdreg $0xFFFFFFFF;
	(pc) =	sbr.abs _section_cstart, $3  }
0xc1: {  	[dreg:$0x1] =	wrdreg $0xFFFFFFFF  }
0xc2: {  	_ =	task.clear_ibuf [dreg:s7], $0x2FFFF;
	_ =	strace $0x9FFFFFFF  }
0xc3: {  	(tm) =	ssettm $0x7FFFFFFF  }
tec
execute0_lowered:
.L_overlay_start_1:
0x0: {  	(tag) =	ssettag $0x1  }
0x1: {  	s4 =	rddreg [dreg:$0x0]  }
0x2: {  	s5 =	rddreg [dreg:$0x1]  }
0x3: {  	s0 =	srdreg.scid;
	s1 =	rddreg [dreg:$0x2];
	s3 =	simm.s32 $0x0  }
0x4: {  	s2 =	stileid.u32;
	s15 =	simm.s32 $0x14000;
	s16 =	simm.s32 $0x14100  }
0x5: {  	s17 =	simm.s32 $0xB8;
	s18 =	simm.s32 $0x14300;
	s9 =	smul.u32 $0x14000, s2  }
0x6: {  	s19 =	simm.s32 $0x1;
	s20 =	simm.s32 $0x14200;
	s11 =	smul.u32 $0x564, s2  }
0x7: {  	s6 =	sand.u32 $0x1, s0;
	s0 =	rddreg [dreg:$0x3];
	s12 =	smul.u32 $0x50000, s2  }
0x8: {  	s21 =	simm.s32 $0x0;
	[smem:$0x7FF] =	sst s3;
	s7 =	smul.u32 $0x28000, s6  }
0x9: {  	s31 =	sshll.u32 s2, $0x6;
	s8 =	smul.u32 $0x180, s6;
	_ =	strace $0x8000005F  }
0xa: {  	s10 =	smul.u32 $0x140000, s6;
	s6 =	ssub.s32 $0x2, s6;
	s13 =	sadd.s32 s11, s4  }
0xb: {  	s28 =	sshrl.u32 s6, $0x1;
	s29 =	sshrl.u32 s12, $0x2;
	s30 =	sshrl.u32 s9, $0x3  }
0xc: {  	s7 =	sadd.s32 s7, s4;
	s8 =	sadd.s32 s8, s4;
	s10 =	sadd.s32 s9, s10  }
0xd: {  	s11 =	ssub.s32 s6, s28;
	s14 =	sadd.s32 s29, s1;
	s12 =	sadd.s32 $0x1C800, s13  }
0xe: {  	s10 =	sshrl.u32 s10, $0x3;
	s6 =	sadd.s32 $0x22000, s7;
	s7 =	sadd.s32 $0x11600, s8  }
0xf: {  	s9 =	smax.u32 s11, $0x1;
	s11 =	sadd.s32 $0x81000, s13;
	s10 =	sadd.s32 s10, s4  }
0x10: {  	s4 =	sadd.s32 s5, s30;
	s5 =	sor.u32 $0x1C02, s31;
	s8 =	sadd.s32 $0x86800, s10  }
0x11: {  	s10 =	sadd.s32 $0x17000, s13;
	s13 =	sshrl.u32 s14, $0x3;
	s14 =	simm.s32 $0x2  }
.LBB2_1:
0x12: {  	[spmem:s13], [sflag:s5] =	dma.local [hbm:s4], $0x2800  }
0x13: {  	_ =	swait.ge [sflag:s14], $0x2800  }
0x14: {  	[sflag:s14] =	ssyncset.done $0x0  }
0x15: {  	[sflag:s14] =	ssyncadd.s32 $0xFFFFD800  }
0x16: {  	s22 =	sadd.s32 $0x0, s12;
	[bflag:$0x0] =	sbarrier.arrive $0xFFFF  }
0x17: {  	[tilespmem:s15], [sflag:$0x2] =	stream.linear.gather [hbm4b:s22+s3], $0xB8, $0x38;
	[tilespmem:$0x19F00] =	vst v63  }
0x18: {  	_ =	swait.ge [sflag:s14], $0xB8  }
0x19: {  	[sflag:s14] =	ssyncset.done $0x0  }
0x1a: {  	s30 =	sadd.s32 $0x0, s11;
	[sflag:s14] =	ssyncadd.s32 $0xFFFFFF48  }
0x1b: {  	[tilespmem:s16], [sflag:$0x2] =	stream.linear.gather [hbm4b:s30+s3], $0xB8, $0x38;
	[tilespmem:$0x19F00] =	vst v63  }
0x1c: {  	_ =	swait.ge [sflag:s14], $0xB8  }
0x1d: {  	[sflag:s14] =	ssyncset.done $0x0  }
0x1e: {  	[sflag:s14] =	ssyncadd.s32 $0xFFFFFF48  }
0x1f: {  	[tilespmem:s18], [sflag:$0x1] =	stream.indirect.gather [hbm4b:s6+s17], $0x80, s15, s17, $0xb8;
	[tilespmem:$0x19F00] =	vst v63  }
0x20: {  	_ =	swait.ge [sflag:s19], $0x5C00  }
0x21: {  	[sflag:s19] =	ssyncset.done $0x0  }
0x22: {  	[sflag:s19] =	ssyncadd.s32 $0xFFFFA400  }
0x23: {  	[tilespmem:s18], [sflag:$0x1] =	stream.indirect.gather.add.f32 [hbm:s7], $0x80, s16, s17, $0xb8;
	[tilespmem:$0x19F00] =	vst v63  }
0x24: {  	_ =	swait.ge [sflag:s19], $0x5C00  }
0x25: {  	[sflag:s19] =	ssyncset.done $0x0  }
0x26: {  	s31 =	sadd.s32 $0x0, s10;
	[sflag:s19] =	ssyncadd.s32 $0xFFFFA400  }
0x27: {  	[tilespmem:s20], [sflag:$0x2] =	stream.linear.gather [hbm4b:s31+s3], $0xB8, $0x38;
	[tilespmem:$0x19F00] =	vst v63  }
0x28: {  	_ =	swait.ge [sflag:s14], $0xB8  }
0x29: {  	[sflag:s14] =	ssyncset.done $0x0  }
0x2a: {  	[sflag:s14] =	ssyncadd.s32 $0xFFFFFF48  }
0x2b: {  	[spmem:s1] =	stream.indirect.scatter.add.f32 [tilespmem:s18], [sflag:$0x2], $0x80, s20, s17, $0xb8;
	[tilespmem:$0x19F00] =	vst v63  }
0x2c: {  	_ =	swait.ge [sflag:s14], $0x5C00  }
0x2d: {  	s23 =	simm.s32 $0x2E;
	s22 =	simm.s32 $0x17;
	[sflag:s14] =	ssyncset.done $0x0  }
.LBB2_2:
0x2e: {  	s24 =	sadd.s32 s22, s12  }
0x2f: {  	[sflag:s14] =	ssyncadd.s32 $0xFFFFA400;
	s25 =	smov.u32 s23;
	s26 =	sadd.s32 $0x17, s23  }
0x30: {  	[tilespmem:s15], [sflag:$0x2] =	stream.linear.gather [hbm4b:s24+s3], $0xB8, $0x38;
	[tilespmem:$0x19F00] =	vst v63  }
0x31: {  	p0 =	sne.s32 s23, $0x54D;
	_ =	swait.ge [sflag:s14], $0xB8  }
0x32: {  	[sflag:s14] =	ssyncset.done $0x0  }
0x33: {  	s23 =	sadd.s32 s22, s11;
	[sflag:s14] =	ssyncadd.s32 $0xFFFFFF48  }
0x34: {  	[tilespmem:s16], [sflag:$0x2] =	stream.linear.gather [hbm4b:s23+s3], $0xB8, $0x38;
	[tilespmem:$0x19F00] =	vst v63  }
0x35: {  	_ =	swait.ge [sflag:s14], $0xB8  }
0x36: {  	[sflag:s14] =	ssyncset.done $0x0  }
0x37: {  	[sflag:s14] =	ssyncadd.s32 $0xFFFFFF48  }
0x38: {  	[tilespmem:s18], [sflag:$0x1] =	stream.indirect.gather [hbm4b:s6+s17], $0x80, s15, s17, $0xb8;
	[tilespmem:$0x19F00] =	vst v63  }
0x39: {  	_ =	swait.ge [sflag:s19], $0x5C00  }
0x3a: {  	[sflag:s19] =	ssyncset.done $0x0  }
0x3b: {  	[sflag:s19] =	ssyncadd.s32 $0xFFFFA400  }
0x3c: {  	[tilespmem:s18], [sflag:$0x1] =	stream.indirect.gather.add.f32 [hbm:s7], $0x80, s16, s17, $0xb8;
	[tilespmem:$0x19F00] =	vst v63  }
0x3d: {  	_ =	swait.ge [sflag:s19], $0x5C00  }
0x3e: {  	[sflag:s19] =	ssyncset.done $0x0  }
0x3f: {  	s23 =	sadd.s32 s22, s10;
	s22 =	smov.u32 s25;
	[sflag:s19] =	ssyncadd.s32 $0xFFFFA400  }
0x40: {  	[tilespmem:s20], [sflag:$0x2] =	stream.linear.gather [hbm4b:s23+s3], $0xB8, $0x38;
	[tilespmem:$0x19F00] =	vst v63  }
0x41: {  	_ =	swait.ge [sflag:s14], $0xB8  }
.Ltmp0:
0x42: {  	[sflag:s14] =	ssyncset.done $0x0;
	(pc) =	sbr.rel @p0 .LBB2_2-.Ltmp0, $4  }
0x43: {  	[sflag:s14] =	ssyncadd.s32 $0xFFFFFF48  }
0x44: {  	[spmem:s1] =	stream.indirect.scatter.add.f32 [tilespmem:s18], [sflag:$0x2], $0x80, s20, s17, $0xb8;
	[tilespmem:$0x19F00] =	vst v63  }
0x45: {  	_ =	swait.ge [sflag:s14], $0x5C00  }
0x46: {  	s23 =	smov.u32 s26;
	[sflag:s14] =	ssyncset.done $0x0  }
0x47: {  	s23 =	sadd.s32 s22, s12;
	[sflag:s14] =	ssyncadd.s32 $0xFFFFA400  }
0x48: {  	[tilespmem:s15], [sflag:$0x2] =	stream.linear.gather [hbm4b:s23+s3], $0xB8, $0x38;
	[tilespmem:$0x19F00] =	vst v63  }
0x49: {  	_ =	swait.ge [sflag:s14], $0xB8  }
0x4a: {  	[sflag:s14] =	ssyncset.done $0x0  }
0x4b: {  	s30 =	sadd.s32 s22, s11;
	[sflag:s14] =	ssyncadd.s32 $0xFFFFFF48  }
0x4c: {  	[tilespmem:s16], [sflag:$0x2] =	stream.linear.gather [hbm4b:s30+s3], $0xB8, $0x38;
	[tilespmem:$0x19F00] =	vst v63  }
0x4d: {  	_ =	swait.ge [sflag:s14], $0xB8  }
0x4e: {  	[sflag:s14] =	ssyncset.done $0x0  }
0x4f: {  	[sflag:s14] =	ssyncadd.s32 $0xFFFFFF48  }
0x50: {  	[tilespmem:s18], [sflag:$0x1] =	stream.indirect.gather [hbm4b:s6+s17], $0x80, s15, s17, $0xb8;
	[tilespmem:$0x19F00] =	vst v63  }
0x51: {  	_ =	swait.ge [sflag:s19], $0x5C00  }
0x52: {  	[sflag:s19] =	ssyncset.done $0x0  }
0x53: {  	[sflag:s19] =	ssyncadd.s32 $0xFFFFA400  }
0x54: {  	[tilespmem:s18], [sflag:$0x1] =	stream.indirect.gather.add.f32 [hbm:s7], $0x80, s16, s17, $0xb8;
	[tilespmem:$0x19F00] =	vst v63  }
0x55: {  	_ =	swait.ge [sflag:s19], $0x5C00  }
0x56: {  	[sflag:s19] =	ssyncset.done $0x0  }
0x57: {  	s31 =	sadd.s32 s22, s10;
	[sflag:s19] =	ssyncadd.s32 $0xFFFFA400  }
0x58: {  	[tilespmem:s20], [sflag:$0x2] =	stream.linear.gather [hbm4b:s31+s3], $0xB8, $0x38;
	[tilespmem:$0x19F00] =	vst v63  }
0x59: {  	_ =	swait.ge [sflag:s14], $0xB8  }
0x5a: {  	[sflag:s14] =	ssyncset.done $0x0  }
0x5b: {  	[sflag:s14] =	ssyncadd.s32 $0xFFFFFF48  }
0x5c: {  	[spmem:s1] =	stream.indirect.scatter.add.f32 [tilespmem:s18], [sflag:$0x2], $0x80, s20, s17, $0xb8;
	[tilespmem:$0x19F00] =	vst v63  }
0x5d: {  	_ =	swait.ge [sflag:s14], $0x5C00  }
0x5e: {  	s21 =	sadd.s32 $0x1, s21;
	[sflag:s14] =	ssyncset.done $0x0  }
0x5f: {  	p0 =	sne.s32 s21, s9;
	[sflag:s14] =	ssyncadd.s32 $0xFFFFA400  }
.Ltmp1:
0x60: {  	[bflag:$0x0] =	sbarrier.arrive $0xFFFF;
	(pc) =	sbr.rel @p0 .LBB2_1-.Ltmp1, $4  }
0x61: {  	[hbm:s8], [sflag:s5] =	dma.local [spmem:s13], $0x2800  }
0x62: {  	_ =	swait.ge [sflag:s14], $0x2800  }
0x63: {  	[sflag:s14] =	ssyncset.done $0x0  }
0x64: {  	[sflag:s14] =	ssyncadd.s32 $0xFFFFD800  }
0x65: {  	_ =	sfence.sel $0x180000  }
0x66: {  	[bflag:$0x0] =	sbarrier.arrive $0xFFFF  }
0x67: {  	p0 =	sne.s32 s2, $0x0;
	_ =	strace $0x9000005F  }
0x68: {  	s0 =	sadd.s32 @!p0 $0x100000, s0;
	[bflag:$0x2] =	sbarrier.arrive $0xFFFF  }
0x69: {  	[sflag:s0] =	ssyncadd.tile.s32 @!p0 $0x1;
	_ =	shalt  }
.Lfunc_end2:
_tile_overlayer_lowered:
.L_overlay_start_2:
0x6a: {  	(tag) =	ssettag $0x2  }
0x6b: {  	s0 =	rddreg [dreg:$0x0];
	s2 =	stileid.u32  }
0x6c: {  	s1 =	rddreg [dreg:$0x1];
	p0 =	sne.s32 s2, $0x0  }
0x6d: {  	s3 =	rddreg [dreg:$0x2];
	[bflag:$0x3] =	sbarrier.arrive $0xFFFF;
	s2 =	simm.s32 @!p0 $0x1C02  }
0x6e: {  	[timem:s3], [sflag:s2] =	dma.local @!p0 [hbm:s0], s1  }
0x6f: {  	s0 =	simm.s32 @!p0 $0x2  }
0x70: {  	_ =	swait.ge @!p0 [sflag:s0], s1  }
0x71: {  	s1 =	ssub.s32 @!p0 $0x0, s1;
	[sflag:s0] =	ssyncset.done @!p0 $0x0  }
0x72: {  	[sflag:s0] =	ssyncadd.s32 @!p0 s1  }
0x73: {  	[bflag:$0x3] =	sbarrier.arrive $0xFFFF  }
0x74: {  	_ =	shalt  }

// kernel: kernel.27.cloned.1.call-start
scs
__scs_entry_jumppad:
0x0: {  	(pc) =	sbr.rel $0x88, $3  }
0x1: {  	(tag) =	ssettag $0x0;
	lr =	simm.s32 $0x1  }
0x2: {  	[smem:$0x3F92] =	sst lr;
	_ =	strace $0xD0000000  }
0x3: {  	_ = 	snop  }
0x4: {  	_ = 	snop  }
0x5: {  	_ = 	snop  }
0x6: {  	_ = 	snop  }
0x7: {  	_ = 	snop  }
__scs_overlays_trampoline_lowered:
0x8: {  	[smem:$0x3FA1] =	sst s0  }
0x9: {  	[smem:$0x3FA2] =	sst s1  }
0xa: {  	[smem:$0x3FA3] =	sst s2  }
0xb: {  	[smem:$0x3FA4] =	sst s3  }
0xc: {  	[smem:$0x3FA5] =	sst s4  }
0xd: {  	[smem:$0x3FA6] =	sst s5  }
0xe: {  	[smem:$0x3FA7] =	sst s6  }
0xf: {  	[smem:$0x3FA8] =	sst s7  }
0x10: {  	[smem:$0x3FA9] =	sst s8  }
0x11: {  	[smem:$0x3FAA] =	sst s9;
	s0 =	simm.s32 @!p0 $0x0  }
0x12: {  	s1 =	sld [smem:$0x3F90];
	s0 =	simm.s32 @p0 $0x1  }
0x13: {  	[smem:$0x3FAB] =	sst s0;
	s0 =	simm.s32 @!p1 $0x0  }
0x14: {  	s2 =	sld [smem:$0x3F8F];
	s0 =	simm.s32 @p1 $0x1  }
0x15: {  	[smem:$0x3FAC] =	sst s0;
	s0 =	simm.s32 @!p2 $0x0  }
0x16: {  	s3 =	sld [smem:$0x3FDB];
	s0 =	simm.s32 @p2 $0x1  }
0x17: {  	s4 =	simm.s32 $0x1BF5;
	[smem:$0x3FAE] =	sst s0  }
0x18: {  	s0 =	sld [smem:$0x3F91];
	_ =	swait.ge [sflag:s4], $0x0  }
0x19: {  	s7 =	sld [smem:$0x3F92]  }
0x1a: {  	s8 =	sadd.s32 $0xFFFFE003, lr  }
0x1b: {  	s9 =	sadd.s32 $0xFFFFFEF7, lr;
	s5 =	simm.s32 $0xFFFFFFFF;
	p2 =	slt.u32 s8, $0xFFFFF086  }
0x1c: {  	p1 =	slt.u32 s9, $0xF7A;
	s5 =	simm.s32 @!p2 $0x0  }
0x1d: {  	s5 =	simm.s32 @p1 $0x1;
	p0 =	seq.s32 s7, s2  }
0x1e: {  	s7 =	smul.u32 @!p0 $0xF7A, s2;
	p2 =	seq.s32 @!p0 s5, $0x0  }
0x1f: {  	s9 =	smul.u32 $0xF7A, s1;
	s8 =	simm.s32 @!p0 $0x1BF5;
	p2 =	por !p2, p0  }
0x20: {  	[sflag:s8] =	ssyncset.s32 @!p0 $0xFFFFF086;
	s6 =	sadd.s32 @!p0 s3, s7;
	s7 =	simm.s32 @!p0 $0x108  }
0x21: {  	s3 =	sadd.s32 s3, s9;
	s6 =	sadd.s32 @!p0 $0x88, s6;
	s7 =	simm.s32 @p2 $0x1082  }
0x22: {  	[simem:s7], [sflag:s8] =	dma.local @!p0 [hbm:s6], $0xF7A  }
0x23: {  	s9 =	sor.u32 $0xD0000000, s2;
	s6 =	simm.s32 $0x108;
	_ =	swait.ge @!p0 [sflag:s8], $0x0  }
0x24: {  	s3 =	sadd.s32 $0x88, s3;
	s6 =	simm.s32 @!p1 $0x1082;
	[sflag:s4] =	ssyncset.s32 $0xFFFFF086  }
0x25: {  	[simem:s6], [sflag:s4] =	dma.local [hbm:s3], $0xF7A  }
0x26: {  	[smem:$0x3F92] =	sst s1;
	(tag) =	ssettag s2;
	_ =	strace s9  }
0x27: {  	s1 =	sld [smem:$0x3FA2]  }
0x28: {  	s2 =	sld [smem:$0x3FA3]  }
0x29: {  	s4 =	sld [smem:$0x3FA5]  }
0x2a: {  	p0 =	seq.s32 s5, $0x0;
	s5 =	sld [smem:$0x3FA6]  }
0x2b: {  	s6 =	sld [smem:$0x3FA7]  }
0x2c: {  	s7 =	sld [smem:$0x3FA8]  }
0x2d: {  	s3 =	simm.s32 $0x108;
	s8 =	sld [smem:$0x3FA9]  }
0x2e: {  	s3 =	simm.s32 @!p0 $0x1082;
	s9 =	sld [smem:$0x3FAA]  }
0x2f: {  	lr =	sadd.s32 s0, s3;
	s0 =	sld [smem:$0x3FA1]  }
0x30: {  	s3 =	sld [smem:$0x3FA4]  }
0x31: {  	[smem:$0x3FAD] =	sst s10  }
0x32: {  	s10 =	sld [smem:$0x3FAB];
	_ =	sdelay $0x3  }
0x33: {  	p0 =	seq.s32 s10, $0x1;
	s10 =	sld [smem:$0x3FAD];
	_ =	sdelay $0x3  }
0x34: {  	[smem:$0x3FAD] =	sst s10  }
0x35: {  	s10 =	sld [smem:$0x3FAC];
	_ =	sdelay $0x3  }
0x36: {  	p1 =	seq.s32 s10, $0x1;
	s10 =	sld [smem:$0x3FAD];
	_ =	sdelay $0x3  }
0x37: {  	[smem:$0x3FAD] =	sst s10  }
0x38: {  	s10 =	sld [smem:$0x3FAE]  }
0x39: {  	_ = 	snop;
	(pc) =	sbr.ind lr, $3  }
0x3a: {  	_ = 	snop  }
0x3b: {  	_ = 	snop  }
0x3c: {  	p2 =	seq.s32 s10, $0x1;
	s10 =	sld [smem:$0x3FAD]  }
0x3d: {  	_ =	shalt  }
0x3e: {  	_ =	shalt  }
0x3f: {  	_ =	shalt  }
0x40: {  	_ =	shalt  }
0x41: {  	_ =	shalt  }
0x42: {  	_ =	shalt  }
0x43: {  	_ =	shalt  }
0x44: {  	_ =	shalt  }
0x45: {  	_ =	shalt  }
0x46: {  	_ =	shalt  }
0x47: {  	_ =	shalt  }
0x48: {  	_ =	shalt  }
0x49: {  	_ =	shalt  }
0x4a: {  	_ =	shalt  }
0x4b: {  	_ =	shalt  }
0x4c: {  	_ =	shalt  }
0x4d: {  	_ =	shalt  }
0x4e: {  	_ =	shalt  }
0x4f: {  	_ =	shalt  }
0x50: {  	_ =	shalt  }
0x51: {  	_ =	shalt  }
0x52: {  	_ =	shalt  }
0x53: {  	_ =	shalt  }
0x54: {  	_ =	shalt  }
0x55: {  	_ =	shalt  }
0x56: {  	_ =	shalt  }
0x57: {  	_ =	shalt  }
0x58: {  	_ =	shalt  }
0x59: {  	_ =	shalt  }
0x5a: {  	_ =	shalt  }
0x5b: {  	_ =	shalt  }
0x5c: {  	_ =	shalt  }
0x5d: {  	_ =	shalt  }
0x5e: {  	_ =	shalt  }
0x5f: {  	_ =	shalt  }
0x60: {  	_ =	shalt  }
0x61: {  	_ =	shalt  }
0x62: {  	_ =	shalt  }
0x63: {  	_ =	shalt  }
0x64: {  	_ =	shalt  }
0x65: {  	_ =	shalt  }
0x66: {  	_ =	shalt  }
0x67: {  	_ =	shalt  }
0x68: {  	_ =	shalt  }
0x69: {  	_ =	shalt  }
0x6a: {  	_ =	shalt  }
0x6b: {  	_ =	shalt  }
0x6c: {  	_ =	shalt  }
0x6d: {  	_ =	shalt  }
0x6e: {  	_ =	shalt  }
0x6f: {  	_ =	shalt  }
0x70: {  	_ =	shalt  }
0x71: {  	_ =	shalt  }
0x72: {  	_ =	shalt  }
0x73: {  	_ =	shalt  }
0x74: {  	_ =	shalt  }
0x75: {  	_ =	shalt  }
0x76: {  	_ =	shalt  }
0x77: {  	_ =	shalt  }
0x78: {  	_ =	shalt  }
0x79: {  	_ =	shalt  }
0x7a: {  	_ =	shalt  }
0x7b: {  	_ =	shalt  }
0x7c: {  	_ =	shalt  }
0x7d: {  	_ =	shalt  }
0x7e: {  	_ =	shalt  }
0x7f: {  	_ =	shalt  }
0x80: {  	_ =	shalt  }
0x81: {  	_ =	shalt  }
0x82: {  	_ =	shalt  }
0x83: {  	_ =	shalt  }
0x84: {  	_ =	shalt  }
0x85: {  	_ =	shalt  }
0x86: {  	_ =	shalt  }
0x87: {  	_ =	shalt  }
.Lfunc_end0:
.L_simem_size_0:
called_computation.9_lowered:
.L_overlay_start_0:
0x88: {  	s2 =	sld [smem:$0x3FD9]  }
0x89: {  	s3 =	sld [smem:$0x3FFE];
	_ =	sdelay $0x1  }
0x8a: {  	s1 =	srdreg.scid  }
0x8b: {  	s0 =	sand.u32 $0x1, s1  }
0x8c: {  	s17 =	sshll.u32 s0, $0xA;
	s2 =	sadd.s32 s3, s2  }
0x8d: {  	s2 =	sadd.s32 s2, s17  }
0x8e: {  	[smem:$0x3FB9] =	sst s2  }
0x8f: {  	_ = 	snop  }
0x90: {  	s2 =	sld [smem:$0x3FD0];
	(tm) =	ssettm $0x1  }
0x91: {  	s18 =	sld [smem:$0x3FFB];
	_ =	sdelay $0x3  }
0x92: {  	_ =	strace s18  }
0x93: {  	s3 =	sld [smem:$0x3FFC];
	_ =	sdelay $0x3  }
0x94: {  	_ =	strace s3  }
0x95: {  	s3 =	sld [smem:$0x3FFD];
	_ =	sdelay $0x3  }
0x96: {  	_ =	strace s3  }
0x97: {  	_ =	strace $0x8FFFFFFF  }
0x98: {  	s19 =	sld [smem:$0x3FDB];
	_ =	sdelay $0x1  }
0x99: {  	s4 =	simm.s32 $_scs_section_size  }
0x9a: {  	s5 =	simm.s32 $_size__tile_overlayer_lowered;
	s6 =	simm.s32 $_tile_overlayer_lowered  }
0x9b: {  	s22 =	simm.s32 $0x1BFF;
	s21 =	sshll.u32 s6, $0x1;
	s3 =	sadd.s32 s4, s19  }
0x9c: {  	s7 =	simm.s32 $0x0;
	s20 =	sshll.u32 s5, $0x1;
	s5 =	sadd.s32 s21, s3  }
0x9d: {  	[timem:s7], [sflag:s22] =	dma.local [hbm:s5], s20  }
0x9e: {  	_ =	swait.ge [sflag:s22], s20  }
0x9f: {  	s4 =	ssub.s32 $0x0, s20;
	[sflag:s22] =	ssyncset.done $0x0  }
0xa0: {  	[sflag:s22] =	ssyncadd.s32 s4;
	_ =	sdelay $0x1  }
0xa1: {  	s23 =	simm.s32 $0x1B8B  }
0xa2: {  	_ =	swait.ge [sflag:s23], $0x1  }
0xa3: {  	[sflag:s23] =	ssyncset.done $0x0  }
0xa4: {  	s25 =	simm.s32 $0x1B8E;
	s24 =	sld [smem:$0x3FFE];
	[sflag:s23] =	ssyncadd.s32 $0xFFFFFFFF  }
0xa5: {  	s26 =	simm.s32 $execute0_lowered;
	[smem:$0x3FD2] =	sst s25  }
0xa6: {  	s5 =	sshll.u32 s26, $0x1;
	_ =	strace $0x80000061;
	[dreg:$0x1] =	wrdreg $0xFFFFFFFF  }
0xa7: {  	s28 =	simm.s32 $_size_execute0_lowered;
	s3 =	sadd.s32 s3, s5;
	[dreg:$0x0] =	wrdreg $0x0  }
0xa8: {  	s5 =	sshll.u32 s28, $0x1;
	[dreg:$0x2] =	wrdreg s3  }
0xa9: {  	[dreg:$0x3] =	wrdreg s5  }
0xaa: {  	[dreg:$0x4] =	wrdreg $0xC0  }
0xab: {  	_ =	task [dreg:s7], $0x5FFFF  }
0xac: {  	[dreg:$0x1] =	wrdreg $0xFFFFFFFF  }
0xad: {  	[dreg:$0x0] =	wrdreg $0x60  }
0xae: {  	[dreg:$0x2] =	wrdreg s24  }
0xaf: {  	[dreg:$0x3] =	wrdreg s2  }
0xb0: {  	[dreg:$0x4] =	wrdreg $0x0  }
0xb1: {  	[dreg:$0x5] =	wrdreg $0x9  }
0xb2: {  	_ =	task.clear_ibuf [dreg:s7], $0x6FFFF;
	_ =	strace $0x90000061  }
0xb3: {  	s29 =	simm.s32 $0x9;
	_ =	strace $0x80000063  }
0xb4: {  	_ =	swait.ge [sflag:s29], $0x1  }
0xb5: {  	[sflag:s29] =	ssyncadd.s32 $0xFFFFFFFF  }
0xb6: {  	_ =	strace $0x90000063  }
0xb7: {  	_ =	sfence  }
0xb8: {  	s30 =	sld [smem:$0x0];
	_ =	sdelay $0x2  }
0xb9: {  	s31 =	sshll.u32 s1, $0xD;
	s1 =	sshrl.u32 s1, $0x2  }
0xba: {  	s3 =	sand.u32 $0x4000, s31;
	s1 =	sadd.s32 s1, s30  }
0xbb: {  	s0 =	sor.u32 s3, s0;
	s1 =	sshll.u32 s1, $0x11  }
0xbc: {  	s0 =	sor.u32 s1, s0  }
0xbd: {  	s0 =	sadd.s32 $0x8F2B, s0  }
0xbe: {  	[sflag:s0] =	ssyncadd.remote.s32 $0x1  }
0xbf: {  	_ =	sfence.sel $0xFFFF  }
0xc0: {  	[dreg:$0x0] =	wrdreg $0xFFFFFFFF;
	(pc) =	sbr.abs _section_cstart, $3  }
0xc1: {  	[dreg:$0x1] =	wrdreg $0xFFFFFFFF  }
0xc2: {  	_ =	task.clear_ibuf [dreg:s7], $0x2FFFF;
	_ =	strace $0x9FFFFFFF  }
0xc3: {  	(tm) =	ssettm $0x7FFFFFFF  }
tec
execute0_lowered:
.L_overlay_start_1:
0x0: {  	(tag) =	ssettag $0x1  }
0x1: {  	s4 =	rddreg [dreg:$0x0]  }
0x2: {  	s5 =	rddreg [dreg:$0x1]  }
0x3: {  	s0 =	srdreg.scid;
	s1 =	rddreg [dreg:$0x2];
	s3 =	simm.s32 $0x0  }
0x4: {  	s2 =	stileid.u32;
	s15 =	simm.s32 $0x14000;
	s16 =	simm.s32 $0x14100  }
0x5: {  	s17 =	simm.s32 $0xB8;
	s18 =	simm.s32 $0x14300;
	s9 =	smul.u32 $0x14000, s2  }
0x6: {  	s19 =	simm.s32 $0x1;
	s20 =	simm.s32 $0x14200;
	s11 =	smul.u32 $0x564, s2  }
0x7: {  	s6 =	sand.u32 $0x1, s0;
	s0 =	rddreg [dreg:$0x3];
	s12 =	smul.u32 $0x50000, s2  }
0x8: {  	s21 =	simm.s32 $0x0;
	[smem:$0x7FF] =	sst s3;
	s7 =	smul.u32 $0x28000, s6  }
0x9: {  	s31 =	sshll.u32 s2, $0x6;
	s8 =	smul.u32 $0x180, s6;
	_ =	strace $0x80000062  }
0xa: {  	s10 =	smul.u32 $0x140000, s6;
	s6 =	ssub.s32 $0x2, s6;
	s13 =	sadd.s32 s11, s4  }
0xb: {  	s28 =	sshrl.u32 s6, $0x1;
	s29 =	sshrl.u32 s12, $0x2;
	s30 =	sshrl.u32 s9, $0x3  }
0xc: {  	s7 =	sadd.s32 s7, s4;
	s8 =	sadd.s32 s8, s4;
	s10 =	sadd.s32 s9, s10  }
0xd: {  	s11 =	ssub.s32 s6, s28;
	s14 =	sadd.s32 s29, s1;
	s12 =	sadd.s32 $0x1C800, s13  }
0xe: {  	s10 =	sshrl.u32 s10, $0x3;
	s6 =	sadd.s32 $0x22000, s7;
	s7 =	sadd.s32 $0x11200, s8  }
0xf: {  	s9 =	smax.u32 s11, $0x1;
	s11 =	sadd.s32 $0x81000, s13;
	s10 =	sadd.s32 s10, s4  }
0x10: {  	s4 =	sadd.s32 s5, s30;
	s5 =	sor.u32 $0x1C02, s31;
	s8 =	sadd.s32 $0x86800, s10  }
0x11: {  	s10 =	sadd.s32 $0x17000, s13;
	s13 =	sshrl.u32 s14, $0x3;
	s14 =	simm.s32 $0x2  }
.LBB2_1:
0x12: {  	[spmem:s13], [sflag:s5] =	dma.local [hbm:s4], $0x2800  }
0x13: {  	_ =	swait.ge [sflag:s14], $0x2800  }
0x14: {  	[sflag:s14] =	ssyncset.done $0x0  }
0x15: {  	[sflag:s14] =	ssyncadd.s32 $0xFFFFD800  }
0x16: {  	s22 =	sadd.s32 $0x0, s12;
	[bflag:$0x0] =	sbarrier.arrive $0xFFFF  }
0x17: {  	[tilespmem:s15], [sflag:$0x2] =	stream.linear.gather [hbm4b:s22+s3], $0xB8, $0x38;
	[tilespmem:$0x19F00] =	vst v63  }
0x18: {  	_ =	swait.ge [sflag:s14], $0xB8  }
0x19: {  	[sflag:s14] =	ssyncset.done $0x0  }
0x1a: {  	s30 =	sadd.s32 $0x0, s11;
	[sflag:s14] =	ssyncadd.s32 $0xFFFFFF48  }
0x1b: {  	[tilespmem:s16], [sflag:$0x2] =	stream.linear.gather [hbm4b:s30+s3], $0xB8, $0x38;
	[tilespmem:$0x19F00] =	vst v63  }
0x1c: {  	_ =	swait.ge [sflag:s14], $0xB8  }
0x1d: {  	[sflag:s14] =	ssyncset.done $0x0  }
0x1e: {  	[sflag:s14] =	ssyncadd.s32 $0xFFFFFF48  }
0x1f: {  	[tilespmem:s18], [sflag:$0x1] =	stream.indirect.gather [hbm4b:s6+s17], $0x80, s15, s17, $0xb8;
	[tilespmem:$0x19F00] =	vst v63  }
0x20: {  	_ =	swait.ge [sflag:s19], $0x5C00  }
0x21: {  	[sflag:s19] =	ssyncset.done $0x0  }
0x22: {  	[sflag:s19] =	ssyncadd.s32 $0xFFFFA400  }
0x23: {  	[tilespmem:s18], [sflag:$0x1] =	stream.indirect.gather.add.f32 [hbm:s7], $0x80, s16, s17, $0xb8;
	[tilespmem:$0x19F00] =	vst v63  }
0x24: {  	_ =	swait.ge [sflag:s19], $0x5C00  }
0x25: {  	[sflag:s19] =	ssyncset.done $0x0  }
0x26: {  	s31 =	sadd.s32 $0x0, s10;
	[sflag:s19] =	ssyncadd.s32 $0xFFFFA400  }
0x27: {  	[tilespmem:s20], [sflag:$0x2] =	stream.linear.gather [hbm4b:s31+s3], $0xB8, $0x38;
	[tilespmem:$0x19F00] =	vst v63  }
0x28: {  	_ =	swait.ge [sflag:s14], $0xB8  }
0x29: {  	[sflag:s14] =	ssyncset.done $0x0  }
0x2a: {  	[sflag:s14] =	ssyncadd.s32 $0xFFFFFF48  }
0x2b: {  	[spmem:s1] =	stream.indirect.scatter.add.f32 [tilespmem:s18], [sflag:$0x2], $0x80, s20, s17, $0xb8;
	[tilespmem:$0x19F00] =	vst v63  }
0x2c: {  	_ =	swait.ge [sflag:s14], $0x5C00  }
0x2d: {  	s23 =	simm.s32 $0x2E;
	s22 =	simm.s32 $0x17;
	[sflag:s14] =	ssyncset.done $0x0  }
.LBB2_2:
0x2e: {  	s24 =	sadd.s32 s22, s12  }
0x2f: {  	[sflag:s14] =	ssyncadd.s32 $0xFFFFA400;
	s25 =	smov.u32 s23;
	s26 =	sadd.s32 $0x17, s23  }
0x30: {  	[tilespmem:s15], [sflag:$0x2] =	stream.linear.gather [hbm4b:s24+s3], $0xB8, $0x38;
	[tilespmem:$0x19F00] =	vst v63  }
0x31: {  	p0 =	sne.s32 s23, $0x54D;
	_ =	swait.ge [sflag:s14], $0xB8  }
0x32: {  	[sflag:s14] =	ssyncset.done $0x0  }
0x33: {  	s23 =	sadd.s32 s22, s11;
	[sflag:s14] =	ssyncadd.s32 $0xFFFFFF48  }
0x34: {  	[tilespmem:s16], [sflag:$0x2] =	stream.linear.gather [hbm4b:s23+s3], $0xB8, $0x38;
	[tilespmem:$0x19F00] =	vst v63  }
0x35: {  	_ =	swait.ge [sflag:s14], $0xB8  }
0x36: {  	[sflag:s14] =	ssyncset.done $0x0  }
0x37: {  	[sflag:s14] =	ssyncadd.s32 $0xFFFFFF48  }
0x38: {  	[tilespmem:s18], [sflag:$0x1] =	stream.indirect.gather [hbm4b:s6+s17], $0x80, s15, s17, $0xb8;
	[tilespmem:$0x19F00] =	vst v63  }
0x39: {  	_ =	swait.ge [sflag:s19], $0x5C00  }
0x3a: {  	[sflag:s19] =	ssyncset.done $0x0  }
0x3b: {  	[sflag:s19] =	ssyncadd.s32 $0xFFFFA400  }
0x3c: {  	[tilespmem:s18], [sflag:$0x1] =	stream.indirect.gather.add.f32 [hbm:s7], $0x80, s16, s17, $0xb8;
	[tilespmem:$0x19F00] =	vst v63  }
0x3d: {  	_ =	swait.ge [sflag:s19], $0x5C00  }
0x3e: {  	[sflag:s19] =	ssyncset.done $0x0  }
0x3f: {  	s23 =	sadd.s32 s22, s10;
	s22 =	smov.u32 s25;
	[sflag:s19] =	ssyncadd.s32 $0xFFFFA400  }
0x40: {  	[tilespmem:s20], [sflag:$0x2] =	stream.linear.gather [hbm4b:s23+s3], $0xB8, $0x38;
	[tilespmem:$0x19F00] =	vst v63  }
0x41: {  	_ =	swait.ge [sflag:s14], $0xB8  }
.Ltmp0:
0x42: {  	[sflag:s14] =	ssyncset.done $0x0;
	(pc) =	sbr.rel @p0 .LBB2_2-.Ltmp0, $4  }
0x43: {  	[sflag:s14] =	ssyncadd.s32 $0xFFFFFF48  }
0x44: {  	[spmem:s1] =	stream.indirect.scatter.add.f32 [tilespmem:s18], [sflag:$0x2], $0x80, s20, s17, $0xb8;
	[tilespmem:$0x19F00] =	vst v63  }
0x45: {  	_ =	swait.ge [sflag:s14], $0x5C00  }
0x46: {  	s23 =	smov.u32 s26;
	[sflag:s14] =	ssyncset.done $0x0  }
0x47: {  	s23 =	sadd.s32 s22, s12;
	[sflag:s14] =	ssyncadd.s32 $0xFFFFA400  }
0x48: {  	[tilespmem:s15], [sflag:$0x2] =	stream.linear.gather [hbm4b:s23+s3], $0xB8, $0x38;
	[tilespmem:$0x19F00] =	vst v63  }
0x49: {  	_ =	swait.ge [sflag:s14], $0xB8  }
0x4a: {  	[sflag:s14] =	ssyncset.done $0x0  }
0x4b: {  	s30 =	sadd.s32 s22, s11;
	[sflag:s14] =	ssyncadd.s32 $0xFFFFFF48  }
0x4c: {  	[tilespmem:s16], [sflag:$0x2] =	stream.linear.gather [hbm4b:s30+s3], $0xB8, $0x38;
	[tilespmem:$0x19F00] =	vst v63  }
0x4d: {  	_ =	swait.ge [sflag:s14], $0xB8  }
0x4e: {  	[sflag:s14] =	ssyncset.done $0x0  }
0x4f: {  	[sflag:s14] =	ssyncadd.s32 $0xFFFFFF48  }
0x50: {  	[tilespmem:s18], [sflag:$0x1] =	stream.indirect.gather [hbm4b:s6+s17], $0x80, s15, s17, $0xb8;
	[tilespmem:$0x19F00] =	vst v63  }
0x51: {  	_ =	swait.ge [sflag:s19], $0x5C00  }
0x52: {  	[sflag:s19] =	ssyncset.done $0x0  }
0x53: {  	[sflag:s19] =	ssyncadd.s32 $0xFFFFA400  }
0x54: {  	[tilespmem:s18], [sflag:$0x1] =	stream.indirect.gather.add.f32 [hbm:s7], $0x80, s16, s17, $0xb8;
	[tilespmem:$0x19F00] =	vst v63  }
0x55: {  	_ =	swait.ge [sflag:s19], $0x5C00  }
0x56: {  	[sflag:s19] =	ssyncset.done $0x0  }
0x57: {  	s31 =	sadd.s32 s22, s10;
	[sflag:s19] =	ssyncadd.s32 $0xFFFFA400  }
0x58: {  	[tilespmem:s20], [sflag:$0x2] =	stream.linear.gather [hbm4b:s31+s3], $0xB8, $0x38;
	[tilespmem:$0x19F00] =	vst v63  }
0x59: {  	_ =	swait.ge [sflag:s14], $0xB8  }
0x5a: {  	[sflag:s14] =	ssyncset.done $0x0  }
0x5b: {  	[sflag:s14] =	ssyncadd.s32 $0xFFFFFF48  }
0x5c: {  	[spmem:s1] =	stream.indirect.scatter.add.f32 [tilespmem:s18], [sflag:$0x2], $0x80, s20, s17, $0xb8;
	[tilespmem:$0x19F00] =	vst v63  }
0x5d: {  	_ =	swait.ge [sflag:s14], $0x5C00  }
0x5e: {  	s21 =	sadd.s32 $0x1, s21;
	[sflag:s14] =	ssyncset.done $0x0  }
0x5f: {  	p0 =	sne.s32 s21, s9;
	[sflag:s14] =	ssyncadd.s32 $0xFFFFA400  }
.Ltmp1:
0x60: {  	[bflag:$0x0] =	sbarrier.arrive $0xFFFF;
	(pc) =	sbr.rel @p0 .LBB2_1-.Ltmp1, $4  }
0x61: {  	[hbm:s8], [sflag:s5] =	dma.local [spmem:s13], $0x2800  }
0x62: {  	_ =	swait.ge [sflag:s14], $0x2800  }
0x63: {  	[sflag:s14] =	ssyncset.done $0x0  }
0x64: {  	[sflag:s14] =	ssyncadd.s32 $0xFFFFD800  }
0x65: {  	_ =	sfence.sel $0x180000  }
0x66: {  	[bflag:$0x0] =	sbarrier.arrive $0xFFFF  }
0x67: {  	p0 =	sne.s32 s2, $0x0;
	_ =	strace $0x90000062  }
0x68: {  	s0 =	sadd.s32 @!p0 $0x100000, s0;
	[bflag:$0x2] =	sbarrier.arrive $0xFFFF  }
0x69: {  	[sflag:s0] =	ssyncadd.tile.s32 @!p0 $0x1;
	_ =	shalt  }
.Lfunc_end2:
_tile_overlayer_lowered:
.L_overlay_start_2:
0x6a: {  	(tag) =	ssettag $0x2  }
0x6b: {  	s0 =	rddreg [dreg:$0x0];
	s2 =	stileid.u32  }
0x6c: {  	s1 =	rddreg [dreg:$0x1];
	p0 =	sne.s32 s2, $0x0  }
0x6d: {  	s3 =	rddreg [dreg:$0x2];
	[bflag:$0x3] =	sbarrier.arrive $0xFFFF;
	s2 =	simm.s32 @!p0 $0x1C02  }
0x6e: {  	[timem:s3], [sflag:s2] =	dma.local @!p0 [hbm:s0], s1  }
0x6f: {  	s0 =	simm.s32 @!p0 $0x2  }
0x70: {  	_ =	swait.ge @!p0 [sflag:s0], s1  }
0x71: {  	s1 =	ssub.s32 @!p0 $0x0, s1;
	[sflag:s0] =	ssyncset.done @!p0 $0x0  }
0x72: {  	[sflag:s0] =	ssyncadd.s32 @!p0 s1  }
0x73: {  	[bflag:$0x3] =	sbarrier.arrive $0xFFFF  }
0x74: {  	_ =	shalt  }

// kernel: kernel.30.cloned.1.call-start
scs
__scs_entry_jumppad:
0x0: {  	(pc) =	sbr.rel $0x88, $3  }
0x1: {  	(tag) =	ssettag $0x0;
	lr =	simm.s32 $0x1  }
0x2: {  	[smem:$0x3F92] =	sst lr;
	_ =	strace $0xD0000000  }
0x3: {  	_ = 	snop  }
0x4: {  	_ = 	snop  }
0x5: {  	_ = 	snop  }
0x6: {  	_ = 	snop  }
0x7: {  	_ = 	snop  }
__scs_overlays_trampoline_lowered:
0x8: {  	[smem:$0x3FA1] =	sst s0  }
0x9: {  	[smem:$0x3FA2] =	sst s1  }
0xa: {  	[smem:$0x3FA3] =	sst s2  }
0xb: {  	[smem:$0x3FA4] =	sst s3  }
0xc: {  	[smem:$0x3FA5] =	sst s4  }
0xd: {  	[smem:$0x3FA6] =	sst s5  }
0xe: {  	[smem:$0x3FA7] =	sst s6  }
0xf: {  	[smem:$0x3FA8] =	sst s7  }
0x10: {  	[smem:$0x3FA9] =	sst s8  }
0x11: {  	[smem:$0x3FAA] =	sst s9;
	s0 =	simm.s32 @!p0 $0x0  }
0x12: {  	s1 =	sld [smem:$0x3F90];
	s0 =	simm.s32 @p0 $0x1  }
0x13: {  	[smem:$0x3FAB] =	sst s0;
	s0 =	simm.s32 @!p1 $0x0  }
0x14: {  	s2 =	sld [smem:$0x3F8F];
	s0 =	simm.s32 @p1 $0x1  }
0x15: {  	[smem:$0x3FAC] =	sst s0;
	s0 =	simm.s32 @!p2 $0x0  }
0x16: {  	s3 =	sld [smem:$0x3FDB];
	s0 =	simm.s32 @p2 $0x1  }
0x17: {  	s4 =	simm.s32 $0x1BF5;
	[smem:$0x3FAE] =	sst s0  }
0x18: {  	s0 =	sld [smem:$0x3F91];
	_ =	swait.ge [sflag:s4], $0x0  }
0x19: {  	s7 =	sld [smem:$0x3F92]  }
0x1a: {  	s8 =	sadd.s32 $0xFFFFE003, lr  }
0x1b: {  	s9 =	sadd.s32 $0xFFFFFEF7, lr;
	s5 =	simm.s32 $0xFFFFFFFF;
	p2 =	slt.u32 s8, $0xFFFFF086  }
0x1c: {  	p1 =	slt.u32 s9, $0xF7A;
	s5 =	simm.s32 @!p2 $0x0  }
0x1d: {  	s5 =	simm.s32 @p1 $0x1;
	p0 =	seq.s32 s7, s2  }
0x1e: {  	s7 =	smul.u32 @!p0 $0xF7A, s2;
	p2 =	seq.s32 @!p0 s5, $0x0  }
0x1f: {  	s9 =	smul.u32 $0xF7A, s1;
	s8 =	simm.s32 @!p0 $0x1BF5;
	p2 =	por !p2, p0  }
0x20: {  	[sflag:s8] =	ssyncset.s32 @!p0 $0xFFFFF086;
	s6 =	sadd.s32 @!p0 s3, s7;
	s7 =	simm.s32 @!p0 $0x108  }
0x21: {  	s3 =	sadd.s32 s3, s9;
	s6 =	sadd.s32 @!p0 $0x88, s6;
	s7 =	simm.s32 @p2 $0x1082  }
0x22: {  	[simem:s7], [sflag:s8] =	dma.local @!p0 [hbm:s6], $0xF7A  }
0x23: {  	s9 =	sor.u32 $0xD0000000, s2;
	s6 =	simm.s32 $0x108;
	_ =	swait.ge @!p0 [sflag:s8], $0x0  }
0x24: {  	s3 =	sadd.s32 $0x88, s3;
	s6 =	simm.s32 @!p1 $0x1082;
	[sflag:s4] =	ssyncset.s32 $0xFFFFF086  }
0x25: {  	[simem:s6], [sflag:s4] =	dma.local [hbm:s3], $0xF7A  }
0x26: {  	[smem:$0x3F92] =	sst s1;
	(tag) =	ssettag s2;
	_ =	strace s9  }
0x27: {  	s1 =	sld [smem:$0x3FA2]  }
0x28: {  	s2 =	sld [smem:$0x3FA3]  }
0x29: {  	s4 =	sld [smem:$0x3FA5]  }
0x2a: {  	p0 =	seq.s32 s5, $0x0;
	s5 =	sld [smem:$0x3FA6]  }
0x2b: {  	s6 =	sld [smem:$0x3FA7]  }
0x2c: {  	s7 =	sld [smem:$0x3FA8]  }
0x2d: {  	s3 =	simm.s32 $0x108;
	s8 =	sld [smem:$0x3FA9]  }
0x2e: {  	s3 =	simm.s32 @!p0 $0x1082;
	s9 =	sld [smem:$0x3FAA]  }
0x2f: {  	lr =	sadd.s32 s0, s3;
	s0 =	sld [smem:$0x3FA1]  }
0x30: {  	s3 =	sld [smem:$0x3FA4]  }
0x31: {  	[smem:$0x3FAD] =	sst s10  }
0x32: {  	s10 =	sld [smem:$0x3FAB];
	_ =	sdelay $0x3  }
0x33: {  	p0 =	seq.s32 s10, $0x1;
	s10 =	sld [smem:$0x3FAD];
	_ =	sdelay $0x3  }
0x34: {  	[smem:$0x3FAD] =	sst s10  }
0x35: {  	s10 =	sld [smem:$0x3FAC];
	_ =	sdelay $0x3  }
0x36: {  	p1 =	seq.s32 s10, $0x1;
	s10 =	sld [smem:$0x3FAD];
	_ =	sdelay $0x3  }
0x37: {  	[smem:$0x3FAD] =	sst s10  }
0x38: {  	s10 =	sld [smem:$0x3FAE]  }
0x39: {  	_ = 	snop;
	(pc) =	sbr.ind lr, $3  }
0x3a: {  	_ = 	snop  }
0x3b: {  	_ = 	snop  }
0x3c: {  	p2 =	seq.s32 s10, $0x1;
	s10 =	sld [smem:$0x3FAD]  }
0x3d: {  	_ =	shalt  }
0x3e: {  	_ =	shalt  }
0x3f: {  	_ =	shalt  }
0x40: {  	_ =	shalt  }
0x41: {  	_ =	shalt  }
0x42: {  	_ =	shalt  }
0x43: {  	_ =	shalt  }
0x44: {  	_ =	shalt  }
0x45: {  	_ =	shalt  }
0x46: {  	_ =	shalt  }
0x47: {  	_ =	shalt  }
0x48: {  	_ =	shalt  }
0x49: {  	_ =	shalt  }
0x4a: {  	_ =	shalt  }
0x4b: {  	_ =	shalt  }
0x4c: {  	_ =	shalt  }
0x4d: {  	_ =	shalt  }
0x4e: {  	_ =	shalt  }
0x4f: {  	_ =	shalt  }
0x50: {  	_ =	shalt  }
0x51: {  	_ =	shalt  }
0x52: {  	_ =	shalt  }
0x53: {  	_ =	shalt  }
0x54: {  	_ =	shalt  }
0x55: {  	_ =	shalt  }
0x56: {  	_ =	shalt  }
0x57: {  	_ =	shalt  }
0x58: {  	_ =	shalt  }
0x59: {  	_ =	shalt  }
0x5a: {  	_ =	shalt  }
0x5b: {  	_ =	shalt  }
0x5c: {  	_ =	shalt  }
0x5d: {  	_ =	shalt  }
0x5e: {  	_ =	shalt  }
0x5f: {  	_ =	shalt  }
0x60: {  	_ =	shalt  }
0x61: {  	_ =	shalt  }
0x62: {  	_ =	shalt  }
0x63: {  	_ =	shalt  }
0x64: {  	_ =	shalt  }
0x65: {  	_ =	shalt  }
0x66: {  	_ =	shalt  }
0x67: {  	_ =	shalt  }
0x68: {  	_ =	shalt  }
0x69: {  	_ =	shalt  }
0x6a: {  	_ =	shalt  }
0x6b: {  	_ =	shalt  }
0x6c: {  	_ =	shalt  }
0x6d: {  	_ =	shalt  }
0x6e: {  	_ =	shalt  }
0x6f: {  	_ =	shalt  }
0x70: {  	_ =	shalt  }
0x71: {  	_ =	shalt  }
0x72: {  	_ =	shalt  }
0x73: {  	_ =	shalt  }
0x74: {  	_ =	shalt  }
0x75: {  	_ =	shalt  }
0x76: {  	_ =	shalt  }
0x77: {  	_ =	shalt  }
0x78: {  	_ =	shalt  }
0x79: {  	_ =	shalt  }
0x7a: {  	_ =	shalt  }
0x7b: {  	_ =	shalt  }
0x7c: {  	_ =	shalt  }
0x7d: {  	_ =	shalt  }
0x7e: {  	_ =	shalt  }
0x7f: {  	_ =	shalt  }
0x80: {  	_ =	shalt  }
0x81: {  	_ =	shalt  }
0x82: {  	_ =	shalt  }
0x83: {  	_ =	shalt  }
0x84: {  	_ =	shalt  }
0x85: {  	_ =	shalt  }
0x86: {  	_ =	shalt  }
0x87: {  	_ =	shalt  }
.Lfunc_end0:
.L_simem_size_0:
called_computation.10_lowered:
.L_overlay_start_0:
0x88: {  	s2 =	sld [smem:$0x3FD9]  }
0x89: {  	s3 =	sld [smem:$0x3FFE];
	_ =	sdelay $0x1  }
0x8a: {  	s1 =	srdreg.scid  }
0x8b: {  	s0 =	sand.u32 $0x1, s1  }
0x8c: {  	s17 =	sshll.u32 s0, $0xA;
	s2 =	sadd.s32 s3, s2  }
0x8d: {  	s2 =	sadd.s32 s2, s17  }
0x8e: {  	[smem:$0x3FB9] =	sst s2  }
0x8f: {  	_ = 	snop  }
0x90: {  	s2 =	sld [smem:$0x3FD0];
	(tm) =	ssettm $0x1  }
0x91: {  	s18 =	sld [smem:$0x3FFB];
	_ =	sdelay $0x3  }
0x92: {  	_ =	strace s18  }
0x93: {  	s3 =	sld [smem:$0x3FFC];
	_ =	sdelay $0x3  }
0x94: {  	_ =	strace s3  }
0x95: {  	s3 =	sld [smem:$0x3FFD];
	_ =	sdelay $0x3  }
0x96: {  	_ =	strace s3  }
0x97: {  	_ =	strace $0x8FFFFFFF  }
0x98: {  	s19 =	sld [smem:$0x3FDB];
	_ =	sdelay $0x1  }
0x99: {  	s4 =	simm.s32 $_scs_section_size  }
0x9a: {  	s5 =	simm.s32 $_size__tile_overlayer_lowered;
	s6 =	simm.s32 $_tile_overlayer_lowered  }
0x9b: {  	s22 =	simm.s32 $0x1BFF;
	s21 =	sshll.u32 s6, $0x1;
	s3 =	sadd.s32 s4, s19  }
0x9c: {  	s7 =	simm.s32 $0x0;
	s20 =	sshll.u32 s5, $0x1;
	s5 =	sadd.s32 s21, s3  }
0x9d: {  	[timem:s7], [sflag:s22] =	dma.local [hbm:s5], s20  }
0x9e: {  	_ =	swait.ge [sflag:s22], s20  }
0x9f: {  	s4 =	ssub.s32 $0x0, s20;
	[sflag:s22] =	ssyncset.done $0x0  }
0xa0: {  	[sflag:s22] =	ssyncadd.s32 s4;
	_ =	sdelay $0x1  }
0xa1: {  	s23 =	simm.s32 $0x1B8B  }
0xa2: {  	_ =	swait.ge [sflag:s23], $0x1  }
0xa3: {  	[sflag:s23] =	ssyncset.done $0x0  }
0xa4: {  	s25 =	simm.s32 $0x1B8E;
	s24 =	sld [smem:$0x3FFE];
	[sflag:s23] =	ssyncadd.s32 $0xFFFFFFFF  }
0xa5: {  	s26 =	simm.s32 $execute0_lowered;
	[smem:$0x3FD2] =	sst s25  }
0xa6: {  	s5 =	sshll.u32 s26, $0x1;
	_ =	strace $0x80000064;
	[dreg:$0x1] =	wrdreg $0xFFFFFFFF  }
0xa7: {  	s28 =	simm.s32 $_size_execute0_lowered;
	s3 =	sadd.s32 s3, s5;
	[dreg:$0x0] =	wrdreg $0x0  }
0xa8: {  	s5 =	sshll.u32 s28, $0x1;
	[dreg:$0x2] =	wrdreg s3  }
0xa9: {  	[dreg:$0x3] =	wrdreg s5  }
0xaa: {  	[dreg:$0x4] =	wrdreg $0xC0  }
0xab: {  	_ =	task [dreg:s7], $0x5FFFF  }
0xac: {  	[dreg:$0x1] =	wrdreg $0xFFFFFFFF  }
0xad: {  	[dreg:$0x0] =	wrdreg $0x60  }
0xae: {  	[dreg:$0x2] =	wrdreg s24  }
0xaf: {  	[dreg:$0x3] =	wrdreg s2  }
0xb0: {  	[dreg:$0x4] =	wrdreg $0x0  }
0xb1: {  	[dreg:$0x5] =	wrdreg $0x9  }
0xb2: {  	_ =	task.clear_ibuf [dreg:s7], $0x6FFFF;
	_ =	strace $0x90000064  }
0xb3: {  	s29 =	simm.s32 $0x9;
	_ =	strace $0x80000066  }
0xb4: {  	_ =	swait.ge [sflag:s29], $0x1  }
0xb5: {  	[sflag:s29] =	ssyncadd.s32 $0xFFFFFFFF  }
0xb6: {  	_ =	strace $0x90000066  }
0xb7: {  	_ =	sfence  }
0xb8: {  	s30 =	sld [smem:$0x0];
	_ =	sdelay $0x2  }
0xb9: {  	s31 =	sshll.u32 s1, $0xD;
	s1 =	sshrl.u32 s1, $0x2  }
0xba: {  	s3 =	sand.u32 $0x4000, s31;
	s1 =	sadd.s32 s1, s30  }
0xbb: {  	s0 =	sor.u32 s3, s0;
	s1 =	sshll.u32 s1, $0x11  }
0xbc: {  	s0 =	sor.u32 s1, s0  }
0xbd: {  	s0 =	sadd.s32 $0x8F2B, s0  }
0xbe: {  	[sflag:s0] =	ssyncadd.remote.s32 $0x1  }
0xbf: {  	_ =	sfence.sel $0xFFFF  }
0xc0: {  	[dreg:$0x0] =	wrdreg $0xFFFFFFFF;
	(pc) =	sbr.abs _section_cstart, $3  }
0xc1: {  	[dreg:$0x1] =	wrdreg $0xFFFFFFFF  }
0xc2: {  	_ =	task.clear_ibuf [dreg:s7], $0x2FFFF;
	_ =	strace $0x9FFFFFFF  }
0xc3: {  	(tm) =	ssettm $0x7FFFFFFF  }
tec
execute0_lowered:
.L_overlay_start_1:
0x0: {  	(tag) =	ssettag $0x1  }
0x1: {  	s4 =	rddreg [dreg:$0x0]  }
0x2: {  	s5 =	rddreg [dreg:$0x1]  }
0x3: {  	s0 =	srdreg.scid;
	s1 =	rddreg [dreg:$0x2];
	s3 =	simm.s32 $0x0  }
0x4: {  	s2 =	stileid.u32;
	s15 =	simm.s32 $0x14000;
	s16 =	simm.s32 $0x14100  }
0x5: {  	s17 =	simm.s32 $0xB8;
	s18 =	simm.s32 $0x14300;
	s9 =	smul.u32 $0x14000, s2  }
0x6: {  	s19 =	simm.s32 $0x1;
	s20 =	simm.s32 $0x14200;
	s11 =	smul.u32 $0x564, s2  }
0x7: {  	s6 =	sand.u32 $0x1, s0;
	s0 =	rddreg [dreg:$0x3];
	s12 =	smul.u32 $0x50000, s2  }
0x8: {  	s21 =	simm.s32 $0x0;
	[smem:$0x7FF] =	sst s3;
	s7 =	smul.u32 $0x28000, s6  }
0x9: {  	s31 =	sshll.u32 s2, $0x6;
	s8 =	smul.u32 $0x180, s6;
	_ =	strace $0x80000065  }
0xa: {  	s10 =	smul.u32 $0x140000, s6;
	s6 =	ssub.s32 $0x2, s6;
	s13 =	sadd.s32 s11, s4  }
0xb: {  	s28 =	sshrl.u32 s6, $0x1;
	s29 =	sshrl.u32 s12, $0x2;
	s30 =	sshrl.u32 s9, $0x3  }
0xc: {  	s7 =	sadd.s32 s7, s4;
	s8 =	sadd.s32 s8, s4;
	s10 =	sadd.s32 s9, s10  }
0xd: {  	s11 =	ssub.s32 s6, s28;
	s14 =	sadd.s32 s29, s1;
	s12 =	sadd.s32 $0x1C800, s13  }
0xe: {  	s10 =	sshrl.u32 s10, $0x3;
	s6 =	sadd.s32 $0x22000, s7;
	s7 =	sadd.s32 $0x11600, s8  }
0xf: {  	s9 =	smax.u32 s11, $0x1;
	s11 =	sadd.s32 $0x81000, s13;
	s10 =	sadd.s32 s10, s4  }
0x10: {  	s4 =	sadd.s32 s5, s30;
	s5 =	sor.u32 $0x1C02, s31;
	s8 =	sadd.s32 $0x86800, s10  }
0x11: {  	s10 =	sadd.s32 $0x17000, s13;
	s13 =	sshrl.u32 s14, $0x3;
	s14 =	simm.s32 $0x2  }
.LBB2_1:
0x12: {  	[spmem:s13], [sflag:s5] =	dma.local [hbm:s4], $0x2800  }
0x13: {  	_ =	swait.ge [sflag:s14], $0x2800  }
0x14: {  	[sflag:s14] =	ssyncset.done $0x0  }
0x15: {  	[sflag:s14] =	ssyncadd.s32 $0xFFFFD800  }
0x16: {  	s22 =	sadd.s32 $0x0, s12;
	[bflag:$0x0] =	sbarrier.arrive $0xFFFF  }
0x17: {  	[tilespmem:s15], [sflag:$0x2] =	stream.linear.gather [hbm4b:s22+s3], $0xB8, $0x38;
	[tilespmem:$0x19F00] =	vst v63  }
0x18: {  	_ =	swait.ge [sflag:s14], $0xB8  }
0x19: {  	[sflag:s14] =	ssyncset.done $0x0  }
0x1a: {  	s30 =	sadd.s32 $0x0, s11;
	[sflag:s14] =	ssyncadd.s32 $0xFFFFFF48  }
0x1b: {  	[tilespmem:s16], [sflag:$0x2] =	stream.linear.gather [hbm4b:s30+s3], $0xB8, $0x38;
	[tilespmem:$0x19F00] =	vst v63  }
0x1c: {  	_ =	swait.ge [sflag:s14], $0xB8  }
0x1d: {  	[sflag:s14] =	ssyncset.done $0x0  }
0x1e: {  	[sflag:s14] =	ssyncadd.s32 $0xFFFFFF48  }
0x1f: {  	[tilespmem:s18], [sflag:$0x1] =	stream.indirect.gather [hbm4b:s6+s17], $0x80, s15, s17, $0xb8;
	[tilespmem:$0x19F00] =	vst v63  }
0x20: {  	_ =	swait.ge [sflag:s19], $0x5C00  }
0x21: {  	[sflag:s19] =	ssyncset.done $0x0  }
0x22: {  	[sflag:s19] =	ssyncadd.s32 $0xFFFFA400  }
0x23: {  	[tilespmem:s18], [sflag:$0x1] =	stream.indirect.gather.add.f32 [hbm:s7], $0x80, s16, s17, $0xb8;
	[tilespmem:$0x19F00] =	vst v63  }
0x24: {  	_ =	swait.ge [sflag:s19], $0x5C00  }
0x25: {  	[sflag:s19] =	ssyncset.done $0x0  }
0x26: {  	s31 =	sadd.s32 $0x0, s10;
	[sflag:s19] =	ssyncadd.s32 $0xFFFFA400  }
0x27: {  	[tilespmem:s20], [sflag:$0x2] =	stream.linear.gather [hbm4b:s31+s3], $0xB8, $0x38;
	[tilespmem:$0x19F00] =	vst v63  }
0x28: {  	_ =	swait.ge [sflag:s14], $0xB8  }
0x29: {  	[sflag:s14] =	ssyncset.done $0x0  }
0x2a: {  	[sflag:s14] =	ssyncadd.s32 $0xFFFFFF48  }
0x2b: {  	[spmem:s1] =	stream.indirect.scatter.add.f32 [tilespmem:s18], [sflag:$0x2], $0x80, s20, s17, $0xb8;
	[tilespmem:$0x19F00] =	vst v63  }
0x2c: {  	_ =	swait.ge [sflag:s14], $0x5C00  }
0x2d: {  	s23 =	simm.s32 $0x2E;
	s22 =	simm.s32 $0x17;
	[sflag:s14] =	ssyncset.done $0x0  }
.LBB2_2:
0x2e: {  	s24 =	sadd.s32 s22, s12  }
0x2f: {  	[sflag:s14] =	ssyncadd.s32 $0xFFFFA400;
	s25 =	smov.u32 s23;
	s26 =	sadd.s32 $0x17, s23  }
0x30: {  	[tilespmem:s15], [sflag:$0x2] =	stream.linear.gather [hbm4b:s24+s3], $0xB8, $0x38;
	[tilespmem:$0x19F00] =	vst v63  }
0x31: {  	p0 =	sne.s32 s23, $0x54D;
	_ =	swait.ge [sflag:s14], $0xB8  }
0x32: {  	[sflag:s14] =	ssyncset.done $0x0  }
0x33: {  	s23 =	sadd.s32 s22, s11;
	[sflag:s14] =	ssyncadd.s32 $0xFFFFFF48  }
0x34: {  	[tilespmem:s16], [sflag:$0x2] =	stream.linear.gather [hbm4b:s23+s3], $0xB8, $0x38;
	[tilespmem:$0x19F00] =	vst v63  }
0x35: {  	_ =	swait.ge [sflag:s14], $0xB8  }
0x36: {  	[sflag:s14] =	ssyncset.done $0x0  }
0x37: {  	[sflag:s14] =	ssyncadd.s32 $0xFFFFFF48  }
0x38: {  	[tilespmem:s18], [sflag:$0x1] =	stream.indirect.gather [hbm4b:s6+s17], $0x80, s15, s17, $0xb8;
	[tilespmem:$0x19F00] =	vst v63  }
0x39: {  	_ =	swait.ge [sflag:s19], $0x5C00  }
0x3a: {  	[sflag:s19] =	ssyncset.done $0x0  }
0x3b: {  	[sflag:s19] =	ssyncadd.s32 $0xFFFFA400  }
0x3c: {  	[tilespmem:s18], [sflag:$0x1] =	stream.indirect.gather.add.f32 [hbm:s7], $0x80, s16, s17, $0xb8;
	[tilespmem:$0x19F00] =	vst v63  }
0x3d: {  	_ =	swait.ge [sflag:s19], $0x5C00  }
0x3e: {  	[sflag:s19] =	ssyncset.done $0x0  }
0x3f: {  	s23 =	sadd.s32 s22, s10;
	s22 =	smov.u32 s25;
	[sflag:s19] =	ssyncadd.s32 $0xFFFFA400  }
0x40: {  	[tilespmem:s20], [sflag:$0x2] =	stream.linear.gather [hbm4b:s23+s3], $0xB8, $0x38;
	[tilespmem:$0x19F00] =	vst v63  }
0x41: {  	_ =	swait.ge [sflag:s14], $0xB8  }
.Ltmp0:
0x42: {  	[sflag:s14] =	ssyncset.done $0x0;
	(pc) =	sbr.rel @p0 .LBB2_2-.Ltmp0, $4  }
0x43: {  	[sflag:s14] =	ssyncadd.s32 $0xFFFFFF48  }
0x44: {  	[spmem:s1] =	stream.indirect.scatter.add.f32 [tilespmem:s18], [sflag:$0x2], $0x80, s20, s17, $0xb8;
	[tilespmem:$0x19F00] =	vst v63  }
0x45: {  	_ =	swait.ge [sflag:s14], $0x5C00  }
0x46: {  	s23 =	smov.u32 s26;
	[sflag:s14] =	ssyncset.done $0x0  }
0x47: {  	s23 =	sadd.s32 s22, s12;
	[sflag:s14] =	ssyncadd.s32 $0xFFFFA400  }
0x48: {  	[tilespmem:s15], [sflag:$0x2] =	stream.linear.gather [hbm4b:s23+s3], $0xB8, $0x38;
	[tilespmem:$0x19F00] =	vst v63  }
0x49: {  	_ =	swait.ge [sflag:s14], $0xB8  }
0x4a: {  	[sflag:s14] =	ssyncset.done $0x0  }
0x4b: {  	s30 =	sadd.s32 s22, s11;
	[sflag:s14] =	ssyncadd.s32 $0xFFFFFF48  }
0x4c: {  	[tilespmem:s16], [sflag:$0x2] =	stream.linear.gather [hbm4b:s30+s3], $0xB8, $0x38;
	[tilespmem:$0x19F00] =	vst v63  }
0x4d: {  	_ =	swait.ge [sflag:s14], $0xB8  }
0x4e: {  	[sflag:s14] =	ssyncset.done $0x0  }
0x4f: {  	[sflag:s14] =	ssyncadd.s32 $0xFFFFFF48  }
0x50: {  	[tilespmem:s18], [sflag:$0x1] =	stream.indirect.gather [hbm4b:s6+s17], $0x80, s15, s17, $0xb8;
	[tilespmem:$0x19F00] =	vst v63  }
0x51: {  	_ =	swait.ge [sflag:s19], $0x5C00  }
0x52: {  	[sflag:s19] =	ssyncset.done $0x0  }
0x53: {  	[sflag:s19] =	ssyncadd.s32 $0xFFFFA400  }
0x54: {  	[tilespmem:s18], [sflag:$0x1] =	stream.indirect.gather.add.f32 [hbm:s7], $0x80, s16, s17, $0xb8;
	[tilespmem:$0x19F00] =	vst v63  }
0x55: {  	_ =	swait.ge [sflag:s19], $0x5C00  }
0x56: {  	[sflag:s19] =	ssyncset.done $0x0  }
0x57: {  	s31 =	sadd.s32 s22, s10;
	[sflag:s19] =	ssyncadd.s32 $0xFFFFA400  }
0x58: {  	[tilespmem:s20], [sflag:$0x2] =	stream.linear.gather [hbm4b:s31+s3], $0xB8, $0x38;
	[tilespmem:$0x19F00] =	vst v63  }
0x59: {  	_ =	swait.ge [sflag:s14], $0xB8  }
0x5a: {  	[sflag:s14] =	ssyncset.done $0x0  }
0x5b: {  	[sflag:s14] =	ssyncadd.s32 $0xFFFFFF48  }
0x5c: {  	[spmem:s1] =	stream.indirect.scatter.add.f32 [tilespmem:s18], [sflag:$0x2], $0x80, s20, s17, $0xb8;
	[tilespmem:$0x19F00] =	vst v63  }
0x5d: {  	_ =	swait.ge [sflag:s14], $0x5C00  }
0x5e: {  	s21 =	sadd.s32 $0x1, s21;
	[sflag:s14] =	ssyncset.done $0x0  }
0x5f: {  	p0 =	sne.s32 s21, s9;
	[sflag:s14] =	ssyncadd.s32 $0xFFFFA400  }
.Ltmp1:
0x60: {  	[bflag:$0x0] =	sbarrier.arrive $0xFFFF;
	(pc) =	sbr.rel @p0 .LBB2_1-.Ltmp1, $4  }
0x61: {  	[hbm:s8], [sflag:s5] =	dma.local [spmem:s13], $0x2800  }
0x62: {  	_ =	swait.ge [sflag:s14], $0x2800  }
0x63: {  	[sflag:s14] =	ssyncset.done $0x0  }
0x64: {  	[sflag:s14] =	ssyncadd.s32 $0xFFFFD800  }
0x65: {  	_ =	sfence.sel $0x180000  }
0x66: {  	[bflag:$0x0] =	sbarrier.arrive $0xFFFF  }
0x67: {  	p0 =	sne.s32 s2, $0x0;
	_ =	strace $0x90000065  }
0x68: {  	s0 =	sadd.s32 @!p0 $0x100000, s0;
	[bflag:$0x2] =	sbarrier.arrive $0xFFFF  }
0x69: {  	[sflag:s0] =	ssyncadd.tile.s32 @!p0 $0x1;
	_ =	shalt  }
.Lfunc_end2:
_tile_overlayer_lowered:
.L_overlay_start_2:
0x6a: {  	(tag) =	ssettag $0x2  }
0x6b: {  	s0 =	rddreg [dreg:$0x0];
	s2 =	stileid.u32  }
0x6c: {  	s1 =	rddreg [dreg:$0x1];
	p0 =	sne.s32 s2, $0x0  }
0x6d: {  	s3 =	rddreg [dreg:$0x2];
	[bflag:$0x3] =	sbarrier.arrive $0xFFFF;
	s2 =	simm.s32 @!p0 $0x1C02  }
0x6e: {  	[timem:s3], [sflag:s2] =	dma.local @!p0 [hbm:s0], s1  }
0x6f: {  	s0 =	simm.s32 @!p0 $0x2  }
0x70: {  	_ =	swait.ge @!p0 [sflag:s0], s1  }
0x71: {  	s1 =	ssub.s32 @!p0 $0x0, s1;
	[sflag:s0] =	ssyncset.done @!p0 $0x0  }
0x72: {  	[sflag:s0] =	ssyncadd.s32 @!p0 s1  }
0x73: {  	[bflag:$0x3] =	sbarrier.arrive $0xFFFF  }
0x74: {  	_ =	shalt  }

// kernel: kernel.33.cloned.1.call-start
scs
__scs_entry_jumppad:
0x0: {  	(pc) =	sbr.rel $0x88, $3  }
0x1: {  	(tag) =	ssettag $0x0;
	lr =	simm.s32 $0x1  }
0x2: {  	[smem:$0x3F92] =	sst lr;
	_ =	strace $0xD0000000  }
0x3: {  	_ = 	snop  }
0x4: {  	_ = 	snop  }
0x5: {  	_ = 	snop  }
0x6: {  	_ = 	snop  }
0x7: {  	_ = 	snop  }
__scs_overlays_trampoline_lowered:
0x8: {  	[smem:$0x3FA1] =	sst s0  }
0x9: {  	[smem:$0x3FA2] =	sst s1  }
0xa: {  	[smem:$0x3FA3] =	sst s2  }
0xb: {  	[smem:$0x3FA4] =	sst s3  }
0xc: {  	[smem:$0x3FA5] =	sst s4  }
0xd: {  	[smem:$0x3FA6] =	sst s5  }
0xe: {  	[smem:$0x3FA7] =	sst s6  }
0xf: {  	[smem:$0x3FA8] =	sst s7  }
0x10: {  	[smem:$0x3FA9] =	sst s8  }
0x11: {  	[smem:$0x3FAA] =	sst s9;
	s0 =	simm.s32 @!p0 $0x0  }
0x12: {  	s1 =	sld [smem:$0x3F90];
	s0 =	simm.s32 @p0 $0x1  }
0x13: {  	[smem:$0x3FAB] =	sst s0;
	s0 =	simm.s32 @!p1 $0x0  }
0x14: {  	s2 =	sld [smem:$0x3F8F];
	s0 =	simm.s32 @p1 $0x1  }
0x15: {  	[smem:$0x3FAC] =	sst s0;
	s0 =	simm.s32 @!p2 $0x0  }
0x16: {  	s3 =	sld [smem:$0x3FDB];
	s0 =	simm.s32 @p2 $0x1  }
0x17: {  	s4 =	simm.s32 $0x1BF5;
	[smem:$0x3FAE] =	sst s0  }
0x18: {  	s0 =	sld [smem:$0x3F91];
	_ =	swait.ge [sflag:s4], $0x0  }
0x19: {  	s7 =	sld [smem:$0x3F92]  }
0x1a: {  	s8 =	sadd.s32 $0xFFFFE003, lr  }
0x1b: {  	s9 =	sadd.s32 $0xFFFFFEF7, lr;
	s5 =	simm.s32 $0xFFFFFFFF;
	p2 =	slt.u32 s8, $0xFFFFF086  }
0x1c: {  	p1 =	slt.u32 s9, $0xF7A;
	s5 =	simm.s32 @!p2 $0x0  }
0x1d: {  	s5 =	simm.s32 @p1 $0x1;
	p0 =	seq.s32 s7, s2  }
0x1e: {  	s7 =	smul.u32 @!p0 $0xF7A, s2;
	p2 =	seq.s32 @!p0 s5, $0x0  }
0x1f: {  	s9 =	smul.u32 $0xF7A, s1;
	s8 =	simm.s32 @!p0 $0x1BF5;
	p2 =	por !p2, p0  }
0x20: {  	[sflag:s8] =	ssyncset.s32 @!p0 $0xFFFFF086;
	s6 =	sadd.s32 @!p0 s3, s7;
	s7 =	simm.s32 @!p0 $0x108  }
0x21: {  	s3 =	sadd.s32 s3, s9;
	s6 =	sadd.s32 @!p0 $0x88, s6;
	s7 =	simm.s32 @p2 $0x1082  }
0x22: {  	[simem:s7], [sflag:s8] =	dma.local @!p0 [hbm:s6], $0xF7A  }
0x23: {  	s9 =	sor.u32 $0xD0000000, s2;
	s6 =	simm.s32 $0x108;
	_ =	swait.ge @!p0 [sflag:s8], $0x0  }
0x24: {  	s3 =	sadd.s32 $0x88, s3;
	s6 =	simm.s32 @!p1 $0x1082;
	[sflag:s4] =	ssyncset.s32 $0xFFFFF086  }
0x25: {  	[simem:s6], [sflag:s4] =	dma.local [hbm:s3], $0xF7A  }
0x26: {  	[smem:$0x3F92] =	sst s1;
	(tag) =	ssettag s2;
	_ =	strace s9  }
0x27: {  	s1 =	sld [smem:$0x3FA2]  }
0x28: {  	s2 =	sld [smem:$0x3FA3]  }
0x29: {  	s4 =	sld [smem:$0x3FA5]  }
0x2a: {  	p0 =	seq.s32 s5, $0x0;
	s5 =	sld [smem:$0x3FA6]  }
0x2b: {  	s6 =	sld [smem:$0x3FA7]  }
0x2c: {  	s7 =	sld [smem:$0x3FA8]  }
0x2d: {  	s3 =	simm.s32 $0x108;
	s8 =	sld [smem:$0x3FA9]  }
0x2e: {  	s3 =	simm.s32 @!p0 $0x1082;
	s9 =	sld [smem:$0x3FAA]  }
0x2f: {  	lr =	sadd.s32 s0, s3;
	s0 =	sld [smem:$0x3FA1]  }
0x30: {  	s3 =	sld [smem:$0x3FA4]  }
0x31: {  	[smem:$0x3FAD] =	sst s10  }
0x32: {  	s10 =	sld [smem:$0x3FAB];
	_ =	sdelay $0x3  }
0x33: {  	p0 =	seq.s32 s10, $0x1;
	s10 =	sld [smem:$0x3FAD];
	_ =	sdelay $0x3  }
0x34: {  	[smem:$0x3FAD] =	sst s10  }
0x35: {  	s10 =	sld [smem:$0x3FAC];
	_ =	sdelay $0x3  }
0x36: {  	p1 =	seq.s32 s10, $0x1;
	s10 =	sld [smem:$0x3FAD];
	_ =	sdelay $0x3  }
0x37: {  	[smem:$0x3FAD] =	sst s10  }
0x38: {  	s10 =	sld [smem:$0x3FAE]  }
0x39: {  	_ = 	snop;
	(pc) =	sbr.ind lr, $3  }
0x3a: {  	_ = 	snop  }
0x3b: {  	_ = 	snop  }
0x3c: {  	p2 =	seq.s32 s10, $0x1;
	s10 =	sld [smem:$0x3FAD]  }
0x3d: {  	_ =	shalt  }
0x3e: {  	_ =	shalt  }
0x3f: {  	_ =	shalt  }
0x40: {  	_ =	shalt  }
0x41: {  	_ =	shalt  }
0x42: {  	_ =	shalt  }
0x43: {  	_ =	shalt  }
0x44: {  	_ =	shalt  }
0x45: {  	_ =	shalt  }
0x46: {  	_ =	shalt  }
0x47: {  	_ =	shalt  }
0x48: {  	_ =	shalt  }
0x49: {  	_ =	shalt  }
0x4a: {  	_ =	shalt  }
0x4b: {  	_ =	shalt  }
0x4c: {  	_ =	shalt  }
0x4d: {  	_ =	shalt  }
0x4e: {  	_ =	shalt  }
0x4f: {  	_ =	shalt  }
0x50: {  	_ =	shalt  }
0x51: {  	_ =	shalt  }
0x52: {  	_ =	shalt  }
0x53: {  	_ =	shalt  }
0x54: {  	_ =	shalt  }
0x55: {  	_ =	shalt  }
0x56: {  	_ =	shalt  }
0x57: {  	_ =	shalt  }
0x58: {  	_ =	shalt  }
0x59: {  	_ =	shalt  }
0x5a: {  	_ =	shalt  }
0x5b: {  	_ =	shalt  }
0x5c: {  	_ =	shalt  }
0x5d: {  	_ =	shalt  }
0x5e: {  	_ =	shalt  }
0x5f: {  	_ =	shalt  }
0x60: {  	_ =	shalt  }
0x61: {  	_ =	shalt  }
0x62: {  	_ =	shalt  }
0x63: {  	_ =	shalt  }
0x64: {  	_ =	shalt  }
0x65: {  	_ =	shalt  }
0x66: {  	_ =	shalt  }
0x67: {  	_ =	shalt  }
0x68: {  	_ =	shalt  }
0x69: {  	_ =	shalt  }
0x6a: {  	_ =	shalt  }
0x6b: {  	_ =	shalt  }
0x6c: {  	_ =	shalt  }
0x6d: {  	_ =	shalt  }
0x6e: {  	_ =	shalt  }
0x6f: {  	_ =	shalt  }
0x70: {  	_ =	shalt  }
0x71: {  	_ =	shalt  }
0x72: {  	_ =	shalt  }
0x73: {  	_ =	shalt  }
0x74: {  	_ =	shalt  }
0x75: {  	_ =	shalt  }
0x76: {  	_ =	shalt  }
0x77: {  	_ =	shalt  }
0x78: {  	_ =	shalt  }
0x79: {  	_ =	shalt  }
0x7a: {  	_ =	shalt  }
0x7b: {  	_ =	shalt  }
0x7c: {  	_ =	shalt  }
0x7d: {  	_ =	shalt  }
0x7e: {  	_ =	shalt  }
0x7f: {  	_ =	shalt  }
0x80: {  	_ =	shalt  }
0x81: {  	_ =	shalt  }
0x82: {  	_ =	shalt  }
0x83: {  	_ =	shalt  }
0x84: {  	_ =	shalt  }
0x85: {  	_ =	shalt  }
0x86: {  	_ =	shalt  }
0x87: {  	_ =	shalt  }
.Lfunc_end0:
.L_simem_size_0:
called_computation.11_lowered:
.L_overlay_start_0:
0x88: {  	s2 =	sld [smem:$0x3FD9]  }
0x89: {  	s3 =	sld [smem:$0x3FFE];
	_ =	sdelay $0x1  }
0x8a: {  	s1 =	srdreg.scid  }
0x8b: {  	s0 =	sand.u32 $0x1, s1  }
0x8c: {  	s17 =	sshll.u32 s0, $0xA;
	s2 =	sadd.s32 s3, s2  }
0x8d: {  	s2 =	sadd.s32 s2, s17  }
0x8e: {  	[smem:$0x3FB9] =	sst s2  }
0x8f: {  	_ = 	snop  }
0x90: {  	s2 =	sld [smem:$0x3FD0];
	(tm) =	ssettm $0x1  }
0x91: {  	s18 =	sld [smem:$0x3FFB];
	_ =	sdelay $0x3  }
0x92: {  	_ =	strace s18  }
0x93: {  	s3 =	sld [smem:$0x3FFC];
	_ =	sdelay $0x3  }
0x94: {  	_ =	strace s3  }
0x95: {  	s3 =	sld [smem:$0x3FFD];
	_ =	sdelay $0x3  }
0x96: {  	_ =	strace s3  }
0x97: {  	_ =	strace $0x8FFFFFFF  }
0x98: {  	s19 =	sld [smem:$0x3FDB];
	_ =	sdelay $0x1  }
0x99: {  	s4 =	simm.s32 $_scs_section_size  }
0x9a: {  	s5 =	simm.s32 $_size__tile_overlayer_lowered;
	s6 =	simm.s32 $_tile_overlayer_lowered  }
0x9b: {  	s22 =	simm.s32 $0x1BFF;
	s21 =	sshll.u32 s6, $0x1;
	s3 =	sadd.s32 s4, s19  }
0x9c: {  	s7 =	simm.s32 $0x0;
	s20 =	sshll.u32 s5, $0x1;
	s5 =	sadd.s32 s21, s3  }
0x9d: {  	[timem:s7], [sflag:s22] =	dma.local [hbm:s5], s20  }
0x9e: {  	_ =	swait.ge [sflag:s22], s20  }
0x9f: {  	s4 =	ssub.s32 $0x0, s20;
	[sflag:s22] =	ssyncset.done $0x0  }
0xa0: {  	[sflag:s22] =	ssyncadd.s32 s4;
	_ =	sdelay $0x1  }
0xa1: {  	s23 =	simm.s32 $0x1B8B  }
0xa2: {  	_ =	swait.ge [sflag:s23], $0x1  }
0xa3: {  	[sflag:s23] =	ssyncset.done $0x0  }
0xa4: {  	s25 =	simm.s32 $0x1B8E;
	s24 =	sld [smem:$0x3FFE];
	[sflag:s23] =	ssyncadd.s32 $0xFFFFFFFF  }
0xa5: {  	s26 =	simm.s32 $execute0_lowered;
	[smem:$0x3FD2] =	sst s25  }
0xa6: {  	s5 =	sshll.u32 s26, $0x1;
	_ =	strace $0x80000067;
	[dreg:$0x1] =	wrdreg $0xFFFFFFFF  }
0xa7: {  	s28 =	simm.s32 $_size_execute0_lowered;
	s3 =	sadd.s32 s3, s5;
	[dreg:$0x0] =	wrdreg $0x0  }
0xa8: {  	s5 =	sshll.u32 s28, $0x1;
	[dreg:$0x2] =	wrdreg s3  }
0xa9: {  	[dreg:$0x3] =	wrdreg s5  }
0xaa: {  	[dreg:$0x4] =	wrdreg $0xC0  }
0xab: {  	_ =	task [dreg:s7], $0x5FFFF  }
0xac: {  	[dreg:$0x1] =	wrdreg $0xFFFFFFFF  }
0xad: {  	[dreg:$0x0] =	wrdreg $0x60  }
0xae: {  	[dreg:$0x2] =	wrdreg s24  }
0xaf: {  	[dreg:$0x3] =	wrdreg s2  }
0xb0: {  	[dreg:$0x4] =	wrdreg $0x0  }
0xb1: {  	[dreg:$0x5] =	wrdreg $0x9  }
0xb2: {  	_ =	task.clear_ibuf [dreg:s7], $0x6FFFF;
	_ =	strace $0x90000067  }
0xb3: {  	s29 =	simm.s32 $0x9;
	_ =	strace $0x80000069  }
0xb4: {  	_ =	swait.ge [sflag:s29], $0x1  }
0xb5: {  	[sflag:s29] =	ssyncadd.s32 $0xFFFFFFFF  }
0xb6: {  	_ =	strace $0x90000069  }
0xb7: {  	_ =	sfence  }
0xb8: {  	s30 =	sld [smem:$0x0];
	_ =	sdelay $0x2  }
0xb9: {  	s31 =	sshll.u32 s1, $0xD;
	s1 =	sshrl.u32 s1, $0x2  }
0xba: {  	s3 =	sand.u32 $0x4000, s31;
	s1 =	sadd.s32 s1, s30  }
0xbb: {  	s0 =	sor.u32 s3, s0;
	s1 =	sshll.u32 s1, $0x11  }
0xbc: {  	s0 =	sor.u32 s1, s0  }
0xbd: {  	s0 =	sadd.s32 $0x8F2B, s0  }
0xbe: {  	[sflag:s0] =	ssyncadd.remote.s32 $0x1  }
0xbf: {  	_ =	sfence.sel $0xFFFF  }
0xc0: {  	[dreg:$0x0] =	wrdreg $0xFFFFFFFF;
	(pc) =	sbr.abs _section_cstart, $3  }
0xc1: {  	[dreg:$0x1] =	wrdreg $0xFFFFFFFF  }
0xc2: {  	_ =	task.clear_ibuf [dreg:s7], $0x2FFFF;
	_ =	strace $0x9FFFFFFF  }
0xc3: {  	(tm) =	ssettm $0x7FFFFFFF  }
tec
execute0_lowered:
.L_overlay_start_1:
0x0: {  	(tag) =	ssettag $0x1  }
0x1: {  	s4 =	rddreg [dreg:$0x0]  }
0x2: {  	s5 =	rddreg [dreg:$0x1]  }
0x3: {  	s0 =	srdreg.scid;
	s1 =	rddreg [dreg:$0x2];
	s3 =	simm.s32 $0x0  }
0x4: {  	s2 =	stileid.u32;
	s15 =	simm.s32 $0x14000;
	s16 =	simm.s32 $0x14100  }
0x5: {  	s17 =	simm.s32 $0xB8;
	s18 =	simm.s32 $0x14300;
	s9 =	smul.u32 $0x14000, s2  }
0x6: {  	s19 =	simm.s32 $0x1;
	s20 =	simm.s32 $0x14200;
	s11 =	smul.u32 $0x564, s2  }
0x7: {  	s6 =	sand.u32 $0x1, s0;
	s0 =	rddreg [dreg:$0x3];
	s12 =	smul.u32 $0x50000, s2  }
0x8: {  	s21 =	simm.s32 $0x0;
	[smem:$0x7FF] =	sst s3;
	s7 =	smul.u32 $0x28000, s6  }
0x9: {  	s31 =	sshll.u32 s2, $0x6;
	s8 =	smul.u32 $0x180, s6;
	_ =	strace $0x80000068  }
0xa: {  	s10 =	smul.u32 $0x140000, s6;
	s6 =	ssub.s32 $0x2, s6;
	s13 =	sadd.s32 s11, s4  }
0xb: {  	s28 =	sshrl.u32 s6, $0x1;
	s29 =	sshrl.u32 s12, $0x2;
	s30 =	sshrl.u32 s9, $0x3  }
0xc: {  	s7 =	sadd.s32 s7, s4;
	s8 =	sadd.s32 s8, s4;
	s10 =	sadd.s32 s9, s10  }
0xd: {  	s11 =	ssub.s32 s6, s28;
	s14 =	sadd.s32 s29, s1;
	s12 =	sadd.s32 $0x1C800, s13  }
0xe: {  	s10 =	sshrl.u32 s10, $0x3;
	s6 =	sadd.s32 $0x22000, s7;
	s7 =	sadd.s32 $0x16800, s8  }
0xf: {  	s9 =	smax.u32 s11, $0x1;
	s11 =	sadd.s32 $0x81000, s13;
	s10 =	sadd.s32 s10, s4  }
0x10: {  	s4 =	sadd.s32 s5, s30;
	s5 =	sor.u32 $0x1C02, s31;
	s8 =	sadd.s32 $0x86800, s10  }
0x11: {  	s10 =	sadd.s32 $0x17000, s13;
	s13 =	sshrl.u32 s14, $0x3;
	s14 =	simm.s32 $0x2  }
.LBB2_1:
0x12: {  	[spmem:s13], [sflag:s5] =	dma.local [hbm:s4], $0x2800  }
0x13: {  	_ =	swait.ge [sflag:s14], $0x2800  }
0x14: {  	[sflag:s14] =	ssyncset.done $0x0  }
0x15: {  	[sflag:s14] =	ssyncadd.s32 $0xFFFFD800  }
0x16: {  	s22 =	sadd.s32 $0x0, s12;
	[bflag:$0x0] =	sbarrier.arrive $0xFFFF  }
0x17: {  	[tilespmem:s15], [sflag:$0x2] =	stream.linear.gather [hbm4b:s22+s3], $0xB8, $0x38;
	[tilespmem:$0x19F00] =	vst v63  }
0x18: {  	_ =	swait.ge [sflag:s14], $0xB8  }
0x19: {  	[sflag:s14] =	ssyncset.done $0x0  }
0x1a: {  	s30 =	sadd.s32 $0x0, s11;
	[sflag:s14] =	ssyncadd.s32 $0xFFFFFF48  }
0x1b: {  	[tilespmem:s16], [sflag:$0x2] =	stream.linear.gather [hbm4b:s30+s3], $0xB8, $0x38;
	[tilespmem:$0x19F00] =	vst v63  }
0x1c: {  	_ =	swait.ge [sflag:s14], $0xB8  }
0x1d: {  	[sflag:s14] =	ssyncset.done $0x0  }
0x1e: {  	[sflag:s14] =	ssyncadd.s32 $0xFFFFFF48  }
0x1f: {  	[tilespmem:s18], [sflag:$0x1] =	stream.indirect.gather [hbm4b:s6+s17], $0x80, s15, s17, $0xb8;
	[tilespmem:$0x19F00] =	vst v63  }
0x20: {  	_ =	swait.ge [sflag:s19], $0x5C00  }
0x21: {  	[sflag:s19] =	ssyncset.done $0x0  }
0x22: {  	[sflag:s19] =	ssyncadd.s32 $0xFFFFA400  }
0x23: {  	[tilespmem:s18], [sflag:$0x1] =	stream.indirect.gather.add.f32 [hbm:s7], $0x80, s16, s17, $0xb8;
	[tilespmem:$0x19F00] =	vst v63  }
0x24: {  	_ =	swait.ge [sflag:s19], $0x5C00  }
0x25: {  	[sflag:s19] =	ssyncset.done $0x0  }
0x26: {  	s31 =	sadd.s32 $0x0, s10;
	[sflag:s19] =	ssyncadd.s32 $0xFFFFA400  }
0x27: {  	[tilespmem:s20], [sflag:$0x2] =	stream.linear.gather [hbm4b:s31+s3], $0xB8, $0x38;
	[tilespmem:$0x19F00] =	vst v63  }
0x28: {  	_ =	swait.ge [sflag:s14], $0xB8  }
0x29: {  	[sflag:s14] =	ssyncset.done $0x0  }
0x2a: {  	[sflag:s14] =	ssyncadd.s32 $0xFFFFFF48  }
0x2b: {  	[spmem:s1] =	stream.indirect.scatter.add.f32 [tilespmem:s18], [sflag:$0x2], $0x80, s20, s17, $0xb8;
	[tilespmem:$0x19F00] =	vst v63  }
0x2c: {  	_ =	swait.ge [sflag:s14], $0x5C00  }
0x2d: {  	s23 =	simm.s32 $0x2E;
	s22 =	simm.s32 $0x17;
	[sflag:s14] =	ssyncset.done $0x0  }
.LBB2_2:
0x2e: {  	s24 =	sadd.s32 s22, s12  }
0x2f: {  	[sflag:s14] =	ssyncadd.s32 $0xFFFFA400;
	s25 =	smov.u32 s23;
	s26 =	sadd.s32 $0x17, s23  }
0x30: {  	[tilespmem:s15], [sflag:$0x2] =	stream.linear.gather [hbm4b:s24+s3], $0xB8, $0x38;
	[tilespmem:$0x19F00] =	vst v63  }
0x31: {  	p0 =	sne.s32 s23, $0x54D;
	_ =	swait.ge [sflag:s14], $0xB8  }
0x32: {  	[sflag:s14] =	ssyncset.done $0x0  }
0x33: {  	s23 =	sadd.s32 s22, s11;
	[sflag:s14] =	ssyncadd.s32 $0xFFFFFF48  }
0x34: {  	[tilespmem:s16], [sflag:$0x2] =	stream.linear.gather [hbm4b:s23+s3], $0xB8, $0x38;
	[tilespmem:$0x19F00] =	vst v63  }
0x35: {  	_ =	swait.ge [sflag:s14], $0xB8  }
0x36: {  	[sflag:s14] =	ssyncset.done $0x0  }
0x37: {  	[sflag:s14] =	ssyncadd.s32 $0xFFFFFF48  }
0x38: {  	[tilespmem:s18], [sflag:$0x1] =	stream.indirect.gather [hbm4b:s6+s17], $0x80, s15, s17, $0xb8;
	[tilespmem:$0x19F00] =	vst v63  }
0x39: {  	_ =	swait.ge [sflag:s19], $0x5C00  }
0x3a: {  	[sflag:s19] =	ssyncset.done $0x0  }
0x3b: {  	[sflag:s19] =	ssyncadd.s32 $0xFFFFA400  }
0x3c: {  	[tilespmem:s18], [sflag:$0x1] =	stream.indirect.gather.add.f32 [hbm:s7], $0x80, s16, s17, $0xb8;
	[tilespmem:$0x19F00] =	vst v63  }
0x3d: {  	_ =	swait.ge [sflag:s19], $0x5C00  }
0x3e: {  	[sflag:s19] =	ssyncset.done $0x0  }
0x3f: {  	s23 =	sadd.s32 s22, s10;
	s22 =	smov.u32 s25;
	[sflag:s19] =	ssyncadd.s32 $0xFFFFA400  }
0x40: {  	[tilespmem:s20], [sflag:$0x2] =	stream.linear.gather [hbm4b:s23+s3], $0xB8, $0x38;
	[tilespmem:$0x19F00] =	vst v63  }
0x41: {  	_ =	swait.ge [sflag:s14], $0xB8  }
.Ltmp0:
0x42: {  	[sflag:s14] =	ssyncset.done $0x0;
	(pc) =	sbr.rel @p0 .LBB2_2-.Ltmp0, $4  }
0x43: {  	[sflag:s14] =	ssyncadd.s32 $0xFFFFFF48  }
0x44: {  	[spmem:s1] =	stream.indirect.scatter.add.f32 [tilespmem:s18], [sflag:$0x2], $0x80, s20, s17, $0xb8;
	[tilespmem:$0x19F00] =	vst v63  }
0x45: {  	_ =	swait.ge [sflag:s14], $0x5C00  }
0x46: {  	s23 =	smov.u32 s26;
	[sflag:s14] =	ssyncset.done $0x0  }
0x47: {  	s23 =	sadd.s32 s22, s12;
	[sflag:s14] =	ssyncadd.s32 $0xFFFFA400  }
0x48: {  	[tilespmem:s15], [sflag:$0x2] =	stream.linear.gather [hbm4b:s23+s3], $0xB8, $0x38;
	[tilespmem:$0x19F00] =	vst v63  }
0x49: {  	_ =	swait.ge [sflag:s14], $0xB8  }
0x4a: {  	[sflag:s14] =	ssyncset.done $0x0  }
0x4b: {  	s30 =	sadd.s32 s22, s11;
	[sflag:s14] =	ssyncadd.s32 $0xFFFFFF48  }
0x4c: {  	[tilespmem:s16], [sflag:$0x2] =	stream.linear.gather [hbm4b:s30+s3], $0xB8, $0x38;
	[tilespmem:$0x19F00] =	vst v63  }
0x4d: {  	_ =	swait.ge [sflag:s14], $0xB8  }
0x4e: {  	[sflag:s14] =	ssyncset.done $0x0  }
0x4f: {  	[sflag:s14] =	ssyncadd.s32 $0xFFFFFF48  }
0x50: {  	[tilespmem:s18], [sflag:$0x1] =	stream.indirect.gather [hbm4b:s6+s17], $0x80, s15, s17, $0xb8;
	[tilespmem:$0x19F00] =	vst v63  }
0x51: {  	_ =	swait.ge [sflag:s19], $0x5C00  }
0x52: {  	[sflag:s19] =	ssyncset.done $0x0  }
0x53: {  	[sflag:s19] =	ssyncadd.s32 $0xFFFFA400  }
0x54: {  	[tilespmem:s18], [sflag:$0x1] =	stream.indirect.gather.add.f32 [hbm:s7], $0x80, s16, s17, $0xb8;
	[tilespmem:$0x19F00] =	vst v63  }
0x55: {  	_ =	swait.ge [sflag:s19], $0x5C00  }
0x56: {  	[sflag:s19] =	ssyncset.done $0x0  }
0x57: {  	s31 =	sadd.s32 s22, s10;
	[sflag:s19] =	ssyncadd.s32 $0xFFFFA400  }
0x58: {  	[tilespmem:s20], [sflag:$0x2] =	stream.linear.gather [hbm4b:s31+s3], $0xB8, $0x38;
	[tilespmem:$0x19F00] =	vst v63  }
0x59: {  	_ =	swait.ge [sflag:s14], $0xB8  }
0x5a: {  	[sflag:s14] =	ssyncset.done $0x0  }
0x5b: {  	[sflag:s14] =	ssyncadd.s32 $0xFFFFFF48  }
0x5c: {  	[spmem:s1] =	stream.indirect.scatter.add.f32 [tilespmem:s18], [sflag:$0x2], $0x80, s20, s17, $0xb8;
	[tilespmem:$0x19F00] =	vst v63  }
0x5d: {  	_ =	swait.ge [sflag:s14], $0x5C00  }
0x5e: {  	s21 =	sadd.s32 $0x1, s21;
	[sflag:s14] =	ssyncset.done $0x0  }
0x5f: {  	p0 =	sne.s32 s21, s9;
	[sflag:s14] =	ssyncadd.s32 $0xFFFFA400  }
.Ltmp1:
0x60: {  	[bflag:$0x0] =	sbarrier.arrive $0xFFFF;
	(pc) =	sbr.rel @p0 .LBB2_1-.Ltmp1, $4  }
0x61: {  	[hbm:s8], [sflag:s5] =	dma.local [spmem:s13], $0x2800  }
0x62: {  	_ =	swait.ge [sflag:s14], $0x2800  }
0x63: {  	[sflag:s14] =	ssyncset.done $0x0  }
0x64: {  	[sflag:s14] =	ssyncadd.s32 $0xFFFFD800  }
0x65: {  	_ =	sfence.sel $0x180000  }
0x66: {  	[bflag:$0x0] =	sbarrier.arrive $0xFFFF  }
0x67: {  	p0 =	sne.s32 s2, $0x0;
	_ =	strace $0x90000068  }
0x68: {  	s0 =	sadd.s32 @!p0 $0x100000, s0;
	[bflag:$0x2] =	sbarrier.arrive $0xFFFF  }
0x69: {  	[sflag:s0] =	ssyncadd.tile.s32 @!p0 $0x1;
	_ =	shalt  }
.Lfunc_end2:
_tile_overlayer_lowered:
.L_overlay_start_2:
0x6a: {  	(tag) =	ssettag $0x2  }
0x6b: {  	s0 =	rddreg [dreg:$0x0];
	s2 =	stileid.u32  }
0x6c: {  	s1 =	rddreg [dreg:$0x1];
	p0 =	sne.s32 s2, $0x0  }
0x6d: {  	s3 =	rddreg [dreg:$0x2];
	[bflag:$0x3] =	sbarrier.arrive $0xFFFF;
	s2 =	simm.s32 @!p0 $0x1C02  }
0x6e: {  	[timem:s3], [sflag:s2] =	dma.local @!p0 [hbm:s0], s1  }
0x6f: {  	s0 =	simm.s32 @!p0 $0x2  }
0x70: {  	_ =	swait.ge @!p0 [sflag:s0], s1  }
0x71: {  	s1 =	ssub.s32 @!p0 $0x0, s1;
	[sflag:s0] =	ssyncset.done @!p0 $0x0  }
0x72: {  	[sflag:s0] =	ssyncadd.s32 @!p0 s1  }
0x73: {  	[bflag:$0x3] =	sbarrier.arrive $0xFFFF  }
0x74: {  	_ =	shalt  }

</sc_bundles>
